<compile_context>
chip_gen: v7x
topology: tpu7x:2x2x1
jax: 0.10.2.dev20260603
libtpu: 0.0.44.dev20260713+nightly
codegen_flags: <defaults>
</compile_context>

<pallas_src>
import functools

import numpy as np
import jax
import jax.numpy as jnp
from jax import lax
from jax.experimental import pallas as pl
from jax.experimental.pallas import tpu as pltpu
from jax.experimental.pallas import tpu_sc as plsc

_N = 10000
_E = 320000
_DF = 128
_D = 64
_NLAYERS = 8
_ALPHA = 0.1
_LAMDA = 0.5

_NP = 10240
_ROWS_PER_TILE = _NP // 16
_CHUNK = 640
_NWORK = 32
_CPW = 16
_EP = _CHUNK * _CPW * _NWORK

_mesh = plsc.VectorSubcoreMesh(core_axis_name="c", subcore_axis_name="s")


@functools.partial(
    pl.kernel,
    out_type=jax.ShapeDtypeStruct((2, _NP, _D), jnp.float32),
    mesh=_mesh,
    compiler_params=pltpu.CompilerParams(use_tc_tiling_on_sc=False),
    scratch_types=[
        pltpu.VMEM((_CHUNK,), jnp.int32),
        pltpu.VMEM((_CHUNK,), jnp.int32),
        pltpu.VMEM((_CHUNK, _D), jnp.float32),
        pltpu.VMEM_SHARED((_NP, _D), jnp.float32),
        pltpu.VMEM_SHARED((_NP, _D), jnp.float32),
        pltpu.SemaphoreType.DMA,
        pltpu.SemaphoreType.DMA,
    ],
)
def _sc_agg(hs, srcp, dstp, zeros, out, idx_s, idx_d, rows, table, acc,
            sem, sem2):
    cid = lax.axis_index("c")
    sid = lax.axis_index("s")
    wid = cid * 16 + sid
    r0 = sid * _ROWS_PER_TILE
    st = pltpu.async_copy(hs.at[pl.ds(r0, _ROWS_PER_TILE)],
                          table.at[pl.ds(r0, _ROWS_PER_TILE)], sem)
    sz = pltpu.async_copy(zeros.at[pl.ds(r0, _ROWS_PER_TILE)],
                          acc.at[pl.ds(r0, _ROWS_PER_TILE)], sem2)
    st.wait()
    sz.wait()
    plsc.subcore_barrier()
    base = wid * (_CPW * _CHUNK)

    def body(j, carry):
        off = base + j * _CHUNK
        pltpu.sync_copy(srcp.at[pl.ds(off, _CHUNK)], idx_s)
        pltpu.sync_copy(dstp.at[pl.ds(off, _CHUNK)], idx_d)
        pltpu.async_copy(table.at[idx_s], rows, sem).wait()
        pltpu.sync_copy(rows, acc.at[idx_d], add=True)
        return carry

    lax.fori_loop(0, _CPW, body, 0)
    plsc.subcore_barrier()
    pltpu.sync_copy(acc.at[pl.ds(r0, _ROWS_PER_TILE)],
                    out.at[cid, pl.ds(r0, _ROWS_PER_TILE)])


_DDEG = 8


@functools.partial(
    pl.kernel,
    out_type=jax.ShapeDtypeStruct((2, _NP, _DDEG), jnp.float32),
    mesh=_mesh,
    compiler_params=pltpu.CompilerParams(use_tc_tiling_on_sc=False),
    scratch_types=[
        pltpu.VMEM((_CHUNK,), jnp.int32),
        pltpu.VMEM((_CHUNK, _DDEG), jnp.float32),
        pltpu.VMEM_SHARED((_NP, _DDEG), jnp.float32),
    ],
)
def _sc_deg(ones, dstp, zeros, out, idx_d, rows, acc):
    cid = lax.axis_index("c")
    sid = lax.axis_index("s")
    wid = cid * 16 + sid
    r0 = sid * _ROWS_PER_TILE
    pltpu.sync_copy(ones, rows)
    pltpu.sync_copy(zeros.at[pl.ds(r0, _ROWS_PER_TILE)],
                    acc.at[pl.ds(r0, _ROWS_PER_TILE)])
    plsc.subcore_barrier()
    base = wid * (_CPW * _CHUNK)

    def body(j, carry):
        off = base + j * _CHUNK
        pltpu.sync_copy(dstp.at[pl.ds(off, _CHUNK)], idx_d)
        pltpu.sync_copy(rows, acc.at[idx_d], add=True)
        return carry

    lax.fori_loop(0, _CPW, body, 0)
    plsc.subcore_barrier()
    pltpu.sync_copy(acc.at[pl.ds(r0, _ROWS_PER_TILE)],
                    out.at[cid, pl.ds(r0, _ROWS_PER_TILE)])


_BLK = 1024
_GRID = _NP // _BLK


def _tc_proj_body(x_ref, w0_ref, b0_ref, h0_ref):
    h0_ref[...] = jnp.maximum(
        jnp.dot(x_ref[...], w0_ref[...], preferred_element_type=jnp.float32)
        + b0_ref[...], 0.0)


def _tc_proj(xp, w0, b0):
    return pl.pallas_call(
        _tc_proj_body,
        grid=(_GRID,),
        in_specs=[
            pl.BlockSpec((_BLK, _DF), lambda i: (i, 0)),
            pl.BlockSpec((_DF, _D), lambda i: (0, 0)),
            pl.BlockSpec((1, _D), lambda i: (0, 0)),
        ],
        out_specs=pl.BlockSpec((_BLK, _D), lambda i: (i, 0)),
        out_shape=jax.ShapeDtypeStruct((_NP, _D), jnp.float32),
    )(xp, w0, b0)


def _tc_scale_body(h0_ref, dp_ref, hs_ref, dinv_ref):
    deg = dp_ref[0, :, 0:1] + dp_ref[1, :, 0:1]
    dinv = lax.rsqrt(jnp.maximum(deg, 1.0))
    hs_ref[...] = h0_ref[...] * dinv
    dinv_ref[...] = dinv


def _tc_scale(h0, dp):
    return pl.pallas_call(
        _tc_scale_body,
        grid=(_GRID,),
        in_specs=[
            pl.BlockSpec((_BLK, _D), lambda i: (i, 0)),
            pl.BlockSpec((2, _BLK, _DDEG), lambda i: (0, i, 0)),
        ],
        out_specs=[
            pl.BlockSpec((_BLK, _D), lambda i: (i, 0)),
            pl.BlockSpec((_BLK, 1), lambda i: (i, 0)),
        ],
        out_shape=[
            jax.ShapeDtypeStruct((_NP, _D), jnp.float32),
            jax.ShapeDtypeStruct((_NP, 1), jnp.float32),
        ],
    )(h0, dp)


def _tc_layer_body(beta, p_ref, dinv_ref, h0_ref, w_ref, hs_ref):
    agg = (p_ref[0] + p_ref[1]) * dinv_ref[...]
    support = (1.0 - _ALPHA) * agg + _ALPHA * h0_ref[...]
    t = (1.0 - beta) * support + beta * jnp.dot(
        support, w_ref[...], preferred_element_type=jnp.float32)
    hs_ref[...] = jnp.maximum(t, 0.0) * dinv_ref[...]


def _tc_layer(beta, p, dinv, h0, w):
    return pl.pallas_call(
        functools.partial(_tc_layer_body, beta),
        grid=(_GRID,),
        in_specs=[
            pl.BlockSpec((2, _BLK, _D), lambda i: (0, i, 0)),
            pl.BlockSpec((_BLK, 1), lambda i: (i, 0)),
            pl.BlockSpec((_BLK, _D), lambda i: (i, 0)),
            pl.BlockSpec((_D, _D), lambda i: (0, 0)),
        ],
        out_specs=pl.BlockSpec((_BLK, _D), lambda i: (i, 0)),
        out_shape=jax.ShapeDtypeStruct((_NP, _D), jnp.float32),
    )(p, dinv, h0, w)


def _tc_final_body(beta, p_ref, dinv_ref, h0_ref, w_ref,
                   wout_ref, bout_ref, out_ref):
    agg = (p_ref[0] + p_ref[1]) * dinv_ref[...]
    support = (1.0 - _ALPHA) * agg + _ALPHA * h0_ref[...]
    t = (1.0 - beta) * support + beta * jnp.dot(
        support, w_ref[...], preferred_element_type=jnp.float32)
    h = jnp.maximum(t, 0.0)
    out_ref[...] = jnp.dot(
        h, wout_ref[...], preferred_element_type=jnp.float32) + bout_ref[...]


def _tc_final(beta, p, dinv, h0, w, wout, bout):
    return pl.pallas_call(
        functools.partial(_tc_final_body, beta),
        grid=(_GRID,),
        in_specs=[
            pl.BlockSpec((2, _BLK, _D), lambda i: (0, i, 0)),
            pl.BlockSpec((_BLK, 1), lambda i: (i, 0)),
            pl.BlockSpec((_BLK, _D), lambda i: (i, 0)),
            pl.BlockSpec((_D, _D), lambda i: (0, 0)),
            pl.BlockSpec((_D, _D), lambda i: (0, 0)),
            pl.BlockSpec((1, _D), lambda i: (0, 0)),
        ],
        out_specs=pl.BlockSpec((_BLK, _D), lambda i: (i, 0)),
        out_shape=jax.ShapeDtypeStruct((_NP, _D), jnp.float32),
    )(p, dinv, h0, w, wout, bout)


def kernel(features, edge_index, W0, b0, Ws, W_out, b_out):
    src = edge_index[0]
    dst = edge_index[1]
    pad = jnp.full((_EP - _E,), _N, jnp.int32)
    srcp = jnp.concatenate([src, pad])
    dstp = jnp.concatenate([dst, pad])
    zeros = jnp.zeros((_NP, _D), jnp.float32)
    zeros_deg = jnp.zeros((_NP, _DDEG), jnp.float32)
    ones_deg = jnp.ones((_CHUNK, _DDEG), jnp.float32)
    xp = jnp.concatenate(
        [features, jnp.zeros((_NP - _N, _DF), jnp.float32)], axis=0)

    h0 = _tc_proj(xp, W0, b0.reshape(1, _D))
    degp = _sc_deg(ones_deg, dstp, zeros_deg)
    hs, dinv = _tc_scale(h0, degp)
    out = None
    for i in range(_NLAYERS):
        beta = float(np.log(_LAMDA / (i + 1) + 1.0))
        p = _sc_agg(hs, srcp, dstp, zeros)
        if i < _NLAYERS - 1:
            hs = _tc_layer(beta, p, dinv, h0, Ws[i])
        else:
            out = _tc_final(beta, p, dinv, h0, Ws[i],
                            W_out, b_out.reshape(1, _D))
    return out[:_N]

# --- scband reference (transcript-rebuilt; emitter-appended) ---
"""Pipeline reference for scband-gcniinet-75419625717994 (READ-ONLY COPY).

The authoritative reference and input builder live on the scoring server;
editing this copy changes nothing except your own understanding.
"""

import jax, jax.numpy as jnp
import numpy as np

N = 10000
E = 320000
D_FEAT = 128
D_HID = 64
N_CLASSES = 64
N_LAYERS = 8
ALPHA = 0.1
LAMDA = 0.5


def setup_inputs(seed: int = 0) -> dict:
    key = jax.random.key(seed)
    ks = jax.random.split(key, 8)
    features = jax.random.normal(ks[0], (N, D_FEAT), dtype=jnp.float32)
    edge_index = jax.random.randint(ks[1], (2, E), 0, N, dtype=jnp.int32)
    gain = float(np.sqrt(2.0))  # relu gain, xavier_uniform
    lim0 = gain * np.sqrt(6.0 / (D_FEAT + D_HID))
    W0 = jax.random.uniform(ks[2], (D_FEAT, D_HID), jnp.float32, -lim0, lim0)
    b0 = jnp.zeros((D_HID,), jnp.float32)
    limh = np.sqrt(6.0 / (D_HID + D_HID))
    Ws = jax.random.uniform(ks[3], (N_LAYERS, D_HID, D_HID), jnp.float32, -limh, limh)
    lim1 = gain * np.sqrt(6.0 / (D_HID + N_CLASSES))
    W_out = jax.random.uniform(ks[4], (D_HID, N_CLASSES), jnp.float32, -lim1, lim1)
    b_out = jnp.zeros((N_CLASSES,), jnp.float32)
    return {"features": features, "edge_index": edge_index, "W0": W0, "b0": b0,
            "Ws": Ws, "W_out": W_out, "b_out": b_out}


def reference(features, edge_index, W0, b0, Ws, W_out, b_out):
    src = edge_index[0]
    dst = edge_index[1]
    # symmetric graph normalization D^{-1/2} A D^{-1/2} using in-degrees
    deg = jax.ops.segment_sum(jnp.ones((E,), jnp.float32), dst, num_segments=N)
    deg = jnp.clip(deg, 1.0, None)
    dinv = jax.lax.rsqrt(deg)
    norm_e = (dinv[src] * dinv[dst])[:, None]
    # input fc + activation (dropout=0 -> identity)
    h0 = jax.nn.relu(features @ W0 + b0)
    h = h0
    for i in range(N_LAYERS):
        beta = float(np.log(LAMDA / (i + 1) + 1.0))
        msg = h[src] * norm_e                       # gather over edges
        agg = jax.ops.segment_sum(msg, dst, num_segments=N)  # scatter-add
        support = (1.0 - ALPHA) * agg + ALPHA * h0  # initial residual
        h = jax.nn.relu((1.0 - beta) * support + beta * (support @ Ws[i]))  # identity mapping
    out = h @ W_out + b_out
    return out

if __name__ == "__main__":
    import jax
    _d = setup_inputs()
    print(jax.jit(kernel)(*tuple(_d.values())))

</pallas_src>

<mosaic_0001>
#map = affine_map<(d0, d1) -> (0, 0)>
#map1 = affine_map<(d0, d1) -> (0)>
#map2 = affine_map<(d0, d1) -> (0, 0, 0)>
module attributes {stable_mosaic.version = 14 : i64} {
  func.func @_sc_deg(%arg0: i32, %arg1: i32, %arg2: memref<640x8xf32, #tpu.memory_space<hbm>>, %arg3: memref<327680xi32, #tpu.memory_space<hbm>>, %arg4: memref<10240x8xf32, #tpu.memory_space<hbm>>, %arg5: memref<2x10240x8xf32, #tpu.memory_space<hbm>>, %arg6: memref<640xi32, #tpu.memory_space<vmem>>, %arg7: memref<640x8xf32, #tpu.memory_space<vmem>>, %arg8: memref<10240x8xf32, #tpu.memory_space<vmem_shared>>) attributes {dimension_semantics = [#tpu.dimension_semantics<core_parallel>, #tpu.dimension_semantics<subcore_parallel>], iteration_bounds = array<i64: 2, 16>, scalar_prefetch = 0 : i64, scratch_operands = 3 : i64, tpu.core_type = #tpu.core_type<sc_vector_subcore>, window_params = [{transform_indices = #map}, {transform_indices = #map1}, {transform_indices = #map}, {transform_indices = #map2}]} {
    %mul3A = arith.constant 16 : i32
    %mul3A_0 = arith.muli %arg0, %mul3A : i32
    %add3A = arith.addi %mul3A_0, %arg1 : i32
    %mul3A_1 = arith.constant 640 : i32
    %mul3A_2 = arith.muli %arg1, %mul3A_1 : i32
    "tpu.region"() ({
      %run_scoped3A = tpu.sem_alloc : memref<!tpu.dma_semaphore, #tpu.memory_space<semaphore_mem>>
      tpu.enqueue_dma source(%arg2 : memref<640x8xf32, #tpu.memory_space<hbm>>) target(%arg7 : memref<640x8xf32, #tpu.memory_space<vmem>>) target_semaphore(%run_scoped3A : memref<!tpu.dma_semaphore, #tpu.memory_space<semaphore_mem>>)
      tpu.wait_dma2 semaphore(%run_scoped3A : memref<!tpu.dma_semaphore, #tpu.memory_space<semaphore_mem>>) src(%arg2 : memref<640x8xf32, #tpu.memory_space<hbm>>) dst(%arg7 : memref<640x8xf32, #tpu.memory_space<vmem>>)
      tpu.yield
    }) : () -> ()
    "tpu.region"() ({
      %run_scoped3A = tpu.sem_alloc : memref<!tpu.dma_semaphore, #tpu.memory_space<semaphore_mem>>
      %dma_start3A = arith.constant 0 : i32
      %dma_start3A_11 = tpu.memref_slice %arg8[%mul3A_2, %dma_start3A] : memref<10240x8xf32, #tpu.memory_space<vmem_shared>> -> memref<640x8xf32, #tpu.memory_space<vmem_shared>>
      %dma_start3A_12 = arith.constant 0 : i32
      %dma_start3A_13 = tpu.memref_slice %arg4[%mul3A_2, %dma_start3A_12] : memref<10240x8xf32, #tpu.memory_space<hbm>> -> memref<640x8xf32, #tpu.memory_space<hbm>>
      tpu.enqueue_dma source(%dma_start3A_13 : memref<640x8xf32, #tpu.memory_space<hbm>>) target(%dma_start3A_11 : memref<640x8xf32, #tpu.memory_space<vmem_shared>>) target_semaphore(%run_scoped3A : memref<!tpu.dma_semaphore, #tpu.memory_space<semaphore_mem>>)
      %dma_wait3A = arith.constant 0 : i32
      %dma_wait3A_14 = tpu.memref_slice %arg8[%mul3A_2, %dma_wait3A] : memref<10240x8xf32, #tpu.memory_space<vmem_shared>> -> memref<640x8xf32, #tpu.memory_space<vmem_shared>>
      %dma_wait3A_15 = arith.constant 0 : i32
      %dma_wait3A_16 = tpu.memref_slice %arg4[%mul3A_2, %dma_wait3A_15] : memref<10240x8xf32, #tpu.memory_space<hbm>> -> memref<640x8xf32, #tpu.memory_space<hbm>>
      tpu.wait_dma2 semaphore(%run_scoped3A : memref<!tpu.dma_semaphore, #tpu.memory_space<semaphore_mem>>) src(%dma_wait3A_16 : memref<640x8xf32, #tpu.memory_space<hbm>>) dst(%dma_wait3A_14 : memref<640x8xf32, #tpu.memory_space<vmem_shared>>)
      tpu.yield
    }) : () -> ()
    %barrier3A = arith.constant 0 : index
    tpu.barrier barrier_id(%barrier3A)
    %mul3A_3 = arith.constant 10240 : i32
    %mul3A_4 = arith.muli %add3A, %mul3A_3 : i32
    %scan3A = arith.constant 0 : i32
    %scan3A_5 = arith.constant 0 : i32
    %scan3A_6 = arith.constant 16 : i32
    %scan3A_7 = arith.addi %scan3A_5, %scan3A_6 : i32
    %scan3A_8 = arith.constant 1 : i32
    scf.for %scan3A_11 = %scan3A_5 to %scan3A_7 step %scan3A_8  : i32 {
      %mul3A_12 = arith.constant 640 : i32
      %mul3A_13 = arith.muli %scan3A_11, %mul3A_12 : i32
      %add3A_14 = arith.addi %mul3A_4, %mul3A_13 : i32
      "tpu.region"() ({
        %run_scoped3A = tpu.sem_alloc : memref<!tpu.dma_semaphore, #tpu.memory_space<semaphore_mem>>
        %dma_start3A = tpu.memref_slice %arg3[%add3A_14] : memref<327680xi32, #tpu.memory_space<hbm>> -> memref<640xi32, #tpu.memory_space<hbm>>
        %dma_start3A_15 = tpu.memref_slice %arg3[%add3A_14] : memref<327680xi32, #tpu.memory_space<hbm>> -> memref<640xi32, #tpu.memory_space<hbm>>
        tpu.enqueue_dma source(%dma_start3A_15 : memref<640xi32, #tpu.memory_space<hbm>>) target(%arg6 : memref<640xi32, #tpu.memory_space<vmem>>) target_semaphore(%run_scoped3A : memref<!tpu.dma_semaphore, #tpu.memory_space<semaphore_mem>>)
        %dma_wait3A = tpu.memref_slice %arg3[%add3A_14] : memref<327680xi32, #tpu.memory_space<hbm>> -> memref<640xi32, #tpu.memory_space<hbm>>
        %dma_wait3A_16 = tpu.memref_slice %arg3[%add3A_14] : memref<327680xi32, #tpu.memory_space<hbm>> -> memref<640xi32, #tpu.memory_space<hbm>>
        tpu.wait_dma2 semaphore(%run_scoped3A : memref<!tpu.dma_semaphore, #tpu.memory_space<semaphore_mem>>) src(%dma_wait3A_16 : memref<640xi32, #tpu.memory_space<hbm>>) dst(%arg6 : memref<640xi32, #tpu.memory_space<vmem>>)
        tpu.yield
      }) : () -> ()
      "tpu.region"() ({
        %run_scoped3A = tpu.sem_alloc : memref<!tpu.dma_semaphore, #tpu.memory_space<semaphore_mem>>
        %dma_start3A = arith.constant 0 : i32
        %dma_start3A_15 = arith.constant 0 : i32
        %dma_start3A_16 = tpu.memref_slice %arg8[%dma_start3A, %dma_start3A_15] : memref<10240x8xf32, #tpu.memory_space<vmem_shared>> -> memref<10240x8xf32, #tpu.memory_space<vmem_shared>>
        tpu.enqueue_indirect_dma source(%arg7 : memref<640x8xf32, #tpu.memory_space<vmem>>) target(%dma_start3A_16 : memref<10240x8xf32, #tpu.memory_space<vmem_shared>>) offsets(%arg6 : memref<640xi32, #tpu.memory_space<vmem>>) semaphore(%run_scoped3A : memref<!tpu.dma_semaphore, #tpu.memory_space<semaphore_mem>>) {add = true}
        %dma_wait3A = arith.constant 0 : i32
        %dma_wait3A_17 = arith.constant 0 : i32
        %dma_wait3A_18 = tpu.memref_slice %arg8[%dma_wait3A, %dma_wait3A_17] : memref<10240x8xf32, #tpu.memory_space<vmem_shared>> -> memref<10240x8xf32, #tpu.memory_space<vmem_shared>>
        tpu.wait_indirect_dma semaphore(%run_scoped3A : memref<!tpu.dma_semaphore, #tpu.memory_space<semaphore_mem>>) src(%arg7 : memref<640x8xf32, #tpu.memory_space<vmem>>) dst(%dma_wait3A_18 : memref<10240x8xf32, #tpu.memory_space<vmem_shared>>)
        tpu.yield
      }) : () -> ()
    }
    %scan3A_9 = arith.constant 16 : i32
    %barrier3A_10 = arith.constant 0 : index
    tpu.barrier barrier_id(%barrier3A_10)
    "tpu.region"() ({
      %run_scoped3A = tpu.sem_alloc : memref<!tpu.dma_semaphore, #tpu.memory_space<semaphore_mem>>
      %dma_start3A = arith.constant 0 : i32
      %dma_start3A_11 = tpu.memref_slice %arg5[%arg0, %mul3A_2, %dma_start3A] : memref<2x10240x8xf32, #tpu.memory_space<hbm>> -> memref<1x640x8xf32, #tpu.memory_space<hbm>>
      %dma_start3A_12 = tpu.memref_squeeze %dma_start3A_11 : memref<1x640x8xf32, #tpu.memory_space<hbm>> -> memref<640x8xf32, #tpu.memory_space<hbm>>
      %dma_start3A_13 = arith.constant 0 : i32
      %dma_start3A_14 = tpu.memref_slice %arg8[%mul3A_2, %dma_start3A_13] : memref<10240x8xf32, #tpu.memory_space<vmem_shared>> -> memref<640x8xf32, #tpu.memory_space<vmem_shared>>
      tpu.enqueue_dma source(%dma_start3A_14 : memref<640x8xf32, #tpu.memory_space<vmem_shared>>) target(%dma_start3A_12 : memref<640x8xf32, #tpu.memory_space<hbm>>) target_semaphore(%run_scoped3A : memref<!tpu.dma_semaphore, #tpu.memory_space<semaphore_mem>>)
      %dma_wait3A = arith.constant 0 : i32
      %dma_wait3A_15 = tpu.memref_slice %arg5[%arg0, %mul3A_2, %dma_wait3A] : memref<2x10240x8xf32, #tpu.memory_space<hbm>> -> memref<1x640x8xf32, #tpu.memory_space<hbm>>
      %dma_wait3A_16 = tpu.memref_squeeze %dma_wait3A_15 : memref<1x640x8xf32, #tpu.memory_space<hbm>> -> memref<640x8xf32, #tpu.memory_space<hbm>>
      %dma_wait3A_17 = arith.constant 0 : i32
      %dma_wait3A_18 = tpu.memref_slice %arg8[%mul3A_2, %dma_wait3A_17] : memref<10240x8xf32, #tpu.memory_space<vmem_shared>> -> memref<640x8xf32, #tpu.memory_space<vmem_shared>>
      tpu.wait_dma2 semaphore(%run_scoped3A : memref<!tpu.dma_semaphore, #tpu.memory_space<semaphore_mem>>) src(%dma_wait3A_18 : memref<640x8xf32, #tpu.memory_space<vmem_shared>>) dst(%dma_wait3A_16 : memref<640x8xf32, #tpu.memory_space<hbm>>)
      tpu.yield
    }) : () -> ()
    return
  }
}

#map = affine_map<(d0, d1) -> (0, 0)>
#map1 = affine_map<(d0, d1) -> (0)>
#map2 = affine_map<(d0, d1) -> (0, 0, 0)>
module attributes {stable_mosaic.version = 14 : i64} {
  func.func @_sc_agg(%arg0: i32, %arg1: i32, %arg2: memref<10240x64xf32, #tpu.memory_space<hbm>>, %arg3: memref<327680xi32, #tpu.memory_space<hbm>>, %arg4: memref<327680xi32, #tpu.memory_space<hbm>>, %arg5: memref<10240x64xf32, #tpu.memory_space<hbm>>, %arg6: memref<2x10240x64xf32, #tpu.memory_space<hbm>>, %arg7: memref<640xi32, #tpu.memory_space<vmem>>, %arg8: memref<640xi32, #tpu.memory_space<vmem>>, %arg9: memref<640x64xf32, #tpu.memory_space<vmem>>, %arg10: memref<10240x64xf32, #tpu.memory_space<vmem_shared>>, %arg11: memref<10240x64xf32, #tpu.memory_space<vmem_shared>>, %arg12: memref<!tpu.dma_semaphore, #tpu.memory_space<semaphore_mem>>, %arg13: memref<!tpu.dma_semaphore, #tpu.memory_space<semaphore_mem>>) attributes {dimension_semantics = [#tpu.dimension_semantics<core_parallel>, #tpu.dimension_semantics<subcore_parallel>], iteration_bounds = array<i64: 2, 16>, scalar_prefetch = 0 : i64, scratch_operands = 7 : i64, tpu.core_type = #tpu.core_type<sc_vector_subcore>, window_params = [{transform_indices = #map}, {transform_indices = #map1}, {transform_indices = #map1}, {transform_indices = #map}, {transform_indices = #map2}]} {
    %mul3A = arith.constant 16 : i32
    %mul3A_0 = arith.muli %arg0, %mul3A : i32
    %add3A = arith.addi %mul3A_0, %arg1 : i32
    %mul3A_1 = arith.constant 640 : i32
    %mul3A_2 = arith.muli %arg1, %mul3A_1 : i32
    %dma_start3A = arith.constant 0 : i32
    %dma_start3A_3 = tpu.memref_slice %arg10[%mul3A_2, %dma_start3A] : memref<10240x64xf32, #tpu.memory_space<vmem_shared>> -> memref<640x64xf32, #tpu.memory_space<vmem_shared>>
    %dma_start3A_4 = arith.constant 0 : i32
    %dma_start3A_5 = tpu.memref_slice %arg2[%mul3A_2, %dma_start3A_4] : memref<10240x64xf32, #tpu.memory_space<hbm>> -> memref<640x64xf32, #tpu.memory_space<hbm>>
    tpu.enqueue_dma source(%dma_start3A_5 : memref<640x64xf32, #tpu.memory_space<hbm>>) target(%dma_start3A_3 : memref<640x64xf32, #tpu.memory_space<vmem_shared>>) target_semaphore(%arg12 : memref<!tpu.dma_semaphore, #tpu.memory_space<semaphore_mem>>)
    %dma_start3A_6 = arith.constant 0 : i32
    %dma_start3A_7 = tpu.memref_slice %arg11[%mul3A_2, %dma_start3A_6] : memref<10240x64xf32, #tpu.memory_space<vmem_shared>> -> memref<640x64xf32, #tpu.memory_space<vmem_shared>>
    %dma_start3A_8 = arith.constant 0 : i32
    %dma_start3A_9 = tpu.memref_slice %arg5[%mul3A_2, %dma_start3A_8] : memref<10240x64xf32, #tpu.memory_space<hbm>> -> memref<640x64xf32, #tpu.memory_space<hbm>>
    tpu.enqueue_dma source(%dma_start3A_9 : memref<640x64xf32, #tpu.memory_space<hbm>>) target(%dma_start3A_7 : memref<640x64xf32, #tpu.memory_space<vmem_shared>>) target_semaphore(%arg13 : memref<!tpu.dma_semaphore, #tpu.memory_space<semaphore_mem>>)
    %dma_wait3A = arith.constant 0 : i32
    %dma_wait3A_10 = tpu.memref_slice %arg10[%mul3A_2, %dma_wait3A] : memref<10240x64xf32, #tpu.memory_space<vmem_shared>> -> memref<640x64xf32, #tpu.memory_space<vmem_shared>>
    %dma_wait3A_11 = arith.constant 0 : i32
    %dma_wait3A_12 = tpu.memref_slice %arg2[%mul3A_2, %dma_wait3A_11] : memref<10240x64xf32, #tpu.memory_space<hbm>> -> memref<640x64xf32, #tpu.memory_space<hbm>>
    tpu.wait_dma2 semaphore(%arg12 : memref<!tpu.dma_semaphore, #tpu.memory_space<semaphore_mem>>) src(%dma_wait3A_12 : memref<640x64xf32, #tpu.memory_space<hbm>>) dst(%dma_wait3A_10 : memref<640x64xf32, #tpu.memory_space<vmem_shared>>)
    %dma_wait3A_13 = arith.constant 0 : i32
    %dma_wait3A_14 = tpu.memref_slice %arg11[%mul3A_2, %dma_wait3A_13] : memref<10240x64xf32, #tpu.memory_space<vmem_shared>> -> memref<640x64xf32, #tpu.memory_space<vmem_shared>>
    %dma_wait3A_15 = arith.constant 0 : i32
    %dma_wait3A_16 = tpu.memref_slice %arg5[%mul3A_2, %dma_wait3A_15] : memref<10240x64xf32, #tpu.memory_space<hbm>> -> memref<640x64xf32, #tpu.memory_space<hbm>>
    tpu.wait_dma2 semaphore(%arg13 : memref<!tpu.dma_semaphore, #tpu.memory_space<semaphore_mem>>) src(%dma_wait3A_16 : memref<640x64xf32, #tpu.memory_space<hbm>>) dst(%dma_wait3A_14 : memref<640x64xf32, #tpu.memory_space<vmem_shared>>)
    %barrier3A = arith.constant 0 : index
    tpu.barrier barrier_id(%barrier3A)
    %mul3A_17 = arith.constant 10240 : i32
    %mul3A_18 = arith.muli %add3A, %mul3A_17 : i32
    %scan3A = arith.constant 0 : i32
    %scan3A_19 = arith.constant 0 : i32
    %scan3A_20 = arith.constant 16 : i32
    %scan3A_21 = arith.addi %scan3A_19, %scan3A_20 : i32
    %scan3A_22 = arith.constant 1 : i32
    scf.for %scan3A_25 = %scan3A_19 to %scan3A_21 step %scan3A_22  : i32 {
      %mul3A_26 = arith.constant 640 : i32
      %mul3A_27 = arith.muli %scan3A_25, %mul3A_26 : i32
      %add3A_28 = arith.addi %mul3A_18, %mul3A_27 : i32
      "tpu.region"() ({
        %run_scoped3A = tpu.sem_alloc : memref<!tpu.dma_semaphore, #tpu.memory_space<semaphore_mem>>
        %dma_start3A_35 = tpu.memref_slice %arg3[%add3A_28] : memref<327680xi32, #tpu.memory_space<hbm>> -> memref<640xi32, #tpu.memory_space<hbm>>
        %dma_start3A_36 = tpu.memref_slice %arg3[%add3A_28] : memref<327680xi32, #tpu.memory_space<hbm>> -> memref<640xi32, #tpu.memory_space<hbm>>
        tpu.enqueue_dma source(%dma_start3A_36 : memref<640xi32, #tpu.memory_space<hbm>>) target(%arg7 : memref<640xi32, #tpu.memory_space<vmem>>) target_semaphore(%run_scoped3A : memref<!tpu.dma_semaphore, #tpu.memory_space<semaphore_mem>>)
        %dma_wait3A_37 = tpu.memref_slice %arg3[%add3A_28] : memref<327680xi32, #tpu.memory_space<hbm>> -> memref<640xi32, #tpu.memory_space<hbm>>
        %dma_wait3A_38 = tpu.memref_slice %arg3[%add3A_28] : memref<327680xi32, #tpu.memory_space<hbm>> -> memref<640xi32, #tpu.memory_space<hbm>>
        tpu.wait_dma2 semaphore(%run_scoped3A : memref<!tpu.dma_semaphore, #tpu.memory_space<semaphore_mem>>) src(%dma_wait3A_38 : memref<640xi32, #tpu.memory_space<hbm>>) dst(%arg7 : memref<640xi32, #tpu.memory_space<vmem>>)
        tpu.yield
      }) : () -> ()
      "tpu.region"() ({
        %run_scoped3A = tpu.sem_alloc : memref<!tpu.dma_semaphore, #tpu.memory_space<semaphore_mem>>
        %dma_start3A_35 = tpu.memref_slice %arg4[%add3A_28] : memref<327680xi32, #tpu.memory_space<hbm>> -> memref<640xi32, #tpu.memory_space<hbm>>
        %dma_start3A_36 = tpu.memref_slice %arg4[%add3A_28] : memref<327680xi32, #tpu.memory_space<hbm>> -> memref<640xi32, #tpu.memory_space<hbm>>
        tpu.enqueue_dma source(%dma_start3A_36 : memref<640xi32, #tpu.memory_space<hbm>>) target(%arg8 : memref<640xi32, #tpu.memory_space<vmem>>) target_semaphore(%run_scoped3A : memref<!tpu.dma_semaphore, #tpu.memory_space<semaphore_mem>>)
        %dma_wait3A_37 = tpu.memref_slice %arg4[%add3A_28] : memref<327680xi32, #tpu.memory_space<hbm>> -> memref<640xi32, #tpu.memory_space<hbm>>
        %dma_wait3A_38 = tpu.memref_slice %arg4[%add3A_28] : memref<327680xi32, #tpu.memory_space<hbm>> -> memref<640xi32, #tpu.memory_space<hbm>>
        tpu.wait_dma2 semaphore(%run_scoped3A : memref<!tpu.dma_semaphore, #tpu.memory_space<semaphore_mem>>) src(%dma_wait3A_38 : memref<640xi32, #tpu.memory_space<hbm>>) dst(%arg8 : memref<640xi32, #tpu.memory_space<vmem>>)
        tpu.yield
      }) : () -> ()
      %dma_start3A_29 = arith.constant 0 : i32
      %dma_start3A_30 = arith.constant 0 : i32
      %dma_start3A_31 = tpu.memref_slice %arg10[%dma_start3A_29, %dma_start3A_30] : memref<10240x64xf32, #tpu.memory_space<vmem_shared>> -> memref<10240x64xf32, #tpu.memory_space<vmem_shared>>
      tpu.enqueue_indirect_dma source(%dma_start3A_31 : memref<10240x64xf32, #tpu.memory_space<vmem_shared>>) target(%arg9 : memref<640x64xf32, #tpu.memory_space<vmem>>) offsets(%arg7 : memref<640xi32, #tpu.memory_space<vmem>>) semaphore(%arg12 : memref<!tpu.dma_semaphore, #tpu.memory_space<semaphore_mem>>)
      %dma_wait3A_32 = arith.constant 0 : i32
      %dma_wait3A_33 = arith.constant 0 : i32
      %dma_wait3A_34 = tpu.memref_slice %arg10[%dma_wait3A_32, %dma_wait3A_33] : memref<10240x64xf32, #tpu.memory_space<vmem_shared>> -> memref<10240x64xf32, #tpu.memory_space<vmem_shared>>
      tpu.wait_indirect_dma semaphore(%arg12 : memref<!tpu.dma_semaphore, #tpu.memory_space<semaphore_mem>>) src(%dma_wait3A_34 : memref<10240x64xf32, #tpu.memory_space<vmem_shared>>) dst(%arg9 : memref<640x64xf32, #tpu.memory_space<vmem>>)
      "tpu.region"() ({
        %run_scoped3A = tpu.sem_alloc : memref<!tpu.dma_semaphore, #tpu.memory_space<semaphore_mem>>
        %dma_start3A_35 = arith.constant 0 : i32
        %dma_start3A_36 = arith.constant 0 : i32
        %dma_start3A_37 = tpu.memref_slice %arg11[%dma_start3A_35, %dma_start3A_36] : memref<10240x64xf32, #tpu.memory_space<vmem_shared>> -> memref<10240x64xf32, #tpu.memory_space<vmem_shared>>
        tpu.enqueue_indirect_dma source(%arg9 : memref<640x64xf32, #tpu.memory_space<vmem>>) target(%dma_start3A_37 : memref<10240x64xf32, #tpu.memory_space<vmem_shared>>) offsets(%arg8 : memref<640xi32, #tpu.memory_space<vmem>>) semaphore(%run_scoped3A : memref<!tpu.dma_semaphore, #tpu.memory_space<semaphore_mem>>) {add = true}
        %dma_wait3A_38 = arith.constant 0 : i32
        %dma_wait3A_39 = arith.constant 0 : i32
        %dma_wait3A_40 = tpu.memref_slice %arg11[%dma_wait3A_38, %dma_wait3A_39] : memref<10240x64xf32, #tpu.memory_space<vmem_shared>> -> memref<10240x64xf32, #tpu.memory_space<vmem_shared>>
        tpu.wait_indirect_dma semaphore(%run_scoped3A : memref<!tpu.dma_semaphore, #tpu.memory_space<semaphore_mem>>) src(%arg9 : memref<640x64xf32, #tpu.memory_space<vmem>>) dst(%dma_wait3A_40 : memref<10240x64xf32, #tpu.memory_space<vmem_shared>>)
        tpu.yield
      }) : () -> ()
    }
    %scan3A_23 = arith.constant 16 : i32
    %barrier3A_24 = arith.constant 0 : index
    tpu.barrier barrier_id(%barrier3A_24)
    "tpu.region"() ({
      %run_scoped3A = tpu.sem_alloc : memref<!tpu.dma_semaphore, #tpu.memory_space<semaphore_mem>>
      %dma_start3A_25 = arith.constant 0 : i32
      %dma_start3A_26 = tpu.memref_slice %arg6[%arg0, %mul3A_2, %dma_start3A_25] : memref<2x10240x64xf32, #tpu.memory_space<hbm>> -> memref<1x640x64xf32, #tpu.memory_space<hbm>>
      %dma_start3A_27 = tpu.memref_squeeze %dma_start3A_26 : memref<1x640x64xf32, #tpu.memory_space<hbm>> -> memref<640x64xf32, #tpu.memory_space<hbm>>
      %dma_start3A_28 = arith.constant 0 : i32
      %dma_start3A_29 = tpu.memref_slice %arg11[%mul3A_2, %dma_start3A_28] : memref<10240x64xf32, #tpu.memory_space<vmem_shared>> -> memref<640x64xf32, #tpu.memory_space<vmem_shared>>
      tpu.enqueue_dma source(%dma_start3A_29 : memref<640x64xf32, #tpu.memory_space<vmem_shared>>) target(%dma_start3A_27 : memref<640x64xf32, #tpu.memory_space<hbm>>) target_semaphore(%run_scoped3A : memref<!tpu.dma_semaphore, #tpu.memory_space<semaphore_mem>>)
      %dma_wait3A_30 = arith.constant 0 : i32
      %dma_wait3A_31 = tpu.memref_slice %arg6[%arg0, %mul3A_2, %dma_wait3A_30] : memref<2x10240x64xf32, #tpu.memory_space<hbm>> -> memref<1x640x64xf32, #tpu.memory_space<hbm>>
      %dma_wait3A_32 = tpu.memref_squeeze %dma_wait3A_31 : memref<1x640x64xf32, #tpu.memory_space<hbm>> -> memref<640x64xf32, #tpu.memory_space<hbm>>
      %dma_wait3A_33 = arith.constant 0 : i32
      %dma_wait3A_34 = tpu.memref_slice %arg11[%mul3A_2, %dma_wait3A_33] : memref<10240x64xf32, #tpu.memory_space<vmem_shared>> -> memref<640x64xf32, #tpu.memory_space<vmem_shared>>
      tpu.wait_dma2 semaphore(%run_scoped3A : memref<!tpu.dma_semaphore, #tpu.memory_space<semaphore_mem>>) src(%dma_wait3A_34 : memref<640x64xf32, #tpu.memory_space<vmem_shared>>) dst(%dma_wait3A_32 : memref<640x64xf32, #tpu.memory_space<hbm>>)
      tpu.yield
    }) : () -> ()
    return
  }
}

#map = affine_map<(d0, d1) -> (0, 0)>
#map1 = affine_map<(d0, d1) -> (0)>
#map2 = affine_map<(d0, d1) -> (0, 0, 0)>
module attributes {stable_mosaic.version = 14 : i64} {
  func.func @_sc_agg(%arg0: i32, %arg1: i32, %arg2: memref<10240x64xf32, #tpu.memory_space<hbm>>, %arg3: memref<327680xi32, #tpu.memory_space<hbm>>, %arg4: memref<327680xi32, #tpu.memory_space<hbm>>, %arg5: memref<10240x64xf32, #tpu.memory_space<hbm>>, %arg6: memref<2x10240x64xf32, #tpu.memory_space<hbm>>, %arg7: memref<640xi32, #tpu.memory_space<vmem>>, %arg8: memref<640xi32, #tpu.memory_space<vmem>>, %arg9: memref<640x64xf32, #tpu.memory_space<vmem>>, %arg10: memref<10240x64xf32, #tpu.memory_space<vmem_shared>>, %arg11: memref<10240x64xf32, #tpu.memory_space<vmem_shared>>, %arg12: memref<!tpu.dma_semaphore, #tpu.memory_space<semaphore_mem>>, %arg13: memref<!tpu.dma_semaphore, #tpu.memory_space<semaphore_mem>>) attributes {dimension_semantics = [#tpu.dimension_semantics<core_parallel>, #tpu.dimension_semantics<subcore_parallel>], iteration_bounds = array<i64: 2, 16>, scalar_prefetch = 0 : i64, scratch_operands = 7 : i64, tpu.core_type = #tpu.core_type<sc_vector_subcore>, window_params = [{transform_indices = #map}, {transform_indices = #map1}, {transform_indices = #map1}, {transform_indices = #map}, {transform_indices = #map2}]} {
    %mul3A = arith.constant 16 : i32
    %mul3A_0 = arith.muli %arg0, %mul3A : i32
    %add3A = arith.addi %mul3A_0, %arg1 : i32
    %mul3A_1 = arith.constant 640 : i32
    %mul3A_2 = arith.muli %arg1, %mul3A_1 : i32
    %dma_start3A = arith.constant 0 : i32
    %dma_start3A_3 = tpu.memref_slice %arg10[%mul3A_2, %dma_start3A] : memref<10240x64xf32, #tpu.memory_space<vmem_shared>> -> memref<640x64xf32, #tpu.memory_space<vmem_shared>>
    %dma_start3A_4 = arith.constant 0 : i32
    %dma_start3A_5 = tpu.memref_slice %arg2[%mul3A_2, %dma_start3A_4] : memref<10240x64xf32, #tpu.memory_space<hbm>> -> memref<640x64xf32, #tpu.memory_space<hbm>>
    tpu.enqueue_dma source(%dma_start3A_5 : memref<640x64xf32, #tpu.memory_space<hbm>>) target(%dma_start3A_3 : memref<640x64xf32, #tpu.memory_space<vmem_shared>>) target_semaphore(%arg12 : memref<!tpu.dma_semaphore, #tpu.memory_space<semaphore_mem>>)
    %dma_start3A_6 = arith.constant 0 : i32
    %dma_start3A_7 = tpu.memref_slice %arg11[%mul3A_2, %dma_start3A_6] : memref<10240x64xf32, #tpu.memory_space<vmem_shared>> -> memref<640x64xf32, #tpu.memory_space<vmem_shared>>
    %dma_start3A_8 = arith.constant 0 : i32
    %dma_start3A_9 = tpu.memref_slice %arg5[%mul3A_2, %dma_start3A_8] : memref<10240x64xf32, #tpu.memory_space<hbm>> -> memref<640x64xf32, #tpu.memory_space<hbm>>
    tpu.enqueue_dma source(%dma_start3A_9 : memref<640x64xf32, #tpu.memory_space<hbm>>) target(%dma_start3A_7 : memref<640x64xf32, #tpu.memory_space<vmem_shared>>) target_semaphore(%arg13 : memref<!tpu.dma_semaphore, #tpu.memory_space<semaphore_mem>>)
    %dma_wait3A = arith.constant 0 : i32
    %dma_wait3A_10 = tpu.memref_slice %arg10[%mul3A_2, %dma_wait3A] : memref<10240x64xf32, #tpu.memory_space<vmem_shared>> -> memref<640x64xf32, #tpu.memory_space<vmem_shared>>
    %dma_wait3A_11 = arith.constant 0 : i32
    %dma_wait3A_12 = tpu.memref_slice %arg2[%mul3A_2, %dma_wait3A_11] : memref<10240x64xf32, #tpu.memory_space<hbm>> -> memref<640x64xf32, #tpu.memory_space<hbm>>
    tpu.wait_dma2 semaphore(%arg12 : memref<!tpu.dma_semaphore, #tpu.memory_space<semaphore_mem>>) src(%dma_wait3A_12 : memref<640x64xf32, #tpu.memory_space<hbm>>) dst(%dma_wait3A_10 : memref<640x64xf32, #tpu.memory_space<vmem_shared>>)
    %dma_wait3A_13 = arith.constant 0 : i32
    %dma_wait3A_14 = tpu.memref_slice %arg11[%mul3A_2, %dma_wait3A_13] : memref<10240x64xf32, #tpu.memory_space<vmem_shared>> -> memref<640x64xf32, #tpu.memory_space<vmem_shared>>
    %dma_wait3A_15 = arith.constant 0 : i32
    %dma_wait3A_16 = tpu.memref_slice %arg5[%mul3A_2, %dma_wait3A_15] : memref<10240x64xf32, #tpu.memory_space<hbm>> -> memref<640x64xf32, #tpu.memory_space<hbm>>
    tpu.wait_dma2 semaphore(%arg13 : memref<!tpu.dma_semaphore, #tpu.memory_space<semaphore_mem>>) src(%dma_wait3A_16 : memref<640x64xf32, #tpu.memory_space<hbm>>) dst(%dma_wait3A_14 : memref<640x64xf32, #tpu.memory_space<vmem_shared>>)
    %barrier3A = arith.constant 0 : index
    tpu.barrier barrier_id(%barrier3A)
    %mul3A_17 = arith.constant 10240 : i32
    %mul3A_18 = arith.muli %add3A, %mul3A_17 : i32
    %scan3A = arith.constant 0 : i32
    %scan3A_19 = arith.constant 0 : i32
    %scan3A_20 = arith.constant 16 : i32
    %scan3A_21 = arith.addi %scan3A_19, %scan3A_20 : i32
    %scan3A_22 = arith.constant 1 : i32
    scf.for %scan3A_25 = %scan3A_19 to %scan3A_21 step %scan3A_22  : i32 {
      %mul3A_26 = arith.constant 640 : i32
      %mul3A_27 = arith.muli %scan3A_25, %mul3A_26 : i32
      %add3A_28 = arith.addi %mul3A_18, %mul3A_27 : i32
      "tpu.region"() ({
        %run_scoped3A = tpu.sem_alloc : memref<!tpu.dma_semaphore, #tpu.memory_space<semaphore_mem>>
        %dma_start3A_35 = tpu.memref_slice %arg3[%add3A_28] : memref<327680xi32, #tpu.memory_space<hbm>> -> memref<640xi32, #tpu.memory_space<hbm>>
        %dma_start3A_36 = tpu.memref_slice %arg3[%add3A_28] : memref<327680xi32, #tpu.memory_space<hbm>> -> memref<640xi32, #tpu.memory_space<hbm>>
        tpu.enqueue_dma source(%dma_start3A_36 : memref<640xi32, #tpu.memory_space<hbm>>) target(%arg7 : memref<640xi32, #tpu.memory_space<vmem>>) target_semaphore(%run_scoped3A : memref<!tpu.dma_semaphore, #tpu.memory_space<semaphore_mem>>)
        %dma_wait3A_37 = tpu.memref_slice %arg3[%add3A_28] : memref<327680xi32, #tpu.memory_space<hbm>> -> memref<640xi32, #tpu.memory_space<hbm>>
        %dma_wait3A_38 = tpu.memref_slice %arg3[%add3A_28] : memref<327680xi32, #tpu.memory_space<hbm>> -> memref<640xi32, #tpu.memory_space<hbm>>
        tpu.wait_dma2 semaphore(%run_scoped3A : memref<!tpu.dma_semaphore, #tpu.memory_space<semaphore_mem>>) src(%dma_wait3A_38 : memref<640xi32, #tpu.memory_space<hbm>>) dst(%arg7 : memref<640xi32, #tpu.memory_space<vmem>>)
        tpu.yield
      }) : () -> ()
      "tpu.region"() ({
        %run_scoped3A = tpu.sem_alloc : memref<!tpu.dma_semaphore, #tpu.memory_space<semaphore_mem>>
        %dma_start3A_35 = tpu.memref_slice %arg4[%add3A_28] : memref<327680xi32, #tpu.memory_space<hbm>> -> memref<640xi32, #tpu.memory_space<hbm>>
        %dma_start3A_36 = tpu.memref_slice %arg4[%add3A_28] : memref<327680xi32, #tpu.memory_space<hbm>> -> memref<640xi32, #tpu.memory_space<hbm>>
        tpu.enqueue_dma source(%dma_start3A_36 : memref<640xi32, #tpu.memory_space<hbm>>) target(%arg8 : memref<640xi32, #tpu.memory_space<vmem>>) target_semaphore(%run_scoped3A : memref<!tpu.dma_semaphore, #tpu.memory_space<semaphore_mem>>)
        %dma_wait3A_37 = tpu.memref_slice %arg4[%add3A_28] : memref<327680xi32, #tpu.memory_space<hbm>> -> memref<640xi32, #tpu.memory_space<hbm>>
        %dma_wait3A_38 = tpu.memref_slice %arg4[%add3A_28] : memref<327680xi32, #tpu.memory_space<hbm>> -> memref<640xi32, #tpu.memory_space<hbm>>
        tpu.wait_dma2 semaphore(%run_scoped3A : memref<!tpu.dma_semaphore, #tpu.memory_space<semaphore_mem>>) src(%dma_wait3A_38 : memref<640xi32, #tpu.memory_space<hbm>>) dst(%arg8 : memref<640xi32, #tpu.memory_space<vmem>>)
        tpu.yield
      }) : () -> ()
      %dma_start3A_29 = arith.constant 0 : i32
      %dma_start3A_30 = arith.constant 0 : i32
      %dma_start3A_31 = tpu.memref_slice %arg10[%dma_start3A_29, %dma_start3A_30] : memref<10240x64xf32, #tpu.memory_space<vmem_shared>> -> memref<10240x64xf32, #tpu.memory_space<vmem_shared>>
      tpu.enqueue_indirect_dma source(%dma_start3A_31 : memref<10240x64xf32, #tpu.memory_space<vmem_shared>>) target(%arg9 : memref<640x64xf32, #tpu.memory_space<vmem>>) offsets(%arg7 : memref<640xi32, #tpu.memory_space<vmem>>) semaphore(%arg12 : memref<!tpu.dma_semaphore, #tpu.memory_space<semaphore_mem>>)
      %dma_wait3A_32 = arith.constant 0 : i32
      %dma_wait3A_33 = arith.constant 0 : i32
      %dma_wait3A_34 = tpu.memref_slice %arg10[%dma_wait3A_32, %dma_wait3A_33] : memref<10240x64xf32, #tpu.memory_space<vmem_shared>> -> memref<10240x64xf32, #tpu.memory_space<vmem_shared>>
      tpu.wait_indirect_dma semaphore(%arg12 : memref<!tpu.dma_semaphore, #tpu.memory_space<semaphore_mem>>) src(%dma_wait3A_34 : memref<10240x64xf32, #tpu.memory_space<vmem_shared>>) dst(%arg9 : memref<640x64xf32, #tpu.memory_space<vmem>>)
      "tpu.region"() ({
        %run_scoped3A = tpu.sem_alloc : memref<!tpu.dma_semaphore, #tpu.memory_space<semaphore_mem>>
        %dma_start3A_35 = arith.constant 0 : i32
        %dma_start3A_36 = arith.constant 0 : i32
        %dma_start3A_37 = tpu.memref_slice %arg11[%dma_start3A_35, %dma_start3A_36] : memref<10240x64xf32, #tpu.memory_space<vmem_shared>> -> memref<10240x64xf32, #tpu.memory_space<vmem_shared>>
        tpu.enqueue_indirect_dma source(%arg9 : memref<640x64xf32, #tpu.memory_space<vmem>>) target(%dma_start3A_37 : memref<10240x64xf32, #tpu.memory_space<vmem_shared>>) offsets(%arg8 : memref<640xi32, #tpu.memory_space<vmem>>) semaphore(%run_scoped3A : memref<!tpu.dma_semaphore, #tpu.memory_space<semaphore_mem>>) {add = true}
        %dma_wait3A_38 = arith.constant 0 : i32
        %dma_wait3A_39 = arith.constant 0 : i32
        %dma_wait3A_40 = tpu.memref_slice %arg11[%dma_wait3A_38, %dma_wait3A_39] : memref<10240x64xf32, #tpu.memory_space<vmem_shared>> -> memref<10240x64xf32, #tpu.memory_space<vmem_shared>>
        tpu.wait_indirect_dma semaphore(%run_scoped3A : memref<!tpu.dma_semaphore, #tpu.memory_space<semaphore_mem>>) src(%arg9 : memref<640x64xf32, #tpu.memory_space<vmem>>) dst(%dma_wait3A_40 : memref<10240x64xf32, #tpu.memory_space<vmem_shared>>)
        tpu.yield
      }) : () -> ()
    }
    %scan3A_23 = arith.constant 16 : i32
    %barrier3A_24 = arith.constant 0 : index
    tpu.barrier barrier_id(%barrier3A_24)
    "tpu.region"() ({
      %run_scoped3A = tpu.sem_alloc : memref<!tpu.dma_semaphore, #tpu.memory_space<semaphore_mem>>
      %dma_start3A_25 = arith.constant 0 : i32
      %dma_start3A_26 = tpu.memref_slice %arg6[%arg0, %mul3A_2, %dma_start3A_25] : memref<2x10240x64xf32, #tpu.memory_space<hbm>> -> memref<1x640x64xf32, #tpu.memory_space<hbm>>
      %dma_start3A_27 = tpu.memref_squeeze %dma_start3A_26 : memref<1x640x64xf32, #tpu.memory_space<hbm>> -> memref<640x64xf32, #tpu.memory_space<hbm>>
      %dma_start3A_28 = arith.constant 0 : i32
      %dma_start3A_29 = tpu.memref_slice %arg11[%mul3A_2, %dma_start3A_28] : memref<10240x64xf32, #tpu.memory_space<vmem_shared>> -> memref<640x64xf32, #tpu.memory_space<vmem_shared>>
      tpu.enqueue_dma source(%dma_start3A_29 : memref<640x64xf32, #tpu.memory_space<vmem_shared>>) target(%dma_start3A_27 : memref<640x64xf32, #tpu.memory_space<hbm>>) target_semaphore(%run_scoped3A : memref<!tpu.dma_semaphore, #tpu.memory_space<semaphore_mem>>)
      %dma_wait3A_30 = arith.constant 0 : i32
      %dma_wait3A_31 = tpu.memref_slice %arg6[%arg0, %mul3A_2, %dma_wait3A_30] : memref<2x10240x64xf32, #tpu.memory_space<hbm>> -> memref<1x640x64xf32, #tpu.memory_space<hbm>>
      %dma_wait3A_32 = tpu.memref_squeeze %dma_wait3A_31 : memref<1x640x64xf32, #tpu.memory_space<hbm>> -> memref<640x64xf32, #tpu.memory_space<hbm>>
      %dma_wait3A_33 = arith.constant 0 : i32
      %dma_wait3A_34 = tpu.memref_slice %arg11[%mul3A_2, %dma_wait3A_33] : memref<10240x64xf32, #tpu.memory_space<vmem_shared>> -> memref<640x64xf32, #tpu.memory_space<vmem_shared>>
      tpu.wait_dma2 semaphore(%run_scoped3A : memref<!tpu.dma_semaphore, #tpu.memory_space<semaphore_mem>>) src(%dma_wait3A_34 : memref<640x64xf32, #tpu.memory_space<vmem_shared>>) dst(%dma_wait3A_32 : memref<640x64xf32, #tpu.memory_space<hbm>>)
      tpu.yield
    }) : () -> ()
    return
  }
}

#map = affine_map<(d0, d1) -> (0, 0)>
#map1 = affine_map<(d0, d1) -> (0)>
#map2 = affine_map<(d0, d1) -> (0, 0, 0)>
module attributes {stable_mosaic.version = 14 : i64} {
  func.func @_sc_agg(%arg0: i32, %arg1: i32, %arg2: memref<10240x64xf32, #tpu.memory_space<hbm>>, %arg3: memref<327680xi32, #tpu.memory_space<hbm>>, %arg4: memref<327680xi32, #tpu.memory_space<hbm>>, %arg5: memref<10240x64xf32, #tpu.memory_space<hbm>>, %arg6: memref<2x10240x64xf32, #tpu.memory_space<hbm>>, %arg7: memref<640xi32, #tpu.memory_space<vmem>>, %arg8: memref<640xi32, #tpu.memory_space<vmem>>, %arg9: memref<640x64xf32, #tpu.memory_space<vmem>>, %arg10: memref<10240x64xf32, #tpu.memory_space<vmem_shared>>, %arg11: memref<10240x64xf32, #tpu.memory_space<vmem_shared>>, %arg12: memref<!tpu.dma_semaphore, #tpu.memory_space<semaphore_mem>>, %arg13: memref<!tpu.dma_semaphore, #tpu.memory_space<semaphore_mem>>) attributes {dimension_semantics = [#tpu.dimension_semantics<core_parallel>, #tpu.dimension_semantics<subcore_parallel>], iteration_bounds = array<i64: 2, 16>, scalar_prefetch = 0 : i64, scratch_operands = 7 : i64, tpu.core_type = #tpu.core_type<sc_vector_subcore>, window_params = [{transform_indices = #map}, {transform_indices = #map1}, {transform_indices = #map1}, {transform_indices = #map}, {transform_indices = #map2}]} {
    %mul3A = arith.constant 16 : i32
    %mul3A_0 = arith.muli %arg0, %mul3A : i32
    %add3A = arith.addi %mul3A_0, %arg1 : i32
    %mul3A_1 = arith.constant 640 : i32
    %mul3A_2 = arith.muli %arg1, %mul3A_1 : i32
    %dma_start3A = arith.constant 0 : i32
    %dma_start3A_3 = tpu.memref_slice %arg10[%mul3A_2, %dma_start3A] : memref<10240x64xf32, #tpu.memory_space<vmem_shared>> -> memref<640x64xf32, #tpu.memory_space<vmem_shared>>
    %dma_start3A_4 = arith.constant 0 : i32
    %dma_start3A_5 = tpu.memref_slice %arg2[%mul3A_2, %dma_start3A_4] : memref<10240x64xf32, #tpu.memory_space<hbm>> -> memref<640x64xf32, #tpu.memory_space<hbm>>
    tpu.enqueue_dma source(%dma_start3A_5 : memref<640x64xf32, #tpu.memory_space<hbm>>) target(%dma_start3A_3 : memref<640x64xf32, #tpu.memory_space<vmem_shared>>) target_semaphore(%arg12 : memref<!tpu.dma_semaphore, #tpu.memory_space<semaphore_mem>>)
    %dma_start3A_6 = arith.constant 0 : i32
    %dma_start3A_7 = tpu.memref_slice %arg11[%mul3A_2, %dma_start3A_6] : memref<10240x64xf32, #tpu.memory_space<vmem_shared>> -> memref<640x64xf32, #tpu.memory_space<vmem_shared>>
    %dma_start3A_8 = arith.constant 0 : i32
    %dma_start3A_9 = tpu.memref_slice %arg5[%mul3A_2, %dma_start3A_8] : memref<10240x64xf32, #tpu.memory_space<hbm>> -> memref<640x64xf32, #tpu.memory_space<hbm>>
    tpu.enqueue_dma source(%dma_start3A_9 : memref<640x64xf32, #tpu.memory_space<hbm>>) target(%dma_start3A_7 : memref<640x64xf32, #tpu.memory_space<vmem_shared>>) target_semaphore(%arg13 : memref<!tpu.dma_semaphore, #tpu.memory_space<semaphore_mem>>)
    %dma_wait3A = arith.constant 0 : i32
    %dma_wait3A_10 = tpu.memref_slice %arg10[%mul3A_2, %dma_wait3A] : memref<10240x64xf32, #tpu.memory_space<vmem_shared>> -> memref<640x64xf32, #tpu.memory_space<vmem_shared>>
    %dma_wait3A_11 = arith.constant 0 : i32
    %dma_wait3A_12 = tpu.memref_slice %arg2[%mul3A_2, %dma_wait3A_11] : memref<10240x64xf32, #tpu.memory_space<hbm>> -> memref<640x64xf32, #tpu.memory_space<hbm>>
    tpu.wait_dma2 semaphore(%arg12 : memref<!tpu.dma_semaphore, #tpu.memory_space<semaphore_mem>>) src(%dma_wait3A_12 : memref<640x64xf32, #tpu.memory_space<hbm>>) dst(%dma_wait3A_10 : memref<640x64xf32, #tpu.memory_space<vmem_shared>>)
    %dma_wait3A_13 = arith.constant 0 : i32
    %dma_wait3A_14 = tpu.memref_slice %arg11[%mul3A_2, %dma_wait3A_13] : memref<10240x64xf32, #tpu.memory_space<vmem_shared>> -> memref<640x64xf32, #tpu.memory_space<vmem_shared>>
    %dma_wait3A_15 = arith.constant 0 : i32
    %dma_wait3A_16 = tpu.memref_slice %arg5[%mul3A_2, %dma_wait3A_15] : memref<10240x64xf32, #tpu.memory_space<hbm>> -> memref<640x64xf32, #tpu.memory_space<hbm>>
    tpu.wait_dma2 semaphore(%arg13 : memref<!tpu.dma_semaphore, #tpu.memory_space<semaphore_mem>>) src(%dma_wait3A_16 : memref<640x64xf32, #tpu.memory_space<hbm>>) dst(%dma_wait3A_14 : memref<640x64xf32, #tpu.memory_space<vmem_shared>>)
    %barrier3A = arith.constant 0 : index
    tpu.barrier barrier_id(%barrier3A)
    %mul3A_17 = arith.constant 10240 : i32
    %mul3A_18 = arith.muli %add3A, %mul3A_17 : i32
    %scan3A = arith.constant 0 : i32
    %scan3A_19 = arith.constant 0 : i32
    %scan3A_20 = arith.constant 16 : i32
    %scan3A_21 = arith.addi %scan3A_19, %scan3A_20 : i32
    %scan3A_22 = arith.constant 1 : i32
    scf.for %scan3A_25 = %scan3A_19 to %scan3A_21 step %scan3A_22  : i32 {
      %mul3A_26 = arith.constant 640 : i32
      %mul3A_27 = arith.muli %scan3A_25, %mul3A_26 : i32
      %add3A_28 = arith.addi %mul3A_18, %mul3A_27 : i32
      "tpu.region"() ({
        %run_scoped3A = tpu.sem_alloc : memref<!tpu.dma_semaphore, #tpu.memory_space<semaphore_mem>>
        %dma_start3A_35 = tpu.memref_slice %arg3[%add3A_28] : memref<327680xi32, #tpu.memory_space<hbm>> -> memref<640xi32, #tpu.memory_space<hbm>>
        %dma_start3A_36 = tpu.memref_slice %arg3[%add3A_28] : memref<327680xi32, #tpu.memory_space<hbm>> -> memref<640xi32, #tpu.memory_space<hbm>>
        tpu.enqueue_dma source(%dma_start3A_36 : memref<640xi32, #tpu.memory_space<hbm>>) target(%arg7 : memref<640xi32, #tpu.memory_space<vmem>>) target_semaphore(%run_scoped3A : memref<!tpu.dma_semaphore, #tpu.memory_space<semaphore_mem>>)
        %dma_wait3A_37 = tpu.memref_slice %arg3[%add3A_28] : memref<327680xi32, #tpu.memory_space<hbm>> -> memref<640xi32, #tpu.memory_space<hbm>>
        %dma_wait3A_38 = tpu.memref_slice %arg3[%add3A_28] : memref<327680xi32, #tpu.memory_space<hbm>> -> memref<640xi32, #tpu.memory_space<hbm>>
        tpu.wait_dma2 semaphore(%run_scoped3A : memref<!tpu.dma_semaphore, #tpu.memory_space<semaphore_mem>>) src(%dma_wait3A_38 : memref<640xi32, #tpu.memory_space<hbm>>) dst(%arg7 : memref<640xi32, #tpu.memory_space<vmem>>)
        tpu.yield
      }) : () -> ()
      "tpu.region"() ({
        %run_scoped3A = tpu.sem_alloc : memref<!tpu.dma_semaphore, #tpu.memory_space<semaphore_mem>>
        %dma_start3A_35 = tpu.memref_slice %arg4[%add3A_28] : memref<327680xi32, #tpu.memory_space<hbm>> -> memref<640xi32, #tpu.memory_space<hbm>>
        %dma_start3A_36 = tpu.memref_slice %arg4[%add3A_28] : memref<327680xi32, #tpu.memory_space<hbm>> -> memref<640xi32, #tpu.memory_space<hbm>>
        tpu.enqueue_dma source(%dma_start3A_36 : memref<640xi32, #tpu.memory_space<hbm>>) target(%arg8 : memref<640xi32, #tpu.memory_space<vmem>>) target_semaphore(%run_scoped3A : memref<!tpu.dma_semaphore, #tpu.memory_space<semaphore_mem>>)
        %dma_wait3A_37 = tpu.memref_slice %arg4[%add3A_28] : memref<327680xi32, #tpu.memory_space<hbm>> -> memref<640xi32, #tpu.memory_space<hbm>>
        %dma_wait3A_38 = tpu.memref_slice %arg4[%add3A_28] : memref<327680xi32, #tpu.memory_space<hbm>> -> memref<640xi32, #tpu.memory_space<hbm>>
        tpu.wait_dma2 semaphore(%run_scoped3A : memref<!tpu.dma_semaphore, #tpu.memory_space<semaphore_mem>>) src(%dma_wait3A_38 : memref<640xi32, #tpu.memory_space<hbm>>) dst(%arg8 : memref<640xi32, #tpu.memory_space<vmem>>)
        tpu.yield
      }) : () -> ()
      %dma_start3A_29 = arith.constant 0 : i32
      %dma_start3A_30 = arith.constant 0 : i32
      %dma_start3A_31 = tpu.memref_slice %arg10[%dma_start3A_29, %dma_start3A_30] : memref<10240x64xf32, #tpu.memory_space<vmem_shared>> -> memref<10240x64xf32, #tpu.memory_space<vmem_shared>>
      tpu.enqueue_indirect_dma source(%dma_start3A_31 : memref<10240x64xf32, #tpu.memory_space<vmem_shared>>) target(%arg9 : memref<640x64xf32, #tpu.memory_space<vmem>>) offsets(%arg7 : memref<640xi32, #tpu.memory_space<vmem>>) semaphore(%arg12 : memref<!tpu.dma_semaphore, #tpu.memory_space<semaphore_mem>>)
      %dma_wait3A_32 = arith.constant 0 : i32
      %dma_wait3A_33 = arith.constant 0 : i32
      %dma_wait3A_34 = tpu.memref_slice %arg10[%dma_wait3A_32, %dma_wait3A_33] : memref<10240x64xf32, #tpu.memory_space<vmem_shared>> -> memref<10240x64xf32, #tpu.memory_space<vmem_shared>>
      tpu.wait_indirect_dma semaphore(%arg12 : memref<!tpu.dma_semaphore, #tpu.memory_space<semaphore_mem>>) src(%dma_wait3A_34 : memref<10240x64xf32, #tpu.memory_space<vmem_shared>>) dst(%arg9 : memref<640x64xf32, #tpu.memory_space<vmem>>)
      "tpu.region"() ({
        %run_scoped3A = tpu.sem_alloc : memref<!tpu.dma_semaphore, #tpu.memory_space<semaphore_mem>>
        %dma_start3A_35 = arith.constant 0 : i32
        %dma_start3A_36 = arith.constant 0 : i32
        %dma_start3A_37 = tpu.memref_slice %arg11[%dma_start3A_35, %dma_start3A_36] : memref<10240x64xf32, #tpu.memory_space<vmem_shared>> -> memref<10240x64xf32, #tpu.memory_space<vmem_shared>>
        tpu.enqueue_indirect_dma source(%arg9 : memref<640x64xf32, #tpu.memory_space<vmem>>) target(%dma_start3A_37 : memref<10240x64xf32, #tpu.memory_space<vmem_shared>>) offsets(%arg8 : memref<640xi32, #tpu.memory_space<vmem>>) semaphore(%run_scoped3A : memref<!tpu.dma_semaphore, #tpu.memory_space<semaphore_mem>>) {add = true}
        %dma_wait3A_38 = arith.constant 0 : i32
        %dma_wait3A_39 = arith.constant 0 : i32
        %dma_wait3A_40 = tpu.memref_slice %arg11[%dma_wait3A_38, %dma_wait3A_39] : memref<10240x64xf32, #tpu.memory_space<vmem_shared>> -> memref<10240x64xf32, #tpu.memory_space<vmem_shared>>
        tpu.wait_indirect_dma semaphore(%run_scoped3A : memref<!tpu.dma_semaphore, #tpu.memory_space<semaphore_mem>>) src(%arg9 : memref<640x64xf32, #tpu.memory_space<vmem>>) dst(%dma_wait3A_40 : memref<10240x64xf32, #tpu.memory_space<vmem_shared>>)
        tpu.yield
      }) : () -> ()
    }
    %scan3A_23 = arith.constant 16 : i32
    %barrier3A_24 = arith.constant 0 : index
    tpu.barrier barrier_id(%barrier3A_24)
    "tpu.region"() ({
      %run_scoped3A = tpu.sem_alloc : memref<!tpu.dma_semaphore, #tpu.memory_space<semaphore_mem>>
      %dma_start3A_25 = arith.constant 0 : i32
      %dma_start3A_26 = tpu.memref_slice %arg6[%arg0, %mul3A_2, %dma_start3A_25] : memref<2x10240x64xf32, #tpu.memory_space<hbm>> -> memref<1x640x64xf32, #tpu.memory_space<hbm>>
      %dma_start3A_27 = tpu.memref_squeeze %dma_start3A_26 : memref<1x640x64xf32, #tpu.memory_space<hbm>> -> memref<640x64xf32, #tpu.memory_space<hbm>>
      %dma_start3A_28 = arith.constant 0 : i32
      %dma_start3A_29 = tpu.memref_slice %arg11[%mul3A_2, %dma_start3A_28] : memref<10240x64xf32, #tpu.memory_space<vmem_shared>> -> memref<640x64xf32, #tpu.memory_space<vmem_shared>>
      tpu.enqueue_dma source(%dma_start3A_29 : memref<640x64xf32, #tpu.memory_space<vmem_shared>>) target(%dma_start3A_27 : memref<640x64xf32, #tpu.memory_space<hbm>>) target_semaphore(%run_scoped3A : memref<!tpu.dma_semaphore, #tpu.memory_space<semaphore_mem>>)
      %dma_wait3A_30 = arith.constant 0 : i32
      %dma_wait3A_31 = tpu.memref_slice %arg6[%arg0, %mul3A_2, %dma_wait3A_30] : memref<2x10240x64xf32, #tpu.memory_space<hbm>> -> memref<1x640x64xf32, #tpu.memory_space<hbm>>
      %dma_wait3A_32 = tpu.memref_squeeze %dma_wait3A_31 : memref<1x640x64xf32, #tpu.memory_space<hbm>> -> memref<640x64xf32, #tpu.memory_space<hbm>>
      %dma_wait3A_33 = arith.constant 0 : i32
      %dma_wait3A_34 = tpu.memref_slice %arg11[%mul3A_2, %dma_wait3A_33] : memref<10240x64xf32, #tpu.memory_space<vmem_shared>> -> memref<640x64xf32, #tpu.memory_space<vmem_shared>>
      tpu.wait_dma2 semaphore(%run_scoped3A : memref<!tpu.dma_semaphore, #tpu.memory_space<semaphore_mem>>) src(%dma_wait3A_34 : memref<640x64xf32, #tpu.memory_space<vmem_shared>>) dst(%dma_wait3A_32 : memref<640x64xf32, #tpu.memory_space<hbm>>)
      tpu.yield
    }) : () -> ()
    return
  }
}

#map = affine_map<(d0, d1) -> (0, 0)>
#map1 = affine_map<(d0, d1) -> (0)>
#map2 = affine_map<(d0, d1) -> (0, 0, 0)>
module attributes {stable_mosaic.version = 14 : i64} {
  func.func @_sc_agg(%arg0: i32, %arg1: i32, %arg2: memref<10240x64xf32, #tpu.memory_space<hbm>>, %arg3: memref<327680xi32, #tpu.memory_space<hbm>>, %arg4: memref<327680xi32, #tpu.memory_space<hbm>>, %arg5: memref<10240x64xf32, #tpu.memory_space<hbm>>, %arg6: memref<2x10240x64xf32, #tpu.memory_space<hbm>>, %arg7: memref<640xi32, #tpu.memory_space<vmem>>, %arg8: memref<640xi32, #tpu.memory_space<vmem>>, %arg9: memref<640x64xf32, #tpu.memory_space<vmem>>, %arg10: memref<10240x64xf32, #tpu.memory_space<vmem_shared>>, %arg11: memref<10240x64xf32, #tpu.memory_space<vmem_shared>>, %arg12: memref<!tpu.dma_semaphore, #tpu.memory_space<semaphore_mem>>, %arg13: memref<!tpu.dma_semaphore, #tpu.memory_space<semaphore_mem>>) attributes {dimension_semantics = [#tpu.dimension_semantics<core_parallel>, #tpu.dimension_semantics<subcore_parallel>], iteration_bounds = array<i64: 2, 16>, scalar_prefetch = 0 : i64, scratch_operands = 7 : i64, tpu.core_type = #tpu.core_type<sc_vector_subcore>, window_params = [{transform_indices = #map}, {transform_indices = #map1}, {transform_indices = #map1}, {transform_indices = #map}, {transform_indices = #map2}]} {
    %mul3A = arith.constant 16 : i32
    %mul3A_0 = arith.muli %arg0, %mul3A : i32
    %add3A = arith.addi %mul3A_0, %arg1 : i32
    %mul3A_1 = arith.constant 640 : i32
    %mul3A_2 = arith.muli %arg1, %mul3A_1 : i32
    %dma_start3A = arith.constant 0 : i32
    %dma_start3A_3 = tpu.memref_slice %arg10[%mul3A_2, %dma_start3A] : memref<10240x64xf32, #tpu.memory_space<vmem_shared>> -> memref<640x64xf32, #tpu.memory_space<vmem_shared>>
    %dma_start3A_4 = arith.constant 0 : i32
    %dma_start3A_5 = tpu.memref_slice %arg2[%mul3A_2, %dma_start3A_4] : memref<10240x64xf32, #tpu.memory_space<hbm>> -> memref<640x64xf32, #tpu.memory_space<hbm>>
    tpu.enqueue_dma source(%dma_start3A_5 : memref<640x64xf32, #tpu.memory_space<hbm>>) target(%dma_start3A_3 : memref<640x64xf32, #tpu.memory_space<vmem_shared>>) target_semaphore(%arg12 : memref<!tpu.dma_semaphore, #tpu.memory_space<semaphore_mem>>)
    %dma_start3A_6 = arith.constant 0 : i32
    %dma_start3A_7 = tpu.memref_slice %arg11[%mul3A_2, %dma_start3A_6] : memref<10240x64xf32, #tpu.memory_space<vmem_shared>> -> memref<640x64xf32, #tpu.memory_space<vmem_shared>>
    %dma_start3A_8 = arith.constant 0 : i32
    %dma_start3A_9 = tpu.memref_slice %arg5[%mul3A_2, %dma_start3A_8] : memref<10240x64xf32, #tpu.memory_space<hbm>> -> memref<640x64xf32, #tpu.memory_space<hbm>>
    tpu.enqueue_dma source(%dma_start3A_9 : memref<640x64xf32, #tpu.memory_space<hbm>>) target(%dma_start3A_7 : memref<640x64xf32, #tpu.memory_space<vmem_shared>>) target_semaphore(%arg13 : memref<!tpu.dma_semaphore, #tpu.memory_space<semaphore_mem>>)
    %dma_wait3A = arith.constant 0 : i32
    %dma_wait3A_10 = tpu.memref_slice %arg10[%mul3A_2, %dma_wait3A] : memref<10240x64xf32, #tpu.memory_space<vmem_shared>> -> memref<640x64xf32, #tpu.memory_space<vmem_shared>>
    %dma_wait3A_11 = arith.constant 0 : i32
    %dma_wait3A_12 = tpu.memref_slice %arg2[%mul3A_2, %dma_wait3A_11] : memref<10240x64xf32, #tpu.memory_space<hbm>> -> memref<640x64xf32, #tpu.memory_space<hbm>>
    tpu.wait_dma2 semaphore(%arg12 : memref<!tpu.dma_semaphore, #tpu.memory_space<semaphore_mem>>) src(%dma_wait3A_12 : memref<640x64xf32, #tpu.memory_space<hbm>>) dst(%dma_wait3A_10 : memref<640x64xf32, #tpu.memory_space<vmem_shared>>)
    %dma_wait3A_13 = arith.constant 0 : i32
    %dma_wait3A_14 = tpu.memref_slice %arg11[%mul3A_2, %dma_wait3A_13] : memref<10240x64xf32, #tpu.memory_space<vmem_shared>> -> memref<640x64xf32, #tpu.memory_space<vmem_shared>>
    %dma_wait3A_15 = arith.constant 0 : i32
    %dma_wait3A_16 = tpu.memref_slice %arg5[%mul3A_2, %dma_wait3A_15] : memref<10240x64xf32, #tpu.memory_space<hbm>> -> memref<640x64xf32, #tpu.memory_space<hbm>>
    tpu.wait_dma2 semaphore(%arg13 : memref<!tpu.dma_semaphore, #tpu.memory_space<semaphore_mem>>) src(%dma_wait3A_16 : memref<640x64xf32, #tpu.memory_space<hbm>>) dst(%dma_wait3A_14 : memref<640x64xf32, #tpu.memory_space<vmem_shared>>)
    %barrier3A = arith.constant 0 : index
    tpu.barrier barrier_id(%barrier3A)
    %mul3A_17 = arith.constant 10240 : i32
    %mul3A_18 = arith.muli %add3A, %mul3A_17 : i32
    %scan3A = arith.constant 0 : i32
    %scan3A_19 = arith.constant 0 : i32
    %scan3A_20 = arith.constant 16 : i32
    %scan3A_21 = arith.addi %scan3A_19, %scan3A_20 : i32
    %scan3A_22 = arith.constant 1 : i32
    scf.for %scan3A_25 = %scan3A_19 to %scan3A_21 step %scan3A_22  : i32 {
      %mul3A_26 = arith.constant 640 : i32
      %mul3A_27 = arith.muli %scan3A_25, %mul3A_26 : i32
      %add3A_28 = arith.addi %mul3A_18, %mul3A_27 : i32
      "tpu.region"() ({
        %run_scoped3A = tpu.sem_alloc : memref<!tpu.dma_semaphore, #tpu.memory_space<semaphore_mem>>
        %dma_start3A_35 = tpu.memref_slice %arg3[%add3A_28] : memref<327680xi32, #tpu.memory_space<hbm>> -> memref<640xi32, #tpu.memory_space<hbm>>
        %dma_start3A_36 = tpu.memref_slice %arg3[%add3A_28] : memref<327680xi32, #tpu.memory_space<hbm>> -> memref<640xi32, #tpu.memory_space<hbm>>
        tpu.enqueue_dma source(%dma_start3A_36 : memref<640xi32, #tpu.memory_space<hbm>>) target(%arg7 : memref<640xi32, #tpu.memory_space<vmem>>) target_semaphore(%run_scoped3A : memref<!tpu.dma_semaphore, #tpu.memory_space<semaphore_mem>>)
        %dma_wait3A_37 = tpu.memref_slice %arg3[%add3A_28] : memref<327680xi32, #tpu.memory_space<hbm>> -> memref<640xi32, #tpu.memory_space<hbm>>
        %dma_wait3A_38 = tpu.memref_slice %arg3[%add3A_28] : memref<327680xi32, #tpu.memory_space<hbm>> -> memref<640xi32, #tpu.memory_space<hbm>>
        tpu.wait_dma2 semaphore(%run_scoped3A : memref<!tpu.dma_semaphore, #tpu.memory_space<semaphore_mem>>) src(%dma_wait3A_38 : memref<640xi32, #tpu.memory_space<hbm>>) dst(%arg7 : memref<640xi32, #tpu.memory_space<vmem>>)
        tpu.yield
      }) : () -> ()
      "tpu.region"() ({
        %run_scoped3A = tpu.sem_alloc : memref<!tpu.dma_semaphore, #tpu.memory_space<semaphore_mem>>
        %dma_start3A_35 = tpu.memref_slice %arg4[%add3A_28] : memref<327680xi32, #tpu.memory_space<hbm>> -> memref<640xi32, #tpu.memory_space<hbm>>
        %dma_start3A_36 = tpu.memref_slice %arg4[%add3A_28] : memref<327680xi32, #tpu.memory_space<hbm>> -> memref<640xi32, #tpu.memory_space<hbm>>
        tpu.enqueue_dma source(%dma_start3A_36 : memref<640xi32, #tpu.memory_space<hbm>>) target(%arg8 : memref<640xi32, #tpu.memory_space<vmem>>) target_semaphore(%run_scoped3A : memref<!tpu.dma_semaphore, #tpu.memory_space<semaphore_mem>>)
        %dma_wait3A_37 = tpu.memref_slice %arg4[%add3A_28] : memref<327680xi32, #tpu.memory_space<hbm>> -> memref<640xi32, #tpu.memory_space<hbm>>
        %dma_wait3A_38 = tpu.memref_slice %arg4[%add3A_28] : memref<327680xi32, #tpu.memory_space<hbm>> -> memref<640xi32, #tpu.memory_space<hbm>>
        tpu.wait_dma2 semaphore(%run_scoped3A : memref<!tpu.dma_semaphore, #tpu.memory_space<semaphore_mem>>) src(%dma_wait3A_38 : memref<640xi32, #tpu.memory_space<hbm>>) dst(%arg8 : memref<640xi32, #tpu.memory_space<vmem>>)
        tpu.yield
      }) : () -> ()
      %dma_start3A_29 = arith.constant 0 : i32
      %dma_start3A_30 = arith.constant 0 : i32
      %dma_start3A_31 = tpu.memref_slice %arg10[%dma_start3A_29, %dma_start3A_30] : memref<10240x64xf32, #tpu.memory_space<vmem_shared>> -> memref<10240x64xf32, #tpu.memory_space<vmem_shared>>
      tpu.enqueue_indirect_dma source(%dma_start3A_31 : memref<10240x64xf32, #tpu.memory_space<vmem_shared>>) target(%arg9 : memref<640x64xf32, #tpu.memory_space<vmem>>) offsets(%arg7 : memref<640xi32, #tpu.memory_space<vmem>>) semaphore(%arg12 : memref<!tpu.dma_semaphore, #tpu.memory_space<semaphore_mem>>)
      %dma_wait3A_32 = arith.constant 0 : i32
      %dma_wait3A_33 = arith.constant 0 : i32
      %dma_wait3A_34 = tpu.memref_slice %arg10[%dma_wait3A_32, %dma_wait3A_33] : memref<10240x64xf32, #tpu.memory_space<vmem_shared>> -> memref<10240x64xf32, #tpu.memory_space<vmem_shared>>
      tpu.wait_indirect_dma semaphore(%arg12 : memref<!tpu.dma_semaphore, #tpu.memory_space<semaphore_mem>>) src(%dma_wait3A_34 : memref<10240x64xf32, #tpu.memory_space<vmem_shared>>) dst(%arg9 : memref<640x64xf32, #tpu.memory_space<vmem>>)
      "tpu.region"() ({
        %run_scoped3A = tpu.sem_alloc : memref<!tpu.dma_semaphore, #tpu.memory_space<semaphore_mem>>
        %dma_start3A_35 = arith.constant 0 : i32
        %dma_start3A_36 = arith.constant 0 : i32
        %dma_start3A_37 = tpu.memref_slice %arg11[%dma_start3A_35, %dma_start3A_36] : memref<10240x64xf32, #tpu.memory_space<vmem_shared>> -> memref<10240x64xf32, #tpu.memory_space<vmem_shared>>
        tpu.enqueue_indirect_dma source(%arg9 : memref<640x64xf32, #tpu.memory_space<vmem>>) target(%dma_start3A_37 : memref<10240x64xf32, #tpu.memory_space<vmem_shared>>) offsets(%arg8 : memref<640xi32, #tpu.memory_space<vmem>>) semaphore(%run_scoped3A : memref<!tpu.dma_semaphore, #tpu.memory_space<semaphore_mem>>) {add = true}
        %dma_wait3A_38 = arith.constant 0 : i32
        %dma_wait3A_39 = arith.constant 0 : i32
        %dma_wait3A_40 = tpu.memref_slice %arg11[%dma_wait3A_38, %dma_wait3A_39] : memref<10240x64xf32, #tpu.memory_space<vmem_shared>> -> memref<10240x64xf32, #tpu.memory_space<vmem_shared>>
        tpu.wait_indirect_dma semaphore(%run_scoped3A : memref<!tpu.dma_semaphore, #tpu.memory_space<semaphore_mem>>) src(%arg9 : memref<640x64xf32, #tpu.memory_space<vmem>>) dst(%dma_wait3A_40 : memref<10240x64xf32, #tpu.memory_space<vmem_shared>>)
        tpu.yield
      }) : () -> ()
    }
    %scan3A_23 = arith.constant 16 : i32
    %barrier3A_24 = arith.constant 0 : index
    tpu.barrier barrier_id(%barrier3A_24)
    "tpu.region"() ({
      %run_scoped3A = tpu.sem_alloc : memref<!tpu.dma_semaphore, #tpu.memory_space<semaphore_mem>>
      %dma_start3A_25 = arith.constant 0 : i32
      %dma_start3A_26 = tpu.memref_slice %arg6[%arg0, %mul3A_2, %dma_start3A_25] : memref<2x10240x64xf32, #tpu.memory_space<hbm>> -> memref<1x640x64xf32, #tpu.memory_space<hbm>>
      %dma_start3A_27 = tpu.memref_squeeze %dma_start3A_26 : memref<1x640x64xf32, #tpu.memory_space<hbm>> -> memref<640x64xf32, #tpu.memory_space<hbm>>
      %dma_start3A_28 = arith.constant 0 : i32
      %dma_start3A_29 = tpu.memref_slice %arg11[%mul3A_2, %dma_start3A_28] : memref<10240x64xf32, #tpu.memory_space<vmem_shared>> -> memref<640x64xf32, #tpu.memory_space<vmem_shared>>
      tpu.enqueue_dma source(%dma_start3A_29 : memref<640x64xf32, #tpu.memory_space<vmem_shared>>) target(%dma_start3A_27 : memref<640x64xf32, #tpu.memory_space<hbm>>) target_semaphore(%run_scoped3A : memref<!tpu.dma_semaphore, #tpu.memory_space<semaphore_mem>>)
      %dma_wait3A_30 = arith.constant 0 : i32
      %dma_wait3A_31 = tpu.memref_slice %arg6[%arg0, %mul3A_2, %dma_wait3A_30] : memref<2x10240x64xf32, #tpu.memory_space<hbm>> -> memref<1x640x64xf32, #tpu.memory_space<hbm>>
      %dma_wait3A_32 = tpu.memref_squeeze %dma_wait3A_31 : memref<1x640x64xf32, #tpu.memory_space<hbm>> -> memref<640x64xf32, #tpu.memory_space<hbm>>
      %dma_wait3A_33 = arith.constant 0 : i32
      %dma_wait3A_34 = tpu.memref_slice %arg11[%mul3A_2, %dma_wait3A_33] : memref<10240x64xf32, #tpu.memory_space<vmem_shared>> -> memref<640x64xf32, #tpu.memory_space<vmem_shared>>
      tpu.wait_dma2 semaphore(%run_scoped3A : memref<!tpu.dma_semaphore, #tpu.memory_space<semaphore_mem>>) src(%dma_wait3A_34 : memref<640x64xf32, #tpu.memory_space<vmem_shared>>) dst(%dma_wait3A_32 : memref<640x64xf32, #tpu.memory_space<hbm>>)
      tpu.yield
    }) : () -> ()
    return
  }
}

#map = affine_map<(d0, d1) -> (0, 0)>
#map1 = affine_map<(d0, d1) -> (0)>
#map2 = affine_map<(d0, d1) -> (0, 0, 0)>
module attributes {stable_mosaic.version = 14 : i64} {
  func.func @_sc_agg(%arg0: i32, %arg1: i32, %arg2: memref<10240x64xf32, #tpu.memory_space<hbm>>, %arg3: memref<327680xi32, #tpu.memory_space<hbm>>, %arg4: memref<327680xi32, #tpu.memory_space<hbm>>, %arg5: memref<10240x64xf32, #tpu.memory_space<hbm>>, %arg6: memref<2x10240x64xf32, #tpu.memory_space<hbm>>, %arg7: memref<640xi32, #tpu.memory_space<vmem>>, %arg8: memref<640xi32, #tpu.memory_space<vmem>>, %arg9: memref<640x64xf32, #tpu.memory_space<vmem>>, %arg10: memref<10240x64xf32, #tpu.memory_space<vmem_shared>>, %arg11: memref<10240x64xf32, #tpu.memory_space<vmem_shared>>, %arg12: memref<!tpu.dma_semaphore, #tpu.memory_space<semaphore_mem>>, %arg13: memref<!tpu.dma_semaphore, #tpu.memory_space<semaphore_mem>>) attributes {dimension_semantics = [#tpu.dimension_semantics<core_parallel>, #tpu.dimension_semantics<subcore_parallel>], iteration_bounds = array<i64: 2, 16>, scalar_prefetch = 0 : i64, scratch_operands = 7 : i64, tpu.core_type = #tpu.core_type<sc_vector_subcore>, window_params = [{transform_indices = #map}, {transform_indices = #map1}, {transform_indices = #map1}, {transform_indices = #map}, {transform_indices = #map2}]} {
    %mul3A = arith.constant 16 : i32
    %mul3A_0 = arith.muli %arg0, %mul3A : i32
    %add3A = arith.addi %mul3A_0, %arg1 : i32
    %mul3A_1 = arith.constant 640 : i32
    %mul3A_2 = arith.muli %arg1, %mul3A_1 : i32
    %dma_start3A = arith.constant 0 : i32
    %dma_start3A_3 = tpu.memref_slice %arg10[%mul3A_2, %dma_start3A] : memref<10240x64xf32, #tpu.memory_space<vmem_shared>> -> memref<640x64xf32, #tpu.memory_space<vmem_shared>>
    %dma_start3A_4 = arith.constant 0 : i32
    %dma_start3A_5 = tpu.memref_slice %arg2[%mul3A_2, %dma_start3A_4] : memref<10240x64xf32, #tpu.memory_space<hbm>> -> memref<640x64xf32, #tpu.memory_space<hbm>>
    tpu.enqueue_dma source(%dma_start3A_5 : memref<640x64xf32, #tpu.memory_space<hbm>>) target(%dma_start3A_3 : memref<640x64xf32, #tpu.memory_space<vmem_shared>>) target_semaphore(%arg12 : memref<!tpu.dma_semaphore, #tpu.memory_space<semaphore_mem>>)
    %dma_start3A_6 = arith.constant 0 : i32
    %dma_start3A_7 = tpu.memref_slice %arg11[%mul3A_2, %dma_start3A_6] : memref<10240x64xf32, #tpu.memory_space<vmem_shared>> -> memref<640x64xf32, #tpu.memory_space<vmem_shared>>
    %dma_start3A_8 = arith.constant 0 : i32
    %dma_start3A_9 = tpu.memref_slice %arg5[%mul3A_2, %dma_start3A_8] : memref<10240x64xf32, #tpu.memory_space<hbm>> -> memref<640x64xf32, #tpu.memory_space<hbm>>
    tpu.enqueue_dma source(%dma_start3A_9 : memref<640x64xf32, #tpu.memory_space<hbm>>) target(%dma_start3A_7 : memref<640x64xf32, #tpu.memory_space<vmem_shared>>) target_semaphore(%arg13 : memref<!tpu.dma_semaphore, #tpu.memory_space<semaphore_mem>>)
    %dma_wait3A = arith.constant 0 : i32
    %dma_wait3A_10 = tpu.memref_slice %arg10[%mul3A_2, %dma_wait3A] : memref<10240x64xf32, #tpu.memory_space<vmem_shared>> -> memref<640x64xf32, #tpu.memory_space<vmem_shared>>
    %dma_wait3A_11 = arith.constant 0 : i32
    %dma_wait3A_12 = tpu.memref_slice %arg2[%mul3A_2, %dma_wait3A_11] : memref<10240x64xf32, #tpu.memory_space<hbm>> -> memref<640x64xf32, #tpu.memory_space<hbm>>
    tpu.wait_dma2 semaphore(%arg12 : memref<!tpu.dma_semaphore, #tpu.memory_space<semaphore_mem>>) src(%dma_wait3A_12 : memref<640x64xf32, #tpu.memory_space<hbm>>) dst(%dma_wait3A_10 : memref<640x64xf32, #tpu.memory_space<vmem_shared>>)
    %dma_wait3A_13 = arith.constant 0 : i32
    %dma_wait3A_14 = tpu.memref_slice %arg11[%mul3A_2, %dma_wait3A_13] : memref<10240x64xf32, #tpu.memory_space<vmem_shared>> -> memref<640x64xf32, #tpu.memory_space<vmem_shared>>
    %dma_wait3A_15 = arith.constant 0 : i32
    %dma_wait3A_16 = tpu.memref_slice %arg5[%mul3A_2, %dma_wait3A_15] : memref<10240x64xf32, #tpu.memory_space<hbm>> -> memref<640x64xf32, #tpu.memory_space<hbm>>
    tpu.wait_dma2 semaphore(%arg13 : memref<!tpu.dma_semaphore, #tpu.memory_space<semaphore_mem>>) src(%dma_wait3A_16 : memref<640x64xf32, #tpu.memory_space<hbm>>) dst(%dma_wait3A_14 : memref<640x64xf32, #tpu.memory_space<vmem_shared>>)
    %barrier3A = arith.constant 0 : index
    tpu.barrier barrier_id(%barrier3A)
    %mul3A_17 = arith.constant 10240 : i32
    %mul3A_18 = arith.muli %add3A, %mul3A_17 : i32
    %scan3A = arith.constant 0 : i32
    %scan3A_19 = arith.constant 0 : i32
    %scan3A_20 = arith.constant 16 : i32
    %scan3A_21 = arith.addi %scan3A_19, %scan3A_20 : i32
    %scan3A_22 = arith.constant 1 : i32
    scf.for %scan3A_25 = %scan3A_19 to %scan3A_21 step %scan3A_22  : i32 {
      %mul3A_26 = arith.constant 640 : i32
      %mul3A_27 = arith.muli %scan3A_25, %mul3A_26 : i32
      %add3A_28 = arith.addi %mul3A_18, %mul3A_27 : i32
      "tpu.region"() ({
        %run_scoped3A = tpu.sem_alloc : memref<!tpu.dma_semaphore, #tpu.memory_space<semaphore_mem>>
        %dma_start3A_35 = tpu.memref_slice %arg3[%add3A_28] : memref<327680xi32, #tpu.memory_space<hbm>> -> memref<640xi32, #tpu.memory_space<hbm>>
        %dma_start3A_36 = tpu.memref_slice %arg3[%add3A_28] : memref<327680xi32, #tpu.memory_space<hbm>> -> memref<640xi32, #tpu.memory_space<hbm>>
        tpu.enqueue_dma source(%dma_start3A_36 : memref<640xi32, #tpu.memory_space<hbm>>) target(%arg7 : memref<640xi32, #tpu.memory_space<vmem>>) target_semaphore(%run_scoped3A : memref<!tpu.dma_semaphore, #tpu.memory_space<semaphore_mem>>)
        %dma_wait3A_37 = tpu.memref_slice %arg3[%add3A_28] : memref<327680xi32, #tpu.memory_space<hbm>> -> memref<640xi32, #tpu.memory_space<hbm>>
        %dma_wait3A_38 = tpu.memref_slice %arg3[%add3A_28] : memref<327680xi32, #tpu.memory_space<hbm>> -> memref<640xi32, #tpu.memory_space<hbm>>
        tpu.wait_dma2 semaphore(%run_scoped3A : memref<!tpu.dma_semaphore, #tpu.memory_space<semaphore_mem>>) src(%dma_wait3A_38 : memref<640xi32, #tpu.memory_space<hbm>>) dst(%arg7 : memref<640xi32, #tpu.memory_space<vmem>>)
        tpu.yield
      }) : () -> ()
      "tpu.region"() ({
        %run_scoped3A = tpu.sem_alloc : memref<!tpu.dma_semaphore, #tpu.memory_space<semaphore_mem>>
        %dma_start3A_35 = tpu.memref_slice %arg4[%add3A_28] : memref<327680xi32, #tpu.memory_space<hbm>> -> memref<640xi32, #tpu.memory_space<hbm>>
        %dma_start3A_36 = tpu.memref_slice %arg4[%add3A_28] : memref<327680xi32, #tpu.memory_space<hbm>> -> memref<640xi32, #tpu.memory_space<hbm>>
        tpu.enqueue_dma source(%dma_start3A_36 : memref<640xi32, #tpu.memory_space<hbm>>) target(%arg8 : memref<640xi32, #tpu.memory_space<vmem>>) target_semaphore(%run_scoped3A : memref<!tpu.dma_semaphore, #tpu.memory_space<semaphore_mem>>)
        %dma_wait3A_37 = tpu.memref_slice %arg4[%add3A_28] : memref<327680xi32, #tpu.memory_space<hbm>> -> memref<640xi32, #tpu.memory_space<hbm>>
        %dma_wait3A_38 = tpu.memref_slice %arg4[%add3A_28] : memref<327680xi32, #tpu.memory_space<hbm>> -> memref<640xi32, #tpu.memory_space<hbm>>
        tpu.wait_dma2 semaphore(%run_scoped3A : memref<!tpu.dma_semaphore, #tpu.memory_space<semaphore_mem>>) src(%dma_wait3A_38 : memref<640xi32, #tpu.memory_space<hbm>>) dst(%arg8 : memref<640xi32, #tpu.memory_space<vmem>>)
        tpu.yield
      }) : () -> ()
      %dma_start3A_29 = arith.constant 0 : i32
      %dma_start3A_30 = arith.constant 0 : i32
      %dma_start3A_31 = tpu.memref_slice %arg10[%dma_start3A_29, %dma_start3A_30] : memref<10240x64xf32, #tpu.memory_space<vmem_shared>> -> memref<10240x64xf32, #tpu.memory_space<vmem_shared>>
      tpu.enqueue_indirect_dma source(%dma_start3A_31 : memref<10240x64xf32, #tpu.memory_space<vmem_shared>>) target(%arg9 : memref<640x64xf32, #tpu.memory_space<vmem>>) offsets(%arg7 : memref<640xi32, #tpu.memory_space<vmem>>) semaphore(%arg12 : memref<!tpu.dma_semaphore, #tpu.memory_space<semaphore_mem>>)
      %dma_wait3A_32 = arith.constant 0 : i32
      %dma_wait3A_33 = arith.constant 0 : i32
      %dma_wait3A_34 = tpu.memref_slice %arg10[%dma_wait3A_32, %dma_wait3A_33] : memref<10240x64xf32, #tpu.memory_space<vmem_shared>> -> memref<10240x64xf32, #tpu.memory_space<vmem_shared>>
      tpu.wait_indirect_dma semaphore(%arg12 : memref<!tpu.dma_semaphore, #tpu.memory_space<semaphore_mem>>) src(%dma_wait3A_34 : memref<10240x64xf32, #tpu.memory_space<vmem_shared>>) dst(%arg9 : memref<640x64xf32, #tpu.memory_space<vmem>>)
      "tpu.region"() ({
        %run_scoped3A = tpu.sem_alloc : memref<!tpu.dma_semaphore, #tpu.memory_space<semaphore_mem>>
        %dma_start3A_35 = arith.constant 0 : i32
        %dma_start3A_36 = arith.constant 0 : i32
        %dma_start3A_37 = tpu.memref_slice %arg11[%dma_start3A_35, %dma_start3A_36] : memref<10240x64xf32, #tpu.memory_space<vmem_shared>> -> memref<10240x64xf32, #tpu.memory_space<vmem_shared>>
        tpu.enqueue_indirect_dma source(%arg9 : memref<640x64xf32, #tpu.memory_space<vmem>>) target(%dma_start3A_37 : memref<10240x64xf32, #tpu.memory_space<vmem_shared>>) offsets(%arg8 : memref<640xi32, #tpu.memory_space<vmem>>) semaphore(%run_scoped3A : memref<!tpu.dma_semaphore, #tpu.memory_space<semaphore_mem>>) {add = true}
        %dma_wait3A_38 = arith.constant 0 : i32
        %dma_wait3A_39 = arith.constant 0 : i32
        %dma_wait3A_40 = tpu.memref_slice %arg11[%dma_wait3A_38, %dma_wait3A_39] : memref<10240x64xf32, #tpu.memory_space<vmem_shared>> -> memref<10240x64xf32, #tpu.memory_space<vmem_shared>>
        tpu.wait_indirect_dma semaphore(%run_scoped3A : memref<!tpu.dma_semaphore, #tpu.memory_space<semaphore_mem>>) src(%arg9 : memref<640x64xf32, #tpu.memory_space<vmem>>) dst(%dma_wait3A_40 : memref<10240x64xf32, #tpu.memory_space<vmem_shared>>)
        tpu.yield
      }) : () -> ()
    }
    %scan3A_23 = arith.constant 16 : i32
    %barrier3A_24 = arith.constant 0 : index
    tpu.barrier barrier_id(%barrier3A_24)
    "tpu.region"() ({
      %run_scoped3A = tpu.sem_alloc : memref<!tpu.dma_semaphore, #tpu.memory_space<semaphore_mem>>
      %dma_start3A_25 = arith.constant 0 : i32
      %dma_start3A_26 = tpu.memref_slice %arg6[%arg0, %mul3A_2, %dma_start3A_25] : memref<2x10240x64xf32, #tpu.memory_space<hbm>> -> memref<1x640x64xf32, #tpu.memory_space<hbm>>
      %dma_start3A_27 = tpu.memref_squeeze %dma_start3A_26 : memref<1x640x64xf32, #tpu.memory_space<hbm>> -> memref<640x64xf32, #tpu.memory_space<hbm>>
      %dma_start3A_28 = arith.constant 0 : i32
      %dma_start3A_29 = tpu.memref_slice %arg11[%mul3A_2, %dma_start3A_28] : memref<10240x64xf32, #tpu.memory_space<vmem_shared>> -> memref<640x64xf32, #tpu.memory_space<vmem_shared>>
      tpu.enqueue_dma source(%dma_start3A_29 : memref<640x64xf32, #tpu.memory_space<vmem_shared>>) target(%dma_start3A_27 : memref<640x64xf32, #tpu.memory_space<hbm>>) target_semaphore(%run_scoped3A : memref<!tpu.dma_semaphore, #tpu.memory_space<semaphore_mem>>)
      %dma_wait3A_30 = arith.constant 0 : i32
      %dma_wait3A_31 = tpu.memref_slice %arg6[%arg0, %mul3A_2, %dma_wait3A_30] : memref<2x10240x64xf32, #tpu.memory_space<hbm>> -> memref<1x640x64xf32, #tpu.memory_space<hbm>>
      %dma_wait3A_32 = tpu.memref_squeeze %dma_wait3A_31 : memref<1x640x64xf32, #tpu.memory_space<hbm>> -> memref<640x64xf32, #tpu.memory_space<hbm>>
      %dma_wait3A_33 = arith.constant 0 : i32
      %dma_wait3A_34 = tpu.memref_slice %arg11[%mul3A_2, %dma_wait3A_33] : memref<10240x64xf32, #tpu.memory_space<vmem_shared>> -> memref<640x64xf32, #tpu.memory_space<vmem_shared>>
      tpu.wait_dma2 semaphore(%run_scoped3A : memref<!tpu.dma_semaphore, #tpu.memory_space<semaphore_mem>>) src(%dma_wait3A_34 : memref<640x64xf32, #tpu.memory_space<vmem_shared>>) dst(%dma_wait3A_32 : memref<640x64xf32, #tpu.memory_space<hbm>>)
      tpu.yield
    }) : () -> ()
    return
  }
}

#map = affine_map<(d0, d1) -> (0, 0)>
#map1 = affine_map<(d0, d1) -> (0)>
#map2 = affine_map<(d0, d1) -> (0, 0, 0)>
module attributes {stable_mosaic.version = 14 : i64} {
  func.func @_sc_agg(%arg0: i32, %arg1: i32, %arg2: memref<10240x64xf32, #tpu.memory_space<hbm>>, %arg3: memref<327680xi32, #tpu.memory_space<hbm>>, %arg4: memref<327680xi32, #tpu.memory_space<hbm>>, %arg5: memref<10240x64xf32, #tpu.memory_space<hbm>>, %arg6: memref<2x10240x64xf32, #tpu.memory_space<hbm>>, %arg7: memref<640xi32, #tpu.memory_space<vmem>>, %arg8: memref<640xi32, #tpu.memory_space<vmem>>, %arg9: memref<640x64xf32, #tpu.memory_space<vmem>>, %arg10: memref<10240x64xf32, #tpu.memory_space<vmem_shared>>, %arg11: memref<10240x64xf32, #tpu.memory_space<vmem_shared>>, %arg12: memref<!tpu.dma_semaphore, #tpu.memory_space<semaphore_mem>>, %arg13: memref<!tpu.dma_semaphore, #tpu.memory_space<semaphore_mem>>) attributes {dimension_semantics = [#tpu.dimension_semantics<core_parallel>, #tpu.dimension_semantics<subcore_parallel>], iteration_bounds = array<i64: 2, 16>, scalar_prefetch = 0 : i64, scratch_operands = 7 : i64, tpu.core_type = #tpu.core_type<sc_vector_subcore>, window_params = [{transform_indices = #map}, {transform_indices = #map1}, {transform_indices = #map1}, {transform_indices = #map}, {transform_indices = #map2}]} {
    %mul3A = arith.constant 16 : i32
    %mul3A_0 = arith.muli %arg0, %mul3A : i32
    %add3A = arith.addi %mul3A_0, %arg1 : i32
    %mul3A_1 = arith.constant 640 : i32
    %mul3A_2 = arith.muli %arg1, %mul3A_1 : i32
    %dma_start3A = arith.constant 0 : i32
    %dma_start3A_3 = tpu.memref_slice %arg10[%mul3A_2, %dma_start3A] : memref<10240x64xf32, #tpu.memory_space<vmem_shared>> -> memref<640x64xf32, #tpu.memory_space<vmem_shared>>
    %dma_start3A_4 = arith.constant 0 : i32
    %dma_start3A_5 = tpu.memref_slice %arg2[%mul3A_2, %dma_start3A_4] : memref<10240x64xf32, #tpu.memory_space<hbm>> -> memref<640x64xf32, #tpu.memory_space<hbm>>
    tpu.enqueue_dma source(%dma_start3A_5 : memref<640x64xf32, #tpu.memory_space<hbm>>) target(%dma_start3A_3 : memref<640x64xf32, #tpu.memory_space<vmem_shared>>) target_semaphore(%arg12 : memref<!tpu.dma_semaphore, #tpu.memory_space<semaphore_mem>>)
    %dma_start3A_6 = arith.constant 0 : i32
    %dma_start3A_7 = tpu.memref_slice %arg11[%mul3A_2, %dma_start3A_6] : memref<10240x64xf32, #tpu.memory_space<vmem_shared>> -> memref<640x64xf32, #tpu.memory_space<vmem_shared>>
    %dma_start3A_8 = arith.constant 0 : i32
    %dma_start3A_9 = tpu.memref_slice %arg5[%mul3A_2, %dma_start3A_8] : memref<10240x64xf32, #tpu.memory_space<hbm>> -> memref<640x64xf32, #tpu.memory_space<hbm>>
    tpu.enqueue_dma source(%dma_start3A_9 : memref<640x64xf32, #tpu.memory_space<hbm>>) target(%dma_start3A_7 : memref<640x64xf32, #tpu.memory_space<vmem_shared>>) target_semaphore(%arg13 : memref<!tpu.dma_semaphore, #tpu.memory_space<semaphore_mem>>)
    %dma_wait3A = arith.constant 0 : i32
    %dma_wait3A_10 = tpu.memref_slice %arg10[%mul3A_2, %dma_wait3A] : memref<10240x64xf32, #tpu.memory_space<vmem_shared>> -> memref<640x64xf32, #tpu.memory_space<vmem_shared>>
    %dma_wait3A_11 = arith.constant 0 : i32
    %dma_wait3A_12 = tpu.memref_slice %arg2[%mul3A_2, %dma_wait3A_11] : memref<10240x64xf32, #tpu.memory_space<hbm>> -> memref<640x64xf32, #tpu.memory_space<hbm>>
    tpu.wait_dma2 semaphore(%arg12 : memref<!tpu.dma_semaphore, #tpu.memory_space<semaphore_mem>>) src(%dma_wait3A_12 : memref<640x64xf32, #tpu.memory_space<hbm>>) dst(%dma_wait3A_10 : memref<640x64xf32, #tpu.memory_space<vmem_shared>>)
    %dma_wait3A_13 = arith.constant 0 : i32
    %dma_wait3A_14 = tpu.memref_slice %arg11[%mul3A_2, %dma_wait3A_13] : memref<10240x64xf32, #tpu.memory_space<vmem_shared>> -> memref<640x64xf32, #tpu.memory_space<vmem_shared>>
    %dma_wait3A_15 = arith.constant 0 : i32
    %dma_wait3A_16 = tpu.memref_slice %arg5[%mul3A_2, %dma_wait3A_15] : memref<10240x64xf32, #tpu.memory_space<hbm>> -> memref<640x64xf32, #tpu.memory_space<hbm>>
    tpu.wait_dma2 semaphore(%arg13 : memref<!tpu.dma_semaphore, #tpu.memory_space<semaphore_mem>>) src(%dma_wait3A_16 : memref<640x64xf32, #tpu.memory_space<hbm>>) dst(%dma_wait3A_14 : memref<640x64xf32, #tpu.memory_space<vmem_shared>>)
    %barrier3A = arith.constant 0 : index
    tpu.barrier barrier_id(%barrier3A)
    %mul3A_17 = arith.constant 10240 : i32
    %mul3A_18 = arith.muli %add3A, %mul3A_17 : i32
    %scan3A = arith.constant 0 : i32
    %scan3A_19 = arith.constant 0 : i32
    %scan3A_20 = arith.constant 16 : i32
    %scan3A_21 = arith.addi %scan3A_19, %scan3A_20 : i32
    %scan3A_22 = arith.constant 1 : i32
    scf.for %scan3A_25 = %scan3A_19 to %scan3A_21 step %scan3A_22  : i32 {
      %mul3A_26 = arith.constant 640 : i32
      %mul3A_27 = arith.muli %scan3A_25, %mul3A_26 : i32
      %add3A_28 = arith.addi %mul3A_18, %mul3A_27 : i32
      "tpu.region"() ({
        %run_scoped3A = tpu.sem_alloc : memref<!tpu.dma_semaphore, #tpu.memory_space<semaphore_mem>>
        %dma_start3A_35 = tpu.memref_slice %arg3[%add3A_28] : memref<327680xi32, #tpu.memory_space<hbm>> -> memref<640xi32, #tpu.memory_space<hbm>>
        %dma_start3A_36 = tpu.memref_slice %arg3[%add3A_28] : memref<327680xi32, #tpu.memory_space<hbm>> -> memref<640xi32, #tpu.memory_space<hbm>>
        tpu.enqueue_dma source(%dma_start3A_36 : memref<640xi32, #tpu.memory_space<hbm>>) target(%arg7 : memref<640xi32, #tpu.memory_space<vmem>>) target_semaphore(%run_scoped3A : memref<!tpu.dma_semaphore, #tpu.memory_space<semaphore_mem>>)
        %dma_wait3A_37 = tpu.memref_slice %arg3[%add3A_28] : memref<327680xi32, #tpu.memory_space<hbm>> -> memref<640xi32, #tpu.memory_space<hbm>>
        %dma_wait3A_38 = tpu.memref_slice %arg3[%add3A_28] : memref<327680xi32, #tpu.memory_space<hbm>> -> memref<640xi32, #tpu.memory_space<hbm>>
        tpu.wait_dma2 semaphore(%run_scoped3A : memref<!tpu.dma_semaphore, #tpu.memory_space<semaphore_mem>>) src(%dma_wait3A_38 : memref<640xi32, #tpu.memory_space<hbm>>) dst(%arg7 : memref<640xi32, #tpu.memory_space<vmem>>)
        tpu.yield
      }) : () -> ()
      "tpu.region"() ({
        %run_scoped3A = tpu.sem_alloc : memref<!tpu.dma_semaphore, #tpu.memory_space<semaphore_mem>>
        %dma_start3A_35 = tpu.memref_slice %arg4[%add3A_28] : memref<327680xi32, #tpu.memory_space<hbm>> -> memref<640xi32, #tpu.memory_space<hbm>>
        %dma_start3A_36 = tpu.memref_slice %arg4[%add3A_28] : memref<327680xi32, #tpu.memory_space<hbm>> -> memref<640xi32, #tpu.memory_space<hbm>>
        tpu.enqueue_dma source(%dma_start3A_36 : memref<640xi32, #tpu.memory_space<hbm>>) target(%arg8 : memref<640xi32, #tpu.memory_space<vmem>>) target_semaphore(%run_scoped3A : memref<!tpu.dma_semaphore, #tpu.memory_space<semaphore_mem>>)
        %dma_wait3A_37 = tpu.memref_slice %arg4[%add3A_28] : memref<327680xi32, #tpu.memory_space<hbm>> -> memref<640xi32, #tpu.memory_space<hbm>>
        %dma_wait3A_38 = tpu.memref_slice %arg4[%add3A_28] : memref<327680xi32, #tpu.memory_space<hbm>> -> memref<640xi32, #tpu.memory_space<hbm>>
        tpu.wait_dma2 semaphore(%run_scoped3A : memref<!tpu.dma_semaphore, #tpu.memory_space<semaphore_mem>>) src(%dma_wait3A_38 : memref<640xi32, #tpu.memory_space<hbm>>) dst(%arg8 : memref<640xi32, #tpu.memory_space<vmem>>)
        tpu.yield
      }) : () -> ()
      %dma_start3A_29 = arith.constant 0 : i32
      %dma_start3A_30 = arith.constant 0 : i32
      %dma_start3A_31 = tpu.memref_slice %arg10[%dma_start3A_29, %dma_start3A_30] : memref<10240x64xf32, #tpu.memory_space<vmem_shared>> -> memref<10240x64xf32, #tpu.memory_space<vmem_shared>>
      tpu.enqueue_indirect_dma source(%dma_start3A_31 : memref<10240x64xf32, #tpu.memory_space<vmem_shared>>) target(%arg9 : memref<640x64xf32, #tpu.memory_space<vmem>>) offsets(%arg7 : memref<640xi32, #tpu.memory_space<vmem>>) semaphore(%arg12 : memref<!tpu.dma_semaphore, #tpu.memory_space<semaphore_mem>>)
      %dma_wait3A_32 = arith.constant 0 : i32
      %dma_wait3A_33 = arith.constant 0 : i32
      %dma_wait3A_34 = tpu.memref_slice %arg10[%dma_wait3A_32, %dma_wait3A_33] : memref<10240x64xf32, #tpu.memory_space<vmem_shared>> -> memref<10240x64xf32, #tpu.memory_space<vmem_shared>>
      tpu.wait_indirect_dma semaphore(%arg12 : memref<!tpu.dma_semaphore, #tpu.memory_space<semaphore_mem>>) src(%dma_wait3A_34 : memref<10240x64xf32, #tpu.memory_space<vmem_shared>>) dst(%arg9 : memref<640x64xf32, #tpu.memory_space<vmem>>)
      "tpu.region"() ({
        %run_scoped3A = tpu.sem_alloc : memref<!tpu.dma_semaphore, #tpu.memory_space<semaphore_mem>>
        %dma_start3A_35 = arith.constant 0 : i32
        %dma_start3A_36 = arith.constant 0 : i32
        %dma_start3A_37 = tpu.memref_slice %arg11[%dma_start3A_35, %dma_start3A_36] : memref<10240x64xf32, #tpu.memory_space<vmem_shared>> -> memref<10240x64xf32, #tpu.memory_space<vmem_shared>>
        tpu.enqueue_indirect_dma source(%arg9 : memref<640x64xf32, #tpu.memory_space<vmem>>) target(%dma_start3A_37 : memref<10240x64xf32, #tpu.memory_space<vmem_shared>>) offsets(%arg8 : memref<640xi32, #tpu.memory_space<vmem>>) semaphore(%run_scoped3A : memref<!tpu.dma_semaphore, #tpu.memory_space<semaphore_mem>>) {add = true}
        %dma_wait3A_38 = arith.constant 0 : i32
        %dma_wait3A_39 = arith.constant 0 : i32
        %dma_wait3A_40 = tpu.memref_slice %arg11[%dma_wait3A_38, %dma_wait3A_39] : memref<10240x64xf32, #tpu.memory_space<vmem_shared>> -> memref<10240x64xf32, #tpu.memory_space<vmem_shared>>
        tpu.wait_indirect_dma semaphore(%run_scoped3A : memref<!tpu.dma_semaphore, #tpu.memory_space<semaphore_mem>>) src(%arg9 : memref<640x64xf32, #tpu.memory_space<vmem>>) dst(%dma_wait3A_40 : memref<10240x64xf32, #tpu.memory_space<vmem_shared>>)
        tpu.yield
      }) : () -> ()
    }
    %scan3A_23 = arith.constant 16 : i32
    %barrier3A_24 = arith.constant 0 : index
    tpu.barrier barrier_id(%barrier3A_24)
    "tpu.region"() ({
      %run_scoped3A = tpu.sem_alloc : memref<!tpu.dma_semaphore, #tpu.memory_space<semaphore_mem>>
      %dma_start3A_25 = arith.constant 0 : i32
      %dma_start3A_26 = tpu.memref_slice %arg6[%arg0, %mul3A_2, %dma_start3A_25] : memref<2x10240x64xf32, #tpu.memory_space<hbm>> -> memref<1x640x64xf32, #tpu.memory_space<hbm>>
      %dma_start3A_27 = tpu.memref_squeeze %dma_start3A_26 : memref<1x640x64xf32, #tpu.memory_space<hbm>> -> memref<640x64xf32, #tpu.memory_space<hbm>>
      %dma_start3A_28 = arith.constant 0 : i32
      %dma_start3A_29 = tpu.memref_slice %arg11[%mul3A_2, %dma_start3A_28] : memref<10240x64xf32, #tpu.memory_space<vmem_shared>> -> memref<640x64xf32, #tpu.memory_space<vmem_shared>>
      tpu.enqueue_dma source(%dma_start3A_29 : memref<640x64xf32, #tpu.memory_space<vmem_shared>>) target(%dma_start3A_27 : memref<640x64xf32, #tpu.memory_space<hbm>>) target_semaphore(%run_scoped3A : memref<!tpu.dma_semaphore, #tpu.memory_space<semaphore_mem>>)
      %dma_wait3A_30 = arith.constant 0 : i32
      %dma_wait3A_31 = tpu.memref_slice %arg6[%arg0, %mul3A_2, %dma_wait3A_30] : memref<2x10240x64xf32, #tpu.memory_space<hbm>> -> memref<1x640x64xf32, #tpu.memory_space<hbm>>
      %dma_wait3A_32 = tpu.memref_squeeze %dma_wait3A_31 : memref<1x640x64xf32, #tpu.memory_space<hbm>> -> memref<640x64xf32, #tpu.memory_space<hbm>>
      %dma_wait3A_33 = arith.constant 0 : i32
      %dma_wait3A_34 = tpu.memref_slice %arg11[%mul3A_2, %dma_wait3A_33] : memref<10240x64xf32, #tpu.memory_space<vmem_shared>> -> memref<640x64xf32, #tpu.memory_space<vmem_shared>>
      tpu.wait_dma2 semaphore(%run_scoped3A : memref<!tpu.dma_semaphore, #tpu.memory_space<semaphore_mem>>) src(%dma_wait3A_34 : memref<640x64xf32, #tpu.memory_space<vmem_shared>>) dst(%dma_wait3A_32 : memref<640x64xf32, #tpu.memory_space<hbm>>)
      tpu.yield
    }) : () -> ()
    return
  }
}

#map = affine_map<(d0, d1) -> (0, 0)>
#map1 = affine_map<(d0, d1) -> (0)>
#map2 = affine_map<(d0, d1) -> (0, 0, 0)>
module attributes {stable_mosaic.version = 14 : i64} {
  func.func @_sc_agg(%arg0: i32, %arg1: i32, %arg2: memref<10240x64xf32, #tpu.memory_space<hbm>>, %arg3: memref<327680xi32, #tpu.memory_space<hbm>>, %arg4: memref<327680xi32, #tpu.memory_space<hbm>>, %arg5: memref<10240x64xf32, #tpu.memory_space<hbm>>, %arg6: memref<2x10240x64xf32, #tpu.memory_space<hbm>>, %arg7: memref<640xi32, #tpu.memory_space<vmem>>, %arg8: memref<640xi32, #tpu.memory_space<vmem>>, %arg9: memref<640x64xf32, #tpu.memory_space<vmem>>, %arg10: memref<10240x64xf32, #tpu.memory_space<vmem_shared>>, %arg11: memref<10240x64xf32, #tpu.memory_space<vmem_shared>>, %arg12: memref<!tpu.dma_semaphore, #tpu.memory_space<semaphore_mem>>, %arg13: memref<!tpu.dma_semaphore, #tpu.memory_space<semaphore_mem>>) attributes {dimension_semantics = [#tpu.dimension_semantics<core_parallel>, #tpu.dimension_semantics<subcore_parallel>], iteration_bounds = array<i64: 2, 16>, scalar_prefetch = 0 : i64, scratch_operands = 7 : i64, tpu.core_type = #tpu.core_type<sc_vector_subcore>, window_params = [{transform_indices = #map}, {transform_indices = #map1}, {transform_indices = #map1}, {transform_indices = #map}, {transform_indices = #map2}]} {
    %mul3A = arith.constant 16 : i32
    %mul3A_0 = arith.muli %arg0, %mul3A : i32
    %add3A = arith.addi %mul3A_0, %arg1 : i32
    %mul3A_1 = arith.constant 640 : i32
    %mul3A_2 = arith.muli %arg1, %mul3A_1 : i32
    %dma_start3A = arith.constant 0 : i32
    %dma_start3A_3 = tpu.memref_slice %arg10[%mul3A_2, %dma_start3A] : memref<10240x64xf32, #tpu.memory_space<vmem_shared>> -> memref<640x64xf32, #tpu.memory_space<vmem_shared>>
    %dma_start3A_4 = arith.constant 0 : i32
    %dma_start3A_5 = tpu.memref_slice %arg2[%mul3A_2, %dma_start3A_4] : memref<10240x64xf32, #tpu.memory_space<hbm>> -> memref<640x64xf32, #tpu.memory_space<hbm>>
    tpu.enqueue_dma source(%dma_start3A_5 : memref<640x64xf32, #tpu.memory_space<hbm>>) target(%dma_start3A_3 : memref<640x64xf32, #tpu.memory_space<vmem_shared>>) target_semaphore(%arg12 : memref<!tpu.dma_semaphore, #tpu.memory_space<semaphore_mem>>)
    %dma_start3A_6 = arith.constant 0 : i32
    %dma_start3A_7 = tpu.memref_slice %arg11[%mul3A_2, %dma_start3A_6] : memref<10240x64xf32, #tpu.memory_space<vmem_shared>> -> memref<640x64xf32, #tpu.memory_space<vmem_shared>>
    %dma_start3A_8 = arith.constant 0 : i32
    %dma_start3A_9 = tpu.memref_slice %arg5[%mul3A_2, %dma_start3A_8] : memref<10240x64xf32, #tpu.memory_space<hbm>> -> memref<640x64xf32, #tpu.memory_space<hbm>>
    tpu.enqueue_dma source(%dma_start3A_9 : memref<640x64xf32, #tpu.memory_space<hbm>>) target(%dma_start3A_7 : memref<640x64xf32, #tpu.memory_space<vmem_shared>>) target_semaphore(%arg13 : memref<!tpu.dma_semaphore, #tpu.memory_space<semaphore_mem>>)
    %dma_wait3A = arith.constant 0 : i32
    %dma_wait3A_10 = tpu.memref_slice %arg10[%mul3A_2, %dma_wait3A] : memref<10240x64xf32, #tpu.memory_space<vmem_shared>> -> memref<640x64xf32, #tpu.memory_space<vmem_shared>>
    %dma_wait3A_11 = arith.constant 0 : i32
    %dma_wait3A_12 = tpu.memref_slice %arg2[%mul3A_2, %dma_wait3A_11] : memref<10240x64xf32, #tpu.memory_space<hbm>> -> memref<640x64xf32, #tpu.memory_space<hbm>>
    tpu.wait_dma2 semaphore(%arg12 : memref<!tpu.dma_semaphore, #tpu.memory_space<semaphore_mem>>) src(%dma_wait3A_12 : memref<640x64xf32, #tpu.memory_space<hbm>>) dst(%dma_wait3A_10 : memref<640x64xf32, #tpu.memory_space<vmem_shared>>)
    %dma_wait3A_13 = arith.constant 0 : i32
    %dma_wait3A_14 = tpu.memref_slice %arg11[%mul3A_2, %dma_wait3A_13] : memref<10240x64xf32, #tpu.memory_space<vmem_shared>> -> memref<640x64xf32, #tpu.memory_space<vmem_shared>>
    %dma_wait3A_15 = arith.constant 0 : i32
    %dma_wait3A_16 = tpu.memref_slice %arg5[%mul3A_2, %dma_wait3A_15] : memref<10240x64xf32, #tpu.memory_space<hbm>> -> memref<640x64xf32, #tpu.memory_space<hbm>>
    tpu.wait_dma2 semaphore(%arg13 : memref<!tpu.dma_semaphore, #tpu.memory_space<semaphore_mem>>) src(%dma_wait3A_16 : memref<640x64xf32, #tpu.memory_space<hbm>>) dst(%dma_wait3A_14 : memref<640x64xf32, #tpu.memory_space<vmem_shared>>)
    %barrier3A = arith.constant 0 : index
    tpu.barrier barrier_id(%barrier3A)
    %mul3A_17 = arith.constant 10240 : i32
    %mul3A_18 = arith.muli %add3A, %mul3A_17 : i32
    %scan3A = arith.constant 0 : i32
    %scan3A_19 = arith.constant 0 : i32
    %scan3A_20 = arith.constant 16 : i32
    %scan3A_21 = arith.addi %scan3A_19, %scan3A_20 : i32
    %scan3A_22 = arith.constant 1 : i32
    scf.for %scan3A_25 = %scan3A_19 to %scan3A_21 step %scan3A_22  : i32 {
      %mul3A_26 = arith.constant 640 : i32
      %mul3A_27 = arith.muli %scan3A_25, %mul3A_26 : i32
      %add3A_28 = arith.addi %mul3A_18, %mul3A_27 : i32
      "tpu.region"() ({
        %run_scoped3A = tpu.sem_alloc : memref<!tpu.dma_semaphore, #tpu.memory_space<semaphore_mem>>
        %dma_start3A_35 = tpu.memref_slice %arg3[%add3A_28] : memref<327680xi32, #tpu.memory_space<hbm>> -> memref<640xi32, #tpu.memory_space<hbm>>
        %dma_start3A_36 = tpu.memref_slice %arg3[%add3A_28] : memref<327680xi32, #tpu.memory_space<hbm>> -> memref<640xi32, #tpu.memory_space<hbm>>
        tpu.enqueue_dma source(%dma_start3A_36 : memref<640xi32, #tpu.memory_space<hbm>>) target(%arg7 : memref<640xi32, #tpu.memory_space<vmem>>) target_semaphore(%run_scoped3A : memref<!tpu.dma_semaphore, #tpu.memory_space<semaphore_mem>>)
        %dma_wait3A_37 = tpu.memref_slice %arg3[%add3A_28] : memref<327680xi32, #tpu.memory_space<hbm>> -> memref<640xi32, #tpu.memory_space<hbm>>
        %dma_wait3A_38 = tpu.memref_slice %arg3[%add3A_28] : memref<327680xi32, #tpu.memory_space<hbm>> -> memref<640xi32, #tpu.memory_space<hbm>>
        tpu.wait_dma2 semaphore(%run_scoped3A : memref<!tpu.dma_semaphore, #tpu.memory_space<semaphore_mem>>) src(%dma_wait3A_38 : memref<640xi32, #tpu.memory_space<hbm>>) dst(%arg7 : memref<640xi32, #tpu.memory_space<vmem>>)
        tpu.yield
      }) : () -> ()
      "tpu.region"() ({
        %run_scoped3A = tpu.sem_alloc : memref<!tpu.dma_semaphore, #tpu.memory_space<semaphore_mem>>
        %dma_start3A_35 = tpu.memref_slice %arg4[%add3A_28] : memref<327680xi32, #tpu.memory_space<hbm>> -> memref<640xi32, #tpu.memory_space<hbm>>
        %dma_start3A_36 = tpu.memref_slice %arg4[%add3A_28] : memref<327680xi32, #tpu.memory_space<hbm>> -> memref<640xi32, #tpu.memory_space<hbm>>
        tpu.enqueue_dma source(%dma_start3A_36 : memref<640xi32, #tpu.memory_space<hbm>>) target(%arg8 : memref<640xi32, #tpu.memory_space<vmem>>) target_semaphore(%run_scoped3A : memref<!tpu.dma_semaphore, #tpu.memory_space<semaphore_mem>>)
        %dma_wait3A_37 = tpu.memref_slice %arg4[%add3A_28] : memref<327680xi32, #tpu.memory_space<hbm>> -> memref<640xi32, #tpu.memory_space<hbm>>
        %dma_wait3A_38 = tpu.memref_slice %arg4[%add3A_28] : memref<327680xi32, #tpu.memory_space<hbm>> -> memref<640xi32, #tpu.memory_space<hbm>>
        tpu.wait_dma2 semaphore(%run_scoped3A : memref<!tpu.dma_semaphore, #tpu.memory_space<semaphore_mem>>) src(%dma_wait3A_38 : memref<640xi32, #tpu.memory_space<hbm>>) dst(%arg8 : memref<640xi32, #tpu.memory_space<vmem>>)
        tpu.yield
      }) : () -> ()
      %dma_start3A_29 = arith.constant 0 : i32
      %dma_start3A_30 = arith.constant 0 : i32
      %dma_start3A_31 = tpu.memref_slice %arg10[%dma_start3A_29, %dma_start3A_30] : memref<10240x64xf32, #tpu.memory_space<vmem_shared>> -> memref<10240x64xf32, #tpu.memory_space<vmem_shared>>
      tpu.enqueue_indirect_dma source(%dma_start3A_31 : memref<10240x64xf32, #tpu.memory_space<vmem_shared>>) target(%arg9 : memref<640x64xf32, #tpu.memory_space<vmem>>) offsets(%arg7 : memref<640xi32, #tpu.memory_space<vmem>>) semaphore(%arg12 : memref<!tpu.dma_semaphore, #tpu.memory_space<semaphore_mem>>)
      %dma_wait3A_32 = arith.constant 0 : i32
      %dma_wait3A_33 = arith.constant 0 : i32
      %dma_wait3A_34 = tpu.memref_slice %arg10[%dma_wait3A_32, %dma_wait3A_33] : memref<10240x64xf32, #tpu.memory_space<vmem_shared>> -> memref<10240x64xf32, #tpu.memory_space<vmem_shared>>
      tpu.wait_indirect_dma semaphore(%arg12 : memref<!tpu.dma_semaphore, #tpu.memory_space<semaphore_mem>>) src(%dma_wait3A_34 : memref<10240x64xf32, #tpu.memory_space<vmem_shared>>) dst(%arg9 : memref<640x64xf32, #tpu.memory_space<vmem>>)
      "tpu.region"() ({
        %run_scoped3A = tpu.sem_alloc : memref<!tpu.dma_semaphore, #tpu.memory_space<semaphore_mem>>
        %dma_start3A_35 = arith.constant 0 : i32
        %dma_start3A_36 = arith.constant 0 : i32
        %dma_start3A_37 = tpu.memref_slice %arg11[%dma_start3A_35, %dma_start3A_36] : memref<10240x64xf32, #tpu.memory_space<vmem_shared>> -> memref<10240x64xf32, #tpu.memory_space<vmem_shared>>
        tpu.enqueue_indirect_dma source(%arg9 : memref<640x64xf32, #tpu.memory_space<vmem>>) target(%dma_start3A_37 : memref<10240x64xf32, #tpu.memory_space<vmem_shared>>) offsets(%arg8 : memref<640xi32, #tpu.memory_space<vmem>>) semaphore(%run_scoped3A : memref<!tpu.dma_semaphore, #tpu.memory_space<semaphore_mem>>) {add = true}
        %dma_wait3A_38 = arith.constant 0 : i32
        %dma_wait3A_39 = arith.constant 0 : i32
        %dma_wait3A_40 = tpu.memref_slice %arg11[%dma_wait3A_38, %dma_wait3A_39] : memref<10240x64xf32, #tpu.memory_space<vmem_shared>> -> memref<10240x64xf32, #tpu.memory_space<vmem_shared>>
        tpu.wait_indirect_dma semaphore(%run_scoped3A : memref<!tpu.dma_semaphore, #tpu.memory_space<semaphore_mem>>) src(%arg9 : memref<640x64xf32, #tpu.memory_space<vmem>>) dst(%dma_wait3A_40 : memref<10240x64xf32, #tpu.memory_space<vmem_shared>>)
        tpu.yield
      }) : () -> ()
    }
    %scan3A_23 = arith.constant 16 : i32
    %barrier3A_24 = arith.constant 0 : index
    tpu.barrier barrier_id(%barrier3A_24)
    "tpu.region"() ({
      %run_scoped3A = tpu.sem_alloc : memref<!tpu.dma_semaphore, #tpu.memory_space<semaphore_mem>>
      %dma_start3A_25 = arith.constant 0 : i32
      %dma_start3A_26 = tpu.memref_slice %arg6[%arg0, %mul3A_2, %dma_start3A_25] : memref<2x10240x64xf32, #tpu.memory_space<hbm>> -> memref<1x640x64xf32, #tpu.memory_space<hbm>>
      %dma_start3A_27 = tpu.memref_squeeze %dma_start3A_26 : memref<1x640x64xf32, #tpu.memory_space<hbm>> -> memref<640x64xf32, #tpu.memory_space<hbm>>
      %dma_start3A_28 = arith.constant 0 : i32
      %dma_start3A_29 = tpu.memref_slice %arg11[%mul3A_2, %dma_start3A_28] : memref<10240x64xf32, #tpu.memory_space<vmem_shared>> -> memref<640x64xf32, #tpu.memory_space<vmem_shared>>
      tpu.enqueue_dma source(%dma_start3A_29 : memref<640x64xf32, #tpu.memory_space<vmem_shared>>) target(%dma_start3A_27 : memref<640x64xf32, #tpu.memory_space<hbm>>) target_semaphore(%run_scoped3A : memref<!tpu.dma_semaphore, #tpu.memory_space<semaphore_mem>>)
      %dma_wait3A_30 = arith.constant 0 : i32
      %dma_wait3A_31 = tpu.memref_slice %arg6[%arg0, %mul3A_2, %dma_wait3A_30] : memref<2x10240x64xf32, #tpu.memory_space<hbm>> -> memref<1x640x64xf32, #tpu.memory_space<hbm>>
      %dma_wait3A_32 = tpu.memref_squeeze %dma_wait3A_31 : memref<1x640x64xf32, #tpu.memory_space<hbm>> -> memref<640x64xf32, #tpu.memory_space<hbm>>
      %dma_wait3A_33 = arith.constant 0 : i32
      %dma_wait3A_34 = tpu.memref_slice %arg11[%mul3A_2, %dma_wait3A_33] : memref<10240x64xf32, #tpu.memory_space<vmem_shared>> -> memref<640x64xf32, #tpu.memory_space<vmem_shared>>
      tpu.wait_dma2 semaphore(%run_scoped3A : memref<!tpu.dma_semaphore, #tpu.memory_space<semaphore_mem>>) src(%dma_wait3A_34 : memref<640x64xf32, #tpu.memory_space<vmem_shared>>) dst(%dma_wait3A_32 : memref<640x64xf32, #tpu.memory_space<hbm>>)
      tpu.yield
    }) : () -> ()
    return
  }
}

#map = affine_map<(d0, d1) -> (0, 0)>
#map1 = affine_map<(d0, d1) -> (0)>
#map2 = affine_map<(d0, d1) -> (0, 0, 0)>
module attributes {stable_mosaic.version = 14 : i64} {
  func.func @_sc_agg(%arg0: i32, %arg1: i32, %arg2: memref<10240x64xf32, #tpu.memory_space<hbm>>, %arg3: memref<327680xi32, #tpu.memory_space<hbm>>, %arg4: memref<327680xi32, #tpu.memory_space<hbm>>, %arg5: memref<10240x64xf32, #tpu.memory_space<hbm>>, %arg6: memref<2x10240x64xf32, #tpu.memory_space<hbm>>, %arg7: memref<640xi32, #tpu.memory_space<vmem>>, %arg8: memref<640xi32, #tpu.memory_space<vmem>>, %arg9: memref<640x64xf32, #tpu.memory_space<vmem>>, %arg10: memref<10240x64xf32, #tpu.memory_space<vmem_shared>>, %arg11: memref<10240x64xf32, #tpu.memory_space<vmem_shared>>, %arg12: memref<!tpu.dma_semaphore, #tpu.memory_space<semaphore_mem>>, %arg13: memref<!tpu.dma_semaphore, #tpu.memory_space<semaphore_mem>>) attributes {dimension_semantics = [#tpu.dimension_semantics<core_parallel>, #tpu.dimension_semantics<subcore_parallel>], iteration_bounds = array<i64: 2, 16>, scalar_prefetch = 0 : i64, scratch_operands = 7 : i64, tpu.core_type = #tpu.core_type<sc_vector_subcore>, window_params = [{transform_indices = #map}, {transform_indices = #map1}, {transform_indices = #map1}, {transform_indices = #map}, {transform_indices = #map2}]} {
    %mul3A = arith.constant 16 : i32
    %mul3A_0 = arith.muli %arg0, %mul3A : i32
    %add3A = arith.addi %mul3A_0, %arg1 : i32
    %mul3A_1 = arith.constant 640 : i32
    %mul3A_2 = arith.muli %arg1, %mul3A_1 : i32
    %dma_start3A = arith.constant 0 : i32
    %dma_start3A_3 = tpu.memref_slice %arg10[%mul3A_2, %dma_start3A] : memref<10240x64xf32, #tpu.memory_space<vmem_shared>> -> memref<640x64xf32, #tpu.memory_space<vmem_shared>>
    %dma_start3A_4 = arith.constant 0 : i32
    %dma_start3A_5 = tpu.memref_slice %arg2[%mul3A_2, %dma_start3A_4] : memref<10240x64xf32, #tpu.memory_space<hbm>> -> memref<640x64xf32, #tpu.memory_space<hbm>>
    tpu.enqueue_dma source(%dma_start3A_5 : memref<640x64xf32, #tpu.memory_space<hbm>>) target(%dma_start3A_3 : memref<640x64xf32, #tpu.memory_space<vmem_shared>>) target_semaphore(%arg12 : memref<!tpu.dma_semaphore, #tpu.memory_space<semaphore_mem>>)
    %dma_start3A_6 = arith.constant 0 : i32
    %dma_start3A_7 = tpu.memref_slice %arg11[%mul3A_2, %dma_start3A_6] : memref<10240x64xf32, #tpu.memory_space<vmem_shared>> -> memref<640x64xf32, #tpu.memory_space<vmem_shared>>
    %dma_start3A_8 = arith.constant 0 : i32
    %dma_start3A_9 = tpu.memref_slice %arg5[%mul3A_2, %dma_start3A_8] : memref<10240x64xf32, #tpu.memory_space<hbm>> -> memref<640x64xf32, #tpu.memory_space<hbm>>
    tpu.enqueue_dma source(%dma_start3A_9 : memref<640x64xf32, #tpu.memory_space<hbm>>) target(%dma_start3A_7 : memref<640x64xf32, #tpu.memory_space<vmem_shared>>) target_semaphore(%arg13 : memref<!tpu.dma_semaphore, #tpu.memory_space<semaphore_mem>>)
    %dma_wait3A = arith.constant 0 : i32
    %dma_wait3A_10 = tpu.memref_slice %arg10[%mul3A_2, %dma_wait3A] : memref<10240x64xf32, #tpu.memory_space<vmem_shared>> -> memref<640x64xf32, #tpu.memory_space<vmem_shared>>
    %dma_wait3A_11 = arith.constant 0 : i32
    %dma_wait3A_12 = tpu.memref_slice %arg2[%mul3A_2, %dma_wait3A_11] : memref<10240x64xf32, #tpu.memory_space<hbm>> -> memref<640x64xf32, #tpu.memory_space<hbm>>
    tpu.wait_dma2 semaphore(%arg12 : memref<!tpu.dma_semaphore, #tpu.memory_space<semaphore_mem>>) src(%dma_wait3A_12 : memref<640x64xf32, #tpu.memory_space<hbm>>) dst(%dma_wait3A_10 : memref<640x64xf32, #tpu.memory_space<vmem_shared>>)
    %dma_wait3A_13 = arith.constant 0 : i32
    %dma_wait3A_14 = tpu.memref_slice %arg11[%mul3A_2, %dma_wait3A_13] : memref<10240x64xf32, #tpu.memory_space<vmem_shared>> -> memref<640x64xf32, #tpu.memory_space<vmem_shared>>
    %dma_wait3A_15 = arith.constant 0 : i32
    %dma_wait3A_16 = tpu.memref_slice %arg5[%mul3A_2, %dma_wait3A_15] : memref<10240x64xf32, #tpu.memory_space<hbm>> -> memref<640x64xf32, #tpu.memory_space<hbm>>
    tpu.wait_dma2 semaphore(%arg13 : memref<!tpu.dma_semaphore, #tpu.memory_space<semaphore_mem>>) src(%dma_wait3A_16 : memref<640x64xf32, #tpu.memory_space<hbm>>) dst(%dma_wait3A_14 : memref<640x64xf32, #tpu.memory_space<vmem_shared>>)
    %barrier3A = arith.constant 0 : index
    tpu.barrier barrier_id(%barrier3A)
    %mul3A_17 = arith.constant 10240 : i32
    %mul3A_18 = arith.muli %add3A, %mul3A_17 : i32
    %scan3A = arith.constant 0 : i32
    %scan3A_19 = arith.constant 0 : i32
    %scan3A_20 = arith.constant 16 : i32
    %scan3A_21 = arith.addi %scan3A_19, %scan3A_20 : i32
    %scan3A_22 = arith.constant 1 : i32
    scf.for %scan3A_25 = %scan3A_19 to %scan3A_21 step %scan3A_22  : i32 {
      %mul3A_26 = arith.constant 640 : i32
      %mul3A_27 = arith.muli %scan3A_25, %mul3A_26 : i32
      %add3A_28 = arith.addi %mul3A_18, %mul3A_27 : i32
      "tpu.region"() ({
        %run_scoped3A = tpu.sem_alloc : memref<!tpu.dma_semaphore, #tpu.memory_space<semaphore_mem>>
        %dma_start3A_35 = tpu.memref_slice %arg3[%add3A_28] : memref<327680xi32, #tpu.memory_space<hbm>> -> memref<640xi32, #tpu.memory_space<hbm>>
        %dma_start3A_36 = tpu.memref_slice %arg3[%add3A_28] : memref<327680xi32, #tpu.memory_space<hbm>> -> memref<640xi32, #tpu.memory_space<hbm>>
        tpu.enqueue_dma source(%dma_start3A_36 : memref<640xi32, #tpu.memory_space<hbm>>) target(%arg7 : memref<640xi32, #tpu.memory_space<vmem>>) target_semaphore(%run_scoped3A : memref<!tpu.dma_semaphore, #tpu.memory_space<semaphore_mem>>)
        %dma_wait3A_37 = tpu.memref_slice %arg3[%add3A_28] : memref<327680xi32, #tpu.memory_space<hbm>> -> memref<640xi32, #tpu.memory_space<hbm>>
        %dma_wait3A_38 = tpu.memref_slice %arg3[%add3A_28] : memref<327680xi32, #tpu.memory_space<hbm>> -> memref<640xi32, #tpu.memory_space<hbm>>
        tpu.wait_dma2 semaphore(%run_scoped3A : memref<!tpu.dma_semaphore, #tpu.memory_space<semaphore_mem>>) src(%dma_wait3A_38 : memref<640xi32, #tpu.memory_space<hbm>>) dst(%arg7 : memref<640xi32, #tpu.memory_space<vmem>>)
        tpu.yield
      }) : () -> ()
      "tpu.region"() ({
        %run_scoped3A = tpu.sem_alloc : memref<!tpu.dma_semaphore, #tpu.memory_space<semaphore_mem>>
        %dma_start3A_35 = tpu.memref_slice %arg4[%add3A_28] : memref<327680xi32, #tpu.memory_space<hbm>> -> memref<640xi32, #tpu.memory_space<hbm>>
        %dma_start3A_36 = tpu.memref_slice %arg4[%add3A_28] : memref<327680xi32, #tpu.memory_space<hbm>> -> memref<640xi32, #tpu.memory_space<hbm>>
        tpu.enqueue_dma source(%dma_start3A_36 : memref<640xi32, #tpu.memory_space<hbm>>) target(%arg8 : memref<640xi32, #tpu.memory_space<vmem>>) target_semaphore(%run_scoped3A : memref<!tpu.dma_semaphore, #tpu.memory_space<semaphore_mem>>)
        %dma_wait3A_37 = tpu.memref_slice %arg4[%add3A_28] : memref<327680xi32, #tpu.memory_space<hbm>> -> memref<640xi32, #tpu.memory_space<hbm>>
        %dma_wait3A_38 = tpu.memref_slice %arg4[%add3A_28] : memref<327680xi32, #tpu.memory_space<hbm>> -> memref<640xi32, #tpu.memory_space<hbm>>
        tpu.wait_dma2 semaphore(%run_scoped3A : memref<!tpu.dma_semaphore, #tpu.memory_space<semaphore_mem>>) src(%dma_wait3A_38 : memref<640xi32, #tpu.memory_space<hbm>>) dst(%arg8 : memref<640xi32, #tpu.memory_space<vmem>>)
        tpu.yield
      }) : () -> ()
      %dma_start3A_29 = arith.constant 0 : i32
      %dma_start3A_30 = arith.constant 0 : i32
      %dma_start3A_31 = tpu.memref_slice %arg10[%dma_start3A_29, %dma_start3A_30] : memref<10240x64xf32, #tpu.memory_space<vmem_shared>> -> memref<10240x64xf32, #tpu.memory_space<vmem_shared>>
      tpu.enqueue_indirect_dma source(%dma_start3A_31 : memref<10240x64xf32, #tpu.memory_space<vmem_shared>>) target(%arg9 : memref<640x64xf32, #tpu.memory_space<vmem>>) offsets(%arg7 : memref<640xi32, #tpu.memory_space<vmem>>) semaphore(%arg12 : memref<!tpu.dma_semaphore, #tpu.memory_space<semaphore_mem>>)
      %dma_wait3A_32 = arith.constant 0 : i32
      %dma_wait3A_33 = arith.constant 0 : i32
      %dma_wait3A_34 = tpu.memref_slice %arg10[%dma_wait3A_32, %dma_wait3A_33] : memref<10240x64xf32, #tpu.memory_space<vmem_shared>> -> memref<10240x64xf32, #tpu.memory_space<vmem_shared>>
      tpu.wait_indirect_dma semaphore(%arg12 : memref<!tpu.dma_semaphore, #tpu.memory_space<semaphore_mem>>) src(%dma_wait3A_34 : memref<10240x64xf32, #tpu.memory_space<vmem_shared>>) dst(%arg9 : memref<640x64xf32, #tpu.memory_space<vmem>>)
      "tpu.region"() ({
        %run_scoped3A = tpu.sem_alloc : memref<!tpu.dma_semaphore, #tpu.memory_space<semaphore_mem>>
        %dma_start3A_35 = arith.constant 0 : i32
        %dma_start3A_36 = arith.constant 0 : i32
        %dma_start3A_37 = tpu.memref_slice %arg11[%dma_start3A_35, %dma_start3A_36] : memref<10240x64xf32, #tpu.memory_space<vmem_shared>> -> memref<10240x64xf32, #tpu.memory_space<vmem_shared>>
        tpu.enqueue_indirect_dma source(%arg9 : memref<640x64xf32, #tpu.memory_space<vmem>>) target(%dma_start3A_37 : memref<10240x64xf32, #tpu.memory_space<vmem_shared>>) offsets(%arg8 : memref<640xi32, #tpu.memory_space<vmem>>) semaphore(%run_scoped3A : memref<!tpu.dma_semaphore, #tpu.memory_space<semaphore_mem>>) {add = true}
        %dma_wait3A_38 = arith.constant 0 : i32
        %dma_wait3A_39 = arith.constant 0 : i32
        %dma_wait3A_40 = tpu.memref_slice %arg11[%dma_wait3A_38, %dma_wait3A_39] : memref<10240x64xf32, #tpu.memory_space<vmem_shared>> -> memref<10240x64xf32, #tpu.memory_space<vmem_shared>>
        tpu.wait_indirect_dma semaphore(%run_scoped3A : memref<!tpu.dma_semaphore, #tpu.memory_space<semaphore_mem>>) src(%arg9 : memref<640x64xf32, #tpu.memory_space<vmem>>) dst(%dma_wait3A_40 : memref<10240x64xf32, #tpu.memory_space<vmem_shared>>)
        tpu.yield
      }) : () -> ()
    }
    %scan3A_23 = arith.constant 16 : i32
    %barrier3A_24 = arith.constant 0 : index
    tpu.barrier barrier_id(%barrier3A_24)
    "tpu.region"() ({
      %run_scoped3A = tpu.sem_alloc : memref<!tpu.dma_semaphore, #tpu.memory_space<semaphore_mem>>
      %dma_start3A_25 = arith.constant 0 : i32
      %dma_start3A_26 = tpu.memref_slice %arg6[%arg0, %mul3A_2, %dma_start3A_25] : memref<2x10240x64xf32, #tpu.memory_space<hbm>> -> memref<1x640x64xf32, #tpu.memory_space<hbm>>
      %dma_start3A_27 = tpu.memref_squeeze %dma_start3A_26 : memref<1x640x64xf32, #tpu.memory_space<hbm>> -> memref<640x64xf32, #tpu.memory_space<hbm>>
      %dma_start3A_28 = arith.constant 0 : i32
      %dma_start3A_29 = tpu.memref_slice %arg11[%mul3A_2, %dma_start3A_28] : memref<10240x64xf32, #tpu.memory_space<vmem_shared>> -> memref<640x64xf32, #tpu.memory_space<vmem_shared>>
      tpu.enqueue_dma source(%dma_start3A_29 : memref<640x64xf32, #tpu.memory_space<vmem_shared>>) target(%dma_start3A_27 : memref<640x64xf32, #tpu.memory_space<hbm>>) target_semaphore(%run_scoped3A : memref<!tpu.dma_semaphore, #tpu.memory_space<semaphore_mem>>)
      %dma_wait3A_30 = arith.constant 0 : i32
      %dma_wait3A_31 = tpu.memref_slice %arg6[%arg0, %mul3A_2, %dma_wait3A_30] : memref<2x10240x64xf32, #tpu.memory_space<hbm>> -> memref<1x640x64xf32, #tpu.memory_space<hbm>>
      %dma_wait3A_32 = tpu.memref_squeeze %dma_wait3A_31 : memref<1x640x64xf32, #tpu.memory_space<hbm>> -> memref<640x64xf32, #tpu.memory_space<hbm>>
      %dma_wait3A_33 = arith.constant 0 : i32
      %dma_wait3A_34 = tpu.memref_slice %arg11[%mul3A_2, %dma_wait3A_33] : memref<10240x64xf32, #tpu.memory_space<vmem_shared>> -> memref<640x64xf32, #tpu.memory_space<vmem_shared>>
      tpu.wait_dma2 semaphore(%run_scoped3A : memref<!tpu.dma_semaphore, #tpu.memory_space<semaphore_mem>>) src(%dma_wait3A_34 : memref<640x64xf32, #tpu.memory_space<vmem_shared>>) dst(%dma_wait3A_32 : memref<640x64xf32, #tpu.memory_space<hbm>>)
      tpu.yield
    }) : () -> ()
    return
  }
}

module attributes {stable_mosaic.version = 14 : i64} {
  func.func @_tc_proj_body(%arg0: i32, %arg1: memref<1024x128xf32, #tpu.memory_space<vmem>>, %arg2: memref<128x64xf32, #tpu.memory_space<vmem>>, %arg3: memref<1x64xf32, #tpu.memory_space<vmem>>, %arg4: memref<1024x64xf32, #tpu.memory_space<vmem>>) attributes {dimension_semantics = [#tpu.dimension_semantics<arbitrary>], iteration_bounds = array<i64: 10>, scalar_prefetch = 0 : i64, scratch_operands = 0 : i64, tpu.core_type = #tpu.core_type<tc>, window_params = [{transform_indices = @transform_0, window_bounds = array<i64: 1024, 128>}, {pipeline_mode = #tpu.pipeline_mode<synchronous>, transform_indices = @transform_1, window_bounds = array<i64: 128, 64>}, {pipeline_mode = #tpu.pipeline_mode<synchronous>, transform_indices = @transform_2, window_bounds = array<i64: 1, 64>}, {transform_indices = @transform_3, window_bounds = array<i64: 1024, 64>}]} {
    %get3A = arith.constant 0 : index
    %get3A_0 = arith.constant 0 : index
    %get3A_1 = vector.load %arg1[%get3A, %get3A_0] : memref<1024x128xf32, #tpu.memory_space<vmem>>, vector<1024x128xf32>
    %get3A_2 = arith.constant 0 : index
    %get3A_3 = arith.constant 0 : index
    %get3A_4 = vector.load %arg2[%get3A_2, %get3A_3] : memref<128x64xf32, #tpu.memory_space<vmem>>, vector<128x64xf32>
    %dot_general3A = arith.constant dense<0.000000e+00> : vector<1024x64xf32>
    %dot_general3A_5 = tpu.matmul %get3A_1, %get3A_4, %dot_general3A {dimension_numbers = #tpu.dot_dimension_numbers<[1], [0], [0], [1], [0, 0, 1, 1], [], []>, transpose_lhs_hint = false} : vector<1024x128xf32>, vector<128x64xf32>, vector<1024x64xf32> -> vector<1024x64xf32>
    %get3A_6 = arith.constant 0 : index
    %get3A_7 = arith.constant 0 : index
    %get3A_8 = vector.load %arg3[%get3A_6, %get3A_7] : memref<1x64xf32, #tpu.memory_space<vmem>>, vector<1x64xf32>
    %add3A = vector.broadcast %get3A_8 : vector<1x64xf32> to vector<1024x64xf32>
    %add3A_9 = arith.addf %dot_general3A_5, %add3A : vector<1024x64xf32>
    %max3A = arith.constant 0.000000e+00 : f32
    %max3A_10 = vector.broadcast %max3A : f32 to vector<1024x64xf32>
    %max3A_11 = arith.maximumf %add3A_9, %max3A_10 : vector<1024x64xf32>
    %swap3A = arith.constant 0 : index
    %swap3A_12 = arith.constant 0 : index
    %swap3A_13 = vector.load %arg4[%swap3A, %swap3A_12] : memref<1024x64xf32, #tpu.memory_space<vmem>>, vector<1024x64xf32>
    tpu.vector_store %arg4[%swap3A, %swap3A_12], %max3A_11 {strides = array<i32>} : memref<1024x64xf32, #tpu.memory_space<vmem>>, vector<1024x64xf32>,
    return
  }
  func.func @transform_0(%arg0: i32) -> (i32, i32) {
    %c0_i32 = arith.constant 0 : i32
    %c0_i32_0 = arith.constant 0 : i32
    return %arg0, %c0_i32 : i32, i32
  }
  func.func @transform_1(%arg0: i32) -> (i32, i32) {
    %c0_i32 = arith.constant 0 : i32
    %c0_i32_0 = arith.constant 0 : i32
    %c0_i32_1 = arith.constant 0 : i32
    return %c0_i32, %c0_i32_0 : i32, i32
  }
  func.func @transform_2(%arg0: i32) -> (i32, i32) {
    %c0_i32 = arith.constant 0 : i32
    %c0_i32_0 = arith.constant 0 : i32
    %c0_i32_1 = arith.constant 0 : i32
    return %c0_i32, %c0_i32_0 : i32, i32
  }
  func.func @transform_3(%arg0: i32) -> (i32, i32) {
    %c0_i32 = arith.constant 0 : i32
    %c0_i32_0 = arith.constant 0 : i32
    return %arg0, %c0_i32 : i32, i32
  }
}

module attributes {stable_mosaic.version = 14 : i64} {
  func.func @_tc_scale_body(%arg0: i32, %arg1: memref<1024x64xf32, #tpu.memory_space<vmem>>, %arg2: memref<2x1024x8xf32, #tpu.memory_space<vmem>>, %arg3: memref<1024x64xf32, #tpu.memory_space<vmem>>, %arg4: memref<1024x1xf32, #tpu.memory_space<vmem>>) attributes {dimension_semantics = [#tpu.dimension_semantics<arbitrary>], iteration_bounds = array<i64: 10>, scalar_prefetch = 0 : i64, scratch_operands = 0 : i64, tpu.core_type = #tpu.core_type<tc>, window_params = [{transform_indices = @transform_0, window_bounds = array<i64: 1024, 64>}, {transform_indices = @transform_1, window_bounds = array<i64: 2, 1024, 8>}, {transform_indices = @transform_2, window_bounds = array<i64: 1024, 64>}, {transform_indices = @transform_3, window_bounds = array<i64: 1024, 1>}]} {
    %get3A = arith.constant 0 : index
    %get3A_0 = arith.constant 0 : index
    %get3A_1 = arith.constant 0 : index
    %get3A_2 = vector.load %arg2[%get3A, %get3A_0, %get3A_1] : memref<2x1024x8xf32, #tpu.memory_space<vmem>>, vector<1x1024x1xf32>
    %get3A_3 = vector.shape_cast %get3A_2 : vector<1x1024x1xf32> to vector<1024x1xf32>
    %get3A_4 = arith.constant 1 : index
    %get3A_5 = arith.constant 0 : index
    %get3A_6 = arith.constant 0 : index
    %get3A_7 = vector.load %arg2[%get3A_4, %get3A_5, %get3A_6] : memref<2x1024x8xf32, #tpu.memory_space<vmem>>, vector<1x1024x1xf32>
    %get3A_8 = vector.shape_cast %get3A_7 : vector<1x1024x1xf32> to vector<1024x1xf32>
    %add3A = arith.addf %get3A_3, %get3A_8 : vector<1024x1xf32>
    %max3A = arith.constant 1.000000e+00 : f32
    %max3A_9 = vector.broadcast %max3A : f32 to vector<1024x1xf32>
    %max3A_10 = arith.maximumf %add3A, %max3A_9 : vector<1024x1xf32>
    %rsqrt3A = math.rsqrt %max3A_10 : vector<1024x1xf32>
    %get3A_11 = arith.constant 0 : index
    %get3A_12 = arith.constant 0 : index
    %get3A_13 = vector.load %arg1[%get3A_11, %get3A_12] : memref<1024x64xf32, #tpu.memory_space<vmem>>, vector<1024x64xf32>
    %mul3A = vector.broadcast %rsqrt3A : vector<1024x1xf32> to vector<1024x64xf32>
    %mul3A_14 = arith.mulf %get3A_13, %mul3A : vector<1024x64xf32>
    %swap3A = arith.constant 0 : index
    %swap3A_15 = arith.constant 0 : index
    %swap3A_16 = vector.load %arg3[%swap3A, %swap3A_15] : memref<1024x64xf32, #tpu.memory_space<vmem>>, vector<1024x64xf32>
    tpu.vector_store %arg3[%swap3A, %swap3A_15], %mul3A_14 {strides = array<i32>} : memref<1024x64xf32, #tpu.memory_space<vmem>>, vector<1024x64xf32>,
    %swap3A_17 = arith.constant 0 : index
    %swap3A_18 = arith.constant 0 : index
    %swap3A_19 = vector.load %arg4[%swap3A_17, %swap3A_18] : memref<1024x1xf32, #tpu.memory_space<vmem>>, vector<1024x1xf32>
    tpu.vector_store %arg4[%swap3A_17, %swap3A_18], %rsqrt3A {strides = array<i32>} : memref<1024x1xf32, #tpu.memory_space<vmem>>, vector<1024x1xf32>,
    return
  }
  func.func @transform_0(%arg0: i32) -> (i32, i32) {
    %c0_i32 = arith.constant 0 : i32
    %c0_i32_0 = arith.constant 0 : i32
    return %arg0, %c0_i32 : i32, i32
  }
  func.func @transform_1(%arg0: i32) -> (i32, i32, i32) {
    %c0_i32 = arith.constant 0 : i32
    %c0_i32_0 = arith.constant 0 : i32
    %c0_i32_1 = arith.constant 0 : i32
    return %c0_i32, %arg0, %c0_i32_0 : i32, i32, i32
  }
  func.func @transform_2(%arg0: i32) -> (i32, i32) {
    %c0_i32 = arith.constant 0 : i32
    %c0_i32_0 = arith.constant 0 : i32
    return %arg0, %c0_i32 : i32, i32
  }
  func.func @transform_3(%arg0: i32) -> (i32, i32) {
    %c0_i32 = arith.constant 0 : i32
    %c0_i32_0 = arith.constant 0 : i32
    return %arg0, %c0_i32 : i32, i32
  }
}

module attributes {stable_mosaic.version = 14 : i64} {
  func.func @_tc_layer_body(%arg0: i32, %arg1: memref<2x1024x64xf32, #tpu.memory_space<vmem>>, %arg2: memref<1024x1xf32, #tpu.memory_space<vmem>>, %arg3: memref<1024x64xf32, #tpu.memory_space<vmem>>, %arg4: memref<64x64xf32, #tpu.memory_space<vmem>>, %arg5: memref<1024x64xf32, #tpu.memory_space<vmem>>) attributes {dimension_semantics = [#tpu.dimension_semantics<arbitrary>], iteration_bounds = array<i64: 10>, scalar_prefetch = 0 : i64, scratch_operands = 0 : i64, tpu.core_type = #tpu.core_type<tc>, window_params = [{transform_indices = @transform_0, window_bounds = array<i64: 2, 1024, 64>}, {transform_indices = @transform_1, window_bounds = array<i64: 1024, 1>}, {transform_indices = @transform_2, window_bounds = array<i64: 1024, 64>}, {pipeline_mode = #tpu.pipeline_mode<synchronous>, transform_indices = @transform_3, window_bounds = array<i64: 64, 64>}, {transform_indices = @transform_4, window_bounds = array<i64: 1024, 64>}]} {
    %get3A = arith.constant 0 : index
    %get3A_0 = arith.constant 0 : index
    %get3A_1 = arith.constant 0 : index
    %get3A_2 = vector.load %arg1[%get3A, %get3A_0, %get3A_1] : memref<2x1024x64xf32, #tpu.memory_space<vmem>>, vector<1x1024x64xf32>
    %get3A_3 = vector.shape_cast %get3A_2 : vector<1x1024x64xf32> to vector<1024x64xf32>
    %get3A_4 = arith.constant 1 : index
    %get3A_5 = arith.constant 0 : index
    %get3A_6 = arith.constant 0 : index
    %get3A_7 = vector.load %arg1[%get3A_4, %get3A_5, %get3A_6] : memref<2x1024x64xf32, #tpu.memory_space<vmem>>, vector<1x1024x64xf32>
    %get3A_8 = vector.shape_cast %get3A_7 : vector<1x1024x64xf32> to vector<1024x64xf32>
    %add3A = arith.addf %get3A_3, %get3A_8 : vector<1024x64xf32>
    %get3A_9 = arith.constant 0 : index
    %get3A_10 = arith.constant 0 : index
    %get3A_11 = vector.load %arg2[%get3A_9, %get3A_10] : memref<1024x1xf32, #tpu.memory_space<vmem>>, vector<1024x1xf32>
    %mul3A = vector.broadcast %get3A_11 : vector<1024x1xf32> to vector<1024x64xf32>
    %mul3A_12 = arith.mulf %add3A, %mul3A : vector<1024x64xf32>
    %mul3A_13 = arith.constant 0.899999976 : f32
    %mul3A_14 = vector.broadcast %mul3A_13 : f32 to vector<1024x64xf32>
    %mul3A_15 = arith.mulf %mul3A_14, %mul3A_12 : vector<1024x64xf32>
    %get3A_16 = arith.constant 0 : index
    %get3A_17 = arith.constant 0 : index
    %get3A_18 = vector.load %arg3[%get3A_16, %get3A_17] : memref<1024x64xf32, #tpu.memory_space<vmem>>, vector<1024x64xf32>
    %mul3A_19 = arith.constant 1.000000e-01 : f32
    %mul3A_20 = vector.broadcast %mul3A_19 : f32 to vector<1024x64xf32>
    %mul3A_21 = arith.mulf %mul3A_20, %get3A_18 : vector<1024x64xf32>
    %add3A_22 = arith.addf %mul3A_15, %mul3A_21 : vector<1024x64xf32>
    %mul3A_23 = arith.constant 0.594534874 : f32
    %mul3A_24 = vector.broadcast %mul3A_23 : f32 to vector<1024x64xf32>
    %mul3A_25 = arith.mulf %mul3A_24, %add3A_22 : vector<1024x64xf32>
    %get3A_26 = arith.constant 0 : index
    %get3A_27 = arith.constant 0 : index
    %get3A_28 = vector.load %arg4[%get3A_26, %get3A_27] : memref<64x64xf32, #tpu.memory_space<vmem>>, vector<64x64xf32>
    %dot_general3A = arith.constant dense<0.000000e+00> : vector<1024x64xf32>
    %dot_general3A_29 = tpu.matmul %add3A_22, %get3A_28, %dot_general3A {dimension_numbers = #tpu.dot_dimension_numbers<[1], [0], [0], [1], [0, 0, 1, 1], [], []>, transpose_lhs_hint = false} : vector<1024x64xf32>, vector<64x64xf32>, vector<1024x64xf32> -> vector<1024x64xf32>
    %mul3A_30 = arith.constant 0.405465096 : f32
    %mul3A_31 = vector.broadcast %mul3A_30 : f32 to vector<1024x64xf32>
    %mul3A_32 = arith.mulf %mul3A_31, %dot_general3A_29 : vector<1024x64xf32>
    %add3A_33 = arith.addf %mul3A_25, %mul3A_32 : vector<1024x64xf32>
    %max3A = arith.constant 0.000000e+00 : f32
    %max3A_34 = vector.broadcast %max3A : f32 to vector<1024x64xf32>
    %max3A_35 = arith.maximumf %add3A_33, %max3A_34 : vector<1024x64xf32>
    %get3A_36 = arith.constant 0 : index
    %get3A_37 = arith.constant 0 : index
    %get3A_38 = vector.load %arg2[%get3A_36, %get3A_37] : memref<1024x1xf32, #tpu.memory_space<vmem>>, vector<1024x1xf32>
    %mul3A_39 = vector.broadcast %get3A_38 : vector<1024x1xf32> to vector<1024x64xf32>
    %mul3A_40 = arith.mulf %max3A_35, %mul3A_39 : vector<1024x64xf32>
    %swap3A = arith.constant 0 : index
    %swap3A_41 = arith.constant 0 : index
    %swap3A_42 = vector.load %arg5[%swap3A, %swap3A_41] : memref<1024x64xf32, #tpu.memory_space<vmem>>, vector<1024x64xf32>
    tpu.vector_store %arg5[%swap3A, %swap3A_41], %mul3A_40 {strides = array<i32>} : memref<1024x64xf32, #tpu.memory_space<vmem>>, vector<1024x64xf32>,
    return
  }
  func.func @transform_0(%arg0: i32) -> (i32, i32, i32) {
    %c0_i32 = arith.constant 0 : i32
    %c0_i32_0 = arith.constant 0 : i32
    %c0_i32_1 = arith.constant 0 : i32
    return %c0_i32, %arg0, %c0_i32_0 : i32, i32, i32
  }
  func.func @transform_1(%arg0: i32) -> (i32, i32) {
    %c0_i32 = arith.constant 0 : i32
    %c0_i32_0 = arith.constant 0 : i32
    return %arg0, %c0_i32 : i32, i32
  }
  func.func @transform_2(%arg0: i32) -> (i32, i32) {
    %c0_i32 = arith.constant 0 : i32
    %c0_i32_0 = arith.constant 0 : i32
    return %arg0, %c0_i32 : i32, i32
  }
  func.func @transform_3(%arg0: i32) -> (i32, i32) {
    %c0_i32 = arith.constant 0 : i32
    %c0_i32_0 = arith.constant 0 : i32
    %c0_i32_1 = arith.constant 0 : i32
    return %c0_i32, %c0_i32_0 : i32, i32
  }
  func.func @transform_4(%arg0: i32) -> (i32, i32) {
    %c0_i32 = arith.constant 0 : i32
    %c0_i32_0 = arith.constant 0 : i32
    return %arg0, %c0_i32 : i32, i32
  }
}

module attributes {stable_mosaic.version = 14 : i64} {
  func.func @_tc_layer_body(%arg0: i32, %arg1: memref<2x1024x64xf32, #tpu.memory_space<vmem>>, %arg2: memref<1024x1xf32, #tpu.memory_space<vmem>>, %arg3: memref<1024x64xf32, #tpu.memory_space<vmem>>, %arg4: memref<64x64xf32, #tpu.memory_space<vmem>>, %arg5: memref<1024x64xf32, #tpu.memory_space<vmem>>) attributes {dimension_semantics = [#tpu.dimension_semantics<arbitrary>], iteration_bounds = array<i64: 10>, scalar_prefetch = 0 : i64, scratch_operands = 0 : i64, tpu.core_type = #tpu.core_type<tc>, window_params = [{transform_indices = @transform_0, window_bounds = array<i64: 2, 1024, 64>}, {transform_indices = @transform_1, window_bounds = array<i64: 1024, 1>}, {transform_indices = @transform_2, window_bounds = array<i64: 1024, 64>}, {pipeline_mode = #tpu.pipeline_mode<synchronous>, transform_indices = @transform_3, window_bounds = array<i64: 64, 64>}, {transform_indices = @transform_4, window_bounds = array<i64: 1024, 64>}]} {
    %get3A = arith.constant 0 : index
    %get3A_0 = arith.constant 0 : index
    %get3A_1 = arith.constant 0 : index
    %get3A_2 = vector.load %arg1[%get3A, %get3A_0, %get3A_1] : memref<2x1024x64xf32, #tpu.memory_space<vmem>>, vector<1x1024x64xf32>
    %get3A_3 = vector.shape_cast %get3A_2 : vector<1x1024x64xf32> to vector<1024x64xf32>
    %get3A_4 = arith.constant 1 : index
    %get3A_5 = arith.constant 0 : index
    %get3A_6 = arith.constant 0 : index
    %get3A_7 = vector.load %arg1[%get3A_4, %get3A_5, %get3A_6] : memref<2x1024x64xf32, #tpu.memory_space<vmem>>, vector<1x1024x64xf32>
    %get3A_8 = vector.shape_cast %get3A_7 : vector<1x1024x64xf32> to vector<1024x64xf32>
    %add3A = arith.addf %get3A_3, %get3A_8 : vector<1024x64xf32>
    %get3A_9 = arith.constant 0 : index
    %get3A_10 = arith.constant 0 : index
    %get3A_11 = vector.load %arg2[%get3A_9, %get3A_10] : memref<1024x1xf32, #tpu.memory_space<vmem>>, vector<1024x1xf32>
    %mul3A = vector.broadcast %get3A_11 : vector<1024x1xf32> to vector<1024x64xf32>
    %mul3A_12 = arith.mulf %add3A, %mul3A : vector<1024x64xf32>
    %mul3A_13 = arith.constant 0.899999976 : f32
    %mul3A_14 = vector.broadcast %mul3A_13 : f32 to vector<1024x64xf32>
    %mul3A_15 = arith.mulf %mul3A_14, %mul3A_12 : vector<1024x64xf32>
    %get3A_16 = arith.constant 0 : index
    %get3A_17 = arith.constant 0 : index
    %get3A_18 = vector.load %arg3[%get3A_16, %get3A_17] : memref<1024x64xf32, #tpu.memory_space<vmem>>, vector<1024x64xf32>
    %mul3A_19 = arith.constant 1.000000e-01 : f32
    %mul3A_20 = vector.broadcast %mul3A_19 : f32 to vector<1024x64xf32>
    %mul3A_21 = arith.mulf %mul3A_20, %get3A_18 : vector<1024x64xf32>
    %add3A_22 = arith.addf %mul3A_15, %mul3A_21 : vector<1024x64xf32>
    %mul3A_23 = arith.constant 0.776856422 : f32
    %mul3A_24 = vector.broadcast %mul3A_23 : f32 to vector<1024x64xf32>
    %mul3A_25 = arith.mulf %mul3A_24, %add3A_22 : vector<1024x64xf32>
    %get3A_26 = arith.constant 0 : index
    %get3A_27 = arith.constant 0 : index
    %get3A_28 = vector.load %arg4[%get3A_26, %get3A_27] : memref<64x64xf32, #tpu.memory_space<vmem>>, vector<64x64xf32>
    %dot_general3A = arith.constant dense<0.000000e+00> : vector<1024x64xf32>
    %dot_general3A_29 = tpu.matmul %add3A_22, %get3A_28, %dot_general3A {dimension_numbers = #tpu.dot_dimension_numbers<[1], [0], [0], [1], [0, 0, 1, 1], [], []>, transpose_lhs_hint = false} : vector<1024x64xf32>, vector<64x64xf32>, vector<1024x64xf32> -> vector<1024x64xf32>
    %mul3A_30 = arith.constant 0.223143548 : f32
    %mul3A_31 = vector.broadcast %mul3A_30 : f32 to vector<1024x64xf32>
    %mul3A_32 = arith.mulf %mul3A_31, %dot_general3A_29 : vector<1024x64xf32>
    %add3A_33 = arith.addf %mul3A_25, %mul3A_32 : vector<1024x64xf32>
    %max3A = arith.constant 0.000000e+00 : f32
    %max3A_34 = vector.broadcast %max3A : f32 to vector<1024x64xf32>
    %max3A_35 = arith.maximumf %add3A_33, %max3A_34 : vector<1024x64xf32>
    %get3A_36 = arith.constant 0 : index
    %get3A_37 = arith.constant 0 : index
    %get3A_38 = vector.load %arg2[%get3A_36, %get3A_37] : memref<1024x1xf32, #tpu.memory_space<vmem>>, vector<1024x1xf32>
    %mul3A_39 = vector.broadcast %get3A_38 : vector<1024x1xf32> to vector<1024x64xf32>
    %mul3A_40 = arith.mulf %max3A_35, %mul3A_39 : vector<1024x64xf32>
    %swap3A = arith.constant 0 : index
    %swap3A_41 = arith.constant 0 : index
    %swap3A_42 = vector.load %arg5[%swap3A, %swap3A_41] : memref<1024x64xf32, #tpu.memory_space<vmem>>, vector<1024x64xf32>
    tpu.vector_store %arg5[%swap3A, %swap3A_41], %mul3A_40 {strides = array<i32>} : memref<1024x64xf32, #tpu.memory_space<vmem>>, vector<1024x64xf32>,
    return
  }
  func.func @transform_0(%arg0: i32) -> (i32, i32, i32) {
    %c0_i32 = arith.constant 0 : i32
    %c0_i32_0 = arith.constant 0 : i32
    %c0_i32_1 = arith.constant 0 : i32
    return %c0_i32, %arg0, %c0_i32_0 : i32, i32, i32
  }
  func.func @transform_1(%arg0: i32) -> (i32, i32) {
    %c0_i32 = arith.constant 0 : i32
    %c0_i32_0 = arith.constant 0 : i32
    return %arg0, %c0_i32 : i32, i32
  }
  func.func @transform_2(%arg0: i32) -> (i32, i32) {
    %c0_i32 = arith.constant 0 : i32
    %c0_i32_0 = arith.constant 0 : i32
    return %arg0, %c0_i32 : i32, i32
  }
  func.func @transform_3(%arg0: i32) -> (i32, i32) {
    %c0_i32 = arith.constant 0 : i32
    %c0_i32_0 = arith.constant 0 : i32
    %c0_i32_1 = arith.constant 0 : i32
    return %c0_i32, %c0_i32_0 : i32, i32
  }
  func.func @transform_4(%arg0: i32) -> (i32, i32) {
    %c0_i32 = arith.constant 0 : i32
    %c0_i32_0 = arith.constant 0 : i32
    return %arg0, %c0_i32 : i32, i32
  }
}

module attributes {stable_mosaic.version = 14 : i64} {
  func.func @_tc_layer_body(%arg0: i32, %arg1: memref<2x1024x64xf32, #tpu.memory_space<vmem>>, %arg2: memref<1024x1xf32, #tpu.memory_space<vmem>>, %arg3: memref<1024x64xf32, #tpu.memory_space<vmem>>, %arg4: memref<64x64xf32, #tpu.memory_space<vmem>>, %arg5: memref<1024x64xf32, #tpu.memory_space<vmem>>) attributes {dimension_semantics = [#tpu.dimension_semantics<arbitrary>], iteration_bounds = array<i64: 10>, scalar_prefetch = 0 : i64, scratch_operands = 0 : i64, tpu.core_type = #tpu.core_type<tc>, window_params = [{transform_indices = @transform_0, window_bounds = array<i64: 2, 1024, 64>}, {transform_indices = @transform_1, window_bounds = array<i64: 1024, 1>}, {transform_indices = @transform_2, window_bounds = array<i64: 1024, 64>}, {pipeline_mode = #tpu.pipeline_mode<synchronous>, transform_indices = @transform_3, window_bounds = array<i64: 64, 64>}, {transform_indices = @transform_4, window_bounds = array<i64: 1024, 64>}]} {
    %get3A = arith.constant 0 : index
    %get3A_0 = arith.constant 0 : index
    %get3A_1 = arith.constant 0 : index
    %get3A_2 = vector.load %arg1[%get3A, %get3A_0, %get3A_1] : memref<2x1024x64xf32, #tpu.memory_space<vmem>>, vector<1x1024x64xf32>
    %get3A_3 = vector.shape_cast %get3A_2 : vector<1x1024x64xf32> to vector<1024x64xf32>
    %get3A_4 = arith.constant 1 : index
    %get3A_5 = arith.constant 0 : index
    %get3A_6 = arith.constant 0 : index
    %get3A_7 = vector.load %arg1[%get3A_4, %get3A_5, %get3A_6] : memref<2x1024x64xf32, #tpu.memory_space<vmem>>, vector<1x1024x64xf32>
    %get3A_8 = vector.shape_cast %get3A_7 : vector<1x1024x64xf32> to vector<1024x64xf32>
    %add3A = arith.addf %get3A_3, %get3A_8 : vector<1024x64xf32>
    %get3A_9 = arith.constant 0 : index
    %get3A_10 = arith.constant 0 : index
    %get3A_11 = vector.load %arg2[%get3A_9, %get3A_10] : memref<1024x1xf32, #tpu.memory_space<vmem>>, vector<1024x1xf32>
    %mul3A = vector.broadcast %get3A_11 : vector<1024x1xf32> to vector<1024x64xf32>
    %mul3A_12 = arith.mulf %add3A, %mul3A : vector<1024x64xf32>
    %mul3A_13 = arith.constant 0.899999976 : f32
    %mul3A_14 = vector.broadcast %mul3A_13 : f32 to vector<1024x64xf32>
    %mul3A_15 = arith.mulf %mul3A_14, %mul3A_12 : vector<1024x64xf32>
    %get3A_16 = arith.constant 0 : index
    %get3A_17 = arith.constant 0 : index
    %get3A_18 = vector.load %arg3[%get3A_16, %get3A_17] : memref<1024x64xf32, #tpu.memory_space<vmem>>, vector<1024x64xf32>
    %mul3A_19 = arith.constant 1.000000e-01 : f32
    %mul3A_20 = vector.broadcast %mul3A_19 : f32 to vector<1024x64xf32>
    %mul3A_21 = arith.mulf %mul3A_20, %get3A_18 : vector<1024x64xf32>
    %add3A_22 = arith.addf %mul3A_15, %mul3A_21 : vector<1024x64xf32>
    %mul3A_23 = arith.constant 0.845849335 : f32
    %mul3A_24 = vector.broadcast %mul3A_23 : f32 to vector<1024x64xf32>
    %mul3A_25 = arith.mulf %mul3A_24, %add3A_22 : vector<1024x64xf32>
    %get3A_26 = arith.constant 0 : index
    %get3A_27 = arith.constant 0 : index
    %get3A_28 = vector.load %arg4[%get3A_26, %get3A_27] : memref<64x64xf32, #tpu.memory_space<vmem>>, vector<64x64xf32>
    %dot_general3A = arith.constant dense<0.000000e+00> : vector<1024x64xf32>
    %dot_general3A_29 = tpu.matmul %add3A_22, %get3A_28, %dot_general3A {dimension_numbers = #tpu.dot_dimension_numbers<[1], [0], [0], [1], [0, 0, 1, 1], [], []>, transpose_lhs_hint = false} : vector<1024x64xf32>, vector<64x64xf32>, vector<1024x64xf32> -> vector<1024x64xf32>
    %mul3A_30 = arith.constant 0.15415068 : f32
    %mul3A_31 = vector.broadcast %mul3A_30 : f32 to vector<1024x64xf32>
    %mul3A_32 = arith.mulf %mul3A_31, %dot_general3A_29 : vector<1024x64xf32>
    %add3A_33 = arith.addf %mul3A_25, %mul3A_32 : vector<1024x64xf32>
    %max3A = arith.constant 0.000000e+00 : f32
    %max3A_34 = vector.broadcast %max3A : f32 to vector<1024x64xf32>
    %max3A_35 = arith.maximumf %add3A_33, %max3A_34 : vector<1024x64xf32>
    %get3A_36 = arith.constant 0 : index
    %get3A_37 = arith.constant 0 : index
    %get3A_38 = vector.load %arg2[%get3A_36, %get3A_37] : memref<1024x1xf32, #tpu.memory_space<vmem>>, vector<1024x1xf32>
    %mul3A_39 = vector.broadcast %get3A_38 : vector<1024x1xf32> to vector<1024x64xf32>
    %mul3A_40 = arith.mulf %max3A_35, %mul3A_39 : vector<1024x64xf32>
    %swap3A = arith.constant 0 : index
    %swap3A_41 = arith.constant 0 : index
    %swap3A_42 = vector.load %arg5[%swap3A, %swap3A_41] : memref<1024x64xf32, #tpu.memory_space<vmem>>, vector<1024x64xf32>
    tpu.vector_store %arg5[%swap3A, %swap3A_41], %mul3A_40 {strides = array<i32>} : memref<1024x64xf32, #tpu.memory_space<vmem>>, vector<1024x64xf32>,
    return
  }
  func.func @transform_0(%arg0: i32) -> (i32, i32, i32) {
    %c0_i32 = arith.constant 0 : i32
    %c0_i32_0 = arith.constant 0 : i32
    %c0_i32_1 = arith.constant 0 : i32
    return %c0_i32, %arg0, %c0_i32_0 : i32, i32, i32
  }
  func.func @transform_1(%arg0: i32) -> (i32, i32) {
    %c0_i32 = arith.constant 0 : i32
    %c0_i32_0 = arith.constant 0 : i32
    return %arg0, %c0_i32 : i32, i32
  }
  func.func @transform_2(%arg0: i32) -> (i32, i32) {
    %c0_i32 = arith.constant 0 : i32
    %c0_i32_0 = arith.constant 0 : i32
    return %arg0, %c0_i32 : i32, i32
  }
  func.func @transform_3(%arg0: i32) -> (i32, i32) {
    %c0_i32 = arith.constant 0 : i32
    %c0_i32_0 = arith.constant 0 : i32
    %c0_i32_1 = arith.constant 0 : i32
    return %c0_i32, %c0_i32_0 : i32, i32
  }
  func.func @transform_4(%arg0: i32) -> (i32, i32) {
    %c0_i32 = arith.constant 0 : i32
    %c0_i32_0 = arith.constant 0 : i32
    return %arg0, %c0_i32 : i32, i32
  }
}

module attributes {stable_mosaic.version = 14 : i64} {
  func.func @_tc_layer_body(%arg0: i32, %arg1: memref<2x1024x64xf32, #tpu.memory_space<vmem>>, %arg2: memref<1024x1xf32, #tpu.memory_space<vmem>>, %arg3: memref<1024x64xf32, #tpu.memory_space<vmem>>, %arg4: memref<64x64xf32, #tpu.memory_space<vmem>>, %arg5: memref<1024x64xf32, #tpu.memory_space<vmem>>) attributes {dimension_semantics = [#tpu.dimension_semantics<arbitrary>], iteration_bounds = array<i64: 10>, scalar_prefetch = 0 : i64, scratch_operands = 0 : i64, tpu.core_type = #tpu.core_type<tc>, window_params = [{transform_indices = @transform_0, window_bounds = array<i64: 2, 1024, 64>}, {transform_indices = @transform_1, window_bounds = array<i64: 1024, 1>}, {transform_indices = @transform_2, window_bounds = array<i64: 1024, 64>}, {pipeline_mode = #tpu.pipeline_mode<synchronous>, transform_indices = @transform_3, window_bounds = array<i64: 64, 64>}, {transform_indices = @transform_4, window_bounds = array<i64: 1024, 64>}]} {
    %get3A = arith.constant 0 : index
    %get3A_0 = arith.constant 0 : index
    %get3A_1 = arith.constant 0 : index
    %get3A_2 = vector.load %arg1[%get3A, %get3A_0, %get3A_1] : memref<2x1024x64xf32, #tpu.memory_space<vmem>>, vector<1x1024x64xf32>
    %get3A_3 = vector.shape_cast %get3A_2 : vector<1x1024x64xf32> to vector<1024x64xf32>
    %get3A_4 = arith.constant 1 : index
    %get3A_5 = arith.constant 0 : index
    %get3A_6 = arith.constant 0 : index
    %get3A_7 = vector.load %arg1[%get3A_4, %get3A_5, %get3A_6] : memref<2x1024x64xf32, #tpu.memory_space<vmem>>, vector<1x1024x64xf32>
    %get3A_8 = vector.shape_cast %get3A_7 : vector<1x1024x64xf32> to vector<1024x64xf32>
    %add3A = arith.addf %get3A_3, %get3A_8 : vector<1024x64xf32>
    %get3A_9 = arith.constant 0 : index
    %get3A_10 = arith.constant 0 : index
    %get3A_11 = vector.load %arg2[%get3A_9, %get3A_10] : memref<1024x1xf32, #tpu.memory_space<vmem>>, vector<1024x1xf32>
    %mul3A = vector.broadcast %get3A_11 : vector<1024x1xf32> to vector<1024x64xf32>
    %mul3A_12 = arith.mulf %add3A, %mul3A : vector<1024x64xf32>
    %mul3A_13 = arith.constant 0.899999976 : f32
    %mul3A_14 = vector.broadcast %mul3A_13 : f32 to vector<1024x64xf32>
    %mul3A_15 = arith.mulf %mul3A_14, %mul3A_12 : vector<1024x64xf32>
    %get3A_16 = arith.constant 0 : index
    %get3A_17 = arith.constant 0 : index
    %get3A_18 = vector.load %arg3[%get3A_16, %get3A_17] : memref<1024x64xf32, #tpu.memory_space<vmem>>, vector<1024x64xf32>
    %mul3A_19 = arith.constant 1.000000e-01 : f32
    %mul3A_20 = vector.broadcast %mul3A_19 : f32 to vector<1024x64xf32>
    %mul3A_21 = arith.mulf %mul3A_20, %get3A_18 : vector<1024x64xf32>
    %add3A_22 = arith.addf %mul3A_15, %mul3A_21 : vector<1024x64xf32>
    %mul3A_23 = arith.constant 0.882216989 : f32
    %mul3A_24 = vector.broadcast %mul3A_23 : f32 to vector<1024x64xf32>
    %mul3A_25 = arith.mulf %mul3A_24, %add3A_22 : vector<1024x64xf32>
    %get3A_26 = arith.constant 0 : index
    %get3A_27 = arith.constant 0 : index
    %get3A_28 = vector.load %arg4[%get3A_26, %get3A_27] : memref<64x64xf32, #tpu.memory_space<vmem>>, vector<64x64xf32>
    %dot_general3A = arith.constant dense<0.000000e+00> : vector<1024x64xf32>
    %dot_general3A_29 = tpu.matmul %add3A_22, %get3A_28, %dot_general3A {dimension_numbers = #tpu.dot_dimension_numbers<[1], [0], [0], [1], [0, 0, 1, 1], [], []>, transpose_lhs_hint = false} : vector<1024x64xf32>, vector<64x64xf32>, vector<1024x64xf32> -> vector<1024x64xf32>
    %mul3A_30 = arith.constant 0.117783032 : f32
    %mul3A_31 = vector.broadcast %mul3A_30 : f32 to vector<1024x64xf32>
    %mul3A_32 = arith.mulf %mul3A_31, %dot_general3A_29 : vector<1024x64xf32>
    %add3A_33 = arith.addf %mul3A_25, %mul3A_32 : vector<1024x64xf32>
    %max3A = arith.constant 0.000000e+00 : f32
    %max3A_34 = vector.broadcast %max3A : f32 to vector<1024x64xf32>
    %max3A_35 = arith.maximumf %add3A_33, %max3A_34 : vector<1024x64xf32>
    %get3A_36 = arith.constant 0 : index
    %get3A_37 = arith.constant 0 : index
    %get3A_38 = vector.load %arg2[%get3A_36, %get3A_37] : memref<1024x1xf32, #tpu.memory_space<vmem>>, vector<1024x1xf32>
    %mul3A_39 = vector.broadcast %get3A_38 : vector<1024x1xf32> to vector<1024x64xf32>
    %mul3A_40 = arith.mulf %max3A_35, %mul3A_39 : vector<1024x64xf32>
    %swap3A = arith.constant 0 : index
    %swap3A_41 = arith.constant 0 : index
    %swap3A_42 = vector.load %arg5[%swap3A, %swap3A_41] : memref<1024x64xf32, #tpu.memory_space<vmem>>, vector<1024x64xf32>
    tpu.vector_store %arg5[%swap3A, %swap3A_41], %mul3A_40 {strides = array<i32>} : memref<1024x64xf32, #tpu.memory_space<vmem>>, vector<1024x64xf32>,
    return
  }
  func.func @transform_0(%arg0: i32) -> (i32, i32, i32) {
    %c0_i32 = arith.constant 0 : i32
    %c0_i32_0 = arith.constant 0 : i32
    %c0_i32_1 = arith.constant 0 : i32
    return %c0_i32, %arg0, %c0_i32_0 : i32, i32, i32
  }
  func.func @transform_1(%arg0: i32) -> (i32, i32) {
    %c0_i32 = arith.constant 0 : i32
    %c0_i32_0 = arith.constant 0 : i32
    return %arg0, %c0_i32 : i32, i32
  }
  func.func @transform_2(%arg0: i32) -> (i32, i32) {
    %c0_i32 = arith.constant 0 : i32
    %c0_i32_0 = arith.constant 0 : i32
    return %arg0, %c0_i32 : i32, i32
  }
  func.func @transform_3(%arg0: i32) -> (i32, i32) {
    %c0_i32 = arith.constant 0 : i32
    %c0_i32_0 = arith.constant 0 : i32
    %c0_i32_1 = arith.constant 0 : i32
    return %c0_i32, %c0_i32_0 : i32, i32
  }
  func.func @transform_4(%arg0: i32) -> (i32, i32) {
    %c0_i32 = arith.constant 0 : i32
    %c0_i32_0 = arith.constant 0 : i32
    return %arg0, %c0_i32 : i32, i32
  }
}

module attributes {stable_mosaic.version = 14 : i64} {
  func.func @_tc_layer_body(%arg0: i32, %arg1: memref<2x1024x64xf32, #tpu.memory_space<vmem>>, %arg2: memref<1024x1xf32, #tpu.memory_space<vmem>>, %arg3: memref<1024x64xf32, #tpu.memory_space<vmem>>, %arg4: memref<64x64xf32, #tpu.memory_space<vmem>>, %arg5: memref<1024x64xf32, #tpu.memory_space<vmem>>) attributes {dimension_semantics = [#tpu.dimension_semantics<arbitrary>], iteration_bounds = array<i64: 10>, scalar_prefetch = 0 : i64, scratch_operands = 0 : i64, tpu.core_type = #tpu.core_type<tc>, window_params = [{transform_indices = @transform_0, window_bounds = array<i64: 2, 1024, 64>}, {transform_indices = @transform_1, window_bounds = array<i64: 1024, 1>}, {transform_indices = @transform_2, window_bounds = array<i64: 1024, 64>}, {pipeline_mode = #tpu.pipeline_mode<synchronous>, transform_indices = @transform_3, window_bounds = array<i64: 64, 64>}, {transform_indices = @transform_4, window_bounds = array<i64: 1024, 64>}]} {
    %get3A = arith.constant 0 : index
    %get3A_0 = arith.constant 0 : index
    %get3A_1 = arith.constant 0 : index
    %get3A_2 = vector.load %arg1[%get3A, %get3A_0, %get3A_1] : memref<2x1024x64xf32, #tpu.memory_space<vmem>>, vector<1x1024x64xf32>
    %get3A_3 = vector.shape_cast %get3A_2 : vector<1x1024x64xf32> to vector<1024x64xf32>
    %get3A_4 = arith.constant 1 : index
    %get3A_5 = arith.constant 0 : index
    %get3A_6 = arith.constant 0 : index
    %get3A_7 = vector.load %arg1[%get3A_4, %get3A_5, %get3A_6] : memref<2x1024x64xf32, #tpu.memory_space<vmem>>, vector<1x1024x64xf32>
    %get3A_8 = vector.shape_cast %get3A_7 : vector<1x1024x64xf32> to vector<1024x64xf32>
    %add3A = arith.addf %get3A_3, %get3A_8 : vector<1024x64xf32>
    %get3A_9 = arith.constant 0 : index
    %get3A_10 = arith.constant 0 : index
    %get3A_11 = vector.load %arg2[%get3A_9, %get3A_10] : memref<1024x1xf32, #tpu.memory_space<vmem>>, vector<1024x1xf32>
    %mul3A = vector.broadcast %get3A_11 : vector<1024x1xf32> to vector<1024x64xf32>
    %mul3A_12 = arith.mulf %add3A, %mul3A : vector<1024x64xf32>
    %mul3A_13 = arith.constant 0.899999976 : f32
    %mul3A_14 = vector.broadcast %mul3A_13 : f32 to vector<1024x64xf32>
    %mul3A_15 = arith.mulf %mul3A_14, %mul3A_12 : vector<1024x64xf32>
    %get3A_16 = arith.constant 0 : index
    %get3A_17 = arith.constant 0 : index
    %get3A_18 = vector.load %arg3[%get3A_16, %get3A_17] : memref<1024x64xf32, #tpu.memory_space<vmem>>, vector<1024x64xf32>
    %mul3A_19 = arith.constant 1.000000e-01 : f32
    %mul3A_20 = vector.broadcast %mul3A_19 : f32 to vector<1024x64xf32>
    %mul3A_21 = arith.mulf %mul3A_20, %get3A_18 : vector<1024x64xf32>
    %add3A_22 = arith.addf %mul3A_15, %mul3A_21 : vector<1024x64xf32>
    %mul3A_23 = arith.constant 0.904689848 : f32
    %mul3A_24 = vector.broadcast %mul3A_23 : f32 to vector<1024x64xf32>
    %mul3A_25 = arith.mulf %mul3A_24, %add3A_22 : vector<1024x64xf32>
    %get3A_26 = arith.constant 0 : index
    %get3A_27 = arith.constant 0 : index
    %get3A_28 = vector.load %arg4[%get3A_26, %get3A_27] : memref<64x64xf32, #tpu.memory_space<vmem>>, vector<64x64xf32>
    %dot_general3A = arith.constant dense<0.000000e+00> : vector<1024x64xf32>
    %dot_general3A_29 = tpu.matmul %add3A_22, %get3A_28, %dot_general3A {dimension_numbers = #tpu.dot_dimension_numbers<[1], [0], [0], [1], [0, 0, 1, 1], [], []>, transpose_lhs_hint = false} : vector<1024x64xf32>, vector<64x64xf32>, vector<1024x64xf32> -> vector<1024x64xf32>
    %mul3A_30 = arith.constant 0.0953101813 : f32
    %mul3A_31 = vector.broadcast %mul3A_30 : f32 to vector<1024x64xf32>
    %mul3A_32 = arith.mulf %mul3A_31, %dot_general3A_29 : vector<1024x64xf32>
    %add3A_33 = arith.addf %mul3A_25, %mul3A_32 : vector<1024x64xf32>
    %max3A = arith.constant 0.000000e+00 : f32
    %max3A_34 = vector.broadcast %max3A : f32 to vector<1024x64xf32>
    %max3A_35 = arith.maximumf %add3A_33, %max3A_34 : vector<1024x64xf32>
    %get3A_36 = arith.constant 0 : index
    %get3A_37 = arith.constant 0 : index
    %get3A_38 = vector.load %arg2[%get3A_36, %get3A_37] : memref<1024x1xf32, #tpu.memory_space<vmem>>, vector<1024x1xf32>
    %mul3A_39 = vector.broadcast %get3A_38 : vector<1024x1xf32> to vector<1024x64xf32>
    %mul3A_40 = arith.mulf %max3A_35, %mul3A_39 : vector<1024x64xf32>
    %swap3A = arith.constant 0 : index
    %swap3A_41 = arith.constant 0 : index
    %swap3A_42 = vector.load %arg5[%swap3A, %swap3A_41] : memref<1024x64xf32, #tpu.memory_space<vmem>>, vector<1024x64xf32>
    tpu.vector_store %arg5[%swap3A, %swap3A_41], %mul3A_40 {strides = array<i32>} : memref<1024x64xf32, #tpu.memory_space<vmem>>, vector<1024x64xf32>,
    return
  }
  func.func @transform_0(%arg0: i32) -> (i32, i32, i32) {
    %c0_i32 = arith.constant 0 : i32
    %c0_i32_0 = arith.constant 0 : i32
    %c0_i32_1 = arith.constant 0 : i32
    return %c0_i32, %arg0, %c0_i32_0 : i32, i32, i32
  }
  func.func @transform_1(%arg0: i32) -> (i32, i32) {
    %c0_i32 = arith.constant 0 : i32
    %c0_i32_0 = arith.constant 0 : i32
    return %arg0, %c0_i32 : i32, i32
  }
  func.func @transform_2(%arg0: i32) -> (i32, i32) {
    %c0_i32 = arith.constant 0 : i32
    %c0_i32_0 = arith.constant 0 : i32
    return %arg0, %c0_i32 : i32, i32
  }
  func.func @transform_3(%arg0: i32) -> (i32, i32) {
    %c0_i32 = arith.constant 0 : i32
    %c0_i32_0 = arith.constant 0 : i32
    %c0_i32_1 = arith.constant 0 : i32
    return %c0_i32, %c0_i32_0 : i32, i32
  }
  func.func @transform_4(%arg0: i32) -> (i32, i32) {
    %c0_i32 = arith.constant 0 : i32
    %c0_i32_0 = arith.constant 0 : i32
    return %arg0, %c0_i32 : i32, i32
  }
}

module attributes {stable_mosaic.version = 14 : i64} {
  func.func @_tc_layer_body(%arg0: i32, %arg1: memref<2x1024x64xf32, #tpu.memory_space<vmem>>, %arg2: memref<1024x1xf32, #tpu.memory_space<vmem>>, %arg3: memref<1024x64xf32, #tpu.memory_space<vmem>>, %arg4: memref<64x64xf32, #tpu.memory_space<vmem>>, %arg5: memref<1024x64xf32, #tpu.memory_space<vmem>>) attributes {dimension_semantics = [#tpu.dimension_semantics<arbitrary>], iteration_bounds = array<i64: 10>, scalar_prefetch = 0 : i64, scratch_operands = 0 : i64, tpu.core_type = #tpu.core_type<tc>, window_params = [{transform_indices = @transform_0, window_bounds = array<i64: 2, 1024, 64>}, {transform_indices = @transform_1, window_bounds = array<i64: 1024, 1>}, {transform_indices = @transform_2, window_bounds = array<i64: 1024, 64>}, {pipeline_mode = #tpu.pipeline_mode<synchronous>, transform_indices = @transform_3, window_bounds = array<i64: 64, 64>}, {transform_indices = @transform_4, window_bounds = array<i64: 1024, 64>}]} {
    %get3A = arith.constant 0 : index
    %get3A_0 = arith.constant 0 : index
    %get3A_1 = arith.constant 0 : index
    %get3A_2 = vector.load %arg1[%get3A, %get3A_0, %get3A_1] : memref<2x1024x64xf32, #tpu.memory_space<vmem>>, vector<1x1024x64xf32>
    %get3A_3 = vector.shape_cast %get3A_2 : vector<1x1024x64xf32> to vector<1024x64xf32>
    %get3A_4 = arith.constant 1 : index
    %get3A_5 = arith.constant 0 : index
    %get3A_6 = arith.constant 0 : index
    %get3A_7 = vector.load %arg1[%get3A_4, %get3A_5, %get3A_6] : memref<2x1024x64xf32, #tpu.memory_space<vmem>>, vector<1x1024x64xf32>
    %get3A_8 = vector.shape_cast %get3A_7 : vector<1x1024x64xf32> to vector<1024x64xf32>
    %add3A = arith.addf %get3A_3, %get3A_8 : vector<1024x64xf32>
    %get3A_9 = arith.constant 0 : index
    %get3A_10 = arith.constant 0 : index
    %get3A_11 = vector.load %arg2[%get3A_9, %get3A_10] : memref<1024x1xf32, #tpu.memory_space<vmem>>, vector<1024x1xf32>
    %mul3A = vector.broadcast %get3A_11 : vector<1024x1xf32> to vector<1024x64xf32>
    %mul3A_12 = arith.mulf %add3A, %mul3A : vector<1024x64xf32>
    %mul3A_13 = arith.constant 0.899999976 : f32
    %mul3A_14 = vector.broadcast %mul3A_13 : f32 to vector<1024x64xf32>
    %mul3A_15 = arith.mulf %mul3A_14, %mul3A_12 : vector<1024x64xf32>
    %get3A_16 = arith.constant 0 : index
    %get3A_17 = arith.constant 0 : index
    %get3A_18 = vector.load %arg3[%get3A_16, %get3A_17] : memref<1024x64xf32, #tpu.memory_space<vmem>>, vector<1024x64xf32>
    %mul3A_19 = arith.constant 1.000000e-01 : f32
    %mul3A_20 = vector.broadcast %mul3A_19 : f32 to vector<1024x64xf32>
    %mul3A_21 = arith.mulf %mul3A_20, %get3A_18 : vector<1024x64xf32>
    %add3A_22 = arith.addf %mul3A_15, %mul3A_21 : vector<1024x64xf32>
    %mul3A_23 = arith.constant 0.91995728 : f32
    %mul3A_24 = vector.broadcast %mul3A_23 : f32 to vector<1024x64xf32>
    %mul3A_25 = arith.mulf %mul3A_24, %add3A_22 : vector<1024x64xf32>
    %get3A_26 = arith.constant 0 : index
    %get3A_27 = arith.constant 0 : index
    %get3A_28 = vector.load %arg4[%get3A_26, %get3A_27] : memref<64x64xf32, #tpu.memory_space<vmem>>, vector<64x64xf32>
    %dot_general3A = arith.constant dense<0.000000e+00> : vector<1024x64xf32>
    %dot_general3A_29 = tpu.matmul %add3A_22, %get3A_28, %dot_general3A {dimension_numbers = #tpu.dot_dimension_numbers<[1], [0], [0], [1], [0, 0, 1, 1], [], []>, transpose_lhs_hint = false} : vector<1024x64xf32>, vector<64x64xf32>, vector<1024x64xf32> -> vector<1024x64xf32>
    %mul3A_30 = arith.constant 0.0800427049 : f32
    %mul3A_31 = vector.broadcast %mul3A_30 : f32 to vector<1024x64xf32>
    %mul3A_32 = arith.mulf %mul3A_31, %dot_general3A_29 : vector<1024x64xf32>
    %add3A_33 = arith.addf %mul3A_25, %mul3A_32 : vector<1024x64xf32>
    %max3A = arith.constant 0.000000e+00 : f32
    %max3A_34 = vector.broadcast %max3A : f32 to vector<1024x64xf32>
    %max3A_35 = arith.maximumf %add3A_33, %max3A_34 : vector<1024x64xf32>
    %get3A_36 = arith.constant 0 : index
    %get3A_37 = arith.constant 0 : index
    %get3A_38 = vector.load %arg2[%get3A_36, %get3A_37] : memref<1024x1xf32, #tpu.memory_space<vmem>>, vector<1024x1xf32>
    %mul3A_39 = vector.broadcast %get3A_38 : vector<1024x1xf32> to vector<1024x64xf32>
    %mul3A_40 = arith.mulf %max3A_35, %mul3A_39 : vector<1024x64xf32>
    %swap3A = arith.constant 0 : index
    %swap3A_41 = arith.constant 0 : index
    %swap3A_42 = vector.load %arg5[%swap3A, %swap3A_41] : memref<1024x64xf32, #tpu.memory_space<vmem>>, vector<1024x64xf32>
    tpu.vector_store %arg5[%swap3A, %swap3A_41], %mul3A_40 {strides = array<i32>} : memref<1024x64xf32, #tpu.memory_space<vmem>>, vector<1024x64xf32>,
    return
  }
  func.func @transform_0(%arg0: i32) -> (i32, i32, i32) {
    %c0_i32 = arith.constant 0 : i32
    %c0_i32_0 = arith.constant 0 : i32
    %c0_i32_1 = arith.constant 0 : i32
    return %c0_i32, %arg0, %c0_i32_0 : i32, i32, i32
  }
  func.func @transform_1(%arg0: i32) -> (i32, i32) {
    %c0_i32 = arith.constant 0 : i32
    %c0_i32_0 = arith.constant 0 : i32
    return %arg0, %c0_i32 : i32, i32
  }
  func.func @transform_2(%arg0: i32) -> (i32, i32) {
    %c0_i32 = arith.constant 0 : i32
    %c0_i32_0 = arith.constant 0 : i32
    return %arg0, %c0_i32 : i32, i32
  }
  func.func @transform_3(%arg0: i32) -> (i32, i32) {
    %c0_i32 = arith.constant 0 : i32
    %c0_i32_0 = arith.constant 0 : i32
    %c0_i32_1 = arith.constant 0 : i32
    return %c0_i32, %c0_i32_0 : i32, i32
  }
  func.func @transform_4(%arg0: i32) -> (i32, i32) {
    %c0_i32 = arith.constant 0 : i32
    %c0_i32_0 = arith.constant 0 : i32
    return %arg0, %c0_i32 : i32, i32
  }
}

module attributes {stable_mosaic.version = 14 : i64} {
  func.func @_tc_layer_body(%arg0: i32, %arg1: memref<2x1024x64xf32, #tpu.memory_space<vmem>>, %arg2: memref<1024x1xf32, #tpu.memory_space<vmem>>, %arg3: memref<1024x64xf32, #tpu.memory_space<vmem>>, %arg4: memref<64x64xf32, #tpu.memory_space<vmem>>, %arg5: memref<1024x64xf32, #tpu.memory_space<vmem>>) attributes {dimension_semantics = [#tpu.dimension_semantics<arbitrary>], iteration_bounds = array<i64: 10>, scalar_prefetch = 0 : i64, scratch_operands = 0 : i64, tpu.core_type = #tpu.core_type<tc>, window_params = [{transform_indices = @transform_0, window_bounds = array<i64: 2, 1024, 64>}, {transform_indices = @transform_1, window_bounds = array<i64: 1024, 1>}, {transform_indices = @transform_2, window_bounds = array<i64: 1024, 64>}, {pipeline_mode = #tpu.pipeline_mode<synchronous>, transform_indices = @transform_3, window_bounds = array<i64: 64, 64>}, {transform_indices = @transform_4, window_bounds = array<i64: 1024, 64>}]} {
    %get3A = arith.constant 0 : index
    %get3A_0 = arith.constant 0 : index
    %get3A_1 = arith.constant 0 : index
    %get3A_2 = vector.load %arg1[%get3A, %get3A_0, %get3A_1] : memref<2x1024x64xf32, #tpu.memory_space<vmem>>, vector<1x1024x64xf32>
    %get3A_3 = vector.shape_cast %get3A_2 : vector<1x1024x64xf32> to vector<1024x64xf32>
    %get3A_4 = arith.constant 1 : index
    %get3A_5 = arith.constant 0 : index
    %get3A_6 = arith.constant 0 : index
    %get3A_7 = vector.load %arg1[%get3A_4, %get3A_5, %get3A_6] : memref<2x1024x64xf32, #tpu.memory_space<vmem>>, vector<1x1024x64xf32>
    %get3A_8 = vector.shape_cast %get3A_7 : vector<1x1024x64xf32> to vector<1024x64xf32>
    %add3A = arith.addf %get3A_3, %get3A_8 : vector<1024x64xf32>
    %get3A_9 = arith.constant 0 : index
    %get3A_10 = arith.constant 0 : index
    %get3A_11 = vector.load %arg2[%get3A_9, %get3A_10] : memref<1024x1xf32, #tpu.memory_space<vmem>>, vector<1024x1xf32>
    %mul3A = vector.broadcast %get3A_11 : vector<1024x1xf32> to vector<1024x64xf32>
    %mul3A_12 = arith.mulf %add3A, %mul3A : vector<1024x64xf32>
    %mul3A_13 = arith.constant 0.899999976 : f32
    %mul3A_14 = vector.broadcast %mul3A_13 : f32 to vector<1024x64xf32>
    %mul3A_15 = arith.mulf %mul3A_14, %mul3A_12 : vector<1024x64xf32>
    %get3A_16 = arith.constant 0 : index
    %get3A_17 = arith.constant 0 : index
    %get3A_18 = vector.load %arg3[%get3A_16, %get3A_17] : memref<1024x64xf32, #tpu.memory_space<vmem>>, vector<1024x64xf32>
    %mul3A_19 = arith.constant 1.000000e-01 : f32
    %mul3A_20 = vector.broadcast %mul3A_19 : f32 to vector<1024x64xf32>
    %mul3A_21 = arith.mulf %mul3A_20, %get3A_18 : vector<1024x64xf32>
    %add3A_22 = arith.addf %mul3A_15, %mul3A_21 : vector<1024x64xf32>
    %mul3A_23 = arith.constant 0.931007147 : f32
    %mul3A_24 = vector.broadcast %mul3A_23 : f32 to vector<1024x64xf32>
    %mul3A_25 = arith.mulf %mul3A_24, %add3A_22 : vector<1024x64xf32>
    %get3A_26 = arith.constant 0 : index
    %get3A_27 = arith.constant 0 : index
    %get3A_28 = vector.load %arg4[%get3A_26, %get3A_27] : memref<64x64xf32, #tpu.memory_space<vmem>>, vector<64x64xf32>
    %dot_general3A = arith.constant dense<0.000000e+00> : vector<1024x64xf32>
    %dot_general3A_29 = tpu.matmul %add3A_22, %get3A_28, %dot_general3A {dimension_numbers = #tpu.dot_dimension_numbers<[1], [0], [0], [1], [0, 0, 1, 1], [], []>, transpose_lhs_hint = false} : vector<1024x64xf32>, vector<64x64xf32>, vector<1024x64xf32> -> vector<1024x64xf32>
    %mul3A_30 = arith.constant 0.0689928681 : f32
    %mul3A_31 = vector.broadcast %mul3A_30 : f32 to vector<1024x64xf32>
    %mul3A_32 = arith.mulf %mul3A_31, %dot_general3A_29 : vector<1024x64xf32>
    %add3A_33 = arith.addf %mul3A_25, %mul3A_32 : vector<1024x64xf32>
    %max3A = arith.constant 0.000000e+00 : f32
    %max3A_34 = vector.broadcast %max3A : f32 to vector<1024x64xf32>
    %max3A_35 = arith.maximumf %add3A_33, %max3A_34 : vector<1024x64xf32>
    %get3A_36 = arith.constant 0 : index
    %get3A_37 = arith.constant 0 : index
    %get3A_38 = vector.load %arg2[%get3A_36, %get3A_37] : memref<1024x1xf32, #tpu.memory_space<vmem>>, vector<1024x1xf32>
    %mul3A_39 = vector.broadcast %get3A_38 : vector<1024x1xf32> to vector<1024x64xf32>
    %mul3A_40 = arith.mulf %max3A_35, %mul3A_39 : vector<1024x64xf32>
    %swap3A = arith.constant 0 : index
    %swap3A_41 = arith.constant 0 : index
    %swap3A_42 = vector.load %arg5[%swap3A, %swap3A_41] : memref<1024x64xf32, #tpu.memory_space<vmem>>, vector<1024x64xf32>
    tpu.vector_store %arg5[%swap3A, %swap3A_41], %mul3A_40 {strides = array<i32>} : memref<1024x64xf32, #tpu.memory_space<vmem>>, vector<1024x64xf32>,
    return
  }
  func.func @transform_0(%arg0: i32) -> (i32, i32, i32) {
    %c0_i32 = arith.constant 0 : i32
    %c0_i32_0 = arith.constant 0 : i32
    %c0_i32_1 = arith.constant 0 : i32
    return %c0_i32, %arg0, %c0_i32_0 : i32, i32, i32
  }
  func.func @transform_1(%arg0: i32) -> (i32, i32) {
    %c0_i32 = arith.constant 0 : i32
    %c0_i32_0 = arith.constant 0 : i32
    return %arg0, %c0_i32 : i32, i32
  }
  func.func @transform_2(%arg0: i32) -> (i32, i32) {
    %c0_i32 = arith.constant 0 : i32
    %c0_i32_0 = arith.constant 0 : i32
    return %arg0, %c0_i32 : i32, i32
  }
  func.func @transform_3(%arg0: i32) -> (i32, i32) {
    %c0_i32 = arith.constant 0 : i32
    %c0_i32_0 = arith.constant 0 : i32
    %c0_i32_1 = arith.constant 0 : i32
    return %c0_i32, %c0_i32_0 : i32, i32
  }
  func.func @transform_4(%arg0: i32) -> (i32, i32) {
    %c0_i32 = arith.constant 0 : i32
    %c0_i32_0 = arith.constant 0 : i32
    return %arg0, %c0_i32 : i32, i32
  }
}

module attributes {stable_mosaic.version = 14 : i64} {
  func.func @_tc_final_body(%arg0: i32, %arg1: memref<2x1024x64xf32, #tpu.memory_space<vmem>>, %arg2: memref<1024x1xf32, #tpu.memory_space<vmem>>, %arg3: memref<1024x64xf32, #tpu.memory_space<vmem>>, %arg4: memref<64x64xf32, #tpu.memory_space<vmem>>, %arg5: memref<64x64xf32, #tpu.memory_space<vmem>>, %arg6: memref<1x64xf32, #tpu.memory_space<vmem>>, %arg7: memref<1024x64xf32, #tpu.memory_space<vmem>>) attributes {dimension_semantics = [#tpu.dimension_semantics<arbitrary>], iteration_bounds = array<i64: 10>, scalar_prefetch = 0 : i64, scratch_operands = 0 : i64, tpu.core_type = #tpu.core_type<tc>, window_params = [{transform_indices = @transform_0, window_bounds = array<i64: 2, 1024, 64>}, {transform_indices = @transform_1, window_bounds = array<i64: 1024, 1>}, {transform_indices = @transform_2, window_bounds = array<i64: 1024, 64>}, {pipeline_mode = #tpu.pipeline_mode<synchronous>, transform_indices = @transform_3, window_bounds = array<i64: 64, 64>}, {pipeline_mode = #tpu.pipeline_mode<synchronous>, transform_indices = @transform_4, window_bounds = array<i64: 64, 64>}, {pipeline_mode = #tpu.pipeline_mode<synchronous>, transform_indices = @transform_5, window_bounds = array<i64: 1, 64>}, {transform_indices = @transform_6, window_bounds = array<i64: 1024, 64>}]} {
    %get3A = arith.constant 0 : index
    %get3A_0 = arith.constant 0 : index
    %get3A_1 = arith.constant 0 : index
    %get3A_2 = vector.load %arg1[%get3A, %get3A_0, %get3A_1] : memref<2x1024x64xf32, #tpu.memory_space<vmem>>, vector<1x1024x64xf32>
    %get3A_3 = vector.shape_cast %get3A_2 : vector<1x1024x64xf32> to vector<1024x64xf32>
    %get3A_4 = arith.constant 1 : index
    %get3A_5 = arith.constant 0 : index
    %get3A_6 = arith.constant 0 : index
    %get3A_7 = vector.load %arg1[%get3A_4, %get3A_5, %get3A_6] : memref<2x1024x64xf32, #tpu.memory_space<vmem>>, vector<1x1024x64xf32>
    %get3A_8 = vector.shape_cast %get3A_7 : vector<1x1024x64xf32> to vector<1024x64xf32>
    %add3A = arith.addf %get3A_3, %get3A_8 : vector<1024x64xf32>
    %get3A_9 = arith.constant 0 : index
    %get3A_10 = arith.constant 0 : index
    %get3A_11 = vector.load %arg2[%get3A_9, %get3A_10] : memref<1024x1xf32, #tpu.memory_space<vmem>>, vector<1024x1xf32>
    %mul3A = vector.broadcast %get3A_11 : vector<1024x1xf32> to vector<1024x64xf32>
    %mul3A_12 = arith.mulf %add3A, %mul3A : vector<1024x64xf32>
    %mul3A_13 = arith.constant 0.899999976 : f32
    %mul3A_14 = vector.broadcast %mul3A_13 : f32 to vector<1024x64xf32>
    %mul3A_15 = arith.mulf %mul3A_14, %mul3A_12 : vector<1024x64xf32>
    %get3A_16 = arith.constant 0 : index
    %get3A_17 = arith.constant 0 : index
    %get3A_18 = vector.load %arg3[%get3A_16, %get3A_17] : memref<1024x64xf32, #tpu.memory_space<vmem>>, vector<1024x64xf32>
    %mul3A_19 = arith.constant 1.000000e-01 : f32
    %mul3A_20 = vector.broadcast %mul3A_19 : f32 to vector<1024x64xf32>
    %mul3A_21 = arith.mulf %mul3A_20, %get3A_18 : vector<1024x64xf32>
    %add3A_22 = arith.addf %mul3A_15, %mul3A_21 : vector<1024x64xf32>
    %mul3A_23 = arith.constant 0.9393754 : f32
    %mul3A_24 = vector.broadcast %mul3A_23 : f32 to vector<1024x64xf32>
    %mul3A_25 = arith.mulf %mul3A_24, %add3A_22 : vector<1024x64xf32>
    %get3A_26 = arith.constant 0 : index
    %get3A_27 = arith.constant 0 : index
    %get3A_28 = vector.load %arg4[%get3A_26, %get3A_27] : memref<64x64xf32, #tpu.memory_space<vmem>>, vector<64x64xf32>
    %dot_general3A = arith.constant dense<0.000000e+00> : vector<1024x64xf32>
    %dot_general3A_29 = tpu.matmul %add3A_22, %get3A_28, %dot_general3A {dimension_numbers = #tpu.dot_dimension_numbers<[1], [0], [0], [1], [0, 0, 1, 1], [], []>, transpose_lhs_hint = false} : vector<1024x64xf32>, vector<64x64xf32>, vector<1024x64xf32> -> vector<1024x64xf32>
    %mul3A_30 = arith.constant 0.0606246218 : f32
    %mul3A_31 = vector.broadcast %mul3A_30 : f32 to vector<1024x64xf32>
    %mul3A_32 = arith.mulf %mul3A_31, %dot_general3A_29 : vector<1024x64xf32>
    %add3A_33 = arith.addf %mul3A_25, %mul3A_32 : vector<1024x64xf32>
    %max3A = arith.constant 0.000000e+00 : f32
    %max3A_34 = vector.broadcast %max3A : f32 to vector<1024x64xf32>
    %max3A_35 = arith.maximumf %add3A_33, %max3A_34 : vector<1024x64xf32>
    %get3A_36 = arith.constant 0 : index
    %get3A_37 = arith.constant 0 : index
    %get3A_38 = vector.load %arg5[%get3A_36, %get3A_37] : memref<64x64xf32, #tpu.memory_space<vmem>>, vector<64x64xf32>
    %dot_general3A_39 = arith.constant dense<0.000000e+00> : vector<1024x64xf32>
    %dot_general3A_40 = tpu.matmul %max3A_35, %get3A_38, %dot_general3A_39 {dimension_numbers = #tpu.dot_dimension_numbers<[1], [0], [0], [1], [0, 0, 1, 1], [], []>, transpose_lhs_hint = false} : vector<1024x64xf32>, vector<64x64xf32>, vector<1024x64xf32> -> vector<1024x64xf32>
    %get3A_41 = arith.constant 0 : index
    %get3A_42 = arith.constant 0 : index
    %get3A_43 = vector.load %arg6[%get3A_41, %get3A_42] : memref<1x64xf32, #tpu.memory_space<vmem>>, vector<1x64xf32>
    %add3A_44 = vector.broadcast %get3A_43 : vector<1x64xf32> to vector<1024x64xf32>
    %add3A_45 = arith.addf %dot_general3A_40, %add3A_44 : vector<1024x64xf32>
    %swap3A = arith.constant 0 : index
    %swap3A_46 = arith.constant 0 : index
    %swap3A_47 = vector.load %arg7[%swap3A, %swap3A_46] : memref<1024x64xf32, #tpu.memory_space<vmem>>, vector<1024x64xf32>
    tpu.vector_store %arg7[%swap3A, %swap3A_46], %add3A_45 {strides = array<i32>} : memref<1024x64xf32, #tpu.memory_space<vmem>>, vector<1024x64xf32>,
    return
  }
  func.func @transform_0(%arg0: i32) -> (i32, i32, i32) {
    %c0_i32 = arith.constant 0 : i32
    %c0_i32_0 = arith.constant 0 : i32
    %c0_i32_1 = arith.constant 0 : i32
    return %c0_i32, %arg0, %c0_i32_0 : i32, i32, i32
  }
  func.func @transform_1(%arg0: i32) -> (i32, i32) {
    %c0_i32 = arith.constant 0 : i32
    %c0_i32_0 = arith.constant 0 : i32
    return %arg0, %c0_i32 : i32, i32
  }
  func.func @transform_2(%arg0: i32) -> (i32, i32) {
    %c0_i32 = arith.constant 0 : i32
    %c0_i32_0 = arith.constant 0 : i32
    return %arg0, %c0_i32 : i32, i32
  }
  func.func @transform_3(%arg0: i32) -> (i32, i32) {
    %c0_i32 = arith.constant 0 : i32
    %c0_i32_0 = arith.constant 0 : i32
    %c0_i32_1 = arith.constant 0 : i32
    return %c0_i32, %c0_i32_0 : i32, i32
  }
  func.func @transform_4(%arg0: i32) -> (i32, i32) {
    %c0_i32 = arith.constant 0 : i32
    %c0_i32_0 = arith.constant 0 : i32
    %c0_i32_1 = arith.constant 0 : i32
    return %c0_i32, %c0_i32_0 : i32, i32
  }
  func.func @transform_5(%arg0: i32) -> (i32, i32) {
    %c0_i32 = arith.constant 0 : i32
    %c0_i32_0 = arith.constant 0 : i32
    %c0_i32_1 = arith.constant 0 : i32
    return %c0_i32, %c0_i32_0 : i32, i32
  }
  func.func @transform_6(%arg0: i32) -> (i32, i32) {
    %c0_i32 = arith.constant 0 : i32
    %c0_i32_0 = arith.constant 0 : i32
    return %arg0, %c0_i32 : i32, i32
  }
}

</mosaic_0001>

<sc_bundles>
// kernel: kernel.21.cloned.1.call-start
scs
__scs_entry_jumppad:
0x0: {  	(pc) =	sbr.rel $0x88, $3  }
0x1: {  	(tag) =	ssettag $0x0;
	lr =	simm.s32 $0x1  }
0x2: {  	[smem:$0x3F9A] =	sst lr;
	_ =	strace $0xD0000000  }
0x3: {  	_ = 	snop  }
0x4: {  	_ = 	snop  }
0x5: {  	_ = 	snop  }
0x6: {  	_ = 	snop  }
0x7: {  	_ = 	snop  }
__scs_overlays_trampoline_lowered:
0x8: {  	[smem:$0x3FA9] =	sst s0  }
0x9: {  	[smem:$0x3FAA] =	sst s1  }
0xa: {  	[smem:$0x3FAB] =	sst s2  }
0xb: {  	[smem:$0x3FAC] =	sst s3  }
0xc: {  	[smem:$0x3FAD] =	sst s4  }
0xd: {  	[smem:$0x3FAE] =	sst s5  }
0xe: {  	[smem:$0x3FAF] =	sst s6  }
0xf: {  	[smem:$0x3FB0] =	sst s7  }
0x10: {  	[smem:$0x3FB1] =	sst s8  }
0x11: {  	[smem:$0x3FB2] =	sst s9;
	s0 =	simm.s32 @!p0 $0x0  }
0x12: {  	s1 =	sld [smem:$0x3F98];
	s0 =	simm.s32 @p0 $0x1  }
0x13: {  	[smem:$0x3FB3] =	sst s0;
	s0 =	simm.s32 @!p1 $0x0  }
0x14: {  	s2 =	sld [smem:$0x3F97];
	s0 =	simm.s32 @p1 $0x1  }
0x15: {  	[smem:$0x3FB4] =	sst s0;
	s0 =	simm.s32 @!p2 $0x0  }
0x16: {  	s3 =	sld [smem:$0x3FDB];
	s0 =	simm.s32 @p2 $0x1  }
0x17: {  	s4 =	simm.s32 $0x1BF5;
	[smem:$0x3FB6] =	sst s0  }
0x18: {  	s0 =	sld [smem:$0x3F99];
	_ =	swait.ge [sflag:s4], $0x0  }
0x19: {  	s7 =	sld [smem:$0x3F9A]  }
0x1a: {  	s8 =	sadd.s32 $0xFFFFE003, lr  }
0x1b: {  	s9 =	sadd.s32 $0xFFFFFEF7, lr;
	s5 =	simm.s32 $0xFFFFFFFF;
	p2 =	slt.u32 s8, $0xFFFFF086  }
0x1c: {  	p1 =	slt.u32 s9, $0xF7A;
	s5 =	simm.s32 @!p2 $0x0  }
0x1d: {  	s5 =	simm.s32 @p1 $0x1;
	p0 =	seq.s32 s7, s2  }
0x1e: {  	s7 =	smul.u32 @!p0 $0xF7A, s2;
	p2 =	seq.s32 @!p0 s5, $0x0  }
0x1f: {  	s9 =	smul.u32 $0xF7A, s1;
	s8 =	simm.s32 @!p0 $0x1BF5;
	p2 =	por !p2, p0  }
0x20: {  	[sflag:s8] =	ssyncset.s32 @!p0 $0xFFFFF086;
	s6 =	sadd.s32 @!p0 s3, s7;
	s7 =	simm.s32 @!p0 $0x108  }
0x21: {  	s3 =	sadd.s32 s3, s9;
	s6 =	sadd.s32 @!p0 $0x88, s6;
	s7 =	simm.s32 @p2 $0x1082  }
0x22: {  	[simem:s7], [sflag:s8] =	dma.local @!p0 [hbm:s6], $0xF7A  }
0x23: {  	s9 =	sor.u32 $0xD0000000, s2;
	s6 =	simm.s32 $0x108;
	_ =	swait.ge @!p0 [sflag:s8], $0x0  }
0x24: {  	s3 =	sadd.s32 $0x88, s3;
	s6 =	simm.s32 @!p1 $0x1082;
	[sflag:s4] =	ssyncset.s32 $0xFFFFF086  }
0x25: {  	[simem:s6], [sflag:s4] =	dma.local [hbm:s3], $0xF7A  }
0x26: {  	[smem:$0x3F9A] =	sst s1;
	(tag) =	ssettag s2;
	_ =	strace s9  }
0x27: {  	s1 =	sld [smem:$0x3FAA]  }
0x28: {  	s2 =	sld [smem:$0x3FAB]  }
0x29: {  	s4 =	sld [smem:$0x3FAD]  }
0x2a: {  	p0 =	seq.s32 s5, $0x0;
	s5 =	sld [smem:$0x3FAE]  }
0x2b: {  	s6 =	sld [smem:$0x3FAF]  }
0x2c: {  	s7 =	sld [smem:$0x3FB0]  }
0x2d: {  	s3 =	simm.s32 $0x108;
	s8 =	sld [smem:$0x3FB1]  }
0x2e: {  	s3 =	simm.s32 @!p0 $0x1082;
	s9 =	sld [smem:$0x3FB2]  }
0x2f: {  	lr =	sadd.s32 s0, s3;
	s0 =	sld [smem:$0x3FA9]  }
0x30: {  	s3 =	sld [smem:$0x3FAC]  }
0x31: {  	[smem:$0x3FB5] =	sst s10  }
0x32: {  	s10 =	sld [smem:$0x3FB3];
	_ =	sdelay $0x3  }
0x33: {  	p0 =	seq.s32 s10, $0x1;
	s10 =	sld [smem:$0x3FB5];
	_ =	sdelay $0x3  }
0x34: {  	[smem:$0x3FB5] =	sst s10  }
0x35: {  	s10 =	sld [smem:$0x3FB4];
	_ =	sdelay $0x3  }
0x36: {  	p1 =	seq.s32 s10, $0x1;
	s10 =	sld [smem:$0x3FB5];
	_ =	sdelay $0x3  }
0x37: {  	[smem:$0x3FB5] =	sst s10  }
0x38: {  	s10 =	sld [smem:$0x3FB6]  }
0x39: {  	_ = 	snop;
	(pc) =	sbr.ind lr, $3  }
0x3a: {  	_ = 	snop  }
0x3b: {  	_ = 	snop  }
0x3c: {  	p2 =	seq.s32 s10, $0x1;
	s10 =	sld [smem:$0x3FB5]  }
0x3d: {  	_ =	shalt  }
0x3e: {  	_ =	shalt  }
0x3f: {  	_ =	shalt  }
0x40: {  	_ =	shalt  }
0x41: {  	_ =	shalt  }
0x42: {  	_ =	shalt  }
0x43: {  	_ =	shalt  }
0x44: {  	_ =	shalt  }
0x45: {  	_ =	shalt  }
0x46: {  	_ =	shalt  }
0x47: {  	_ =	shalt  }
0x48: {  	_ =	shalt  }
0x49: {  	_ =	shalt  }
0x4a: {  	_ =	shalt  }
0x4b: {  	_ =	shalt  }
0x4c: {  	_ =	shalt  }
0x4d: {  	_ =	shalt  }
0x4e: {  	_ =	shalt  }
0x4f: {  	_ =	shalt  }
0x50: {  	_ =	shalt  }
0x51: {  	_ =	shalt  }
0x52: {  	_ =	shalt  }
0x53: {  	_ =	shalt  }
0x54: {  	_ =	shalt  }
0x55: {  	_ =	shalt  }
0x56: {  	_ =	shalt  }
0x57: {  	_ =	shalt  }
0x58: {  	_ =	shalt  }
0x59: {  	_ =	shalt  }
0x5a: {  	_ =	shalt  }
0x5b: {  	_ =	shalt  }
0x5c: {  	_ =	shalt  }
0x5d: {  	_ =	shalt  }
0x5e: {  	_ =	shalt  }
0x5f: {  	_ =	shalt  }
0x60: {  	_ =	shalt  }
0x61: {  	_ =	shalt  }
0x62: {  	_ =	shalt  }
0x63: {  	_ =	shalt  }
0x64: {  	_ =	shalt  }
0x65: {  	_ =	shalt  }
0x66: {  	_ =	shalt  }
0x67: {  	_ =	shalt  }
0x68: {  	_ =	shalt  }
0x69: {  	_ =	shalt  }
0x6a: {  	_ =	shalt  }
0x6b: {  	_ =	shalt  }
0x6c: {  	_ =	shalt  }
0x6d: {  	_ =	shalt  }
0x6e: {  	_ =	shalt  }
0x6f: {  	_ =	shalt  }
0x70: {  	_ =	shalt  }
0x71: {  	_ =	shalt  }
0x72: {  	_ =	shalt  }
0x73: {  	_ =	shalt  }
0x74: {  	_ =	shalt  }
0x75: {  	_ =	shalt  }
0x76: {  	_ =	shalt  }
0x77: {  	_ =	shalt  }
0x78: {  	_ =	shalt  }
0x79: {  	_ =	shalt  }
0x7a: {  	_ =	shalt  }
0x7b: {  	_ =	shalt  }
0x7c: {  	_ =	shalt  }
0x7d: {  	_ =	shalt  }
0x7e: {  	_ =	shalt  }
0x7f: {  	_ =	shalt  }
0x80: {  	_ =	shalt  }
0x81: {  	_ =	shalt  }
0x82: {  	_ =	shalt  }
0x83: {  	_ =	shalt  }
0x84: {  	_ =	shalt  }
0x85: {  	_ =	shalt  }
0x86: {  	_ =	shalt  }
0x87: {  	_ =	shalt  }
.Lfunc_end0:
.L_simem_size_0:
called_computation_lowered:
.L_overlay_start_0:
0x88: {  	s2 =	sld [smem:$0x3FD9]  }
0x89: {  	s3 =	sld [smem:$0x3FFE];
	_ =	sdelay $0x1  }
0x8a: {  	s1 =	srdreg.scid  }
0x8b: {  	s0 =	sand.u32 $0x1, s1  }
0x8c: {  	s17 =	sshll.u32 s0, $0xA;
	s2 =	sadd.s32 s3, s2  }
0x8d: {  	s2 =	sadd.s32 s2, s17  }
0x8e: {  	[smem:$0x3FC1] =	sst s2  }
0x8f: {  	_ = 	snop  }
0x90: {  	s2 =	sld [smem:$0x3FD0];
	(tm) =	ssettm $0x1  }
0x91: {  	s18 =	sld [smem:$0x3FFB];
	_ =	sdelay $0x3  }
0x92: {  	_ =	strace s18  }
0x93: {  	s3 =	sld [smem:$0x3FFC];
	_ =	sdelay $0x3  }
0x94: {  	_ =	strace s3  }
0x95: {  	s3 =	sld [smem:$0x3FFD];
	_ =	sdelay $0x3  }
0x96: {  	_ =	strace s3  }
0x97: {  	_ =	strace $0x8FFFFFFF  }
0x98: {  	s19 =	sld [smem:$0x3FDB];
	_ =	sdelay $0x1  }
0x99: {  	s4 =	simm.s32 $_scs_section_size  }
0x9a: {  	s5 =	simm.s32 $_size__tile_overlayer_lowered;
	s6 =	simm.s32 $_tile_overlayer_lowered  }
0x9b: {  	s22 =	simm.s32 $0x1BFF;
	s21 =	sshll.u32 s6, $0x1;
	s3 =	sadd.s32 s4, s19  }
0x9c: {  	s7 =	simm.s32 $0x0;
	s20 =	sshll.u32 s5, $0x1;
	s5 =	sadd.s32 s21, s3  }
0x9d: {  	[timem:s7], [sflag:s22] =	dma.local [hbm:s5], s20  }
0x9e: {  	_ =	swait.ge [sflag:s22], s20  }
0x9f: {  	s4 =	ssub.s32 $0x0, s20;
	[sflag:s22] =	ssyncset.done $0x0  }
0xa0: {  	[sflag:s22] =	ssyncadd.s32 s4;
	_ =	sdelay $0x1  }
0xa1: {  	s23 =	simm.s32 $0x1B8B  }
0xa2: {  	_ =	swait.ge [sflag:s23], $0x1  }
0xa3: {  	[sflag:s23] =	ssyncset.done $0x0  }
0xa4: {  	s25 =	simm.s32 $0x1B8E;
	s24 =	sld [smem:$0x3FFE];
	[sflag:s23] =	ssyncadd.s32 $0xFFFFFFFF  }
0xa5: {  	s26 =	simm.s32 $execute0_lowered;
	[smem:$0x3FD2] =	sst s25  }
0xa6: {  	s5 =	sshll.u32 s26, $0x1;
	_ =	strace $0x80000046;
	[dreg:$0x1] =	wrdreg $0xFFFFFFFF  }
0xa7: {  	s28 =	simm.s32 $_size_execute0_lowered;
	s3 =	sadd.s32 s3, s5;
	[dreg:$0x0] =	wrdreg $0x0  }
0xa8: {  	s5 =	sshll.u32 s28, $0x1;
	[dreg:$0x2] =	wrdreg s3  }
0xa9: {  	[dreg:$0x3] =	wrdreg s5  }
0xaa: {  	[dreg:$0x4] =	wrdreg $0xC0  }
0xab: {  	_ =	task [dreg:s7], $0x5FFFF  }
0xac: {  	[dreg:$0x1] =	wrdreg $0xFFFFFFFF  }
0xad: {  	[dreg:$0x0] =	wrdreg $0x60  }
0xae: {  	[dreg:$0x2] =	wrdreg s24  }
0xaf: {  	[dreg:$0x3] =	wrdreg s2  }
0xb0: {  	[dreg:$0x4] =	wrdreg $0x16800  }
0xb1: {  	[dreg:$0x5] =	wrdreg $0x9  }
0xb2: {  	_ =	task.clear_ibuf [dreg:s7], $0x6FFFF;
	_ =	strace $0x90000046  }
0xb3: {  	s29 =	simm.s32 $0x9;
	_ =	strace $0x80000048  }
0xb4: {  	_ =	swait.ge [sflag:s29], $0x1  }
0xb5: {  	[sflag:s29] =	ssyncadd.s32 $0xFFFFFFFF  }
0xb6: {  	_ =	strace $0x90000048  }
0xb7: {  	_ =	sfence  }
0xb8: {  	s30 =	sld [smem:$0x0];
	_ =	sdelay $0x2  }
0xb9: {  	s31 =	sshll.u32 s1, $0xD;
	s1 =	sshrl.u32 s1, $0x2  }
0xba: {  	s3 =	sand.u32 $0x4000, s31;
	s1 =	sadd.s32 s1, s30  }
0xbb: {  	s0 =	sor.u32 s3, s0;
	s1 =	sshll.u32 s1, $0x11  }
0xbc: {  	s0 =	sor.u32 s1, s0  }
0xbd: {  	s0 =	sadd.s32 $0x8F2B, s0  }
0xbe: {  	[sflag:s0] =	ssyncadd.remote.s32 $0x1  }
0xbf: {  	_ =	sfence.sel $0xFFFF  }
0xc0: {  	[dreg:$0x0] =	wrdreg $0xFFFFFFFF;
	(pc) =	sbr.abs _section_cstart, $3  }
0xc1: {  	[dreg:$0x1] =	wrdreg $0xFFFFFFFF  }
0xc2: {  	_ =	task.clear_ibuf [dreg:s7], $0x2FFFF;
	_ =	strace $0x9FFFFFFF  }
0xc3: {  	(tm) =	ssettm $0x7FFFFFFF  }
tec
execute0_lowered:
.L_overlay_start_1:
0x0: {  	(tag) =	ssettag $0x1  }
0x1: {  	s5 =	rddreg [dreg:$0x0]  }
0x2: {  	s8 =	rddreg [dreg:$0x1]  }
0x3: {  	s2 =	rddreg [dreg:$0x2]  }
0x4: {  	s0 =	rddreg [dreg:$0x3]  }
0x5: {  	s3 =	simm.s32 $0x0;
	s1 =	stileid.u32;
	s4 =	srdreg.scid  }
0x6: {  	[smem:$0x7FF] =	sst s3;
	s6 =	smul.u32 $0x1400, s1  }
0x7: {  	s7 =	sand.u32 $0x1, s4;
	s4 =	sadd.s32 $0x3600, s5;
	s12 =	smul.u32 $0x2800, s1  }
0x8: {  	s31 =	sshll.u32 s1, $0x6;
	_ =	strace $0x80000047;
	s9 =	smul.u32 $0x14000, s7  }
0x9: {  	s11 =	smul.u32 $0x28000, s7;
	s7 =	ssub.s32 $0x2, s7;
	s10 =	sshrl.u32 s6, $0x3  }
0xa: {  	s13 =	sshrl.u32 s7, $0x1;
	s29 =	sadd.s32 s6, s2;
	s9 =	sadd.s32 s6, s9  }
0xb: {  	s10 =	sadd.s32 s10, s5;
	s7 =	ssub.s32 s7, s13;
	s11 =	sadd.s32 s12, s11  }
0xc: {  	s12 =	sshrl.u32 s29, $0x3;
	s13 =	simm.s32 $0x0;
	s9 =	sshrl.u32 s9, $0x3  }
0xd: {  	s30 =	sshrl.u32 s11, $0x3;
	s7 =	smax.u32 s7, $0x1;
	s11 =	sor.u32 $0x1C01, s31  }
0xe: {  	s9 =	sadd.s32 s9, s5;
	s5 =	sadd.s32 $0x3A00, s10;
	s8 =	sadd.s32 s30, s8  }
0xf: {  	s10 =	simm.s32 $0x1;
	s6 =	sadd.s32 $0x6200, s9;
	s9 =	simm.s32 $0x280  }
.LBB2_1:
0x10: {  	[tilespmem:s9], [sflag:$0x1] =	stream.linear.gather [hbm4b:s4+s3], $0x1400, $0x38;
	[tilespmem:$0x2A80] =	vst v63  }
0x11: {  	_ =	swait.ge [sflag:s10], $0x1400  }
0x12: {  	[sflag:s10] =	ssyncset.done $0x0  }
0x13: {  	[sflag:s10] =	ssyncadd.s32 $0xFFFFEC00  }
0x14: {  	[spmem:s12], [sflag:s11] =	dma.local [hbm:s5], $0x280  }
0x15: {  	_ =	swait.ge [sflag:s10], $0x280  }
0x16: {  	[sflag:s10] =	ssyncset.done $0x0  }
0x17: {  	[sflag:s10] =	ssyncadd.s32 $0xFFFFFD80  }
0x18: {  	s14 =	sadd.s32 $0x0, s8;
	[bflag:$0x0] =	sbarrier.arrive $0xFFFF  }
0x19: {  	[tilespmem:s3], [sflag:$0x1] =	stream.linear.gather [hbm4b:s14+s3], $0x280, $0x38;
	[tilespmem:$0x2A80] =	vst v63  }
0x1a: {  	_ =	swait.ge [sflag:s10], $0x280  }
0x1b: {  	[sflag:s10] =	ssyncset.done $0x0  }
0x1c: {  	[sflag:s10] =	ssyncadd.s32 $0xFFFFFD80  }
0x1d: {  	[spmem:s2] =	stream.indirect.scatter.add.f32 [tilespmem:s9], [sflag:$0x1], $0x8, s3, s9, $0xb8;
	[tilespmem:$0x2A80] =	vst v63  }
0x1e: {  	_ =	swait.ge [sflag:s10], $0x1400  }
0x1f: {  	s15 =	simm.s32 $0xA0;
	s14 =	simm.s32 $0x50;
	[sflag:s10] =	ssyncset.done $0x0  }
.LBB2_2:
0x20: {  	s16 =	sadd.s32 s14, s8  }
0x21: {  	[sflag:s10] =	ssyncadd.s32 $0xFFFFEC00;
	s14 =	smov.u32 s15;
	s17 =	sadd.s32 $0x50, s15  }
0x22: {  	[tilespmem:s3], [sflag:$0x1] =	stream.linear.gather [hbm4b:s16+s3], $0x280, $0x38;
	[tilespmem:$0x2A80] =	vst v63  }
0x23: {  	p0 =	sne.s32 s15, $0x4B0;
	_ =	swait.ge [sflag:s10], $0x280  }
.Ltmp0:
0x24: {  	[sflag:s10] =	ssyncset.done $0x0;
	(pc) =	sbr.rel @p0 .LBB2_2-.Ltmp0, $4  }
0x25: {  	[sflag:s10] =	ssyncadd.s32 $0xFFFFFD80  }
0x26: {  	[spmem:s2] =	stream.indirect.scatter.add.f32 [tilespmem:s9], [sflag:$0x1], $0x8, s3, s9, $0xb8;
	[tilespmem:$0x2A80] =	vst v63  }
0x27: {  	_ =	swait.ge [sflag:s10], $0x1400  }
0x28: {  	s15 =	smov.u32 s17;
	[sflag:s10] =	ssyncset.done $0x0  }
0x29: {  	s14 =	sadd.s32 s14, s8;
	[sflag:s10] =	ssyncadd.s32 $0xFFFFEC00  }
0x2a: {  	[tilespmem:s3], [sflag:$0x1] =	stream.linear.gather [hbm4b:s14+s3], $0x280, $0x38;
	[tilespmem:$0x2A80] =	vst v63  }
0x2b: {  	_ =	swait.ge [sflag:s10], $0x280  }
0x2c: {  	[sflag:s10] =	ssyncset.done $0x0  }
0x2d: {  	[sflag:s10] =	ssyncadd.s32 $0xFFFFFD80  }
0x2e: {  	[spmem:s2] =	stream.indirect.scatter.add.f32 [tilespmem:s9], [sflag:$0x1], $0x8, s3, s9, $0xb8;
	[tilespmem:$0x2A80] =	vst v63  }
0x2f: {  	_ =	swait.ge [sflag:s10], $0x1400  }
0x30: {  	s13 =	sadd.s32 $0x1, s13;
	[sflag:s10] =	ssyncset.done $0x0  }
0x31: {  	p0 =	sne.s32 s13, s7;
	[sflag:s10] =	ssyncadd.s32 $0xFFFFEC00  }
.Ltmp1:
0x32: {  	[bflag:$0x0] =	sbarrier.arrive $0xFFFF;
	(pc) =	sbr.rel @p0 .LBB2_1-.Ltmp1, $4  }
0x33: {  	[hbm:s6], [sflag:s11] =	dma.local [spmem:s12], $0x280  }
0x34: {  	_ =	swait.ge [sflag:s10], $0x280  }
0x35: {  	[sflag:s10] =	ssyncset.done $0x0  }
0x36: {  	[sflag:s10] =	ssyncadd.s32 $0xFFFFFD80  }
0x37: {  	_ =	sfence.sel $0x180000  }
0x38: {  	[bflag:$0x0] =	sbarrier.arrive $0xFFFF  }
0x39: {  	p0 =	sne.s32 s1, $0x0;
	_ =	strace $0x90000047  }
0x3a: {  	s0 =	sadd.s32 @!p0 $0x100000, s0;
	[bflag:$0x2] =	sbarrier.arrive $0xFFFF  }
0x3b: {  	[sflag:s0] =	ssyncadd.tile.s32 @!p0 $0x1;
	_ =	shalt  }
.Lfunc_end2:
_tile_overlayer_lowered:
.L_overlay_start_2:
0x3c: {  	(tag) =	ssettag $0x2  }
0x3d: {  	s0 =	rddreg [dreg:$0x0];
	s2 =	stileid.u32  }
0x3e: {  	s1 =	rddreg [dreg:$0x1];
	p0 =	sne.s32 s2, $0x0  }
0x3f: {  	s3 =	rddreg [dreg:$0x2];
	[bflag:$0x3] =	sbarrier.arrive $0xFFFF;
	s2 =	simm.s32 @!p0 $0x1C01  }
0x40: {  	[timem:s3], [sflag:s2] =	dma.local @!p0 [hbm:s0], s1  }
0x41: {  	s0 =	simm.s32 @!p0 $0x1  }
0x42: {  	_ =	swait.ge @!p0 [sflag:s0], s1  }
0x43: {  	s1 =	ssub.s32 @!p0 $0x0, s1;
	[sflag:s0] =	ssyncset.done @!p0 $0x0  }
0x44: {  	[sflag:s0] =	ssyncadd.s32 @!p0 s1  }
0x45: {  	[bflag:$0x3] =	sbarrier.arrive $0xFFFF  }
0x46: {  	_ =	shalt  }

// kernel: kernel.24.cloned.1.call-start
scs
__scs_entry_jumppad:
0x0: {  	(pc) =	sbr.rel $0x88, $3  }
0x1: {  	(tag) =	ssettag $0x0;
	lr =	simm.s32 $0x1  }
0x2: {  	[smem:$0x3F9A] =	sst lr;
	_ =	strace $0xD0000000  }
0x3: {  	_ = 	snop  }
0x4: {  	_ = 	snop  }
0x5: {  	_ = 	snop  }
0x6: {  	_ = 	snop  }
0x7: {  	_ = 	snop  }
__scs_overlays_trampoline_lowered:
0x8: {  	[smem:$0x3FA9] =	sst s0  }
0x9: {  	[smem:$0x3FAA] =	sst s1  }
0xa: {  	[smem:$0x3FAB] =	sst s2  }
0xb: {  	[smem:$0x3FAC] =	sst s3  }
0xc: {  	[smem:$0x3FAD] =	sst s4  }
0xd: {  	[smem:$0x3FAE] =	sst s5  }
0xe: {  	[smem:$0x3FAF] =	sst s6  }
0xf: {  	[smem:$0x3FB0] =	sst s7  }
0x10: {  	[smem:$0x3FB1] =	sst s8  }
0x11: {  	[smem:$0x3FB2] =	sst s9;
	s0 =	simm.s32 @!p0 $0x0  }
0x12: {  	s1 =	sld [smem:$0x3F98];
	s0 =	simm.s32 @p0 $0x1  }
0x13: {  	[smem:$0x3FB3] =	sst s0;
	s0 =	simm.s32 @!p1 $0x0  }
0x14: {  	s2 =	sld [smem:$0x3F97];
	s0 =	simm.s32 @p1 $0x1  }
0x15: {  	[smem:$0x3FB4] =	sst s0;
	s0 =	simm.s32 @!p2 $0x0  }
0x16: {  	s3 =	sld [smem:$0x3FDB];
	s0 =	simm.s32 @p2 $0x1  }
0x17: {  	s4 =	simm.s32 $0x1BF5;
	[smem:$0x3FB6] =	sst s0  }
0x18: {  	s0 =	sld [smem:$0x3F99];
	_ =	swait.ge [sflag:s4], $0x0  }
0x19: {  	s7 =	sld [smem:$0x3F9A]  }
0x1a: {  	s8 =	sadd.s32 $0xFFFFE003, lr  }
0x1b: {  	s9 =	sadd.s32 $0xFFFFFEF7, lr;
	s5 =	simm.s32 $0xFFFFFFFF;
	p2 =	slt.u32 s8, $0xFFFFF086  }
0x1c: {  	p1 =	slt.u32 s9, $0xF7A;
	s5 =	simm.s32 @!p2 $0x0  }
0x1d: {  	s5 =	simm.s32 @p1 $0x1;
	p0 =	seq.s32 s7, s2  }
0x1e: {  	s7 =	smul.u32 @!p0 $0xF7A, s2;
	p2 =	seq.s32 @!p0 s5, $0x0  }
0x1f: {  	s9 =	smul.u32 $0xF7A, s1;
	s8 =	simm.s32 @!p0 $0x1BF5;
	p2 =	por !p2, p0  }
0x20: {  	[sflag:s8] =	ssyncset.s32 @!p0 $0xFFFFF086;
	s6 =	sadd.s32 @!p0 s3, s7;
	s7 =	simm.s32 @!p0 $0x108  }
0x21: {  	s3 =	sadd.s32 s3, s9;
	s6 =	sadd.s32 @!p0 $0x88, s6;
	s7 =	simm.s32 @p2 $0x1082  }
0x22: {  	[simem:s7], [sflag:s8] =	dma.local @!p0 [hbm:s6], $0xF7A  }
0x23: {  	s9 =	sor.u32 $0xD0000000, s2;
	s6 =	simm.s32 $0x108;
	_ =	swait.ge @!p0 [sflag:s8], $0x0  }
0x24: {  	s3 =	sadd.s32 $0x88, s3;
	s6 =	simm.s32 @!p1 $0x1082;
	[sflag:s4] =	ssyncset.s32 $0xFFFFF086  }
0x25: {  	[simem:s6], [sflag:s4] =	dma.local [hbm:s3], $0xF7A  }
0x26: {  	[smem:$0x3F9A] =	sst s1;
	(tag) =	ssettag s2;
	_ =	strace s9  }
0x27: {  	s1 =	sld [smem:$0x3FAA]  }
0x28: {  	s2 =	sld [smem:$0x3FAB]  }
0x29: {  	s4 =	sld [smem:$0x3FAD]  }
0x2a: {  	p0 =	seq.s32 s5, $0x0;
	s5 =	sld [smem:$0x3FAE]  }
0x2b: {  	s6 =	sld [smem:$0x3FAF]  }
0x2c: {  	s7 =	sld [smem:$0x3FB0]  }
0x2d: {  	s3 =	simm.s32 $0x108;
	s8 =	sld [smem:$0x3FB1]  }
0x2e: {  	s3 =	simm.s32 @!p0 $0x1082;
	s9 =	sld [smem:$0x3FB2]  }
0x2f: {  	lr =	sadd.s32 s0, s3;
	s0 =	sld [smem:$0x3FA9]  }
0x30: {  	s3 =	sld [smem:$0x3FAC]  }
0x31: {  	[smem:$0x3FB5] =	sst s10  }
0x32: {  	s10 =	sld [smem:$0x3FB3];
	_ =	sdelay $0x3  }
0x33: {  	p0 =	seq.s32 s10, $0x1;
	s10 =	sld [smem:$0x3FB5];
	_ =	sdelay $0x3  }
0x34: {  	[smem:$0x3FB5] =	sst s10  }
0x35: {  	s10 =	sld [smem:$0x3FB4];
	_ =	sdelay $0x3  }
0x36: {  	p1 =	seq.s32 s10, $0x1;
	s10 =	sld [smem:$0x3FB5];
	_ =	sdelay $0x3  }
0x37: {  	[smem:$0x3FB5] =	sst s10  }
0x38: {  	s10 =	sld [smem:$0x3FB6]  }
0x39: {  	_ = 	snop;
	(pc) =	sbr.ind lr, $3  }
0x3a: {  	_ = 	snop  }
0x3b: {  	_ = 	snop  }
0x3c: {  	p2 =	seq.s32 s10, $0x1;
	s10 =	sld [smem:$0x3FB5]  }
0x3d: {  	_ =	shalt  }
0x3e: {  	_ =	shalt  }
0x3f: {  	_ =	shalt  }
0x40: {  	_ =	shalt  }
0x41: {  	_ =	shalt  }
0x42: {  	_ =	shalt  }
0x43: {  	_ =	shalt  }
0x44: {  	_ =	shalt  }
0x45: {  	_ =	shalt  }
0x46: {  	_ =	shalt  }
0x47: {  	_ =	shalt  }
0x48: {  	_ =	shalt  }
0x49: {  	_ =	shalt  }
0x4a: {  	_ =	shalt  }
0x4b: {  	_ =	shalt  }
0x4c: {  	_ =	shalt  }
0x4d: {  	_ =	shalt  }
0x4e: {  	_ =	shalt  }
0x4f: {  	_ =	shalt  }
0x50: {  	_ =	shalt  }
0x51: {  	_ =	shalt  }
0x52: {  	_ =	shalt  }
0x53: {  	_ =	shalt  }
0x54: {  	_ =	shalt  }
0x55: {  	_ =	shalt  }
0x56: {  	_ =	shalt  }
0x57: {  	_ =	shalt  }
0x58: {  	_ =	shalt  }
0x59: {  	_ =	shalt  }
0x5a: {  	_ =	shalt  }
0x5b: {  	_ =	shalt  }
0x5c: {  	_ =	shalt  }
0x5d: {  	_ =	shalt  }
0x5e: {  	_ =	shalt  }
0x5f: {  	_ =	shalt  }
0x60: {  	_ =	shalt  }
0x61: {  	_ =	shalt  }
0x62: {  	_ =	shalt  }
0x63: {  	_ =	shalt  }
0x64: {  	_ =	shalt  }
0x65: {  	_ =	shalt  }
0x66: {  	_ =	shalt  }
0x67: {  	_ =	shalt  }
0x68: {  	_ =	shalt  }
0x69: {  	_ =	shalt  }
0x6a: {  	_ =	shalt  }
0x6b: {  	_ =	shalt  }
0x6c: {  	_ =	shalt  }
0x6d: {  	_ =	shalt  }
0x6e: {  	_ =	shalt  }
0x6f: {  	_ =	shalt  }
0x70: {  	_ =	shalt  }
0x71: {  	_ =	shalt  }
0x72: {  	_ =	shalt  }
0x73: {  	_ =	shalt  }
0x74: {  	_ =	shalt  }
0x75: {  	_ =	shalt  }
0x76: {  	_ =	shalt  }
0x77: {  	_ =	shalt  }
0x78: {  	_ =	shalt  }
0x79: {  	_ =	shalt  }
0x7a: {  	_ =	shalt  }
0x7b: {  	_ =	shalt  }
0x7c: {  	_ =	shalt  }
0x7d: {  	_ =	shalt  }
0x7e: {  	_ =	shalt  }
0x7f: {  	_ =	shalt  }
0x80: {  	_ =	shalt  }
0x81: {  	_ =	shalt  }
0x82: {  	_ =	shalt  }
0x83: {  	_ =	shalt  }
0x84: {  	_ =	shalt  }
0x85: {  	_ =	shalt  }
0x86: {  	_ =	shalt  }
0x87: {  	_ =	shalt  }
.Lfunc_end0:
.L_simem_size_0:
called_computation.1_lowered:
.L_overlay_start_0:
0x88: {  	s2 =	sld [smem:$0x3FD9]  }
0x89: {  	s3 =	sld [smem:$0x3FFE];
	_ =	sdelay $0x1  }
0x8a: {  	s1 =	srdreg.scid  }
0x8b: {  	s0 =	sand.u32 $0x1, s1  }
0x8c: {  	s17 =	sshll.u32 s0, $0xA;
	s2 =	sadd.s32 s3, s2  }
0x8d: {  	s2 =	sadd.s32 s2, s17  }
0x8e: {  	[smem:$0x3FC1] =	sst s2  }
0x8f: {  	_ = 	snop  }
0x90: {  	s2 =	sld [smem:$0x3FD0];
	(tm) =	ssettm $0x1  }
0x91: {  	s18 =	sld [smem:$0x3FFB];
	_ =	sdelay $0x3  }
0x92: {  	_ =	strace s18  }
0x93: {  	s3 =	sld [smem:$0x3FFC];
	_ =	sdelay $0x3  }
0x94: {  	_ =	strace s3  }
0x95: {  	s3 =	sld [smem:$0x3FFD];
	_ =	sdelay $0x3  }
0x96: {  	_ =	strace s3  }
0x97: {  	_ =	strace $0x8FFFFFFF  }
0x98: {  	s19 =	sld [smem:$0x3FDB];
	_ =	sdelay $0x1  }
0x99: {  	s4 =	simm.s32 $_scs_section_size  }
0x9a: {  	s5 =	simm.s32 $_size__tile_overlayer_lowered;
	s6 =	simm.s32 $_tile_overlayer_lowered  }
0x9b: {  	s22 =	simm.s32 $0x1BFF;
	s21 =	sshll.u32 s6, $0x1;
	s3 =	sadd.s32 s4, s19  }
0x9c: {  	s7 =	simm.s32 $0x0;
	s20 =	sshll.u32 s5, $0x1;
	s5 =	sadd.s32 s21, s3  }
0x9d: {  	[timem:s7], [sflag:s22] =	dma.local [hbm:s5], s20  }
0x9e: {  	_ =	swait.ge [sflag:s22], s20  }
0x9f: {  	s4 =	ssub.s32 $0x0, s20;
	[sflag:s22] =	ssyncset.done $0x0  }
0xa0: {  	[sflag:s22] =	ssyncadd.s32 s4;
	_ =	sdelay $0x1  }
0xa1: {  	s23 =	simm.s32 $0x1B8B  }
0xa2: {  	_ =	swait.ge [sflag:s23], $0x1  }
0xa3: {  	[sflag:s23] =	ssyncset.done $0x0  }
0xa4: {  	s25 =	simm.s32 $0x1B8E;
	s24 =	sld [smem:$0x3FFE];
	[sflag:s23] =	ssyncadd.s32 $0xFFFFFFFF  }
0xa5: {  	s26 =	simm.s32 $execute0_lowered;
	[smem:$0x3FD2] =	sst s25  }
0xa6: {  	s5 =	sshll.u32 s26, $0x1;
	_ =	strace $0x80000049;
	[dreg:$0x1] =	wrdreg $0xFFFFFFFF  }
0xa7: {  	s28 =	simm.s32 $_size_execute0_lowered;
	s3 =	sadd.s32 s3, s5;
	[dreg:$0x0] =	wrdreg $0x0  }
0xa8: {  	s5 =	sshll.u32 s28, $0x1;
	[dreg:$0x2] =	wrdreg s3  }
0xa9: {  	[dreg:$0x3] =	wrdreg s5  }
0xaa: {  	[dreg:$0x4] =	wrdreg $0xC0  }
0xab: {  	_ =	task [dreg:s7], $0x5FFFF  }
0xac: {  	[dreg:$0x1] =	wrdreg $0xFFFFFFFF  }
0xad: {  	[dreg:$0x0] =	wrdreg $0x60  }
0xae: {  	[dreg:$0x2] =	wrdreg s24  }
0xaf: {  	[dreg:$0x3] =	wrdreg s2  }
0xb0: {  	[dreg:$0x4] =	wrdreg $0xA5000  }
0xb1: {  	[dreg:$0x5] =	wrdreg $0x145000  }
0xb2: {  	[dreg:$0x6] =	wrdreg $0x9  }
0xb3: {  	_ =	task.clear_ibuf [dreg:s7], $0x7FFFF;
	_ =	strace $0x90000049  }
0xb4: {  	s29 =	simm.s32 $0x9;
	_ =	strace $0x8000004B  }
0xb5: {  	_ =	swait.ge [sflag:s29], $0x1  }
0xb6: {  	[sflag:s29] =	ssyncadd.s32 $0xFFFFFFFF  }
0xb7: {  	_ =	strace $0x9000004B  }
0xb8: {  	_ =	sfence  }
0xb9: {  	s30 =	sld [smem:$0x0];
	_ =	sdelay $0x2  }
0xba: {  	s31 =	sshll.u32 s1, $0xD;
	s1 =	sshrl.u32 s1, $0x2  }
0xbb: {  	s3 =	sand.u32 $0x4000, s31;
	s1 =	sadd.s32 s1, s30  }
0xbc: {  	s0 =	sor.u32 s3, s0;
	s1 =	sshll.u32 s1, $0x11  }
0xbd: {  	s0 =	sor.u32 s1, s0  }
0xbe: {  	s0 =	sadd.s32 $0x8F2B, s0  }
0xbf: {  	[sflag:s0] =	ssyncadd.remote.s32 $0x1  }
0xc0: {  	_ =	sfence.sel $0xFFFF  }
0xc1: {  	[dreg:$0x0] =	wrdreg $0xFFFFFFFF;
	(pc) =	sbr.abs _section_cstart, $3  }
0xc2: {  	[dreg:$0x1] =	wrdreg $0xFFFFFFFF  }
0xc3: {  	_ =	task.clear_ibuf [dreg:s7], $0x2FFFF;
	_ =	strace $0x9FFFFFFF  }
0xc4: {  	(tm) =	ssettm $0x7FFFFFFF  }
0xc5: {  	_ =	shalt  }
tec
execute0_lowered:
.L_overlay_start_1:
0x0: {  	(tag) =	ssettag $0x1  }
0x1: {  	s5 =	rddreg [dreg:$0x0]  }
0x2: {  	s10 =	rddreg [dreg:$0x1]  }
0x3: {  	s2 =	rddreg [dreg:$0x2]  }
0x4: {  	s0 =	srdreg.scid;
	s3 =	rddreg [dreg:$0x3]  }
0x5: {  	s1 =	rddreg [dreg:$0x4];
	s6 =	sand.u32 $0x1, s0  }
0x6: {  	s4 =	simm.s32 $0x0;
	s0 =	stileid.u32;
	s7 =	smul.u32 $0x28000, s6  }
0x7: {  	s17 =	simm.s32 $0x3;
	s18 =	simm.s32 $0x280;
	s8 =	smul.u32 $0x2800, s0  }
0x8: {  	s19 =	simm.s32 $0x500;
	s21 =	simm.s32 $0x0;
	s9 =	smul.u32 $0xA000, s0  }
0x9: {  	[smem:$0x7FF] =	sst s4;
	s28 =	smul.u32 $0xA0000, s6;
	s6 =	ssub.s32 $0x2, s6  }
0xa: {  	_ =	strace $0x8000004A;
	s20 =	sshll.u32 s0, $0x6;
	s31 =	sshrl.u32 s6, $0x1  }
0xb: {  	s7 =	sadd.s32 s8, s7;
	s29 =	sadd.s32 s9, s28;
	s30 =	sshrl.u32 s9, $0x3  }
0xc: {  	s14 =	ssub.s32 s6, s31;
	s15 =	sadd.s32 s9, s2;
	s6 =	sor.u32 $0x1C01, s20  }
0xd: {  	s16 =	sadd.s32 s9, s3;
	s11 =	sshrl.u32 s7, $0x3;
	s7 =	sshrl.u32 s29, $0x3  }
0xe: {  	s8 =	sadd.s32 s30, s5;
	s9 =	smax.u32 s14, $0x1;
	s14 =	sshrl.u32 s16, $0x3  }
0xf: {  	s16 =	simm.s32 $0x2;
	s12 =	sadd.s32 s11, s5;
	s13 =	sadd.s32 s7, s5  }
0x10: {  	s5 =	sadd.s32 $0x15200, s8;
	s7 =	sadd.s32 $0x29200, s8;
	s10 =	sadd.s32 s11, s10  }
0x11: {  	s8 =	sadd.s32 $0x3D200, s13;
	s11 =	sadd.s32 $0xB200, s12;
	s12 =	sshrl.u32 s15, $0x3  }
0x12: {  	s13 =	sor.u32 $0x1C02, s20;
	s15 =	simm.s32 $0x1;
	s20 =	sor.u32 $0x1C03, s20  }
.LBB2_1:
0x13: {  	[spmem:s12], [sflag:s6] =	dma.local [hbm:s5], $0x1400  }
0x14: {  	[spmem:s14], [sflag:s13] =	dma.local [hbm:s7], $0x1400  }
0x15: {  	_ =	swait.ge [sflag:s15], $0x1400  }
0x16: {  	[sflag:s15] =	ssyncset.done $0x0  }
0x17: {  	[sflag:s15] =	ssyncadd.s32 $0xFFFFEC00  }
0x18: {  	_ =	swait.ge [sflag:s16], $0x1400  }
0x19: {  	[sflag:s16] =	ssyncset.done $0x0  }
0x1a: {  	[sflag:s16] =	ssyncadd.s32 $0xFFFFEC00  }
0x1b: {  	s22 =	sadd.s32 $0x0, s11;
	[bflag:$0x0] =	sbarrier.arrive $0xFFFF  }
0x1c: {  	[tilespmem:s4], [sflag:$0x3] =	stream.linear.gather [hbm4b:s22+s4], $0x280, $0x38;
	[tilespmem:$0x1E500] =	vst v63  }
0x1d: {  	_ =	swait.ge [sflag:s17], $0x280  }
0x1e: {  	[sflag:s17] =	ssyncset.done $0x0  }
0x1f: {  	s31 =	sadd.s32 $0x0, s10;
	[sflag:s17] =	ssyncadd.s32 $0xFFFFFD80  }
0x20: {  	[tilespmem:s18], [sflag:$0x3] =	stream.linear.gather [hbm4b:s31+s4], $0x280, $0x38;
	[tilespmem:$0x1E500] =	vst v63  }
0x21: {  	_ =	swait.ge [sflag:s17], $0x280  }
0x22: {  	[sflag:s17] =	ssyncset.done $0x0  }
0x23: {  	[sflag:s17] =	ssyncadd.s32 $0xFFFFFD80  }
0x24: {  	[tilespmem:s19], [sflag:$0x1] =	stream.indirect.gather [spmem:s2], $0x40, s4, s18, $0xb8;
	[tilespmem:$0x1E500] =	vst v63  }
0x25: {  	_ =	swait.ge [sflag:s15], $0xA000  }
0x26: {  	[sflag:s15] =	ssyncset.done $0x0  }
0x27: {  	[sflag:s15] =	ssyncadd.s32 $0xFFFF6000  }
0x28: {  	[spmem:s3] =	stream.indirect.scatter.add.f32 [tilespmem:s19], [sflag:$0x3], $0x40, s18, s18, $0xb8;
	[tilespmem:$0x1E500] =	vst v63  }
0x29: {  	_ =	swait.ge [sflag:s17], $0xA000  }
0x2a: {  	s23 =	simm.s32 $0xA0;
	s22 =	simm.s32 $0x50;
	[sflag:s17] =	ssyncset.done $0x0  }
.LBB2_2:
0x2b: {  	s24 =	sadd.s32 s22, s11  }
0x2c: {  	[sflag:s17] =	ssyncadd.s32 $0xFFFF6000;
	s25 =	smov.u32 s23;
	s26 =	sadd.s32 $0x50, s23  }
0x2d: {  	[tilespmem:s4], [sflag:$0x3] =	stream.linear.gather [hbm4b:s24+s4], $0x280, $0x38;
	[tilespmem:$0x1E500] =	vst v63  }
0x2e: {  	p0 =	sne.s32 s23, $0x4B0;
	_ =	swait.ge [sflag:s17], $0x280  }
0x2f: {  	[sflag:s17] =	ssyncset.done $0x0  }
0x30: {  	s23 =	sadd.s32 s22, s10;
	s22 =	smov.u32 s25;
	[sflag:s17] =	ssyncadd.s32 $0xFFFFFD80  }
0x31: {  	[tilespmem:s18], [sflag:$0x3] =	stream.linear.gather [hbm4b:s23+s4], $0x280, $0x38;
	[tilespmem:$0x1E500] =	vst v63  }
0x32: {  	_ =	swait.ge [sflag:s17], $0x280  }
0x33: {  	[sflag:s17] =	ssyncset.done $0x0  }
0x34: {  	[sflag:s17] =	ssyncadd.s32 $0xFFFFFD80  }
0x35: {  	[tilespmem:s19], [sflag:$0x1] =	stream.indirect.gather [spmem:s2], $0x40, s4, s18, $0xb8;
	[tilespmem:$0x1E500] =	vst v63  }
0x36: {  	_ =	swait.ge [sflag:s15], $0xA000  }
.Ltmp0:
0x37: {  	[sflag:s15] =	ssyncset.done $0x0;
	(pc) =	sbr.rel @p0 .LBB2_2-.Ltmp0, $4  }
0x38: {  	[sflag:s15] =	ssyncadd.s32 $0xFFFF6000  }
0x39: {  	[spmem:s3] =	stream.indirect.scatter.add.f32 [tilespmem:s19], [sflag:$0x3], $0x40, s18, s18, $0xb8;
	[tilespmem:$0x1E500] =	vst v63  }
0x3a: {  	_ =	swait.ge [sflag:s17], $0xA000  }
0x3b: {  	s23 =	smov.u32 s26;
	[sflag:s17] =	ssyncset.done $0x0  }
0x3c: {  	s23 =	sadd.s32 s22, s11;
	[sflag:s17] =	ssyncadd.s32 $0xFFFF6000  }
0x3d: {  	[tilespmem:s4], [sflag:$0x3] =	stream.linear.gather [hbm4b:s23+s4], $0x280, $0x38;
	[tilespmem:$0x1E500] =	vst v63  }
0x3e: {  	_ =	swait.ge [sflag:s17], $0x280  }
0x3f: {  	[sflag:s17] =	ssyncset.done $0x0  }
0x40: {  	s31 =	sadd.s32 s22, s10;
	[sflag:s17] =	ssyncadd.s32 $0xFFFFFD80  }
0x41: {  	[tilespmem:s18], [sflag:$0x3] =	stream.linear.gather [hbm4b:s31+s4], $0x280, $0x38;
	[tilespmem:$0x1E500] =	vst v63  }
0x42: {  	_ =	swait.ge [sflag:s17], $0x280  }
0x43: {  	[sflag:s17] =	ssyncset.done $0x0  }
0x44: {  	[sflag:s17] =	ssyncadd.s32 $0xFFFFFD80  }
0x45: {  	[tilespmem:s19], [sflag:$0x1] =	stream.indirect.gather [spmem:s2], $0x40, s4, s18, $0xb8;
	[tilespmem:$0x1E500] =	vst v63  }
0x46: {  	_ =	swait.ge [sflag:s15], $0xA000  }
0x47: {  	[sflag:s15] =	ssyncset.done $0x0  }
0x48: {  	[sflag:s15] =	ssyncadd.s32 $0xFFFF6000  }
0x49: {  	[spmem:s3] =	stream.indirect.scatter.add.f32 [tilespmem:s19], [sflag:$0x3], $0x40, s18, s18, $0xb8;
	[tilespmem:$0x1E500] =	vst v63  }
0x4a: {  	_ =	swait.ge [sflag:s17], $0xA000  }
0x4b: {  	s21 =	sadd.s32 $0x1, s21;
	[sflag:s17] =	ssyncset.done $0x0  }
0x4c: {  	p0 =	sne.s32 s21, s9;
	[sflag:s17] =	ssyncadd.s32 $0xFFFF6000  }
.Ltmp1:
0x4d: {  	[bflag:$0x0] =	sbarrier.arrive $0xFFFF;
	(pc) =	sbr.rel @p0 .LBB2_1-.Ltmp1, $4  }
0x4e: {  	[hbm:s8], [sflag:s20] =	dma.local [spmem:s14], $0x1400  }
0x4f: {  	_ =	swait.ge [sflag:s17], $0x1400  }
0x50: {  	[sflag:s17] =	ssyncset.done $0x0  }
0x51: {  	[sflag:s17] =	ssyncadd.s32 $0xFFFFEC00  }
0x52: {  	_ =	sfence.sel $0x180000  }
0x53: {  	[bflag:$0x0] =	sbarrier.arrive $0xFFFF  }
0x54: {  	p0 =	sne.s32 s0, $0x0;
	_ =	strace $0x9000004A  }
0x55: {  	s0 =	sadd.s32 @!p0 $0x100000, s1;
	[bflag:$0x2] =	sbarrier.arrive $0xFFFF  }
0x56: {  	[sflag:s0] =	ssyncadd.tile.s32 @!p0 $0x1;
	_ =	shalt  }
.Lfunc_end2:
_tile_overlayer_lowered:
.L_overlay_start_2:
0x57: {  	(tag) =	ssettag $0x2  }
0x58: {  	s0 =	rddreg [dreg:$0x0];
	s2 =	stileid.u32  }
0x59: {  	s1 =	rddreg [dreg:$0x1];
	p0 =	sne.s32 s2, $0x0  }
0x5a: {  	s3 =	rddreg [dreg:$0x2];
	[bflag:$0x3] =	sbarrier.arrive $0xFFFF;
	s2 =	simm.s32 @!p0 $0x1C03  }
0x5b: {  	[timem:s3], [sflag:s2] =	dma.local @!p0 [hbm:s0], s1  }
0x5c: {  	s0 =	simm.s32 @!p0 $0x3  }
0x5d: {  	_ =	swait.ge @!p0 [sflag:s0], s1  }
0x5e: {  	s1 =	ssub.s32 @!p0 $0x0, s1;
	[sflag:s0] =	ssyncset.done @!p0 $0x0  }
0x5f: {  	[sflag:s0] =	ssyncadd.s32 @!p0 s1  }
0x60: {  	[bflag:$0x3] =	sbarrier.arrive $0xFFFF  }
0x61: {  	_ =	shalt  }

// kernel: kernel.27.cloned.1.call-start
scs
__scs_entry_jumppad:
0x0: {  	(pc) =	sbr.rel $0x88, $3  }
0x1: {  	(tag) =	ssettag $0x0;
	lr =	simm.s32 $0x1  }
0x2: {  	[smem:$0x3F9A] =	sst lr;
	_ =	strace $0xD0000000  }
0x3: {  	_ = 	snop  }
0x4: {  	_ = 	snop  }
0x5: {  	_ = 	snop  }
0x6: {  	_ = 	snop  }
0x7: {  	_ = 	snop  }
__scs_overlays_trampoline_lowered:
0x8: {  	[smem:$0x3FA9] =	sst s0  }
0x9: {  	[smem:$0x3FAA] =	sst s1  }
0xa: {  	[smem:$0x3FAB] =	sst s2  }
0xb: {  	[smem:$0x3FAC] =	sst s3  }
0xc: {  	[smem:$0x3FAD] =	sst s4  }
0xd: {  	[smem:$0x3FAE] =	sst s5  }
0xe: {  	[smem:$0x3FAF] =	sst s6  }
0xf: {  	[smem:$0x3FB0] =	sst s7  }
0x10: {  	[smem:$0x3FB1] =	sst s8  }
0x11: {  	[smem:$0x3FB2] =	sst s9;
	s0 =	simm.s32 @!p0 $0x0  }
0x12: {  	s1 =	sld [smem:$0x3F98];
	s0 =	simm.s32 @p0 $0x1  }
0x13: {  	[smem:$0x3FB3] =	sst s0;
	s0 =	simm.s32 @!p1 $0x0  }
0x14: {  	s2 =	sld [smem:$0x3F97];
	s0 =	simm.s32 @p1 $0x1  }
0x15: {  	[smem:$0x3FB4] =	sst s0;
	s0 =	simm.s32 @!p2 $0x0  }
0x16: {  	s3 =	sld [smem:$0x3FDB];
	s0 =	simm.s32 @p2 $0x1  }
0x17: {  	s4 =	simm.s32 $0x1BF5;
	[smem:$0x3FB6] =	sst s0  }
0x18: {  	s0 =	sld [smem:$0x3F99];
	_ =	swait.ge [sflag:s4], $0x0  }
0x19: {  	s7 =	sld [smem:$0x3F9A]  }
0x1a: {  	s8 =	sadd.s32 $0xFFFFE003, lr  }
0x1b: {  	s9 =	sadd.s32 $0xFFFFFEF7, lr;
	s5 =	simm.s32 $0xFFFFFFFF;
	p2 =	slt.u32 s8, $0xFFFFF086  }
0x1c: {  	p1 =	slt.u32 s9, $0xF7A;
	s5 =	simm.s32 @!p2 $0x0  }
0x1d: {  	s5 =	simm.s32 @p1 $0x1;
	p0 =	seq.s32 s7, s2  }
0x1e: {  	s7 =	smul.u32 @!p0 $0xF7A, s2;
	p2 =	seq.s32 @!p0 s5, $0x0  }
0x1f: {  	s9 =	smul.u32 $0xF7A, s1;
	s8 =	simm.s32 @!p0 $0x1BF5;
	p2 =	por !p2, p0  }
0x20: {  	[sflag:s8] =	ssyncset.s32 @!p0 $0xFFFFF086;
	s6 =	sadd.s32 @!p0 s3, s7;
	s7 =	simm.s32 @!p0 $0x108  }
0x21: {  	s3 =	sadd.s32 s3, s9;
	s6 =	sadd.s32 @!p0 $0x88, s6;
	s7 =	simm.s32 @p2 $0x1082  }
0x22: {  	[simem:s7], [sflag:s8] =	dma.local @!p0 [hbm:s6], $0xF7A  }
0x23: {  	s9 =	sor.u32 $0xD0000000, s2;
	s6 =	simm.s32 $0x108;
	_ =	swait.ge @!p0 [sflag:s8], $0x0  }
0x24: {  	s3 =	sadd.s32 $0x88, s3;
	s6 =	simm.s32 @!p1 $0x1082;
	[sflag:s4] =	ssyncset.s32 $0xFFFFF086  }
0x25: {  	[simem:s6], [sflag:s4] =	dma.local [hbm:s3], $0xF7A  }
0x26: {  	[smem:$0x3F9A] =	sst s1;
	(tag) =	ssettag s2;
	_ =	strace s9  }
0x27: {  	s1 =	sld [smem:$0x3FAA]  }
0x28: {  	s2 =	sld [smem:$0x3FAB]  }
0x29: {  	s4 =	sld [smem:$0x3FAD]  }
0x2a: {  	p0 =	seq.s32 s5, $0x0;
	s5 =	sld [smem:$0x3FAE]  }
0x2b: {  	s6 =	sld [smem:$0x3FAF]  }
0x2c: {  	s7 =	sld [smem:$0x3FB0]  }
0x2d: {  	s3 =	simm.s32 $0x108;
	s8 =	sld [smem:$0x3FB1]  }
0x2e: {  	s3 =	simm.s32 @!p0 $0x1082;
	s9 =	sld [smem:$0x3FB2]  }
0x2f: {  	lr =	sadd.s32 s0, s3;
	s0 =	sld [smem:$0x3FA9]  }
0x30: {  	s3 =	sld [smem:$0x3FAC]  }
0x31: {  	[smem:$0x3FB5] =	sst s10  }
0x32: {  	s10 =	sld [smem:$0x3FB3];
	_ =	sdelay $0x3  }
0x33: {  	p0 =	seq.s32 s10, $0x1;
	s10 =	sld [smem:$0x3FB5];
	_ =	sdelay $0x3  }
0x34: {  	[smem:$0x3FB5] =	sst s10  }
0x35: {  	s10 =	sld [smem:$0x3FB4];
	_ =	sdelay $0x3  }
0x36: {  	p1 =	seq.s32 s10, $0x1;
	s10 =	sld [smem:$0x3FB5];
	_ =	sdelay $0x3  }
0x37: {  	[smem:$0x3FB5] =	sst s10  }
0x38: {  	s10 =	sld [smem:$0x3FB6]  }
0x39: {  	_ = 	snop;
	(pc) =	sbr.ind lr, $3  }
0x3a: {  	_ = 	snop  }
0x3b: {  	_ = 	snop  }
0x3c: {  	p2 =	seq.s32 s10, $0x1;
	s10 =	sld [smem:$0x3FB5]  }
0x3d: {  	_ =	shalt  }
0x3e: {  	_ =	shalt  }
0x3f: {  	_ =	shalt  }
0x40: {  	_ =	shalt  }
0x41: {  	_ =	shalt  }
0x42: {  	_ =	shalt  }
0x43: {  	_ =	shalt  }
0x44: {  	_ =	shalt  }
0x45: {  	_ =	shalt  }
0x46: {  	_ =	shalt  }
0x47: {  	_ =	shalt  }
0x48: {  	_ =	shalt  }
0x49: {  	_ =	shalt  }
0x4a: {  	_ =	shalt  }
0x4b: {  	_ =	shalt  }
0x4c: {  	_ =	shalt  }
0x4d: {  	_ =	shalt  }
0x4e: {  	_ =	shalt  }
0x4f: {  	_ =	shalt  }
0x50: {  	_ =	shalt  }
0x51: {  	_ =	shalt  }
0x52: {  	_ =	shalt  }
0x53: {  	_ =	shalt  }
0x54: {  	_ =	shalt  }
0x55: {  	_ =	shalt  }
0x56: {  	_ =	shalt  }
0x57: {  	_ =	shalt  }
0x58: {  	_ =	shalt  }
0x59: {  	_ =	shalt  }
0x5a: {  	_ =	shalt  }
0x5b: {  	_ =	shalt  }
0x5c: {  	_ =	shalt  }
0x5d: {  	_ =	shalt  }
0x5e: {  	_ =	shalt  }
0x5f: {  	_ =	shalt  }
0x60: {  	_ =	shalt  }
0x61: {  	_ =	shalt  }
0x62: {  	_ =	shalt  }
0x63: {  	_ =	shalt  }
0x64: {  	_ =	shalt  }
0x65: {  	_ =	shalt  }
0x66: {  	_ =	shalt  }
0x67: {  	_ =	shalt  }
0x68: {  	_ =	shalt  }
0x69: {  	_ =	shalt  }
0x6a: {  	_ =	shalt  }
0x6b: {  	_ =	shalt  }
0x6c: {  	_ =	shalt  }
0x6d: {  	_ =	shalt  }
0x6e: {  	_ =	shalt  }
0x6f: {  	_ =	shalt  }
0x70: {  	_ =	shalt  }
0x71: {  	_ =	shalt  }
0x72: {  	_ =	shalt  }
0x73: {  	_ =	shalt  }
0x74: {  	_ =	shalt  }
0x75: {  	_ =	shalt  }
0x76: {  	_ =	shalt  }
0x77: {  	_ =	shalt  }
0x78: {  	_ =	shalt  }
0x79: {  	_ =	shalt  }
0x7a: {  	_ =	shalt  }
0x7b: {  	_ =	shalt  }
0x7c: {  	_ =	shalt  }
0x7d: {  	_ =	shalt  }
0x7e: {  	_ =	shalt  }
0x7f: {  	_ =	shalt  }
0x80: {  	_ =	shalt  }
0x81: {  	_ =	shalt  }
0x82: {  	_ =	shalt  }
0x83: {  	_ =	shalt  }
0x84: {  	_ =	shalt  }
0x85: {  	_ =	shalt  }
0x86: {  	_ =	shalt  }
0x87: {  	_ =	shalt  }
.Lfunc_end0:
.L_simem_size_0:
called_computation.2_lowered:
.L_overlay_start_0:
0x88: {  	s2 =	sld [smem:$0x3FD9]  }
0x89: {  	s3 =	sld [smem:$0x3FFE];
	_ =	sdelay $0x1  }
0x8a: {  	s1 =	srdreg.scid  }
0x8b: {  	s0 =	sand.u32 $0x1, s1  }
0x8c: {  	s17 =	sshll.u32 s0, $0xA;
	s2 =	sadd.s32 s3, s2  }
0x8d: {  	s2 =	sadd.s32 s2, s17  }
0x8e: {  	[smem:$0x3FC1] =	sst s2  }
0x8f: {  	_ = 	snop  }
0x90: {  	s2 =	sld [smem:$0x3FD0];
	(tm) =	ssettm $0x1  }
0x91: {  	s18 =	sld [smem:$0x3FFB];
	_ =	sdelay $0x3  }
0x92: {  	_ =	strace s18  }
0x93: {  	s3 =	sld [smem:$0x3FFC];
	_ =	sdelay $0x3  }
0x94: {  	_ =	strace s3  }
0x95: {  	s3 =	sld [smem:$0x3FFD];
	_ =	sdelay $0x3  }
0x96: {  	_ =	strace s3  }
0x97: {  	_ =	strace $0x8FFFFFFF  }
0x98: {  	s19 =	sld [smem:$0x3FDB];
	_ =	sdelay $0x1  }
0x99: {  	s4 =	simm.s32 $_scs_section_size  }
0x9a: {  	s5 =	simm.s32 $_size__tile_overlayer_lowered;
	s6 =	simm.s32 $_tile_overlayer_lowered  }
0x9b: {  	s22 =	simm.s32 $0x1BFF;
	s21 =	sshll.u32 s6, $0x1;
	s3 =	sadd.s32 s4, s19  }
0x9c: {  	s7 =	simm.s32 $0x0;
	s20 =	sshll.u32 s5, $0x1;
	s5 =	sadd.s32 s21, s3  }
0x9d: {  	[timem:s7], [sflag:s22] =	dma.local [hbm:s5], s20  }
0x9e: {  	_ =	swait.ge [sflag:s22], s20  }
0x9f: {  	s4 =	ssub.s32 $0x0, s20;
	[sflag:s22] =	ssyncset.done $0x0  }
0xa0: {  	[sflag:s22] =	ssyncadd.s32 s4;
	_ =	sdelay $0x1  }
0xa1: {  	s23 =	simm.s32 $0x1B8B  }
0xa2: {  	_ =	swait.ge [sflag:s23], $0x1  }
0xa3: {  	[sflag:s23] =	ssyncset.done $0x0  }
0xa4: {  	s25 =	simm.s32 $0x1B8E;
	s24 =	sld [smem:$0x3FFE];
	[sflag:s23] =	ssyncadd.s32 $0xFFFFFFFF  }
0xa5: {  	s26 =	simm.s32 $execute0_lowered;
	[smem:$0x3FD2] =	sst s25  }
0xa6: {  	s5 =	sshll.u32 s26, $0x1;
	_ =	strace $0x8000004C;
	[dreg:$0x1] =	wrdreg $0xFFFFFFFF  }
0xa7: {  	s28 =	simm.s32 $_size_execute0_lowered;
	s3 =	sadd.s32 s3, s5;
	[dreg:$0x0] =	wrdreg $0x0  }
0xa8: {  	s5 =	sshll.u32 s28, $0x1;
	[dreg:$0x2] =	wrdreg s3  }
0xa9: {  	[dreg:$0x3] =	wrdreg s5  }
0xaa: {  	[dreg:$0x4] =	wrdreg $0xC0  }
0xab: {  	_ =	task [dreg:s7], $0x5FFFF  }
0xac: {  	[dreg:$0x1] =	wrdreg $0xFFFFFFFF  }
0xad: {  	[dreg:$0x0] =	wrdreg $0x60  }
0xae: {  	[dreg:$0x2] =	wrdreg s24  }
0xaf: {  	[dreg:$0x3] =	wrdreg s2  }
0xb0: {  	[dreg:$0x4] =	wrdreg $0xA5000  }
0xb1: {  	[dreg:$0x5] =	wrdreg $0x145000  }
0xb2: {  	[dreg:$0x6] =	wrdreg $0x9  }
0xb3: {  	_ =	task.clear_ibuf [dreg:s7], $0x7FFFF;
	_ =	strace $0x9000004C  }
0xb4: {  	s29 =	simm.s32 $0x9;
	_ =	strace $0x8000004E  }
0xb5: {  	_ =	swait.ge [sflag:s29], $0x1  }
0xb6: {  	[sflag:s29] =	ssyncadd.s32 $0xFFFFFFFF  }
0xb7: {  	_ =	strace $0x9000004E  }
0xb8: {  	_ =	sfence  }
0xb9: {  	s30 =	sld [smem:$0x0];
	_ =	sdelay $0x2  }
0xba: {  	s31 =	sshll.u32 s1, $0xD;
	s1 =	sshrl.u32 s1, $0x2  }
0xbb: {  	s3 =	sand.u32 $0x4000, s31;
	s1 =	sadd.s32 s1, s30  }
0xbc: {  	s0 =	sor.u32 s3, s0;
	s1 =	sshll.u32 s1, $0x11  }
0xbd: {  	s0 =	sor.u32 s1, s0  }
0xbe: {  	s0 =	sadd.s32 $0x8F2B, s0  }
0xbf: {  	[sflag:s0] =	ssyncadd.remote.s32 $0x1  }
0xc0: {  	_ =	sfence.sel $0xFFFF  }
0xc1: {  	[dreg:$0x0] =	wrdreg $0xFFFFFFFF;
	(pc) =	sbr.abs _section_cstart, $3  }
0xc2: {  	[dreg:$0x1] =	wrdreg $0xFFFFFFFF  }
0xc3: {  	_ =	task.clear_ibuf [dreg:s7], $0x2FFFF;
	_ =	strace $0x9FFFFFFF  }
0xc4: {  	(tm) =	ssettm $0x7FFFFFFF  }
0xc5: {  	_ =	shalt  }
tec
execute0_lowered:
.L_overlay_start_1:
0x0: {  	(tag) =	ssettag $0x1  }
0x1: {  	s5 =	rddreg [dreg:$0x0]  }
0x2: {  	s10 =	rddreg [dreg:$0x1]  }
0x3: {  	s2 =	rddreg [dreg:$0x2]  }
0x4: {  	s0 =	srdreg.scid;
	s3 =	rddreg [dreg:$0x3]  }
0x5: {  	s1 =	rddreg [dreg:$0x4];
	s6 =	sand.u32 $0x1, s0  }
0x6: {  	s4 =	simm.s32 $0x0;
	s0 =	stileid.u32;
	s7 =	smul.u32 $0x28000, s6  }
0x7: {  	s17 =	simm.s32 $0x3;
	s18 =	simm.s32 $0x280;
	s8 =	smul.u32 $0x2800, s0  }
0x8: {  	s19 =	simm.s32 $0x500;
	s21 =	simm.s32 $0x0;
	s9 =	smul.u32 $0xA000, s0  }
0x9: {  	[smem:$0x7FF] =	sst s4;
	s28 =	smul.u32 $0xA0000, s6;
	s6 =	ssub.s32 $0x2, s6  }
0xa: {  	_ =	strace $0x8000004D;
	s20 =	sshll.u32 s0, $0x6;
	s31 =	sshrl.u32 s6, $0x1  }
0xb: {  	s7 =	sadd.s32 s8, s7;
	s29 =	sadd.s32 s9, s28;
	s30 =	sshrl.u32 s9, $0x3  }
0xc: {  	s14 =	ssub.s32 s6, s31;
	s15 =	sadd.s32 s9, s2;
	s6 =	sor.u32 $0x1C01, s20  }
0xd: {  	s16 =	sadd.s32 s9, s3;
	s11 =	sshrl.u32 s7, $0x3;
	s7 =	sshrl.u32 s29, $0x3  }
0xe: {  	s8 =	sadd.s32 s30, s5;
	s9 =	smax.u32 s14, $0x1;
	s14 =	sshrl.u32 s16, $0x3  }
0xf: {  	s16 =	simm.s32 $0x2;
	s12 =	sadd.s32 s11, s5;
	s13 =	sadd.s32 s7, s5  }
0x10: {  	s5 =	sadd.s32 $0x15200, s8;
	s7 =	sadd.s32 $0x29200, s8;
	s10 =	sadd.s32 s11, s10  }
0x11: {  	s8 =	sadd.s32 $0x3D200, s13;
	s11 =	sadd.s32 $0xB200, s12;
	s12 =	sshrl.u32 s15, $0x3  }
0x12: {  	s13 =	sor.u32 $0x1C02, s20;
	s15 =	simm.s32 $0x1;
	s20 =	sor.u32 $0x1C03, s20  }
.LBB2_1:
0x13: {  	[spmem:s12], [sflag:s6] =	dma.local [hbm:s5], $0x1400  }
0x14: {  	[spmem:s14], [sflag:s13] =	dma.local [hbm:s7], $0x1400  }
0x15: {  	_ =	swait.ge [sflag:s15], $0x1400  }
0x16: {  	[sflag:s15] =	ssyncset.done $0x0  }
0x17: {  	[sflag:s15] =	ssyncadd.s32 $0xFFFFEC00  }
0x18: {  	_ =	swait.ge [sflag:s16], $0x1400  }
0x19: {  	[sflag:s16] =	ssyncset.done $0x0  }
0x1a: {  	[sflag:s16] =	ssyncadd.s32 $0xFFFFEC00  }
0x1b: {  	s22 =	sadd.s32 $0x0, s11;
	[bflag:$0x0] =	sbarrier.arrive $0xFFFF  }
0x1c: {  	[tilespmem:s4], [sflag:$0x3] =	stream.linear.gather [hbm4b:s22+s4], $0x280, $0x38;
	[tilespmem:$0x1E500] =	vst v63  }
0x1d: {  	_ =	swait.ge [sflag:s17], $0x280  }
0x1e: {  	[sflag:s17] =	ssyncset.done $0x0  }
0x1f: {  	s31 =	sadd.s32 $0x0, s10;
	[sflag:s17] =	ssyncadd.s32 $0xFFFFFD80  }
0x20: {  	[tilespmem:s18], [sflag:$0x3] =	stream.linear.gather [hbm4b:s31+s4], $0x280, $0x38;
	[tilespmem:$0x1E500] =	vst v63  }
0x21: {  	_ =	swait.ge [sflag:s17], $0x280  }
0x22: {  	[sflag:s17] =	ssyncset.done $0x0  }
0x23: {  	[sflag:s17] =	ssyncadd.s32 $0xFFFFFD80  }
0x24: {  	[tilespmem:s19], [sflag:$0x1] =	stream.indirect.gather [spmem:s2], $0x40, s4, s18, $0xb8;
	[tilespmem:$0x1E500] =	vst v63  }
0x25: {  	_ =	swait.ge [sflag:s15], $0xA000  }
0x26: {  	[sflag:s15] =	ssyncset.done $0x0  }
0x27: {  	[sflag:s15] =	ssyncadd.s32 $0xFFFF6000  }
0x28: {  	[spmem:s3] =	stream.indirect.scatter.add.f32 [tilespmem:s19], [sflag:$0x3], $0x40, s18, s18, $0xb8;
	[tilespmem:$0x1E500] =	vst v63  }
0x29: {  	_ =	swait.ge [sflag:s17], $0xA000  }
0x2a: {  	s23 =	simm.s32 $0xA0;
	s22 =	simm.s32 $0x50;
	[sflag:s17] =	ssyncset.done $0x0  }
.LBB2_2:
0x2b: {  	s24 =	sadd.s32 s22, s11  }
0x2c: {  	[sflag:s17] =	ssyncadd.s32 $0xFFFF6000;
	s25 =	smov.u32 s23;
	s26 =	sadd.s32 $0x50, s23  }
0x2d: {  	[tilespmem:s4], [sflag:$0x3] =	stream.linear.gather [hbm4b:s24+s4], $0x280, $0x38;
	[tilespmem:$0x1E500] =	vst v63  }
0x2e: {  	p0 =	sne.s32 s23, $0x4B0;
	_ =	swait.ge [sflag:s17], $0x280  }
0x2f: {  	[sflag:s17] =	ssyncset.done $0x0  }
0x30: {  	s23 =	sadd.s32 s22, s10;
	s22 =	smov.u32 s25;
	[sflag:s17] =	ssyncadd.s32 $0xFFFFFD80  }
0x31: {  	[tilespmem:s18], [sflag:$0x3] =	stream.linear.gather [hbm4b:s23+s4], $0x280, $0x38;
	[tilespmem:$0x1E500] =	vst v63  }
0x32: {  	_ =	swait.ge [sflag:s17], $0x280  }
0x33: {  	[sflag:s17] =	ssyncset.done $0x0  }
0x34: {  	[sflag:s17] =	ssyncadd.s32 $0xFFFFFD80  }
0x35: {  	[tilespmem:s19], [sflag:$0x1] =	stream.indirect.gather [spmem:s2], $0x40, s4, s18, $0xb8;
	[tilespmem:$0x1E500] =	vst v63  }
0x36: {  	_ =	swait.ge [sflag:s15], $0xA000  }
.Ltmp0:
0x37: {  	[sflag:s15] =	ssyncset.done $0x0;
	(pc) =	sbr.rel @p0 .LBB2_2-.Ltmp0, $4  }
0x38: {  	[sflag:s15] =	ssyncadd.s32 $0xFFFF6000  }
0x39: {  	[spmem:s3] =	stream.indirect.scatter.add.f32 [tilespmem:s19], [sflag:$0x3], $0x40, s18, s18, $0xb8;
	[tilespmem:$0x1E500] =	vst v63  }
0x3a: {  	_ =	swait.ge [sflag:s17], $0xA000  }
0x3b: {  	s23 =	smov.u32 s26;
	[sflag:s17] =	ssyncset.done $0x0  }
0x3c: {  	s23 =	sadd.s32 s22, s11;
	[sflag:s17] =	ssyncadd.s32 $0xFFFF6000  }
0x3d: {  	[tilespmem:s4], [sflag:$0x3] =	stream.linear.gather [hbm4b:s23+s4], $0x280, $0x38;
	[tilespmem:$0x1E500] =	vst v63  }
0x3e: {  	_ =	swait.ge [sflag:s17], $0x280  }
0x3f: {  	[sflag:s17] =	ssyncset.done $0x0  }
0x40: {  	s31 =	sadd.s32 s22, s10;
	[sflag:s17] =	ssyncadd.s32 $0xFFFFFD80  }
0x41: {  	[tilespmem:s18], [sflag:$0x3] =	stream.linear.gather [hbm4b:s31+s4], $0x280, $0x38;
	[tilespmem:$0x1E500] =	vst v63  }
0x42: {  	_ =	swait.ge [sflag:s17], $0x280  }
0x43: {  	[sflag:s17] =	ssyncset.done $0x0  }
0x44: {  	[sflag:s17] =	ssyncadd.s32 $0xFFFFFD80  }
0x45: {  	[tilespmem:s19], [sflag:$0x1] =	stream.indirect.gather [spmem:s2], $0x40, s4, s18, $0xb8;
	[tilespmem:$0x1E500] =	vst v63  }
0x46: {  	_ =	swait.ge [sflag:s15], $0xA000  }
0x47: {  	[sflag:s15] =	ssyncset.done $0x0  }
0x48: {  	[sflag:s15] =	ssyncadd.s32 $0xFFFF6000  }
0x49: {  	[spmem:s3] =	stream.indirect.scatter.add.f32 [tilespmem:s19], [sflag:$0x3], $0x40, s18, s18, $0xb8;
	[tilespmem:$0x1E500] =	vst v63  }
0x4a: {  	_ =	swait.ge [sflag:s17], $0xA000  }
0x4b: {  	s21 =	sadd.s32 $0x1, s21;
	[sflag:s17] =	ssyncset.done $0x0  }
0x4c: {  	p0 =	sne.s32 s21, s9;
	[sflag:s17] =	ssyncadd.s32 $0xFFFF6000  }
.Ltmp1:
0x4d: {  	[bflag:$0x0] =	sbarrier.arrive $0xFFFF;
	(pc) =	sbr.rel @p0 .LBB2_1-.Ltmp1, $4  }
0x4e: {  	[hbm:s8], [sflag:s20] =	dma.local [spmem:s14], $0x1400  }
0x4f: {  	_ =	swait.ge [sflag:s17], $0x1400  }
0x50: {  	[sflag:s17] =	ssyncset.done $0x0  }
0x51: {  	[sflag:s17] =	ssyncadd.s32 $0xFFFFEC00  }
0x52: {  	_ =	sfence.sel $0x180000  }
0x53: {  	[bflag:$0x0] =	sbarrier.arrive $0xFFFF  }
0x54: {  	p0 =	sne.s32 s0, $0x0;
	_ =	strace $0x9000004D  }
0x55: {  	s0 =	sadd.s32 @!p0 $0x100000, s1;
	[bflag:$0x2] =	sbarrier.arrive $0xFFFF  }
0x56: {  	[sflag:s0] =	ssyncadd.tile.s32 @!p0 $0x1;
	_ =	shalt  }
.Lfunc_end2:
_tile_overlayer_lowered:
.L_overlay_start_2:
0x57: {  	(tag) =	ssettag $0x2  }
0x58: {  	s0 =	rddreg [dreg:$0x0];
	s2 =	stileid.u32  }
0x59: {  	s1 =	rddreg [dreg:$0x1];
	p0 =	sne.s32 s2, $0x0  }
0x5a: {  	s3 =	rddreg [dreg:$0x2];
	[bflag:$0x3] =	sbarrier.arrive $0xFFFF;
	s2 =	simm.s32 @!p0 $0x1C03  }
0x5b: {  	[timem:s3], [sflag:s2] =	dma.local @!p0 [hbm:s0], s1  }
0x5c: {  	s0 =	simm.s32 @!p0 $0x3  }
0x5d: {  	_ =	swait.ge @!p0 [sflag:s0], s1  }
0x5e: {  	s1 =	ssub.s32 @!p0 $0x0, s1;
	[sflag:s0] =	ssyncset.done @!p0 $0x0  }
0x5f: {  	[sflag:s0] =	ssyncadd.s32 @!p0 s1  }
0x60: {  	[bflag:$0x3] =	sbarrier.arrive $0xFFFF  }
0x61: {  	_ =	shalt  }

// kernel: kernel.30.cloned.1.call-start
scs
__scs_entry_jumppad:
0x0: {  	(pc) =	sbr.rel $0x88, $3  }
0x1: {  	(tag) =	ssettag $0x0;
	lr =	simm.s32 $0x1  }
0x2: {  	[smem:$0x3F9A] =	sst lr;
	_ =	strace $0xD0000000  }
0x3: {  	_ = 	snop  }
0x4: {  	_ = 	snop  }
0x5: {  	_ = 	snop  }
0x6: {  	_ = 	snop  }
0x7: {  	_ = 	snop  }
__scs_overlays_trampoline_lowered:
0x8: {  	[smem:$0x3FA9] =	sst s0  }
0x9: {  	[smem:$0x3FAA] =	sst s1  }
0xa: {  	[smem:$0x3FAB] =	sst s2  }
0xb: {  	[smem:$0x3FAC] =	sst s3  }
0xc: {  	[smem:$0x3FAD] =	sst s4  }
0xd: {  	[smem:$0x3FAE] =	sst s5  }
0xe: {  	[smem:$0x3FAF] =	sst s6  }
0xf: {  	[smem:$0x3FB0] =	sst s7  }
0x10: {  	[smem:$0x3FB1] =	sst s8  }
0x11: {  	[smem:$0x3FB2] =	sst s9;
	s0 =	simm.s32 @!p0 $0x0  }
0x12: {  	s1 =	sld [smem:$0x3F98];
	s0 =	simm.s32 @p0 $0x1  }
0x13: {  	[smem:$0x3FB3] =	sst s0;
	s0 =	simm.s32 @!p1 $0x0  }
0x14: {  	s2 =	sld [smem:$0x3F97];
	s0 =	simm.s32 @p1 $0x1  }
0x15: {  	[smem:$0x3FB4] =	sst s0;
	s0 =	simm.s32 @!p2 $0x0  }
0x16: {  	s3 =	sld [smem:$0x3FDB];
	s0 =	simm.s32 @p2 $0x1  }
0x17: {  	s4 =	simm.s32 $0x1BF5;
	[smem:$0x3FB6] =	sst s0  }
0x18: {  	s0 =	sld [smem:$0x3F99];
	_ =	swait.ge [sflag:s4], $0x0  }
0x19: {  	s7 =	sld [smem:$0x3F9A]  }
0x1a: {  	s8 =	sadd.s32 $0xFFFFE003, lr  }
0x1b: {  	s9 =	sadd.s32 $0xFFFFFEF7, lr;
	s5 =	simm.s32 $0xFFFFFFFF;
	p2 =	slt.u32 s8, $0xFFFFF086  }
0x1c: {  	p1 =	slt.u32 s9, $0xF7A;
	s5 =	simm.s32 @!p2 $0x0  }
0x1d: {  	s5 =	simm.s32 @p1 $0x1;
	p0 =	seq.s32 s7, s2  }
0x1e: {  	s7 =	smul.u32 @!p0 $0xF7A, s2;
	p2 =	seq.s32 @!p0 s5, $0x0  }
0x1f: {  	s9 =	smul.u32 $0xF7A, s1;
	s8 =	simm.s32 @!p0 $0x1BF5;
	p2 =	por !p2, p0  }
0x20: {  	[sflag:s8] =	ssyncset.s32 @!p0 $0xFFFFF086;
	s6 =	sadd.s32 @!p0 s3, s7;
	s7 =	simm.s32 @!p0 $0x108  }
0x21: {  	s3 =	sadd.s32 s3, s9;
	s6 =	sadd.s32 @!p0 $0x88, s6;
	s7 =	simm.s32 @p2 $0x1082  }
0x22: {  	[simem:s7], [sflag:s8] =	dma.local @!p0 [hbm:s6], $0xF7A  }
0x23: {  	s9 =	sor.u32 $0xD0000000, s2;
	s6 =	simm.s32 $0x108;
	_ =	swait.ge @!p0 [sflag:s8], $0x0  }
0x24: {  	s3 =	sadd.s32 $0x88, s3;
	s6 =	simm.s32 @!p1 $0x1082;
	[sflag:s4] =	ssyncset.s32 $0xFFFFF086  }
0x25: {  	[simem:s6], [sflag:s4] =	dma.local [hbm:s3], $0xF7A  }
0x26: {  	[smem:$0x3F9A] =	sst s1;
	(tag) =	ssettag s2;
	_ =	strace s9  }
0x27: {  	s1 =	sld [smem:$0x3FAA]  }
0x28: {  	s2 =	sld [smem:$0x3FAB]  }
0x29: {  	s4 =	sld [smem:$0x3FAD]  }
0x2a: {  	p0 =	seq.s32 s5, $0x0;
	s5 =	sld [smem:$0x3FAE]  }
0x2b: {  	s6 =	sld [smem:$0x3FAF]  }
0x2c: {  	s7 =	sld [smem:$0x3FB0]  }
0x2d: {  	s3 =	simm.s32 $0x108;
	s8 =	sld [smem:$0x3FB1]  }
0x2e: {  	s3 =	simm.s32 @!p0 $0x1082;
	s9 =	sld [smem:$0x3FB2]  }
0x2f: {  	lr =	sadd.s32 s0, s3;
	s0 =	sld [smem:$0x3FA9]  }
0x30: {  	s3 =	sld [smem:$0x3FAC]  }
0x31: {  	[smem:$0x3FB5] =	sst s10  }
0x32: {  	s10 =	sld [smem:$0x3FB3];
	_ =	sdelay $0x3  }
0x33: {  	p0 =	seq.s32 s10, $0x1;
	s10 =	sld [smem:$0x3FB5];
	_ =	sdelay $0x3  }
0x34: {  	[smem:$0x3FB5] =	sst s10  }
0x35: {  	s10 =	sld [smem:$0x3FB4];
	_ =	sdelay $0x3  }
0x36: {  	p1 =	seq.s32 s10, $0x1;
	s10 =	sld [smem:$0x3FB5];
	_ =	sdelay $0x3  }
0x37: {  	[smem:$0x3FB5] =	sst s10  }
0x38: {  	s10 =	sld [smem:$0x3FB6]  }
0x39: {  	_ = 	snop;
	(pc) =	sbr.ind lr, $3  }
0x3a: {  	_ = 	snop  }
0x3b: {  	_ = 	snop  }
0x3c: {  	p2 =	seq.s32 s10, $0x1;
	s10 =	sld [smem:$0x3FB5]  }
0x3d: {  	_ =	shalt  }
0x3e: {  	_ =	shalt  }
0x3f: {  	_ =	shalt  }
0x40: {  	_ =	shalt  }
0x41: {  	_ =	shalt  }
0x42: {  	_ =	shalt  }
0x43: {  	_ =	shalt  }
0x44: {  	_ =	shalt  }
0x45: {  	_ =	shalt  }
0x46: {  	_ =	shalt  }
0x47: {  	_ =	shalt  }
0x48: {  	_ =	shalt  }
0x49: {  	_ =	shalt  }
0x4a: {  	_ =	shalt  }
0x4b: {  	_ =	shalt  }
0x4c: {  	_ =	shalt  }
0x4d: {  	_ =	shalt  }
0x4e: {  	_ =	shalt  }
0x4f: {  	_ =	shalt  }
0x50: {  	_ =	shalt  }
0x51: {  	_ =	shalt  }
0x52: {  	_ =	shalt  }
0x53: {  	_ =	shalt  }
0x54: {  	_ =	shalt  }
0x55: {  	_ =	shalt  }
0x56: {  	_ =	shalt  }
0x57: {  	_ =	shalt  }
0x58: {  	_ =	shalt  }
0x59: {  	_ =	shalt  }
0x5a: {  	_ =	shalt  }
0x5b: {  	_ =	shalt  }
0x5c: {  	_ =	shalt  }
0x5d: {  	_ =	shalt  }
0x5e: {  	_ =	shalt  }
0x5f: {  	_ =	shalt  }
0x60: {  	_ =	shalt  }
0x61: {  	_ =	shalt  }
0x62: {  	_ =	shalt  }
0x63: {  	_ =	shalt  }
0x64: {  	_ =	shalt  }
0x65: {  	_ =	shalt  }
0x66: {  	_ =	shalt  }
0x67: {  	_ =	shalt  }
0x68: {  	_ =	shalt  }
0x69: {  	_ =	shalt  }
0x6a: {  	_ =	shalt  }
0x6b: {  	_ =	shalt  }
0x6c: {  	_ =	shalt  }
0x6d: {  	_ =	shalt  }
0x6e: {  	_ =	shalt  }
0x6f: {  	_ =	shalt  }
0x70: {  	_ =	shalt  }
0x71: {  	_ =	shalt  }
0x72: {  	_ =	shalt  }
0x73: {  	_ =	shalt  }
0x74: {  	_ =	shalt  }
0x75: {  	_ =	shalt  }
0x76: {  	_ =	shalt  }
0x77: {  	_ =	shalt  }
0x78: {  	_ =	shalt  }
0x79: {  	_ =	shalt  }
0x7a: {  	_ =	shalt  }
0x7b: {  	_ =	shalt  }
0x7c: {  	_ =	shalt  }
0x7d: {  	_ =	shalt  }
0x7e: {  	_ =	shalt  }
0x7f: {  	_ =	shalt  }
0x80: {  	_ =	shalt  }
0x81: {  	_ =	shalt  }
0x82: {  	_ =	shalt  }
0x83: {  	_ =	shalt  }
0x84: {  	_ =	shalt  }
0x85: {  	_ =	shalt  }
0x86: {  	_ =	shalt  }
0x87: {  	_ =	shalt  }
.Lfunc_end0:
.L_simem_size_0:
called_computation.3_lowered:
.L_overlay_start_0:
0x88: {  	s2 =	sld [smem:$0x3FD9]  }
0x89: {  	s3 =	sld [smem:$0x3FFE];
	_ =	sdelay $0x1  }
0x8a: {  	s1 =	srdreg.scid  }
0x8b: {  	s0 =	sand.u32 $0x1, s1  }
0x8c: {  	s17 =	sshll.u32 s0, $0xA;
	s2 =	sadd.s32 s3, s2  }
0x8d: {  	s2 =	sadd.s32 s2, s17  }
0x8e: {  	[smem:$0x3FC1] =	sst s2  }
0x8f: {  	_ = 	snop  }
0x90: {  	s2 =	sld [smem:$0x3FD0];
	(tm) =	ssettm $0x1  }
0x91: {  	s18 =	sld [smem:$0x3FFB];
	_ =	sdelay $0x3  }
0x92: {  	_ =	strace s18  }
0x93: {  	s3 =	sld [smem:$0x3FFC];
	_ =	sdelay $0x3  }
0x94: {  	_ =	strace s3  }
0x95: {  	s3 =	sld [smem:$0x3FFD];
	_ =	sdelay $0x3  }
0x96: {  	_ =	strace s3  }
0x97: {  	_ =	strace $0x8FFFFFFF  }
0x98: {  	s19 =	sld [smem:$0x3FDB];
	_ =	sdelay $0x1  }
0x99: {  	s4 =	simm.s32 $_scs_section_size  }
0x9a: {  	s5 =	simm.s32 $_size__tile_overlayer_lowered;
	s6 =	simm.s32 $_tile_overlayer_lowered  }
0x9b: {  	s22 =	simm.s32 $0x1BFF;
	s21 =	sshll.u32 s6, $0x1;
	s3 =	sadd.s32 s4, s19  }
0x9c: {  	s7 =	simm.s32 $0x0;
	s20 =	sshll.u32 s5, $0x1;
	s5 =	sadd.s32 s21, s3  }
0x9d: {  	[timem:s7], [sflag:s22] =	dma.local [hbm:s5], s20  }
0x9e: {  	_ =	swait.ge [sflag:s22], s20  }
0x9f: {  	s4 =	ssub.s32 $0x0, s20;
	[sflag:s22] =	ssyncset.done $0x0  }
0xa0: {  	[sflag:s22] =	ssyncadd.s32 s4;
	_ =	sdelay $0x1  }
0xa1: {  	s23 =	simm.s32 $0x1B8B  }
0xa2: {  	_ =	swait.ge [sflag:s23], $0x1  }
0xa3: {  	[sflag:s23] =	ssyncset.done $0x0  }
0xa4: {  	s25 =	simm.s32 $0x1B8E;
	s24 =	sld [smem:$0x3FFE];
	[sflag:s23] =	ssyncadd.s32 $0xFFFFFFFF  }
0xa5: {  	s26 =	simm.s32 $execute0_lowered;
	[smem:$0x3FD2] =	sst s25  }
0xa6: {  	s5 =	sshll.u32 s26, $0x1;
	_ =	strace $0x8000004F;
	[dreg:$0x1] =	wrdreg $0xFFFFFFFF  }
0xa7: {  	s28 =	simm.s32 $_size_execute0_lowered;
	s3 =	sadd.s32 s3, s5;
	[dreg:$0x0] =	wrdreg $0x0  }
0xa8: {  	s5 =	sshll.u32 s28, $0x1;
	[dreg:$0x2] =	wrdreg s3  }
0xa9: {  	[dreg:$0x3] =	wrdreg s5  }
0xaa: {  	[dreg:$0x4] =	wrdreg $0xC0  }
0xab: {  	_ =	task [dreg:s7], $0x5FFFF  }
0xac: {  	[dreg:$0x1] =	wrdreg $0xFFFFFFFF  }
0xad: {  	[dreg:$0x0] =	wrdreg $0x60  }
0xae: {  	[dreg:$0x2] =	wrdreg s24  }
0xaf: {  	[dreg:$0x3] =	wrdreg s2  }
0xb0: {  	[dreg:$0x4] =	wrdreg $0xA5000  }
0xb1: {  	[dreg:$0x5] =	wrdreg $0x145000  }
0xb2: {  	[dreg:$0x6] =	wrdreg $0x9  }
0xb3: {  	_ =	task.clear_ibuf [dreg:s7], $0x7FFFF;
	_ =	strace $0x9000004F  }
0xb4: {  	s29 =	simm.s32 $0x9;
	_ =	strace $0x80000051  }
0xb5: {  	_ =	swait.ge [sflag:s29], $0x1  }
0xb6: {  	[sflag:s29] =	ssyncadd.s32 $0xFFFFFFFF  }
0xb7: {  	_ =	strace $0x90000051  }
0xb8: {  	_ =	sfence  }
0xb9: {  	s30 =	sld [smem:$0x0];
	_ =	sdelay $0x2  }
0xba: {  	s31 =	sshll.u32 s1, $0xD;
	s1 =	sshrl.u32 s1, $0x2  }
0xbb: {  	s3 =	sand.u32 $0x4000, s31;
	s1 =	sadd.s32 s1, s30  }
0xbc: {  	s0 =	sor.u32 s3, s0;
	s1 =	sshll.u32 s1, $0x11  }
0xbd: {  	s0 =	sor.u32 s1, s0  }
0xbe: {  	s0 =	sadd.s32 $0x8F2B, s0  }
0xbf: {  	[sflag:s0] =	ssyncadd.remote.s32 $0x1  }
0xc0: {  	_ =	sfence.sel $0xFFFF  }
0xc1: {  	[dreg:$0x0] =	wrdreg $0xFFFFFFFF;
	(pc) =	sbr.abs _section_cstart, $3  }
0xc2: {  	[dreg:$0x1] =	wrdreg $0xFFFFFFFF  }
0xc3: {  	_ =	task.clear_ibuf [dreg:s7], $0x2FFFF;
	_ =	strace $0x9FFFFFFF  }
0xc4: {  	(tm) =	ssettm $0x7FFFFFFF  }
0xc5: {  	_ =	shalt  }
tec
execute0_lowered:
.L_overlay_start_1:
0x0: {  	(tag) =	ssettag $0x1  }
0x1: {  	s5 =	rddreg [dreg:$0x0]  }
0x2: {  	s10 =	rddreg [dreg:$0x1]  }
0x3: {  	s2 =	rddreg [dreg:$0x2]  }
0x4: {  	s0 =	srdreg.scid;
	s3 =	rddreg [dreg:$0x3]  }
0x5: {  	s1 =	rddreg [dreg:$0x4];
	s6 =	sand.u32 $0x1, s0  }
0x6: {  	s4 =	simm.s32 $0x0;
	s0 =	stileid.u32;
	s7 =	smul.u32 $0x28000, s6  }
0x7: {  	s17 =	simm.s32 $0x3;
	s18 =	simm.s32 $0x280;
	s8 =	smul.u32 $0x2800, s0  }
0x8: {  	s19 =	simm.s32 $0x500;
	s21 =	simm.s32 $0x0;
	s9 =	smul.u32 $0xA000, s0  }
0x9: {  	[smem:$0x7FF] =	sst s4;
	s28 =	smul.u32 $0xA0000, s6;
	s6 =	ssub.s32 $0x2, s6  }
0xa: {  	_ =	strace $0x80000050;
	s20 =	sshll.u32 s0, $0x6;
	s31 =	sshrl.u32 s6, $0x1  }
0xb: {  	s7 =	sadd.s32 s8, s7;
	s29 =	sadd.s32 s9, s28;
	s30 =	sshrl.u32 s9, $0x3  }
0xc: {  	s14 =	ssub.s32 s6, s31;
	s15 =	sadd.s32 s9, s2;
	s6 =	sor.u32 $0x1C01, s20  }
0xd: {  	s16 =	sadd.s32 s9, s3;
	s11 =	sshrl.u32 s7, $0x3;
	s7 =	sshrl.u32 s29, $0x3  }
0xe: {  	s8 =	sadd.s32 s30, s5;
	s9 =	smax.u32 s14, $0x1;
	s14 =	sshrl.u32 s16, $0x3  }
0xf: {  	s16 =	simm.s32 $0x2;
	s12 =	sadd.s32 s11, s5;
	s13 =	sadd.s32 s7, s5  }
0x10: {  	s5 =	sadd.s32 $0x15200, s8;
	s7 =	sadd.s32 $0x29200, s8;
	s10 =	sadd.s32 s11, s10  }
0x11: {  	s8 =	sadd.s32 $0x3D200, s13;
	s11 =	sadd.s32 $0xB200, s12;
	s12 =	sshrl.u32 s15, $0x3  }
0x12: {  	s13 =	sor.u32 $0x1C02, s20;
	s15 =	simm.s32 $0x1;
	s20 =	sor.u32 $0x1C03, s20  }
.LBB2_1:
0x13: {  	[spmem:s12], [sflag:s6] =	dma.local [hbm:s5], $0x1400  }
0x14: {  	[spmem:s14], [sflag:s13] =	dma.local [hbm:s7], $0x1400  }
0x15: {  	_ =	swait.ge [sflag:s15], $0x1400  }
0x16: {  	[sflag:s15] =	ssyncset.done $0x0  }
0x17: {  	[sflag:s15] =	ssyncadd.s32 $0xFFFFEC00  }
0x18: {  	_ =	swait.ge [sflag:s16], $0x1400  }
0x19: {  	[sflag:s16] =	ssyncset.done $0x0  }
0x1a: {  	[sflag:s16] =	ssyncadd.s32 $0xFFFFEC00  }
0x1b: {  	s22 =	sadd.s32 $0x0, s11;
	[bflag:$0x0] =	sbarrier.arrive $0xFFFF  }
0x1c: {  	[tilespmem:s4], [sflag:$0x3] =	stream.linear.gather [hbm4b:s22+s4], $0x280, $0x38;
	[tilespmem:$0x1E500] =	vst v63  }
0x1d: {  	_ =	swait.ge [sflag:s17], $0x280  }
0x1e: {  	[sflag:s17] =	ssyncset.done $0x0  }
0x1f: {  	s31 =	sadd.s32 $0x0, s10;
	[sflag:s17] =	ssyncadd.s32 $0xFFFFFD80  }
0x20: {  	[tilespmem:s18], [sflag:$0x3] =	stream.linear.gather [hbm4b:s31+s4], $0x280, $0x38;
	[tilespmem:$0x1E500] =	vst v63  }
0x21: {  	_ =	swait.ge [sflag:s17], $0x280  }
0x22: {  	[sflag:s17] =	ssyncset.done $0x0  }
0x23: {  	[sflag:s17] =	ssyncadd.s32 $0xFFFFFD80  }
0x24: {  	[tilespmem:s19], [sflag:$0x1] =	stream.indirect.gather [spmem:s2], $0x40, s4, s18, $0xb8;
	[tilespmem:$0x1E500] =	vst v63  }
0x25: {  	_ =	swait.ge [sflag:s15], $0xA000  }
0x26: {  	[sflag:s15] =	ssyncset.done $0x0  }
0x27: {  	[sflag:s15] =	ssyncadd.s32 $0xFFFF6000  }
0x28: {  	[spmem:s3] =	stream.indirect.scatter.add.f32 [tilespmem:s19], [sflag:$0x3], $0x40, s18, s18, $0xb8;
	[tilespmem:$0x1E500] =	vst v63  }
0x29: {  	_ =	swait.ge [sflag:s17], $0xA000  }
0x2a: {  	s23 =	simm.s32 $0xA0;
	s22 =	simm.s32 $0x50;
	[sflag:s17] =	ssyncset.done $0x0  }
.LBB2_2:
0x2b: {  	s24 =	sadd.s32 s22, s11  }
0x2c: {  	[sflag:s17] =	ssyncadd.s32 $0xFFFF6000;
	s25 =	smov.u32 s23;
	s26 =	sadd.s32 $0x50, s23  }
0x2d: {  	[tilespmem:s4], [sflag:$0x3] =	stream.linear.gather [hbm4b:s24+s4], $0x280, $0x38;
	[tilespmem:$0x1E500] =	vst v63  }
0x2e: {  	p0 =	sne.s32 s23, $0x4B0;
	_ =	swait.ge [sflag:s17], $0x280  }
0x2f: {  	[sflag:s17] =	ssyncset.done $0x0  }
0x30: {  	s23 =	sadd.s32 s22, s10;
	s22 =	smov.u32 s25;
	[sflag:s17] =	ssyncadd.s32 $0xFFFFFD80  }
0x31: {  	[tilespmem:s18], [sflag:$0x3] =	stream.linear.gather [hbm4b:s23+s4], $0x280, $0x38;
	[tilespmem:$0x1E500] =	vst v63  }
0x32: {  	_ =	swait.ge [sflag:s17], $0x280  }
0x33: {  	[sflag:s17] =	ssyncset.done $0x0  }
0x34: {  	[sflag:s17] =	ssyncadd.s32 $0xFFFFFD80  }
0x35: {  	[tilespmem:s19], [sflag:$0x1] =	stream.indirect.gather [spmem:s2], $0x40, s4, s18, $0xb8;
	[tilespmem:$0x1E500] =	vst v63  }
0x36: {  	_ =	swait.ge [sflag:s15], $0xA000  }
.Ltmp0:
0x37: {  	[sflag:s15] =	ssyncset.done $0x0;
	(pc) =	sbr.rel @p0 .LBB2_2-.Ltmp0, $4  }
0x38: {  	[sflag:s15] =	ssyncadd.s32 $0xFFFF6000  }
0x39: {  	[spmem:s3] =	stream.indirect.scatter.add.f32 [tilespmem:s19], [sflag:$0x3], $0x40, s18, s18, $0xb8;
	[tilespmem:$0x1E500] =	vst v63  }
0x3a: {  	_ =	swait.ge [sflag:s17], $0xA000  }
0x3b: {  	s23 =	smov.u32 s26;
	[sflag:s17] =	ssyncset.done $0x0  }
0x3c: {  	s23 =	sadd.s32 s22, s11;
	[sflag:s17] =	ssyncadd.s32 $0xFFFF6000  }
0x3d: {  	[tilespmem:s4], [sflag:$0x3] =	stream.linear.gather [hbm4b:s23+s4], $0x280, $0x38;
	[tilespmem:$0x1E500] =	vst v63  }
0x3e: {  	_ =	swait.ge [sflag:s17], $0x280  }
0x3f: {  	[sflag:s17] =	ssyncset.done $0x0  }
0x40: {  	s31 =	sadd.s32 s22, s10;
	[sflag:s17] =	ssyncadd.s32 $0xFFFFFD80  }
0x41: {  	[tilespmem:s18], [sflag:$0x3] =	stream.linear.gather [hbm4b:s31+s4], $0x280, $0x38;
	[tilespmem:$0x1E500] =	vst v63  }
0x42: {  	_ =	swait.ge [sflag:s17], $0x280  }
0x43: {  	[sflag:s17] =	ssyncset.done $0x0  }
0x44: {  	[sflag:s17] =	ssyncadd.s32 $0xFFFFFD80  }
0x45: {  	[tilespmem:s19], [sflag:$0x1] =	stream.indirect.gather [spmem:s2], $0x40, s4, s18, $0xb8;
	[tilespmem:$0x1E500] =	vst v63  }
0x46: {  	_ =	swait.ge [sflag:s15], $0xA000  }
0x47: {  	[sflag:s15] =	ssyncset.done $0x0  }
0x48: {  	[sflag:s15] =	ssyncadd.s32 $0xFFFF6000  }
0x49: {  	[spmem:s3] =	stream.indirect.scatter.add.f32 [tilespmem:s19], [sflag:$0x3], $0x40, s18, s18, $0xb8;
	[tilespmem:$0x1E500] =	vst v63  }
0x4a: {  	_ =	swait.ge [sflag:s17], $0xA000  }
0x4b: {  	s21 =	sadd.s32 $0x1, s21;
	[sflag:s17] =	ssyncset.done $0x0  }
0x4c: {  	p0 =	sne.s32 s21, s9;
	[sflag:s17] =	ssyncadd.s32 $0xFFFF6000  }
.Ltmp1:
0x4d: {  	[bflag:$0x0] =	sbarrier.arrive $0xFFFF;
	(pc) =	sbr.rel @p0 .LBB2_1-.Ltmp1, $4  }
0x4e: {  	[hbm:s8], [sflag:s20] =	dma.local [spmem:s14], $0x1400  }
0x4f: {  	_ =	swait.ge [sflag:s17], $0x1400  }
0x50: {  	[sflag:s17] =	ssyncset.done $0x0  }
0x51: {  	[sflag:s17] =	ssyncadd.s32 $0xFFFFEC00  }
0x52: {  	_ =	sfence.sel $0x180000  }
0x53: {  	[bflag:$0x0] =	sbarrier.arrive $0xFFFF  }
0x54: {  	p0 =	sne.s32 s0, $0x0;
	_ =	strace $0x90000050  }
0x55: {  	s0 =	sadd.s32 @!p0 $0x100000, s1;
	[bflag:$0x2] =	sbarrier.arrive $0xFFFF  }
0x56: {  	[sflag:s0] =	ssyncadd.tile.s32 @!p0 $0x1;
	_ =	shalt  }
.Lfunc_end2:
_tile_overlayer_lowered:
.L_overlay_start_2:
0x57: {  	(tag) =	ssettag $0x2  }
0x58: {  	s0 =	rddreg [dreg:$0x0];
	s2 =	stileid.u32  }
0x59: {  	s1 =	rddreg [dreg:$0x1];
	p0 =	sne.s32 s2, $0x0  }
0x5a: {  	s3 =	rddreg [dreg:$0x2];
	[bflag:$0x3] =	sbarrier.arrive $0xFFFF;
	s2 =	simm.s32 @!p0 $0x1C03  }
0x5b: {  	[timem:s3], [sflag:s2] =	dma.local @!p0 [hbm:s0], s1  }
0x5c: {  	s0 =	simm.s32 @!p0 $0x3  }
0x5d: {  	_ =	swait.ge @!p0 [sflag:s0], s1  }
0x5e: {  	s1 =	ssub.s32 @!p0 $0x0, s1;
	[sflag:s0] =	ssyncset.done @!p0 $0x0  }
0x5f: {  	[sflag:s0] =	ssyncadd.s32 @!p0 s1  }
0x60: {  	[bflag:$0x3] =	sbarrier.arrive $0xFFFF  }
0x61: {  	_ =	shalt  }

// kernel: kernel.33.cloned.1.call-start
scs
__scs_entry_jumppad:
0x0: {  	(pc) =	sbr.rel $0x88, $3  }
0x1: {  	(tag) =	ssettag $0x0;
	lr =	simm.s32 $0x1  }
0x2: {  	[smem:$0x3F9A] =	sst lr;
	_ =	strace $0xD0000000  }
0x3: {  	_ = 	snop  }
0x4: {  	_ = 	snop  }
0x5: {  	_ = 	snop  }
0x6: {  	_ = 	snop  }
0x7: {  	_ = 	snop  }
__scs_overlays_trampoline_lowered:
0x8: {  	[smem:$0x3FA9] =	sst s0  }
0x9: {  	[smem:$0x3FAA] =	sst s1  }
0xa: {  	[smem:$0x3FAB] =	sst s2  }
0xb: {  	[smem:$0x3FAC] =	sst s3  }
0xc: {  	[smem:$0x3FAD] =	sst s4  }
0xd: {  	[smem:$0x3FAE] =	sst s5  }
0xe: {  	[smem:$0x3FAF] =	sst s6  }
0xf: {  	[smem:$0x3FB0] =	sst s7  }
0x10: {  	[smem:$0x3FB1] =	sst s8  }
0x11: {  	[smem:$0x3FB2] =	sst s9;
	s0 =	simm.s32 @!p0 $0x0  }
0x12: {  	s1 =	sld [smem:$0x3F98];
	s0 =	simm.s32 @p0 $0x1  }
0x13: {  	[smem:$0x3FB3] =	sst s0;
	s0 =	simm.s32 @!p1 $0x0  }
0x14: {  	s2 =	sld [smem:$0x3F97];
	s0 =	simm.s32 @p1 $0x1  }
0x15: {  	[smem:$0x3FB4] =	sst s0;
	s0 =	simm.s32 @!p2 $0x0  }
0x16: {  	s3 =	sld [smem:$0x3FDB];
	s0 =	simm.s32 @p2 $0x1  }
0x17: {  	s4 =	simm.s32 $0x1BF5;
	[smem:$0x3FB6] =	sst s0  }
0x18: {  	s0 =	sld [smem:$0x3F99];
	_ =	swait.ge [sflag:s4], $0x0  }
0x19: {  	s7 =	sld [smem:$0x3F9A]  }
0x1a: {  	s8 =	sadd.s32 $0xFFFFE003, lr  }
0x1b: {  	s9 =	sadd.s32 $0xFFFFFEF7, lr;
	s5 =	simm.s32 $0xFFFFFFFF;
	p2 =	slt.u32 s8, $0xFFFFF086  }
0x1c: {  	p1 =	slt.u32 s9, $0xF7A;
	s5 =	simm.s32 @!p2 $0x0  }
0x1d: {  	s5 =	simm.s32 @p1 $0x1;
	p0 =	seq.s32 s7, s2  }
0x1e: {  	s7 =	smul.u32 @!p0 $0xF7A, s2;
	p2 =	seq.s32 @!p0 s5, $0x0  }
0x1f: {  	s9 =	smul.u32 $0xF7A, s1;
	s8 =	simm.s32 @!p0 $0x1BF5;
	p2 =	por !p2, p0  }
0x20: {  	[sflag:s8] =	ssyncset.s32 @!p0 $0xFFFFF086;
	s6 =	sadd.s32 @!p0 s3, s7;
	s7 =	simm.s32 @!p0 $0x108  }
0x21: {  	s3 =	sadd.s32 s3, s9;
	s6 =	sadd.s32 @!p0 $0x88, s6;
	s7 =	simm.s32 @p2 $0x1082  }
0x22: {  	[simem:s7], [sflag:s8] =	dma.local @!p0 [hbm:s6], $0xF7A  }
0x23: {  	s9 =	sor.u32 $0xD0000000, s2;
	s6 =	simm.s32 $0x108;
	_ =	swait.ge @!p0 [sflag:s8], $0x0  }
0x24: {  	s3 =	sadd.s32 $0x88, s3;
	s6 =	simm.s32 @!p1 $0x1082;
	[sflag:s4] =	ssyncset.s32 $0xFFFFF086  }
0x25: {  	[simem:s6], [sflag:s4] =	dma.local [hbm:s3], $0xF7A  }
0x26: {  	[smem:$0x3F9A] =	sst s1;
	(tag) =	ssettag s2;
	_ =	strace s9  }
0x27: {  	s1 =	sld [smem:$0x3FAA]  }
0x28: {  	s2 =	sld [smem:$0x3FAB]  }
0x29: {  	s4 =	sld [smem:$0x3FAD]  }
0x2a: {  	p0 =	seq.s32 s5, $0x0;
	s5 =	sld [smem:$0x3FAE]  }
0x2b: {  	s6 =	sld [smem:$0x3FAF]  }
0x2c: {  	s7 =	sld [smem:$0x3FB0]  }
0x2d: {  	s3 =	simm.s32 $0x108;
	s8 =	sld [smem:$0x3FB1]  }
0x2e: {  	s3 =	simm.s32 @!p0 $0x1082;
	s9 =	sld [smem:$0x3FB2]  }
0x2f: {  	lr =	sadd.s32 s0, s3;
	s0 =	sld [smem:$0x3FA9]  }
0x30: {  	s3 =	sld [smem:$0x3FAC]  }
0x31: {  	[smem:$0x3FB5] =	sst s10  }
0x32: {  	s10 =	sld [smem:$0x3FB3];
	_ =	sdelay $0x3  }
0x33: {  	p0 =	seq.s32 s10, $0x1;
	s10 =	sld [smem:$0x3FB5];
	_ =	sdelay $0x3  }
0x34: {  	[smem:$0x3FB5] =	sst s10  }
0x35: {  	s10 =	sld [smem:$0x3FB4];
	_ =	sdelay $0x3  }
0x36: {  	p1 =	seq.s32 s10, $0x1;
	s10 =	sld [smem:$0x3FB5];
	_ =	sdelay $0x3  }
0x37: {  	[smem:$0x3FB5] =	sst s10  }
0x38: {  	s10 =	sld [smem:$0x3FB6]  }
0x39: {  	_ = 	snop;
	(pc) =	sbr.ind lr, $3  }
0x3a: {  	_ = 	snop  }
0x3b: {  	_ = 	snop  }
0x3c: {  	p2 =	seq.s32 s10, $0x1;
	s10 =	sld [smem:$0x3FB5]  }
0x3d: {  	_ =	shalt  }
0x3e: {  	_ =	shalt  }
0x3f: {  	_ =	shalt  }
0x40: {  	_ =	shalt  }
0x41: {  	_ =	shalt  }
0x42: {  	_ =	shalt  }
0x43: {  	_ =	shalt  }
0x44: {  	_ =	shalt  }
0x45: {  	_ =	shalt  }
0x46: {  	_ =	shalt  }
0x47: {  	_ =	shalt  }
0x48: {  	_ =	shalt  }
0x49: {  	_ =	shalt  }
0x4a: {  	_ =	shalt  }
0x4b: {  	_ =	shalt  }
0x4c: {  	_ =	shalt  }
0x4d: {  	_ =	shalt  }
0x4e: {  	_ =	shalt  }
0x4f: {  	_ =	shalt  }
0x50: {  	_ =	shalt  }
0x51: {  	_ =	shalt  }
0x52: {  	_ =	shalt  }
0x53: {  	_ =	shalt  }
0x54: {  	_ =	shalt  }
0x55: {  	_ =	shalt  }
0x56: {  	_ =	shalt  }
0x57: {  	_ =	shalt  }
0x58: {  	_ =	shalt  }
0x59: {  	_ =	shalt  }
0x5a: {  	_ =	shalt  }
0x5b: {  	_ =	shalt  }
0x5c: {  	_ =	shalt  }
0x5d: {  	_ =	shalt  }
0x5e: {  	_ =	shalt  }
0x5f: {  	_ =	shalt  }
0x60: {  	_ =	shalt  }
0x61: {  	_ =	shalt  }
0x62: {  	_ =	shalt  }
0x63: {  	_ =	shalt  }
0x64: {  	_ =	shalt  }
0x65: {  	_ =	shalt  }
0x66: {  	_ =	shalt  }
0x67: {  	_ =	shalt  }
0x68: {  	_ =	shalt  }
0x69: {  	_ =	shalt  }
0x6a: {  	_ =	shalt  }
0x6b: {  	_ =	shalt  }
0x6c: {  	_ =	shalt  }
0x6d: {  	_ =	shalt  }
0x6e: {  	_ =	shalt  }
0x6f: {  	_ =	shalt  }
0x70: {  	_ =	shalt  }
0x71: {  	_ =	shalt  }
0x72: {  	_ =	shalt  }
0x73: {  	_ =	shalt  }
0x74: {  	_ =	shalt  }
0x75: {  	_ =	shalt  }
0x76: {  	_ =	shalt  }
0x77: {  	_ =	shalt  }
0x78: {  	_ =	shalt  }
0x79: {  	_ =	shalt  }
0x7a: {  	_ =	shalt  }
0x7b: {  	_ =	shalt  }
0x7c: {  	_ =	shalt  }
0x7d: {  	_ =	shalt  }
0x7e: {  	_ =	shalt  }
0x7f: {  	_ =	shalt  }
0x80: {  	_ =	shalt  }
0x81: {  	_ =	shalt  }
0x82: {  	_ =	shalt  }
0x83: {  	_ =	shalt  }
0x84: {  	_ =	shalt  }
0x85: {  	_ =	shalt  }
0x86: {  	_ =	shalt  }
0x87: {  	_ =	shalt  }
.Lfunc_end0:
.L_simem_size_0:
called_computation.4_lowered:
.L_overlay_start_0:
0x88: {  	s2 =	sld [smem:$0x3FD9]  }
0x89: {  	s3 =	sld [smem:$0x3FFE];
	_ =	sdelay $0x1  }
0x8a: {  	s1 =	srdreg.scid  }
0x8b: {  	s0 =	sand.u32 $0x1, s1  }
0x8c: {  	s17 =	sshll.u32 s0, $0xA;
	s2 =	sadd.s32 s3, s2  }
0x8d: {  	s2 =	sadd.s32 s2, s17  }
0x8e: {  	[smem:$0x3FC1] =	sst s2  }
0x8f: {  	_ = 	snop  }
0x90: {  	s2 =	sld [smem:$0x3FD0];
	(tm) =	ssettm $0x1  }
0x91: {  	s18 =	sld [smem:$0x3FFB];
	_ =	sdelay $0x3  }
0x92: {  	_ =	strace s18  }
0x93: {  	s3 =	sld [smem:$0x3FFC];
	_ =	sdelay $0x3  }
0x94: {  	_ =	strace s3  }
0x95: {  	s3 =	sld [smem:$0x3FFD];
	_ =	sdelay $0x3  }
0x96: {  	_ =	strace s3  }
0x97: {  	_ =	strace $0x8FFFFFFF  }
0x98: {  	s19 =	sld [smem:$0x3FDB];
	_ =	sdelay $0x1  }
0x99: {  	s4 =	simm.s32 $_scs_section_size  }
0x9a: {  	s5 =	simm.s32 $_size__tile_overlayer_lowered;
	s6 =	simm.s32 $_tile_overlayer_lowered  }
0x9b: {  	s22 =	simm.s32 $0x1BFF;
	s21 =	sshll.u32 s6, $0x1;
	s3 =	sadd.s32 s4, s19  }
0x9c: {  	s7 =	simm.s32 $0x0;
	s20 =	sshll.u32 s5, $0x1;
	s5 =	sadd.s32 s21, s3  }
0x9d: {  	[timem:s7], [sflag:s22] =	dma.local [hbm:s5], s20  }
0x9e: {  	_ =	swait.ge [sflag:s22], s20  }
0x9f: {  	s4 =	ssub.s32 $0x0, s20;
	[sflag:s22] =	ssyncset.done $0x0  }
0xa0: {  	[sflag:s22] =	ssyncadd.s32 s4;
	_ =	sdelay $0x1  }
0xa1: {  	s23 =	simm.s32 $0x1B8B  }
0xa2: {  	_ =	swait.ge [sflag:s23], $0x1  }
0xa3: {  	[sflag:s23] =	ssyncset.done $0x0  }
0xa4: {  	s25 =	simm.s32 $0x1B8E;
	s24 =	sld [smem:$0x3FFE];
	[sflag:s23] =	ssyncadd.s32 $0xFFFFFFFF  }
0xa5: {  	s26 =	simm.s32 $execute0_lowered;
	[smem:$0x3FD2] =	sst s25  }
0xa6: {  	s5 =	sshll.u32 s26, $0x1;
	_ =	strace $0x80000052;
	[dreg:$0x1] =	wrdreg $0xFFFFFFFF  }
0xa7: {  	s28 =	simm.s32 $_size_execute0_lowered;
	s3 =	sadd.s32 s3, s5;
	[dreg:$0x0] =	wrdreg $0x0  }
0xa8: {  	s5 =	sshll.u32 s28, $0x1;
	[dreg:$0x2] =	wrdreg s3  }
0xa9: {  	[dreg:$0x3] =	wrdreg s5  }
0xaa: {  	[dreg:$0x4] =	wrdreg $0xC0  }
0xab: {  	_ =	task [dreg:s7], $0x5FFFF  }
0xac: {  	[dreg:$0x1] =	wrdreg $0xFFFFFFFF  }
0xad: {  	[dreg:$0x0] =	wrdreg $0x60  }
0xae: {  	[dreg:$0x2] =	wrdreg s24  }
0xaf: {  	[dreg:$0x3] =	wrdreg s2  }
0xb0: {  	[dreg:$0x4] =	wrdreg $0xA5000  }
0xb1: {  	[dreg:$0x5] =	wrdreg $0x145000  }
0xb2: {  	[dreg:$0x6] =	wrdreg $0x9  }
0xb3: {  	_ =	task.clear_ibuf [dreg:s7], $0x7FFFF;
	_ =	strace $0x90000052  }
0xb4: {  	s29 =	simm.s32 $0x9;
	_ =	strace $0x80000054  }
0xb5: {  	_ =	swait.ge [sflag:s29], $0x1  }
0xb6: {  	[sflag:s29] =	ssyncadd.s32 $0xFFFFFFFF  }
0xb7: {  	_ =	strace $0x90000054  }
0xb8: {  	_ =	sfence  }
0xb9: {  	s30 =	sld [smem:$0x0];
	_ =	sdelay $0x2  }
0xba: {  	s31 =	sshll.u32 s1, $0xD;
	s1 =	sshrl.u32 s1, $0x2  }
0xbb: {  	s3 =	sand.u32 $0x4000, s31;
	s1 =	sadd.s32 s1, s30  }
0xbc: {  	s0 =	sor.u32 s3, s0;
	s1 =	sshll.u32 s1, $0x11  }
0xbd: {  	s0 =	sor.u32 s1, s0  }
0xbe: {  	s0 =	sadd.s32 $0x8F2B, s0  }
0xbf: {  	[sflag:s0] =	ssyncadd.remote.s32 $0x1  }
0xc0: {  	_ =	sfence.sel $0xFFFF  }
0xc1: {  	[dreg:$0x0] =	wrdreg $0xFFFFFFFF;
	(pc) =	sbr.abs _section_cstart, $3  }
0xc2: {  	[dreg:$0x1] =	wrdreg $0xFFFFFFFF  }
0xc3: {  	_ =	task.clear_ibuf [dreg:s7], $0x2FFFF;
	_ =	strace $0x9FFFFFFF  }
0xc4: {  	(tm) =	ssettm $0x7FFFFFFF  }
0xc5: {  	_ =	shalt  }
tec
execute0_lowered:
.L_overlay_start_1:
0x0: {  	(tag) =	ssettag $0x1  }
0x1: {  	s5 =	rddreg [dreg:$0x0]  }
0x2: {  	s10 =	rddreg [dreg:$0x1]  }
0x3: {  	s2 =	rddreg [dreg:$0x2]  }
0x4: {  	s0 =	srdreg.scid;
	s3 =	rddreg [dreg:$0x3]  }
0x5: {  	s1 =	rddreg [dreg:$0x4];
	s6 =	sand.u32 $0x1, s0  }
0x6: {  	s4 =	simm.s32 $0x0;
	s0 =	stileid.u32;
	s7 =	smul.u32 $0x28000, s6  }
0x7: {  	s17 =	simm.s32 $0x3;
	s18 =	simm.s32 $0x280;
	s8 =	smul.u32 $0x2800, s0  }
0x8: {  	s19 =	simm.s32 $0x500;
	s21 =	simm.s32 $0x0;
	s9 =	smul.u32 $0xA000, s0  }
0x9: {  	[smem:$0x7FF] =	sst s4;
	s28 =	smul.u32 $0xA0000, s6;
	s6 =	ssub.s32 $0x2, s6  }
0xa: {  	_ =	strace $0x80000053;
	s20 =	sshll.u32 s0, $0x6;
	s31 =	sshrl.u32 s6, $0x1  }
0xb: {  	s7 =	sadd.s32 s8, s7;
	s29 =	sadd.s32 s9, s28;
	s30 =	sshrl.u32 s9, $0x3  }
0xc: {  	s14 =	ssub.s32 s6, s31;
	s15 =	sadd.s32 s9, s2;
	s6 =	sor.u32 $0x1C01, s20  }
0xd: {  	s16 =	sadd.s32 s9, s3;
	s11 =	sshrl.u32 s7, $0x3;
	s7 =	sshrl.u32 s29, $0x3  }
0xe: {  	s8 =	sadd.s32 s30, s5;
	s9 =	smax.u32 s14, $0x1;
	s14 =	sshrl.u32 s16, $0x3  }
0xf: {  	s16 =	simm.s32 $0x2;
	s12 =	sadd.s32 s11, s5;
	s13 =	sadd.s32 s7, s5  }
0x10: {  	s5 =	sadd.s32 $0x15200, s8;
	s7 =	sadd.s32 $0x29200, s8;
	s10 =	sadd.s32 s11, s10  }
0x11: {  	s8 =	sadd.s32 $0x3D200, s13;
	s11 =	sadd.s32 $0xB200, s12;
	s12 =	sshrl.u32 s15, $0x3  }
0x12: {  	s13 =	sor.u32 $0x1C02, s20;
	s15 =	simm.s32 $0x1;
	s20 =	sor.u32 $0x1C03, s20  }
.LBB2_1:
0x13: {  	[spmem:s12], [sflag:s6] =	dma.local [hbm:s5], $0x1400  }
0x14: {  	[spmem:s14], [sflag:s13] =	dma.local [hbm:s7], $0x1400  }
0x15: {  	_ =	swait.ge [sflag:s15], $0x1400  }
0x16: {  	[sflag:s15] =	ssyncset.done $0x0  }
0x17: {  	[sflag:s15] =	ssyncadd.s32 $0xFFFFEC00  }
0x18: {  	_ =	swait.ge [sflag:s16], $0x1400  }
0x19: {  	[sflag:s16] =	ssyncset.done $0x0  }
0x1a: {  	[sflag:s16] =	ssyncadd.s32 $0xFFFFEC00  }
0x1b: {  	s22 =	sadd.s32 $0x0, s11;
	[bflag:$0x0] =	sbarrier.arrive $0xFFFF  }
0x1c: {  	[tilespmem:s4], [sflag:$0x3] =	stream.linear.gather [hbm4b:s22+s4], $0x280, $0x38;
	[tilespmem:$0x1E500] =	vst v63  }
0x1d: {  	_ =	swait.ge [sflag:s17], $0x280  }
0x1e: {  	[sflag:s17] =	ssyncset.done $0x0  }
0x1f: {  	s31 =	sadd.s32 $0x0, s10;
	[sflag:s17] =	ssyncadd.s32 $0xFFFFFD80  }
0x20: {  	[tilespmem:s18], [sflag:$0x3] =	stream.linear.gather [hbm4b:s31+s4], $0x280, $0x38;
	[tilespmem:$0x1E500] =	vst v63  }
0x21: {  	_ =	swait.ge [sflag:s17], $0x280  }
0x22: {  	[sflag:s17] =	ssyncset.done $0x0  }
0x23: {  	[sflag:s17] =	ssyncadd.s32 $0xFFFFFD80  }
0x24: {  	[tilespmem:s19], [sflag:$0x1] =	stream.indirect.gather [spmem:s2], $0x40, s4, s18, $0xb8;
	[tilespmem:$0x1E500] =	vst v63  }
0x25: {  	_ =	swait.ge [sflag:s15], $0xA000  }
0x26: {  	[sflag:s15] =	ssyncset.done $0x0  }
0x27: {  	[sflag:s15] =	ssyncadd.s32 $0xFFFF6000  }
0x28: {  	[spmem:s3] =	stream.indirect.scatter.add.f32 [tilespmem:s19], [sflag:$0x3], $0x40, s18, s18, $0xb8;
	[tilespmem:$0x1E500] =	vst v63  }
0x29: {  	_ =	swait.ge [sflag:s17], $0xA000  }
0x2a: {  	s23 =	simm.s32 $0xA0;
	s22 =	simm.s32 $0x50;
	[sflag:s17] =	ssyncset.done $0x0  }
.LBB2_2:
0x2b: {  	s24 =	sadd.s32 s22, s11  }
0x2c: {  	[sflag:s17] =	ssyncadd.s32 $0xFFFF6000;
	s25 =	smov.u32 s23;
	s26 =	sadd.s32 $0x50, s23  }
0x2d: {  	[tilespmem:s4], [sflag:$0x3] =	stream.linear.gather [hbm4b:s24+s4], $0x280, $0x38;
	[tilespmem:$0x1E500] =	vst v63  }
0x2e: {  	p0 =	sne.s32 s23, $0x4B0;
	_ =	swait.ge [sflag:s17], $0x280  }
0x2f: {  	[sflag:s17] =	ssyncset.done $0x0  }
0x30: {  	s23 =	sadd.s32 s22, s10;
	s22 =	smov.u32 s25;
	[sflag:s17] =	ssyncadd.s32 $0xFFFFFD80  }
0x31: {  	[tilespmem:s18], [sflag:$0x3] =	stream.linear.gather [hbm4b:s23+s4], $0x280, $0x38;
	[tilespmem:$0x1E500] =	vst v63  }
0x32: {  	_ =	swait.ge [sflag:s17], $0x280  }
0x33: {  	[sflag:s17] =	ssyncset.done $0x0  }
0x34: {  	[sflag:s17] =	ssyncadd.s32 $0xFFFFFD80  }
0x35: {  	[tilespmem:s19], [sflag:$0x1] =	stream.indirect.gather [spmem:s2], $0x40, s4, s18, $0xb8;
	[tilespmem:$0x1E500] =	vst v63  }
0x36: {  	_ =	swait.ge [sflag:s15], $0xA000  }
.Ltmp0:
0x37: {  	[sflag:s15] =	ssyncset.done $0x0;
	(pc) =	sbr.rel @p0 .LBB2_2-.Ltmp0, $4  }
0x38: {  	[sflag:s15] =	ssyncadd.s32 $0xFFFF6000  }
0x39: {  	[spmem:s3] =	stream.indirect.scatter.add.f32 [tilespmem:s19], [sflag:$0x3], $0x40, s18, s18, $0xb8;
	[tilespmem:$0x1E500] =	vst v63  }
0x3a: {  	_ =	swait.ge [sflag:s17], $0xA000  }
0x3b: {  	s23 =	smov.u32 s26;
	[sflag:s17] =	ssyncset.done $0x0  }
0x3c: {  	s23 =	sadd.s32 s22, s11;
	[sflag:s17] =	ssyncadd.s32 $0xFFFF6000  }
0x3d: {  	[tilespmem:s4], [sflag:$0x3] =	stream.linear.gather [hbm4b:s23+s4], $0x280, $0x38;
	[tilespmem:$0x1E500] =	vst v63  }
0x3e: {  	_ =	swait.ge [sflag:s17], $0x280  }
0x3f: {  	[sflag:s17] =	ssyncset.done $0x0  }
0x40: {  	s31 =	sadd.s32 s22, s10;
	[sflag:s17] =	ssyncadd.s32 $0xFFFFFD80  }
0x41: {  	[tilespmem:s18], [sflag:$0x3] =	stream.linear.gather [hbm4b:s31+s4], $0x280, $0x38;
	[tilespmem:$0x1E500] =	vst v63  }
0x42: {  	_ =	swait.ge [sflag:s17], $0x280  }
0x43: {  	[sflag:s17] =	ssyncset.done $0x0  }
0x44: {  	[sflag:s17] =	ssyncadd.s32 $0xFFFFFD80  }
0x45: {  	[tilespmem:s19], [sflag:$0x1] =	stream.indirect.gather [spmem:s2], $0x40, s4, s18, $0xb8;
	[tilespmem:$0x1E500] =	vst v63  }
0x46: {  	_ =	swait.ge [sflag:s15], $0xA000  }
0x47: {  	[sflag:s15] =	ssyncset.done $0x0  }
0x48: {  	[sflag:s15] =	ssyncadd.s32 $0xFFFF6000  }
0x49: {  	[spmem:s3] =	stream.indirect.scatter.add.f32 [tilespmem:s19], [sflag:$0x3], $0x40, s18, s18, $0xb8;
	[tilespmem:$0x1E500] =	vst v63  }
0x4a: {  	_ =	swait.ge [sflag:s17], $0xA000  }
0x4b: {  	s21 =	sadd.s32 $0x1, s21;
	[sflag:s17] =	ssyncset.done $0x0  }
0x4c: {  	p0 =	sne.s32 s21, s9;
	[sflag:s17] =	ssyncadd.s32 $0xFFFF6000  }
.Ltmp1:
0x4d: {  	[bflag:$0x0] =	sbarrier.arrive $0xFFFF;
	(pc) =	sbr.rel @p0 .LBB2_1-.Ltmp1, $4  }
0x4e: {  	[hbm:s8], [sflag:s20] =	dma.local [spmem:s14], $0x1400  }
0x4f: {  	_ =	swait.ge [sflag:s17], $0x1400  }
0x50: {  	[sflag:s17] =	ssyncset.done $0x0  }
0x51: {  	[sflag:s17] =	ssyncadd.s32 $0xFFFFEC00  }
0x52: {  	_ =	sfence.sel $0x180000  }
0x53: {  	[bflag:$0x0] =	sbarrier.arrive $0xFFFF  }
0x54: {  	p0 =	sne.s32 s0, $0x0;
	_ =	strace $0x90000053  }
0x55: {  	s0 =	sadd.s32 @!p0 $0x100000, s1;
	[bflag:$0x2] =	sbarrier.arrive $0xFFFF  }
0x56: {  	[sflag:s0] =	ssyncadd.tile.s32 @!p0 $0x1;
	_ =	shalt  }
.Lfunc_end2:
_tile_overlayer_lowered:
.L_overlay_start_2:
0x57: {  	(tag) =	ssettag $0x2  }
0x58: {  	s0 =	rddreg [dreg:$0x0];
	s2 =	stileid.u32  }
0x59: {  	s1 =	rddreg [dreg:$0x1];
	p0 =	sne.s32 s2, $0x0  }
0x5a: {  	s3 =	rddreg [dreg:$0x2];
	[bflag:$0x3] =	sbarrier.arrive $0xFFFF;
	s2 =	simm.s32 @!p0 $0x1C03  }
0x5b: {  	[timem:s3], [sflag:s2] =	dma.local @!p0 [hbm:s0], s1  }
0x5c: {  	s0 =	simm.s32 @!p0 $0x3  }
0x5d: {  	_ =	swait.ge @!p0 [sflag:s0], s1  }
0x5e: {  	s1 =	ssub.s32 @!p0 $0x0, s1;
	[sflag:s0] =	ssyncset.done @!p0 $0x0  }
0x5f: {  	[sflag:s0] =	ssyncadd.s32 @!p0 s1  }
0x60: {  	[bflag:$0x3] =	sbarrier.arrive $0xFFFF  }
0x61: {  	_ =	shalt  }

// kernel: kernel.36.cloned.1.call-start
scs
__scs_entry_jumppad:
0x0: {  	(pc) =	sbr.rel $0x88, $3  }
0x1: {  	(tag) =	ssettag $0x0;
	lr =	simm.s32 $0x1  }
0x2: {  	[smem:$0x3F9A] =	sst lr;
	_ =	strace $0xD0000000  }
0x3: {  	_ = 	snop  }
0x4: {  	_ = 	snop  }
0x5: {  	_ = 	snop  }
0x6: {  	_ = 	snop  }
0x7: {  	_ = 	snop  }
__scs_overlays_trampoline_lowered:
0x8: {  	[smem:$0x3FA9] =	sst s0  }
0x9: {  	[smem:$0x3FAA] =	sst s1  }
0xa: {  	[smem:$0x3FAB] =	sst s2  }
0xb: {  	[smem:$0x3FAC] =	sst s3  }
0xc: {  	[smem:$0x3FAD] =	sst s4  }
0xd: {  	[smem:$0x3FAE] =	sst s5  }
0xe: {  	[smem:$0x3FAF] =	sst s6  }
0xf: {  	[smem:$0x3FB0] =	sst s7  }
0x10: {  	[smem:$0x3FB1] =	sst s8  }
0x11: {  	[smem:$0x3FB2] =	sst s9;
	s0 =	simm.s32 @!p0 $0x0  }
0x12: {  	s1 =	sld [smem:$0x3F98];
	s0 =	simm.s32 @p0 $0x1  }
0x13: {  	[smem:$0x3FB3] =	sst s0;
	s0 =	simm.s32 @!p1 $0x0  }
0x14: {  	s2 =	sld [smem:$0x3F97];
	s0 =	simm.s32 @p1 $0x1  }
0x15: {  	[smem:$0x3FB4] =	sst s0;
	s0 =	simm.s32 @!p2 $0x0  }
0x16: {  	s3 =	sld [smem:$0x3FDB];
	s0 =	simm.s32 @p2 $0x1  }
0x17: {  	s4 =	simm.s32 $0x1BF5;
	[smem:$0x3FB6] =	sst s0  }
0x18: {  	s0 =	sld [smem:$0x3F99];
	_ =	swait.ge [sflag:s4], $0x0  }
0x19: {  	s7 =	sld [smem:$0x3F9A]  }
0x1a: {  	s8 =	sadd.s32 $0xFFFFE003, lr  }
0x1b: {  	s9 =	sadd.s32 $0xFFFFFEF7, lr;
	s5 =	simm.s32 $0xFFFFFFFF;
	p2 =	slt.u32 s8, $0xFFFFF086  }
0x1c: {  	p1 =	slt.u32 s9, $0xF7A;
	s5 =	simm.s32 @!p2 $0x0  }
0x1d: {  	s5 =	simm.s32 @p1 $0x1;
	p0 =	seq.s32 s7, s2  }
0x1e: {  	s7 =	smul.u32 @!p0 $0xF7A, s2;
	p2 =	seq.s32 @!p0 s5, $0x0  }
0x1f: {  	s9 =	smul.u32 $0xF7A, s1;
	s8 =	simm.s32 @!p0 $0x1BF5;
	p2 =	por !p2, p0  }
0x20: {  	[sflag:s8] =	ssyncset.s32 @!p0 $0xFFFFF086;
	s6 =	sadd.s32 @!p0 s3, s7;
	s7 =	simm.s32 @!p0 $0x108  }
0x21: {  	s3 =	sadd.s32 s3, s9;
	s6 =	sadd.s32 @!p0 $0x88, s6;
	s7 =	simm.s32 @p2 $0x1082  }
0x22: {  	[simem:s7], [sflag:s8] =	dma.local @!p0 [hbm:s6], $0xF7A  }
0x23: {  	s9 =	sor.u32 $0xD0000000, s2;
	s6 =	simm.s32 $0x108;
	_ =	swait.ge @!p0 [sflag:s8], $0x0  }
0x24: {  	s3 =	sadd.s32 $0x88, s3;
	s6 =	simm.s32 @!p1 $0x1082;
	[sflag:s4] =	ssyncset.s32 $0xFFFFF086  }
0x25: {  	[simem:s6], [sflag:s4] =	dma.local [hbm:s3], $0xF7A  }
0x26: {  	[smem:$0x3F9A] =	sst s1;
	(tag) =	ssettag s2;
	_ =	strace s9  }
0x27: {  	s1 =	sld [smem:$0x3FAA]  }
0x28: {  	s2 =	sld [smem:$0x3FAB]  }
0x29: {  	s4 =	sld [smem:$0x3FAD]  }
0x2a: {  	p0 =	seq.s32 s5, $0x0;
	s5 =	sld [smem:$0x3FAE]  }
0x2b: {  	s6 =	sld [smem:$0x3FAF]  }
0x2c: {  	s7 =	sld [smem:$0x3FB0]  }
0x2d: {  	s3 =	simm.s32 $0x108;
	s8 =	sld [smem:$0x3FB1]  }
0x2e: {  	s3 =	simm.s32 @!p0 $0x1082;
	s9 =	sld [smem:$0x3FB2]  }
0x2f: {  	lr =	sadd.s32 s0, s3;
	s0 =	sld [smem:$0x3FA9]  }
0x30: {  	s3 =	sld [smem:$0x3FAC]  }
0x31: {  	[smem:$0x3FB5] =	sst s10  }
0x32: {  	s10 =	sld [smem:$0x3FB3];
	_ =	sdelay $0x3  }
0x33: {  	p0 =	seq.s32 s10, $0x1;
	s10 =	sld [smem:$0x3FB5];
	_ =	sdelay $0x3  }
0x34: {  	[smem:$0x3FB5] =	sst s10  }
0x35: {  	s10 =	sld [smem:$0x3FB4];
	_ =	sdelay $0x3  }
0x36: {  	p1 =	seq.s32 s10, $0x1;
	s10 =	sld [smem:$0x3FB5];
	_ =	sdelay $0x3  }
0x37: {  	[smem:$0x3FB5] =	sst s10  }
0x38: {  	s10 =	sld [smem:$0x3FB6]  }
0x39: {  	_ = 	snop;
	(pc) =	sbr.ind lr, $3  }
0x3a: {  	_ = 	snop  }
0x3b: {  	_ = 	snop  }
0x3c: {  	p2 =	seq.s32 s10, $0x1;
	s10 =	sld [smem:$0x3FB5]  }
0x3d: {  	_ =	shalt  }
0x3e: {  	_ =	shalt  }
0x3f: {  	_ =	shalt  }
0x40: {  	_ =	shalt  }
0x41: {  	_ =	shalt  }
0x42: {  	_ =	shalt  }
0x43: {  	_ =	shalt  }
0x44: {  	_ =	shalt  }
0x45: {  	_ =	shalt  }
0x46: {  	_ =	shalt  }
0x47: {  	_ =	shalt  }
0x48: {  	_ =	shalt  }
0x49: {  	_ =	shalt  }
0x4a: {  	_ =	shalt  }
0x4b: {  	_ =	shalt  }
0x4c: {  	_ =	shalt  }
0x4d: {  	_ =	shalt  }
0x4e: {  	_ =	shalt  }
0x4f: {  	_ =	shalt  }
0x50: {  	_ =	shalt  }
0x51: {  	_ =	shalt  }
0x52: {  	_ =	shalt  }
0x53: {  	_ =	shalt  }
0x54: {  	_ =	shalt  }
0x55: {  	_ =	shalt  }
0x56: {  	_ =	shalt  }
0x57: {  	_ =	shalt  }
0x58: {  	_ =	shalt  }
0x59: {  	_ =	shalt  }
0x5a: {  	_ =	shalt  }
0x5b: {  	_ =	shalt  }
0x5c: {  	_ =	shalt  }
0x5d: {  	_ =	shalt  }
0x5e: {  	_ =	shalt  }
0x5f: {  	_ =	shalt  }
0x60: {  	_ =	shalt  }
0x61: {  	_ =	shalt  }
0x62: {  	_ =	shalt  }
0x63: {  	_ =	shalt  }
0x64: {  	_ =	shalt  }
0x65: {  	_ =	shalt  }
0x66: {  	_ =	shalt  }
0x67: {  	_ =	shalt  }
0x68: {  	_ =	shalt  }
0x69: {  	_ =	shalt  }
0x6a: {  	_ =	shalt  }
0x6b: {  	_ =	shalt  }
0x6c: {  	_ =	shalt  }
0x6d: {  	_ =	shalt  }
0x6e: {  	_ =	shalt  }
0x6f: {  	_ =	shalt  }
0x70: {  	_ =	shalt  }
0x71: {  	_ =	shalt  }
0x72: {  	_ =	shalt  }
0x73: {  	_ =	shalt  }
0x74: {  	_ =	shalt  }
0x75: {  	_ =	shalt  }
0x76: {  	_ =	shalt  }
0x77: {  	_ =	shalt  }
0x78: {  	_ =	shalt  }
0x79: {  	_ =	shalt  }
0x7a: {  	_ =	shalt  }
0x7b: {  	_ =	shalt  }
0x7c: {  	_ =	shalt  }
0x7d: {  	_ =	shalt  }
0x7e: {  	_ =	shalt  }
0x7f: {  	_ =	shalt  }
0x80: {  	_ =	shalt  }
0x81: {  	_ =	shalt  }
0x82: {  	_ =	shalt  }
0x83: {  	_ =	shalt  }
0x84: {  	_ =	shalt  }
0x85: {  	_ =	shalt  }
0x86: {  	_ =	shalt  }
0x87: {  	_ =	shalt  }
.Lfunc_end0:
.L_simem_size_0:
called_computation.5_lowered:
.L_overlay_start_0:
0x88: {  	s2 =	sld [smem:$0x3FD9]  }
0x89: {  	s3 =	sld [smem:$0x3FFE];
	_ =	sdelay $0x1  }
0x8a: {  	s1 =	srdreg.scid  }
0x8b: {  	s0 =	sand.u32 $0x1, s1  }
0x8c: {  	s17 =	sshll.u32 s0, $0xA;
	s2 =	sadd.s32 s3, s2  }
0x8d: {  	s2 =	sadd.s32 s2, s17  }
0x8e: {  	[smem:$0x3FC1] =	sst s2  }
0x8f: {  	_ = 	snop  }
0x90: {  	s2 =	sld [smem:$0x3FD0];
	(tm) =	ssettm $0x1  }
0x91: {  	s18 =	sld [smem:$0x3FFB];
	_ =	sdelay $0x3  }
0x92: {  	_ =	strace s18  }
0x93: {  	s3 =	sld [smem:$0x3FFC];
	_ =	sdelay $0x3  }
0x94: {  	_ =	strace s3  }
0x95: {  	s3 =	sld [smem:$0x3FFD];
	_ =	sdelay $0x3  }
0x96: {  	_ =	strace s3  }
0x97: {  	_ =	strace $0x8FFFFFFF  }
0x98: {  	s19 =	sld [smem:$0x3FDB];
	_ =	sdelay $0x1  }
0x99: {  	s4 =	simm.s32 $_scs_section_size  }
0x9a: {  	s5 =	simm.s32 $_size__tile_overlayer_lowered;
	s6 =	simm.s32 $_tile_overlayer_lowered  }
0x9b: {  	s22 =	simm.s32 $0x1BFF;
	s21 =	sshll.u32 s6, $0x1;
	s3 =	sadd.s32 s4, s19  }
0x9c: {  	s7 =	simm.s32 $0x0;
	s20 =	sshll.u32 s5, $0x1;
	s5 =	sadd.s32 s21, s3  }
0x9d: {  	[timem:s7], [sflag:s22] =	dma.local [hbm:s5], s20  }
0x9e: {  	_ =	swait.ge [sflag:s22], s20  }
0x9f: {  	s4 =	ssub.s32 $0x0, s20;
	[sflag:s22] =	ssyncset.done $0x0  }
0xa0: {  	[sflag:s22] =	ssyncadd.s32 s4;
	_ =	sdelay $0x1  }
0xa1: {  	s23 =	simm.s32 $0x1B8B  }
0xa2: {  	_ =	swait.ge [sflag:s23], $0x1  }
0xa3: {  	[sflag:s23] =	ssyncset.done $0x0  }
0xa4: {  	s25 =	simm.s32 $0x1B8E;
	s24 =	sld [smem:$0x3FFE];
	[sflag:s23] =	ssyncadd.s32 $0xFFFFFFFF  }
0xa5: {  	s26 =	simm.s32 $execute0_lowered;
	[smem:$0x3FD2] =	sst s25  }
0xa6: {  	s5 =	sshll.u32 s26, $0x1;
	_ =	strace $0x80000055;
	[dreg:$0x1] =	wrdreg $0xFFFFFFFF  }
0xa7: {  	s28 =	simm.s32 $_size_execute0_lowered;
	s3 =	sadd.s32 s3, s5;
	[dreg:$0x0] =	wrdreg $0x0  }
0xa8: {  	s5 =	sshll.u32 s28, $0x1;
	[dreg:$0x2] =	wrdreg s3  }
0xa9: {  	[dreg:$0x3] =	wrdreg s5  }
0xaa: {  	[dreg:$0x4] =	wrdreg $0xC0  }
0xab: {  	_ =	task [dreg:s7], $0x5FFFF  }
0xac: {  	[dreg:$0x1] =	wrdreg $0xFFFFFFFF  }
0xad: {  	[dreg:$0x0] =	wrdreg $0x60  }
0xae: {  	[dreg:$0x2] =	wrdreg s24  }
0xaf: {  	[dreg:$0x3] =	wrdreg s2  }
0xb0: {  	[dreg:$0x4] =	wrdreg $0xA5000  }
0xb1: {  	[dreg:$0x5] =	wrdreg $0x145000  }
0xb2: {  	[dreg:$0x6] =	wrdreg $0x9  }
0xb3: {  	_ =	task.clear_ibuf [dreg:s7], $0x7FFFF;
	_ =	strace $0x90000055  }
0xb4: {  	s29 =	simm.s32 $0x9;
	_ =	strace $0x80000057  }
0xb5: {  	_ =	swait.ge [sflag:s29], $0x1  }
0xb6: {  	[sflag:s29] =	ssyncadd.s32 $0xFFFFFFFF  }
0xb7: {  	_ =	strace $0x90000057  }
0xb8: {  	_ =	sfence  }
0xb9: {  	s30 =	sld [smem:$0x0];
	_ =	sdelay $0x2  }
0xba: {  	s31 =	sshll.u32 s1, $0xD;
	s1 =	sshrl.u32 s1, $0x2  }
0xbb: {  	s3 =	sand.u32 $0x4000, s31;
	s1 =	sadd.s32 s1, s30  }
0xbc: {  	s0 =	sor.u32 s3, s0;
	s1 =	sshll.u32 s1, $0x11  }
0xbd: {  	s0 =	sor.u32 s1, s0  }
0xbe: {  	s0 =	sadd.s32 $0x8F2B, s0  }
0xbf: {  	[sflag:s0] =	ssyncadd.remote.s32 $0x1  }
0xc0: {  	_ =	sfence.sel $0xFFFF  }
0xc1: {  	[dreg:$0x0] =	wrdreg $0xFFFFFFFF;
	(pc) =	sbr.abs _section_cstart, $3  }
0xc2: {  	[dreg:$0x1] =	wrdreg $0xFFFFFFFF  }
0xc3: {  	_ =	task.clear_ibuf [dreg:s7], $0x2FFFF;
	_ =	strace $0x9FFFFFFF  }
0xc4: {  	(tm) =	ssettm $0x7FFFFFFF  }
0xc5: {  	_ =	shalt  }
tec
execute0_lowered:
.L_overlay_start_1:
0x0: {  	(tag) =	ssettag $0x1  }
0x1: {  	s5 =	rddreg [dreg:$0x0]  }
0x2: {  	s10 =	rddreg [dreg:$0x1]  }
0x3: {  	s2 =	rddreg [dreg:$0x2]  }
0x4: {  	s0 =	srdreg.scid;
	s3 =	rddreg [dreg:$0x3]  }
0x5: {  	s1 =	rddreg [dreg:$0x4];
	s6 =	sand.u32 $0x1, s0  }
0x6: {  	s4 =	simm.s32 $0x0;
	s0 =	stileid.u32;
	s7 =	smul.u32 $0x28000, s6  }
0x7: {  	s17 =	simm.s32 $0x3;
	s18 =	simm.s32 $0x280;
	s8 =	smul.u32 $0x2800, s0  }
0x8: {  	s19 =	simm.s32 $0x500;
	s21 =	simm.s32 $0x0;
	s9 =	smul.u32 $0xA000, s0  }
0x9: {  	[smem:$0x7FF] =	sst s4;
	s28 =	smul.u32 $0xA0000, s6;
	s6 =	ssub.s32 $0x2, s6  }
0xa: {  	_ =	strace $0x80000056;
	s20 =	sshll.u32 s0, $0x6;
	s31 =	sshrl.u32 s6, $0x1  }
0xb: {  	s7 =	sadd.s32 s8, s7;
	s29 =	sadd.s32 s9, s28;
	s30 =	sshrl.u32 s9, $0x3  }
0xc: {  	s14 =	ssub.s32 s6, s31;
	s15 =	sadd.s32 s9, s2;
	s6 =	sor.u32 $0x1C01, s20  }
0xd: {  	s16 =	sadd.s32 s9, s3;
	s11 =	sshrl.u32 s7, $0x3;
	s7 =	sshrl.u32 s29, $0x3  }
0xe: {  	s8 =	sadd.s32 s30, s5;
	s9 =	smax.u32 s14, $0x1;
	s14 =	sshrl.u32 s16, $0x3  }
0xf: {  	s16 =	simm.s32 $0x2;
	s12 =	sadd.s32 s11, s5;
	s13 =	sadd.s32 s7, s5  }
0x10: {  	s5 =	sadd.s32 $0x15200, s8;
	s7 =	sadd.s32 $0x29200, s8;
	s10 =	sadd.s32 s11, s10  }
0x11: {  	s8 =	sadd.s32 $0x3D200, s13;
	s11 =	sadd.s32 $0xB200, s12;
	s12 =	sshrl.u32 s15, $0x3  }
0x12: {  	s13 =	sor.u32 $0x1C02, s20;
	s15 =	simm.s32 $0x1;
	s20 =	sor.u32 $0x1C03, s20  }
.LBB2_1:
0x13: {  	[spmem:s12], [sflag:s6] =	dma.local [hbm:s5], $0x1400  }
0x14: {  	[spmem:s14], [sflag:s13] =	dma.local [hbm:s7], $0x1400  }
0x15: {  	_ =	swait.ge [sflag:s15], $0x1400  }
0x16: {  	[sflag:s15] =	ssyncset.done $0x0  }
0x17: {  	[sflag:s15] =	ssyncadd.s32 $0xFFFFEC00  }
0x18: {  	_ =	swait.ge [sflag:s16], $0x1400  }
0x19: {  	[sflag:s16] =	ssyncset.done $0x0  }
0x1a: {  	[sflag:s16] =	ssyncadd.s32 $0xFFFFEC00  }
0x1b: {  	s22 =	sadd.s32 $0x0, s11;
	[bflag:$0x0] =	sbarrier.arrive $0xFFFF  }
0x1c: {  	[tilespmem:s4], [sflag:$0x3] =	stream.linear.gather [hbm4b:s22+s4], $0x280, $0x38;
	[tilespmem:$0x1E500] =	vst v63  }
0x1d: {  	_ =	swait.ge [sflag:s17], $0x280  }
0x1e: {  	[sflag:s17] =	ssyncset.done $0x0  }
0x1f: {  	s31 =	sadd.s32 $0x0, s10;
	[sflag:s17] =	ssyncadd.s32 $0xFFFFFD80  }
0x20: {  	[tilespmem:s18], [sflag:$0x3] =	stream.linear.gather [hbm4b:s31+s4], $0x280, $0x38;
	[tilespmem:$0x1E500] =	vst v63  }
0x21: {  	_ =	swait.ge [sflag:s17], $0x280  }
0x22: {  	[sflag:s17] =	ssyncset.done $0x0  }
0x23: {  	[sflag:s17] =	ssyncadd.s32 $0xFFFFFD80  }
0x24: {  	[tilespmem:s19], [sflag:$0x1] =	stream.indirect.gather [spmem:s2], $0x40, s4, s18, $0xb8;
	[tilespmem:$0x1E500] =	vst v63  }
0x25: {  	_ =	swait.ge [sflag:s15], $0xA000  }
0x26: {  	[sflag:s15] =	ssyncset.done $0x0  }
0x27: {  	[sflag:s15] =	ssyncadd.s32 $0xFFFF6000  }
0x28: {  	[spmem:s3] =	stream.indirect.scatter.add.f32 [tilespmem:s19], [sflag:$0x3], $0x40, s18, s18, $0xb8;
	[tilespmem:$0x1E500] =	vst v63  }
0x29: {  	_ =	swait.ge [sflag:s17], $0xA000  }
0x2a: {  	s23 =	simm.s32 $0xA0;
	s22 =	simm.s32 $0x50;
	[sflag:s17] =	ssyncset.done $0x0  }
.LBB2_2:
0x2b: {  	s24 =	sadd.s32 s22, s11  }
0x2c: {  	[sflag:s17] =	ssyncadd.s32 $0xFFFF6000;
	s25 =	smov.u32 s23;
	s26 =	sadd.s32 $0x50, s23  }
0x2d: {  	[tilespmem:s4], [sflag:$0x3] =	stream.linear.gather [hbm4b:s24+s4], $0x280, $0x38;
	[tilespmem:$0x1E500] =	vst v63  }
0x2e: {  	p0 =	sne.s32 s23, $0x4B0;
	_ =	swait.ge [sflag:s17], $0x280  }
0x2f: {  	[sflag:s17] =	ssyncset.done $0x0  }
0x30: {  	s23 =	sadd.s32 s22, s10;
	s22 =	smov.u32 s25;
	[sflag:s17] =	ssyncadd.s32 $0xFFFFFD80  }
0x31: {  	[tilespmem:s18], [sflag:$0x3] =	stream.linear.gather [hbm4b:s23+s4], $0x280, $0x38;
	[tilespmem:$0x1E500] =	vst v63  }
0x32: {  	_ =	swait.ge [sflag:s17], $0x280  }
0x33: {  	[sflag:s17] =	ssyncset.done $0x0  }
0x34: {  	[sflag:s17] =	ssyncadd.s32 $0xFFFFFD80  }
0x35: {  	[tilespmem:s19], [sflag:$0x1] =	stream.indirect.gather [spmem:s2], $0x40, s4, s18, $0xb8;
	[tilespmem:$0x1E500] =	vst v63  }
0x36: {  	_ =	swait.ge [sflag:s15], $0xA000  }
.Ltmp0:
0x37: {  	[sflag:s15] =	ssyncset.done $0x0;
	(pc) =	sbr.rel @p0 .LBB2_2-.Ltmp0, $4  }
0x38: {  	[sflag:s15] =	ssyncadd.s32 $0xFFFF6000  }
0x39: {  	[spmem:s3] =	stream.indirect.scatter.add.f32 [tilespmem:s19], [sflag:$0x3], $0x40, s18, s18, $0xb8;
	[tilespmem:$0x1E500] =	vst v63  }
0x3a: {  	_ =	swait.ge [sflag:s17], $0xA000  }
0x3b: {  	s23 =	smov.u32 s26;
	[sflag:s17] =	ssyncset.done $0x0  }
0x3c: {  	s23 =	sadd.s32 s22, s11;
	[sflag:s17] =	ssyncadd.s32 $0xFFFF6000  }
0x3d: {  	[tilespmem:s4], [sflag:$0x3] =	stream.linear.gather [hbm4b:s23+s4], $0x280, $0x38;
	[tilespmem:$0x1E500] =	vst v63  }
0x3e: {  	_ =	swait.ge [sflag:s17], $0x280  }
0x3f: {  	[sflag:s17] =	ssyncset.done $0x0  }
0x40: {  	s31 =	sadd.s32 s22, s10;
	[sflag:s17] =	ssyncadd.s32 $0xFFFFFD80  }
0x41: {  	[tilespmem:s18], [sflag:$0x3] =	stream.linear.gather [hbm4b:s31+s4], $0x280, $0x38;
	[tilespmem:$0x1E500] =	vst v63  }
0x42: {  	_ =	swait.ge [sflag:s17], $0x280  }
0x43: {  	[sflag:s17] =	ssyncset.done $0x0  }
0x44: {  	[sflag:s17] =	ssyncadd.s32 $0xFFFFFD80  }
0x45: {  	[tilespmem:s19], [sflag:$0x1] =	stream.indirect.gather [spmem:s2], $0x40, s4, s18, $0xb8;
	[tilespmem:$0x1E500] =	vst v63  }
0x46: {  	_ =	swait.ge [sflag:s15], $0xA000  }
0x47: {  	[sflag:s15] =	ssyncset.done $0x0  }
0x48: {  	[sflag:s15] =	ssyncadd.s32 $0xFFFF6000  }
0x49: {  	[spmem:s3] =	stream.indirect.scatter.add.f32 [tilespmem:s19], [sflag:$0x3], $0x40, s18, s18, $0xb8;
	[tilespmem:$0x1E500] =	vst v63  }
0x4a: {  	_ =	swait.ge [sflag:s17], $0xA000  }
0x4b: {  	s21 =	sadd.s32 $0x1, s21;
	[sflag:s17] =	ssyncset.done $0x0  }
0x4c: {  	p0 =	sne.s32 s21, s9;
	[sflag:s17] =	ssyncadd.s32 $0xFFFF6000  }
.Ltmp1:
0x4d: {  	[bflag:$0x0] =	sbarrier.arrive $0xFFFF;
	(pc) =	sbr.rel @p0 .LBB2_1-.Ltmp1, $4  }
0x4e: {  	[hbm:s8], [sflag:s20] =	dma.local [spmem:s14], $0x1400  }
0x4f: {  	_ =	swait.ge [sflag:s17], $0x1400  }
0x50: {  	[sflag:s17] =	ssyncset.done $0x0  }
0x51: {  	[sflag:s17] =	ssyncadd.s32 $0xFFFFEC00  }
0x52: {  	_ =	sfence.sel $0x180000  }
0x53: {  	[bflag:$0x0] =	sbarrier.arrive $0xFFFF  }
0x54: {  	p0 =	sne.s32 s0, $0x0;
	_ =	strace $0x90000056  }
0x55: {  	s0 =	sadd.s32 @!p0 $0x100000, s1;
	[bflag:$0x2] =	sbarrier.arrive $0xFFFF  }
0x56: {  	[sflag:s0] =	ssyncadd.tile.s32 @!p0 $0x1;
	_ =	shalt  }
.Lfunc_end2:
_tile_overlayer_lowered:
.L_overlay_start_2:
0x57: {  	(tag) =	ssettag $0x2  }
0x58: {  	s0 =	rddreg [dreg:$0x0];
	s2 =	stileid.u32  }
0x59: {  	s1 =	rddreg [dreg:$0x1];
	p0 =	sne.s32 s2, $0x0  }
0x5a: {  	s3 =	rddreg [dreg:$0x2];
	[bflag:$0x3] =	sbarrier.arrive $0xFFFF;
	s2 =	simm.s32 @!p0 $0x1C03  }
0x5b: {  	[timem:s3], [sflag:s2] =	dma.local @!p0 [hbm:s0], s1  }
0x5c: {  	s0 =	simm.s32 @!p0 $0x3  }
0x5d: {  	_ =	swait.ge @!p0 [sflag:s0], s1  }
0x5e: {  	s1 =	ssub.s32 @!p0 $0x0, s1;
	[sflag:s0] =	ssyncset.done @!p0 $0x0  }
0x5f: {  	[sflag:s0] =	ssyncadd.s32 @!p0 s1  }
0x60: {  	[bflag:$0x3] =	sbarrier.arrive $0xFFFF  }
0x61: {  	_ =	shalt  }

// kernel: kernel.39.cloned.1.call-start
scs
__scs_entry_jumppad:
0x0: {  	(pc) =	sbr.rel $0x88, $3  }
0x1: {  	(tag) =	ssettag $0x0;
	lr =	simm.s32 $0x1  }
0x2: {  	[smem:$0x3F9A] =	sst lr;
	_ =	strace $0xD0000000  }
0x3: {  	_ = 	snop  }
0x4: {  	_ = 	snop  }
0x5: {  	_ = 	snop  }
0x6: {  	_ = 	snop  }
0x7: {  	_ = 	snop  }
__scs_overlays_trampoline_lowered:
0x8: {  	[smem:$0x3FA9] =	sst s0  }
0x9: {  	[smem:$0x3FAA] =	sst s1  }
0xa: {  	[smem:$0x3FAB] =	sst s2  }
0xb: {  	[smem:$0x3FAC] =	sst s3  }
0xc: {  	[smem:$0x3FAD] =	sst s4  }
0xd: {  	[smem:$0x3FAE] =	sst s5  }
0xe: {  	[smem:$0x3FAF] =	sst s6  }
0xf: {  	[smem:$0x3FB0] =	sst s7  }
0x10: {  	[smem:$0x3FB1] =	sst s8  }
0x11: {  	[smem:$0x3FB2] =	sst s9;
	s0 =	simm.s32 @!p0 $0x0  }
0x12: {  	s1 =	sld [smem:$0x3F98];
	s0 =	simm.s32 @p0 $0x1  }
0x13: {  	[smem:$0x3FB3] =	sst s0;
	s0 =	simm.s32 @!p1 $0x0  }
0x14: {  	s2 =	sld [smem:$0x3F97];
	s0 =	simm.s32 @p1 $0x1  }
0x15: {  	[smem:$0x3FB4] =	sst s0;
	s0 =	simm.s32 @!p2 $0x0  }
0x16: {  	s3 =	sld [smem:$0x3FDB];
	s0 =	simm.s32 @p2 $0x1  }
0x17: {  	s4 =	simm.s32 $0x1BF5;
	[smem:$0x3FB6] =	sst s0  }
0x18: {  	s0 =	sld [smem:$0x3F99];
	_ =	swait.ge [sflag:s4], $0x0  }
0x19: {  	s7 =	sld [smem:$0x3F9A]  }
0x1a: {  	s8 =	sadd.s32 $0xFFFFE003, lr  }
0x1b: {  	s9 =	sadd.s32 $0xFFFFFEF7, lr;
	s5 =	simm.s32 $0xFFFFFFFF;
	p2 =	slt.u32 s8, $0xFFFFF086  }
0x1c: {  	p1 =	slt.u32 s9, $0xF7A;
	s5 =	simm.s32 @!p2 $0x0  }
0x1d: {  	s5 =	simm.s32 @p1 $0x1;
	p0 =	seq.s32 s7, s2  }
0x1e: {  	s7 =	smul.u32 @!p0 $0xF7A, s2;
	p2 =	seq.s32 @!p0 s5, $0x0  }
0x1f: {  	s9 =	smul.u32 $0xF7A, s1;
	s8 =	simm.s32 @!p0 $0x1BF5;
	p2 =	por !p2, p0  }
0x20: {  	[sflag:s8] =	ssyncset.s32 @!p0 $0xFFFFF086;
	s6 =	sadd.s32 @!p0 s3, s7;
	s7 =	simm.s32 @!p0 $0x108  }
0x21: {  	s3 =	sadd.s32 s3, s9;
	s6 =	sadd.s32 @!p0 $0x88, s6;
	s7 =	simm.s32 @p2 $0x1082  }
0x22: {  	[simem:s7], [sflag:s8] =	dma.local @!p0 [hbm:s6], $0xF7A  }
0x23: {  	s9 =	sor.u32 $0xD0000000, s2;
	s6 =	simm.s32 $0x108;
	_ =	swait.ge @!p0 [sflag:s8], $0x0  }
0x24: {  	s3 =	sadd.s32 $0x88, s3;
	s6 =	simm.s32 @!p1 $0x1082;
	[sflag:s4] =	ssyncset.s32 $0xFFFFF086  }
0x25: {  	[simem:s6], [sflag:s4] =	dma.local [hbm:s3], $0xF7A  }
0x26: {  	[smem:$0x3F9A] =	sst s1;
	(tag) =	ssettag s2;
	_ =	strace s9  }
0x27: {  	s1 =	sld [smem:$0x3FAA]  }
0x28: {  	s2 =	sld [smem:$0x3FAB]  }
0x29: {  	s4 =	sld [smem:$0x3FAD]  }
0x2a: {  	p0 =	seq.s32 s5, $0x0;
	s5 =	sld [smem:$0x3FAE]  }
0x2b: {  	s6 =	sld [smem:$0x3FAF]  }
0x2c: {  	s7 =	sld [smem:$0x3FB0]  }
0x2d: {  	s3 =	simm.s32 $0x108;
	s8 =	sld [smem:$0x3FB1]  }
0x2e: {  	s3 =	simm.s32 @!p0 $0x1082;
	s9 =	sld [smem:$0x3FB2]  }
0x2f: {  	lr =	sadd.s32 s0, s3;
	s0 =	sld [smem:$0x3FA9]  }
0x30: {  	s3 =	sld [smem:$0x3FAC]  }
0x31: {  	[smem:$0x3FB5] =	sst s10  }
0x32: {  	s10 =	sld [smem:$0x3FB3];
	_ =	sdelay $0x3  }
0x33: {  	p0 =	seq.s32 s10, $0x1;
	s10 =	sld [smem:$0x3FB5];
	_ =	sdelay $0x3  }
0x34: {  	[smem:$0x3FB5] =	sst s10  }
0x35: {  	s10 =	sld [smem:$0x3FB4];
	_ =	sdelay $0x3  }
0x36: {  	p1 =	seq.s32 s10, $0x1;
	s10 =	sld [smem:$0x3FB5];
	_ =	sdelay $0x3  }
0x37: {  	[smem:$0x3FB5] =	sst s10  }
0x38: {  	s10 =	sld [smem:$0x3FB6]  }
0x39: {  	_ = 	snop;
	(pc) =	sbr.ind lr, $3  }
0x3a: {  	_ = 	snop  }
0x3b: {  	_ = 	snop  }
0x3c: {  	p2 =	seq.s32 s10, $0x1;
	s10 =	sld [smem:$0x3FB5]  }
0x3d: {  	_ =	shalt  }
0x3e: {  	_ =	shalt  }
0x3f: {  	_ =	shalt  }
0x40: {  	_ =	shalt  }
0x41: {  	_ =	shalt  }
0x42: {  	_ =	shalt  }
0x43: {  	_ =	shalt  }
0x44: {  	_ =	shalt  }
0x45: {  	_ =	shalt  }
0x46: {  	_ =	shalt  }
0x47: {  	_ =	shalt  }
0x48: {  	_ =	shalt  }
0x49: {  	_ =	shalt  }
0x4a: {  	_ =	shalt  }
0x4b: {  	_ =	shalt  }
0x4c: {  	_ =	shalt  }
0x4d: {  	_ =	shalt  }
0x4e: {  	_ =	shalt  }
0x4f: {  	_ =	shalt  }
0x50: {  	_ =	shalt  }
0x51: {  	_ =	shalt  }
0x52: {  	_ =	shalt  }
0x53: {  	_ =	shalt  }
0x54: {  	_ =	shalt  }
0x55: {  	_ =	shalt  }
0x56: {  	_ =	shalt  }
0x57: {  	_ =	shalt  }
0x58: {  	_ =	shalt  }
0x59: {  	_ =	shalt  }
0x5a: {  	_ =	shalt  }
0x5b: {  	_ =	shalt  }
0x5c: {  	_ =	shalt  }
0x5d: {  	_ =	shalt  }
0x5e: {  	_ =	shalt  }
0x5f: {  	_ =	shalt  }
0x60: {  	_ =	shalt  }
0x61: {  	_ =	shalt  }
0x62: {  	_ =	shalt  }
0x63: {  	_ =	shalt  }
0x64: {  	_ =	shalt  }
0x65: {  	_ =	shalt  }
0x66: {  	_ =	shalt  }
0x67: {  	_ =	shalt  }
0x68: {  	_ =	shalt  }
0x69: {  	_ =	shalt  }
0x6a: {  	_ =	shalt  }
0x6b: {  	_ =	shalt  }
0x6c: {  	_ =	shalt  }
0x6d: {  	_ =	shalt  }
0x6e: {  	_ =	shalt  }
0x6f: {  	_ =	shalt  }
0x70: {  	_ =	shalt  }
0x71: {  	_ =	shalt  }
0x72: {  	_ =	shalt  }
0x73: {  	_ =	shalt  }
0x74: {  	_ =	shalt  }
0x75: {  	_ =	shalt  }
0x76: {  	_ =	shalt  }
0x77: {  	_ =	shalt  }
0x78: {  	_ =	shalt  }
0x79: {  	_ =	shalt  }
0x7a: {  	_ =	shalt  }
0x7b: {  	_ =	shalt  }
0x7c: {  	_ =	shalt  }
0x7d: {  	_ =	shalt  }
0x7e: {  	_ =	shalt  }
0x7f: {  	_ =	shalt  }
0x80: {  	_ =	shalt  }
0x81: {  	_ =	shalt  }
0x82: {  	_ =	shalt  }
0x83: {  	_ =	shalt  }
0x84: {  	_ =	shalt  }
0x85: {  	_ =	shalt  }
0x86: {  	_ =	shalt  }
0x87: {  	_ =	shalt  }
.Lfunc_end0:
.L_simem_size_0:
called_computation.6_lowered:
.L_overlay_start_0:
0x88: {  	s2 =	sld [smem:$0x3FD9]  }
0x89: {  	s3 =	sld [smem:$0x3FFE];
	_ =	sdelay $0x1  }
0x8a: {  	s1 =	srdreg.scid  }
0x8b: {  	s0 =	sand.u32 $0x1, s1  }
0x8c: {  	s17 =	sshll.u32 s0, $0xA;
	s2 =	sadd.s32 s3, s2  }
0x8d: {  	s2 =	sadd.s32 s2, s17  }
0x8e: {  	[smem:$0x3FC1] =	sst s2  }
0x8f: {  	_ = 	snop  }
0x90: {  	s2 =	sld [smem:$0x3FD0];
	(tm) =	ssettm $0x1  }
0x91: {  	s18 =	sld [smem:$0x3FFB];
	_ =	sdelay $0x3  }
0x92: {  	_ =	strace s18  }
0x93: {  	s3 =	sld [smem:$0x3FFC];
	_ =	sdelay $0x3  }
0x94: {  	_ =	strace s3  }
0x95: {  	s3 =	sld [smem:$0x3FFD];
	_ =	sdelay $0x3  }
0x96: {  	_ =	strace s3  }
0x97: {  	_ =	strace $0x8FFFFFFF  }
0x98: {  	s19 =	sld [smem:$0x3FDB];
	_ =	sdelay $0x1  }
0x99: {  	s4 =	simm.s32 $_scs_section_size  }
0x9a: {  	s5 =	simm.s32 $_size__tile_overlayer_lowered;
	s6 =	simm.s32 $_tile_overlayer_lowered  }
0x9b: {  	s22 =	simm.s32 $0x1BFF;
	s21 =	sshll.u32 s6, $0x1;
	s3 =	sadd.s32 s4, s19  }
0x9c: {  	s7 =	simm.s32 $0x0;
	s20 =	sshll.u32 s5, $0x1;
	s5 =	sadd.s32 s21, s3  }
0x9d: {  	[timem:s7], [sflag:s22] =	dma.local [hbm:s5], s20  }
0x9e: {  	_ =	swait.ge [sflag:s22], s20  }
0x9f: {  	s4 =	ssub.s32 $0x0, s20;
	[sflag:s22] =	ssyncset.done $0x0  }
0xa0: {  	[sflag:s22] =	ssyncadd.s32 s4;
	_ =	sdelay $0x1  }
0xa1: {  	s23 =	simm.s32 $0x1B8B  }
0xa2: {  	_ =	swait.ge [sflag:s23], $0x1  }
0xa3: {  	[sflag:s23] =	ssyncset.done $0x0  }
0xa4: {  	s25 =	simm.s32 $0x1B8E;
	s24 =	sld [smem:$0x3FFE];
	[sflag:s23] =	ssyncadd.s32 $0xFFFFFFFF  }
0xa5: {  	s26 =	simm.s32 $execute0_lowered;
	[smem:$0x3FD2] =	sst s25  }
0xa6: {  	s5 =	sshll.u32 s26, $0x1;
	_ =	strace $0x80000058;
	[dreg:$0x1] =	wrdreg $0xFFFFFFFF  }
0xa7: {  	s28 =	simm.s32 $_size_execute0_lowered;
	s3 =	sadd.s32 s3, s5;
	[dreg:$0x0] =	wrdreg $0x0  }
0xa8: {  	s5 =	sshll.u32 s28, $0x1;
	[dreg:$0x2] =	wrdreg s3  }
0xa9: {  	[dreg:$0x3] =	wrdreg s5  }
0xaa: {  	[dreg:$0x4] =	wrdreg $0xC0  }
0xab: {  	_ =	task [dreg:s7], $0x5FFFF  }
0xac: {  	[dreg:$0x1] =	wrdreg $0xFFFFFFFF  }
0xad: {  	[dreg:$0x0] =	wrdreg $0x60  }
0xae: {  	[dreg:$0x2] =	wrdreg s24  }
0xaf: {  	[dreg:$0x3] =	wrdreg s2  }
0xb0: {  	[dreg:$0x4] =	wrdreg $0xA5000  }
0xb1: {  	[dreg:$0x5] =	wrdreg $0x145000  }
0xb2: {  	[dreg:$0x6] =	wrdreg $0x9  }
0xb3: {  	_ =	task.clear_ibuf [dreg:s7], $0x7FFFF;
	_ =	strace $0x90000058  }
0xb4: {  	s29 =	simm.s32 $0x9;
	_ =	strace $0x8000005A  }
0xb5: {  	_ =	swait.ge [sflag:s29], $0x1  }
0xb6: {  	[sflag:s29] =	ssyncadd.s32 $0xFFFFFFFF  }
0xb7: {  	_ =	strace $0x9000005A  }
0xb8: {  	_ =	sfence  }
0xb9: {  	s30 =	sld [smem:$0x0];
	_ =	sdelay $0x2  }
0xba: {  	s31 =	sshll.u32 s1, $0xD;
	s1 =	sshrl.u32 s1, $0x2  }
0xbb: {  	s3 =	sand.u32 $0x4000, s31;
	s1 =	sadd.s32 s1, s30  }
0xbc: {  	s0 =	sor.u32 s3, s0;
	s1 =	sshll.u32 s1, $0x11  }
0xbd: {  	s0 =	sor.u32 s1, s0  }
0xbe: {  	s0 =	sadd.s32 $0x8F2B, s0  }
0xbf: {  	[sflag:s0] =	ssyncadd.remote.s32 $0x1  }
0xc0: {  	_ =	sfence.sel $0xFFFF  }
0xc1: {  	[dreg:$0x0] =	wrdreg $0xFFFFFFFF;
	(pc) =	sbr.abs _section_cstart, $3  }
0xc2: {  	[dreg:$0x1] =	wrdreg $0xFFFFFFFF  }
0xc3: {  	_ =	task.clear_ibuf [dreg:s7], $0x2FFFF;
	_ =	strace $0x9FFFFFFF  }
0xc4: {  	(tm) =	ssettm $0x7FFFFFFF  }
0xc5: {  	_ =	shalt  }
tec
execute0_lowered:
.L_overlay_start_1:
0x0: {  	(tag) =	ssettag $0x1  }
0x1: {  	s5 =	rddreg [dreg:$0x0]  }
0x2: {  	s10 =	rddreg [dreg:$0x1]  }
0x3: {  	s2 =	rddreg [dreg:$0x2]  }
0x4: {  	s0 =	srdreg.scid;
	s3 =	rddreg [dreg:$0x3]  }
0x5: {  	s1 =	rddreg [dreg:$0x4];
	s6 =	sand.u32 $0x1, s0  }
0x6: {  	s4 =	simm.s32 $0x0;
	s0 =	stileid.u32;
	s7 =	smul.u32 $0x28000, s6  }
0x7: {  	s17 =	simm.s32 $0x3;
	s18 =	simm.s32 $0x280;
	s8 =	smul.u32 $0x2800, s0  }
0x8: {  	s19 =	simm.s32 $0x500;
	s21 =	simm.s32 $0x0;
	s9 =	smul.u32 $0xA000, s0  }
0x9: {  	[smem:$0x7FF] =	sst s4;
	s28 =	smul.u32 $0xA0000, s6;
	s6 =	ssub.s32 $0x2, s6  }
0xa: {  	_ =	strace $0x80000059;
	s20 =	sshll.u32 s0, $0x6;
	s31 =	sshrl.u32 s6, $0x1  }
0xb: {  	s7 =	sadd.s32 s8, s7;
	s29 =	sadd.s32 s9, s28;
	s30 =	sshrl.u32 s9, $0x3  }
0xc: {  	s14 =	ssub.s32 s6, s31;
	s15 =	sadd.s32 s9, s2;
	s6 =	sor.u32 $0x1C01, s20  }
0xd: {  	s16 =	sadd.s32 s9, s3;
	s11 =	sshrl.u32 s7, $0x3;
	s7 =	sshrl.u32 s29, $0x3  }
0xe: {  	s8 =	sadd.s32 s30, s5;
	s9 =	smax.u32 s14, $0x1;
	s14 =	sshrl.u32 s16, $0x3  }
0xf: {  	s16 =	simm.s32 $0x2;
	s12 =	sadd.s32 s11, s5;
	s13 =	sadd.s32 s7, s5  }
0x10: {  	s5 =	sadd.s32 $0x15200, s8;
	s7 =	sadd.s32 $0x29200, s8;
	s10 =	sadd.s32 s11, s10  }
0x11: {  	s8 =	sadd.s32 $0x3D200, s13;
	s11 =	sadd.s32 $0xB200, s12;
	s12 =	sshrl.u32 s15, $0x3  }
0x12: {  	s13 =	sor.u32 $0x1C02, s20;
	s15 =	simm.s32 $0x1;
	s20 =	sor.u32 $0x1C03, s20  }
.LBB2_1:
0x13: {  	[spmem:s12], [sflag:s6] =	dma.local [hbm:s5], $0x1400  }
0x14: {  	[spmem:s14], [sflag:s13] =	dma.local [hbm:s7], $0x1400  }
0x15: {  	_ =	swait.ge [sflag:s15], $0x1400  }
0x16: {  	[sflag:s15] =	ssyncset.done $0x0  }
0x17: {  	[sflag:s15] =	ssyncadd.s32 $0xFFFFEC00  }
0x18: {  	_ =	swait.ge [sflag:s16], $0x1400  }
0x19: {  	[sflag:s16] =	ssyncset.done $0x0  }
0x1a: {  	[sflag:s16] =	ssyncadd.s32 $0xFFFFEC00  }
0x1b: {  	s22 =	sadd.s32 $0x0, s11;
	[bflag:$0x0] =	sbarrier.arrive $0xFFFF  }
0x1c: {  	[tilespmem:s4], [sflag:$0x3] =	stream.linear.gather [hbm4b:s22+s4], $0x280, $0x38;
	[tilespmem:$0x1E500] =	vst v63  }
0x1d: {  	_ =	swait.ge [sflag:s17], $0x280  }
0x1e: {  	[sflag:s17] =	ssyncset.done $0x0  }
0x1f: {  	s31 =	sadd.s32 $0x0, s10;
	[sflag:s17] =	ssyncadd.s32 $0xFFFFFD80  }
0x20: {  	[tilespmem:s18], [sflag:$0x3] =	stream.linear.gather [hbm4b:s31+s4], $0x280, $0x38;
	[tilespmem:$0x1E500] =	vst v63  }
0x21: {  	_ =	swait.ge [sflag:s17], $0x280  }
0x22: {  	[sflag:s17] =	ssyncset.done $0x0  }
0x23: {  	[sflag:s17] =	ssyncadd.s32 $0xFFFFFD80  }
0x24: {  	[tilespmem:s19], [sflag:$0x1] =	stream.indirect.gather [spmem:s2], $0x40, s4, s18, $0xb8;
	[tilespmem:$0x1E500] =	vst v63  }
0x25: {  	_ =	swait.ge [sflag:s15], $0xA000  }
0x26: {  	[sflag:s15] =	ssyncset.done $0x0  }
0x27: {  	[sflag:s15] =	ssyncadd.s32 $0xFFFF6000  }
0x28: {  	[spmem:s3] =	stream.indirect.scatter.add.f32 [tilespmem:s19], [sflag:$0x3], $0x40, s18, s18, $0xb8;
	[tilespmem:$0x1E500] =	vst v63  }
0x29: {  	_ =	swait.ge [sflag:s17], $0xA000  }
0x2a: {  	s23 =	simm.s32 $0xA0;
	s22 =	simm.s32 $0x50;
	[sflag:s17] =	ssyncset.done $0x0  }
.LBB2_2:
0x2b: {  	s24 =	sadd.s32 s22, s11  }
0x2c: {  	[sflag:s17] =	ssyncadd.s32 $0xFFFF6000;
	s25 =	smov.u32 s23;
	s26 =	sadd.s32 $0x50, s23  }
0x2d: {  	[tilespmem:s4], [sflag:$0x3] =	stream.linear.gather [hbm4b:s24+s4], $0x280, $0x38;
	[tilespmem:$0x1E500] =	vst v63  }
0x2e: {  	p0 =	sne.s32 s23, $0x4B0;
	_ =	swait.ge [sflag:s17], $0x280  }
0x2f: {  	[sflag:s17] =	ssyncset.done $0x0  }
0x30: {  	s23 =	sadd.s32 s22, s10;
	s22 =	smov.u32 s25;
	[sflag:s17] =	ssyncadd.s32 $0xFFFFFD80  }
0x31: {  	[tilespmem:s18], [sflag:$0x3] =	stream.linear.gather [hbm4b:s23+s4], $0x280, $0x38;
	[tilespmem:$0x1E500] =	vst v63  }
0x32: {  	_ =	swait.ge [sflag:s17], $0x280  }
0x33: {  	[sflag:s17] =	ssyncset.done $0x0  }
0x34: {  	[sflag:s17] =	ssyncadd.s32 $0xFFFFFD80  }
0x35: {  	[tilespmem:s19], [sflag:$0x1] =	stream.indirect.gather [spmem:s2], $0x40, s4, s18, $0xb8;
	[tilespmem:$0x1E500] =	vst v63  }
0x36: {  	_ =	swait.ge [sflag:s15], $0xA000  }
.Ltmp0:
0x37: {  	[sflag:s15] =	ssyncset.done $0x0;
	(pc) =	sbr.rel @p0 .LBB2_2-.Ltmp0, $4  }
0x38: {  	[sflag:s15] =	ssyncadd.s32 $0xFFFF6000  }
0x39: {  	[spmem:s3] =	stream.indirect.scatter.add.f32 [tilespmem:s19], [sflag:$0x3], $0x40, s18, s18, $0xb8;
	[tilespmem:$0x1E500] =	vst v63  }
0x3a: {  	_ =	swait.ge [sflag:s17], $0xA000  }
0x3b: {  	s23 =	smov.u32 s26;
	[sflag:s17] =	ssyncset.done $0x0  }
0x3c: {  	s23 =	sadd.s32 s22, s11;
	[sflag:s17] =	ssyncadd.s32 $0xFFFF6000  }
0x3d: {  	[tilespmem:s4], [sflag:$0x3] =	stream.linear.gather [hbm4b:s23+s4], $0x280, $0x38;
	[tilespmem:$0x1E500] =	vst v63  }
0x3e: {  	_ =	swait.ge [sflag:s17], $0x280  }
0x3f: {  	[sflag:s17] =	ssyncset.done $0x0  }
0x40: {  	s31 =	sadd.s32 s22, s10;
	[sflag:s17] =	ssyncadd.s32 $0xFFFFFD80  }
0x41: {  	[tilespmem:s18], [sflag:$0x3] =	stream.linear.gather [hbm4b:s31+s4], $0x280, $0x38;
	[tilespmem:$0x1E500] =	vst v63  }
0x42: {  	_ =	swait.ge [sflag:s17], $0x280  }
0x43: {  	[sflag:s17] =	ssyncset.done $0x0  }
0x44: {  	[sflag:s17] =	ssyncadd.s32 $0xFFFFFD80  }
0x45: {  	[tilespmem:s19], [sflag:$0x1] =	stream.indirect.gather [spmem:s2], $0x40, s4, s18, $0xb8;
	[tilespmem:$0x1E500] =	vst v63  }
0x46: {  	_ =	swait.ge [sflag:s15], $0xA000  }
0x47: {  	[sflag:s15] =	ssyncset.done $0x0  }
0x48: {  	[sflag:s15] =	ssyncadd.s32 $0xFFFF6000  }
0x49: {  	[spmem:s3] =	stream.indirect.scatter.add.f32 [tilespmem:s19], [sflag:$0x3], $0x40, s18, s18, $0xb8;
	[tilespmem:$0x1E500] =	vst v63  }
0x4a: {  	_ =	swait.ge [sflag:s17], $0xA000  }
0x4b: {  	s21 =	sadd.s32 $0x1, s21;
	[sflag:s17] =	ssyncset.done $0x0  }
0x4c: {  	p0 =	sne.s32 s21, s9;
	[sflag:s17] =	ssyncadd.s32 $0xFFFF6000  }
.Ltmp1:
0x4d: {  	[bflag:$0x0] =	sbarrier.arrive $0xFFFF;
	(pc) =	sbr.rel @p0 .LBB2_1-.Ltmp1, $4  }
0x4e: {  	[hbm:s8], [sflag:s20] =	dma.local [spmem:s14], $0x1400  }
0x4f: {  	_ =	swait.ge [sflag:s17], $0x1400  }
0x50: {  	[sflag:s17] =	ssyncset.done $0x0  }
0x51: {  	[sflag:s17] =	ssyncadd.s32 $0xFFFFEC00  }
0x52: {  	_ =	sfence.sel $0x180000  }
0x53: {  	[bflag:$0x0] =	sbarrier.arrive $0xFFFF  }
0x54: {  	p0 =	sne.s32 s0, $0x0;
	_ =	strace $0x90000059  }
0x55: {  	s0 =	sadd.s32 @!p0 $0x100000, s1;
	[bflag:$0x2] =	sbarrier.arrive $0xFFFF  }
0x56: {  	[sflag:s0] =	ssyncadd.tile.s32 @!p0 $0x1;
	_ =	shalt  }
.Lfunc_end2:
_tile_overlayer_lowered:
.L_overlay_start_2:
0x57: {  	(tag) =	ssettag $0x2  }
0x58: {  	s0 =	rddreg [dreg:$0x0];
	s2 =	stileid.u32  }
0x59: {  	s1 =	rddreg [dreg:$0x1];
	p0 =	sne.s32 s2, $0x0  }
0x5a: {  	s3 =	rddreg [dreg:$0x2];
	[bflag:$0x3] =	sbarrier.arrive $0xFFFF;
	s2 =	simm.s32 @!p0 $0x1C03  }
0x5b: {  	[timem:s3], [sflag:s2] =	dma.local @!p0 [hbm:s0], s1  }
0x5c: {  	s0 =	simm.s32 @!p0 $0x3  }
0x5d: {  	_ =	swait.ge @!p0 [sflag:s0], s1  }
0x5e: {  	s1 =	ssub.s32 @!p0 $0x0, s1;
	[sflag:s0] =	ssyncset.done @!p0 $0x0  }
0x5f: {  	[sflag:s0] =	ssyncadd.s32 @!p0 s1  }
0x60: {  	[bflag:$0x3] =	sbarrier.arrive $0xFFFF  }
0x61: {  	_ =	shalt  }

// kernel: kernel.42.cloned.1.call-start
scs
__scs_entry_jumppad:
0x0: {  	(pc) =	sbr.rel $0x88, $3  }
0x1: {  	(tag) =	ssettag $0x0;
	lr =	simm.s32 $0x1  }
0x2: {  	[smem:$0x3F9A] =	sst lr;
	_ =	strace $0xD0000000  }
0x3: {  	_ = 	snop  }
0x4: {  	_ = 	snop  }
0x5: {  	_ = 	snop  }
0x6: {  	_ = 	snop  }
0x7: {  	_ = 	snop  }
__scs_overlays_trampoline_lowered:
0x8: {  	[smem:$0x3FA9] =	sst s0  }
0x9: {  	[smem:$0x3FAA] =	sst s1  }
0xa: {  	[smem:$0x3FAB] =	sst s2  }
0xb: {  	[smem:$0x3FAC] =	sst s3  }
0xc: {  	[smem:$0x3FAD] =	sst s4  }
0xd: {  	[smem:$0x3FAE] =	sst s5  }
0xe: {  	[smem:$0x3FAF] =	sst s6  }
0xf: {  	[smem:$0x3FB0] =	sst s7  }
0x10: {  	[smem:$0x3FB1] =	sst s8  }
0x11: {  	[smem:$0x3FB2] =	sst s9;
	s0 =	simm.s32 @!p0 $0x0  }
0x12: {  	s1 =	sld [smem:$0x3F98];
	s0 =	simm.s32 @p0 $0x1  }
0x13: {  	[smem:$0x3FB3] =	sst s0;
	s0 =	simm.s32 @!p1 $0x0  }
0x14: {  	s2 =	sld [smem:$0x3F97];
	s0 =	simm.s32 @p1 $0x1  }
0x15: {  	[smem:$0x3FB4] =	sst s0;
	s0 =	simm.s32 @!p2 $0x0  }
0x16: {  	s3 =	sld [smem:$0x3FDB];
	s0 =	simm.s32 @p2 $0x1  }
0x17: {  	s4 =	simm.s32 $0x1BF5;
	[smem:$0x3FB6] =	sst s0  }
0x18: {  	s0 =	sld [smem:$0x3F99];
	_ =	swait.ge [sflag:s4], $0x0  }
0x19: {  	s7 =	sld [smem:$0x3F9A]  }
0x1a: {  	s8 =	sadd.s32 $0xFFFFE003, lr  }
0x1b: {  	s9 =	sadd.s32 $0xFFFFFEF7, lr;
	s5 =	simm.s32 $0xFFFFFFFF;
	p2 =	slt.u32 s8, $0xFFFFF086  }
0x1c: {  	p1 =	slt.u32 s9, $0xF7A;
	s5 =	simm.s32 @!p2 $0x0  }
0x1d: {  	s5 =	simm.s32 @p1 $0x1;
	p0 =	seq.s32 s7, s2  }
0x1e: {  	s7 =	smul.u32 @!p0 $0xF7A, s2;
	p2 =	seq.s32 @!p0 s5, $0x0  }
0x1f: {  	s9 =	smul.u32 $0xF7A, s1;
	s8 =	simm.s32 @!p0 $0x1BF5;
	p2 =	por !p2, p0  }
0x20: {  	[sflag:s8] =	ssyncset.s32 @!p0 $0xFFFFF086;
	s6 =	sadd.s32 @!p0 s3, s7;
	s7 =	simm.s32 @!p0 $0x108  }
0x21: {  	s3 =	sadd.s32 s3, s9;
	s6 =	sadd.s32 @!p0 $0x88, s6;
	s7 =	simm.s32 @p2 $0x1082  }
0x22: {  	[simem:s7], [sflag:s8] =	dma.local @!p0 [hbm:s6], $0xF7A  }
0x23: {  	s9 =	sor.u32 $0xD0000000, s2;
	s6 =	simm.s32 $0x108;
	_ =	swait.ge @!p0 [sflag:s8], $0x0  }
0x24: {  	s3 =	sadd.s32 $0x88, s3;
	s6 =	simm.s32 @!p1 $0x1082;
	[sflag:s4] =	ssyncset.s32 $0xFFFFF086  }
0x25: {  	[simem:s6], [sflag:s4] =	dma.local [hbm:s3], $0xF7A  }
0x26: {  	[smem:$0x3F9A] =	sst s1;
	(tag) =	ssettag s2;
	_ =	strace s9  }
0x27: {  	s1 =	sld [smem:$0x3FAA]  }
0x28: {  	s2 =	sld [smem:$0x3FAB]  }
0x29: {  	s4 =	sld [smem:$0x3FAD]  }
0x2a: {  	p0 =	seq.s32 s5, $0x0;
	s5 =	sld [smem:$0x3FAE]  }
0x2b: {  	s6 =	sld [smem:$0x3FAF]  }
0x2c: {  	s7 =	sld [smem:$0x3FB0]  }
0x2d: {  	s3 =	simm.s32 $0x108;
	s8 =	sld [smem:$0x3FB1]  }
0x2e: {  	s3 =	simm.s32 @!p0 $0x1082;
	s9 =	sld [smem:$0x3FB2]  }
0x2f: {  	lr =	sadd.s32 s0, s3;
	s0 =	sld [smem:$0x3FA9]  }
0x30: {  	s3 =	sld [smem:$0x3FAC]  }
0x31: {  	[smem:$0x3FB5] =	sst s10  }
0x32: {  	s10 =	sld [smem:$0x3FB3];
	_ =	sdelay $0x3  }
0x33: {  	p0 =	seq.s32 s10, $0x1;
	s10 =	sld [smem:$0x3FB5];
	_ =	sdelay $0x3  }
0x34: {  	[smem:$0x3FB5] =	sst s10  }
0x35: {  	s10 =	sld [smem:$0x3FB4];
	_ =	sdelay $0x3  }
0x36: {  	p1 =	seq.s32 s10, $0x1;
	s10 =	sld [smem:$0x3FB5];
	_ =	sdelay $0x3  }
0x37: {  	[smem:$0x3FB5] =	sst s10  }
0x38: {  	s10 =	sld [smem:$0x3FB6]  }
0x39: {  	_ = 	snop;
	(pc) =	sbr.ind lr, $3  }
0x3a: {  	_ = 	snop  }
0x3b: {  	_ = 	snop  }
0x3c: {  	p2 =	seq.s32 s10, $0x1;
	s10 =	sld [smem:$0x3FB5]  }
0x3d: {  	_ =	shalt  }
0x3e: {  	_ =	shalt  }
0x3f: {  	_ =	shalt  }
0x40: {  	_ =	shalt  }
0x41: {  	_ =	shalt  }
0x42: {  	_ =	shalt  }
0x43: {  	_ =	shalt  }
0x44: {  	_ =	shalt  }
0x45: {  	_ =	shalt  }
0x46: {  	_ =	shalt  }
0x47: {  	_ =	shalt  }
0x48: {  	_ =	shalt  }
0x49: {  	_ =	shalt  }
0x4a: {  	_ =	shalt  }
0x4b: {  	_ =	shalt  }
0x4c: {  	_ =	shalt  }
0x4d: {  	_ =	shalt  }
0x4e: {  	_ =	shalt  }
0x4f: {  	_ =	shalt  }
0x50: {  	_ =	shalt  }
0x51: {  	_ =	shalt  }
0x52: {  	_ =	shalt  }
0x53: {  	_ =	shalt  }
0x54: {  	_ =	shalt  }
0x55: {  	_ =	shalt  }
0x56: {  	_ =	shalt  }
0x57: {  	_ =	shalt  }
0x58: {  	_ =	shalt  }
0x59: {  	_ =	shalt  }
0x5a: {  	_ =	shalt  }
0x5b: {  	_ =	shalt  }
0x5c: {  	_ =	shalt  }
0x5d: {  	_ =	shalt  }
0x5e: {  	_ =	shalt  }
0x5f: {  	_ =	shalt  }
0x60: {  	_ =	shalt  }
0x61: {  	_ =	shalt  }
0x62: {  	_ =	shalt  }
0x63: {  	_ =	shalt  }
0x64: {  	_ =	shalt  }
0x65: {  	_ =	shalt  }
0x66: {  	_ =	shalt  }
0x67: {  	_ =	shalt  }
0x68: {  	_ =	shalt  }
0x69: {  	_ =	shalt  }
0x6a: {  	_ =	shalt  }
0x6b: {  	_ =	shalt  }
0x6c: {  	_ =	shalt  }
0x6d: {  	_ =	shalt  }
0x6e: {  	_ =	shalt  }
0x6f: {  	_ =	shalt  }
0x70: {  	_ =	shalt  }
0x71: {  	_ =	shalt  }
0x72: {  	_ =	shalt  }
0x73: {  	_ =	shalt  }
0x74: {  	_ =	shalt  }
0x75: {  	_ =	shalt  }
0x76: {  	_ =	shalt  }
0x77: {  	_ =	shalt  }
0x78: {  	_ =	shalt  }
0x79: {  	_ =	shalt  }
0x7a: {  	_ =	shalt  }
0x7b: {  	_ =	shalt  }
0x7c: {  	_ =	shalt  }
0x7d: {  	_ =	shalt  }
0x7e: {  	_ =	shalt  }
0x7f: {  	_ =	shalt  }
0x80: {  	_ =	shalt  }
0x81: {  	_ =	shalt  }
0x82: {  	_ =	shalt  }
0x83: {  	_ =	shalt  }
0x84: {  	_ =	shalt  }
0x85: {  	_ =	shalt  }
0x86: {  	_ =	shalt  }
0x87: {  	_ =	shalt  }
.Lfunc_end0:
.L_simem_size_0:
called_computation.7_lowered:
.L_overlay_start_0:
0x88: {  	s2 =	sld [smem:$0x3FD9]  }
0x89: {  	s3 =	sld [smem:$0x3FFE];
	_ =	sdelay $0x1  }
0x8a: {  	s1 =	srdreg.scid  }
0x8b: {  	s0 =	sand.u32 $0x1, s1  }
0x8c: {  	s17 =	sshll.u32 s0, $0xA;
	s2 =	sadd.s32 s3, s2  }
0x8d: {  	s2 =	sadd.s32 s2, s17  }
0x8e: {  	[smem:$0x3FC1] =	sst s2  }
0x8f: {  	_ = 	snop  }
0x90: {  	s2 =	sld [smem:$0x3FD0];
	(tm) =	ssettm $0x1  }
0x91: {  	s18 =	sld [smem:$0x3FFB];
	_ =	sdelay $0x3  }
0x92: {  	_ =	strace s18  }
0x93: {  	s3 =	sld [smem:$0x3FFC];
	_ =	sdelay $0x3  }
0x94: {  	_ =	strace s3  }
0x95: {  	s3 =	sld [smem:$0x3FFD];
	_ =	sdelay $0x3  }
0x96: {  	_ =	strace s3  }
0x97: {  	_ =	strace $0x8FFFFFFF  }
0x98: {  	s19 =	sld [smem:$0x3FDB];
	_ =	sdelay $0x1  }
0x99: {  	s4 =	simm.s32 $_scs_section_size  }
0x9a: {  	s5 =	simm.s32 $_size__tile_overlayer_lowered;
	s6 =	simm.s32 $_tile_overlayer_lowered  }
0x9b: {  	s22 =	simm.s32 $0x1BFF;
	s21 =	sshll.u32 s6, $0x1;
	s3 =	sadd.s32 s4, s19  }
0x9c: {  	s7 =	simm.s32 $0x0;
	s20 =	sshll.u32 s5, $0x1;
	s5 =	sadd.s32 s21, s3  }
0x9d: {  	[timem:s7], [sflag:s22] =	dma.local [hbm:s5], s20  }
0x9e: {  	_ =	swait.ge [sflag:s22], s20  }
0x9f: {  	s4 =	ssub.s32 $0x0, s20;
	[sflag:s22] =	ssyncset.done $0x0  }
0xa0: {  	[sflag:s22] =	ssyncadd.s32 s4;
	_ =	sdelay $0x1  }
0xa1: {  	s23 =	simm.s32 $0x1B8B  }
0xa2: {  	_ =	swait.ge [sflag:s23], $0x1  }
0xa3: {  	[sflag:s23] =	ssyncset.done $0x0  }
0xa4: {  	s25 =	simm.s32 $0x1B8E;
	s24 =	sld [smem:$0x3FFE];
	[sflag:s23] =	ssyncadd.s32 $0xFFFFFFFF  }
0xa5: {  	s26 =	simm.s32 $execute0_lowered;
	[smem:$0x3FD2] =	sst s25  }
0xa6: {  	s5 =	sshll.u32 s26, $0x1;
	_ =	strace $0x8000005B;
	[dreg:$0x1] =	wrdreg $0xFFFFFFFF  }
0xa7: {  	s28 =	simm.s32 $_size_execute0_lowered;
	s3 =	sadd.s32 s3, s5;
	[dreg:$0x0] =	wrdreg $0x0  }
0xa8: {  	s5 =	sshll.u32 s28, $0x1;
	[dreg:$0x2] =	wrdreg s3  }
0xa9: {  	[dreg:$0x3] =	wrdreg s5  }
0xaa: {  	[dreg:$0x4] =	wrdreg $0xC0  }
0xab: {  	_ =	task [dreg:s7], $0x5FFFF  }
0xac: {  	[dreg:$0x1] =	wrdreg $0xFFFFFFFF  }
0xad: {  	[dreg:$0x0] =	wrdreg $0x60  }
0xae: {  	[dreg:$0x2] =	wrdreg s24  }
0xaf: {  	[dreg:$0x3] =	wrdreg s2  }
0xb0: {  	[dreg:$0x4] =	wrdreg $0xA5000  }
0xb1: {  	[dreg:$0x5] =	wrdreg $0x145000  }
0xb2: {  	[dreg:$0x6] =	wrdreg $0x9  }
0xb3: {  	_ =	task.clear_ibuf [dreg:s7], $0x7FFFF;
	_ =	strace $0x9000005B  }
0xb4: {  	s29 =	simm.s32 $0x9;
	_ =	strace $0x8000005D  }
0xb5: {  	_ =	swait.ge [sflag:s29], $0x1  }
0xb6: {  	[sflag:s29] =	ssyncadd.s32 $0xFFFFFFFF  }
0xb7: {  	_ =	strace $0x9000005D  }
0xb8: {  	_ =	sfence  }
0xb9: {  	s30 =	sld [smem:$0x0];
	_ =	sdelay $0x2  }
0xba: {  	s31 =	sshll.u32 s1, $0xD;
	s1 =	sshrl.u32 s1, $0x2  }
0xbb: {  	s3 =	sand.u32 $0x4000, s31;
	s1 =	sadd.s32 s1, s30  }
0xbc: {  	s0 =	sor.u32 s3, s0;
	s1 =	sshll.u32 s1, $0x11  }
0xbd: {  	s0 =	sor.u32 s1, s0  }
0xbe: {  	s0 =	sadd.s32 $0x8F2B, s0  }
0xbf: {  	[sflag:s0] =	ssyncadd.remote.s32 $0x1  }
0xc0: {  	_ =	sfence.sel $0xFFFF  }
0xc1: {  	[dreg:$0x0] =	wrdreg $0xFFFFFFFF;
	(pc) =	sbr.abs _section_cstart, $3  }
0xc2: {  	[dreg:$0x1] =	wrdreg $0xFFFFFFFF  }
0xc3: {  	_ =	task.clear_ibuf [dreg:s7], $0x2FFFF;
	_ =	strace $0x9FFFFFFF  }
0xc4: {  	(tm) =	ssettm $0x7FFFFFFF  }
0xc5: {  	_ =	shalt  }
tec
execute0_lowered:
.L_overlay_start_1:
0x0: {  	(tag) =	ssettag $0x1  }
0x1: {  	s5 =	rddreg [dreg:$0x0]  }
0x2: {  	s10 =	rddreg [dreg:$0x1]  }
0x3: {  	s2 =	rddreg [dreg:$0x2]  }
0x4: {  	s0 =	srdreg.scid;
	s3 =	rddreg [dreg:$0x3]  }
0x5: {  	s1 =	rddreg [dreg:$0x4];
	s6 =	sand.u32 $0x1, s0  }
0x6: {  	s4 =	simm.s32 $0x0;
	s0 =	stileid.u32;
	s7 =	smul.u32 $0x28000, s6  }
0x7: {  	s17 =	simm.s32 $0x3;
	s18 =	simm.s32 $0x280;
	s8 =	smul.u32 $0x2800, s0  }
0x8: {  	s19 =	simm.s32 $0x500;
	s21 =	simm.s32 $0x0;
	s9 =	smul.u32 $0xA000, s0  }
0x9: {  	[smem:$0x7FF] =	sst s4;
	s28 =	smul.u32 $0xA0000, s6;
	s6 =	ssub.s32 $0x2, s6  }
0xa: {  	_ =	strace $0x8000005C;
	s20 =	sshll.u32 s0, $0x6;
	s31 =	sshrl.u32 s6, $0x1  }
0xb: {  	s7 =	sadd.s32 s8, s7;
	s29 =	sadd.s32 s9, s28;
	s30 =	sshrl.u32 s9, $0x3  }
0xc: {  	s14 =	ssub.s32 s6, s31;
	s15 =	sadd.s32 s9, s2;
	s6 =	sor.u32 $0x1C01, s20  }
0xd: {  	s16 =	sadd.s32 s9, s3;
	s11 =	sshrl.u32 s7, $0x3;
	s7 =	sshrl.u32 s29, $0x3  }
0xe: {  	s8 =	sadd.s32 s30, s5;
	s9 =	smax.u32 s14, $0x1;
	s14 =	sshrl.u32 s16, $0x3  }
0xf: {  	s16 =	simm.s32 $0x2;
	s12 =	sadd.s32 s11, s5;
	s13 =	sadd.s32 s7, s5  }
0x10: {  	s5 =	sadd.s32 $0x15200, s8;
	s7 =	sadd.s32 $0x29200, s8;
	s10 =	sadd.s32 s11, s10  }
0x11: {  	s8 =	sadd.s32 $0x3D200, s13;
	s11 =	sadd.s32 $0xB200, s12;
	s12 =	sshrl.u32 s15, $0x3  }
0x12: {  	s13 =	sor.u32 $0x1C02, s20;
	s15 =	simm.s32 $0x1;
	s20 =	sor.u32 $0x1C03, s20  }
.LBB2_1:
0x13: {  	[spmem:s12], [sflag:s6] =	dma.local [hbm:s5], $0x1400  }
0x14: {  	[spmem:s14], [sflag:s13] =	dma.local [hbm:s7], $0x1400  }
0x15: {  	_ =	swait.ge [sflag:s15], $0x1400  }
0x16: {  	[sflag:s15] =	ssyncset.done $0x0  }
0x17: {  	[sflag:s15] =	ssyncadd.s32 $0xFFFFEC00  }
0x18: {  	_ =	swait.ge [sflag:s16], $0x1400  }
0x19: {  	[sflag:s16] =	ssyncset.done $0x0  }
0x1a: {  	[sflag:s16] =	ssyncadd.s32 $0xFFFFEC00  }
0x1b: {  	s22 =	sadd.s32 $0x0, s11;
	[bflag:$0x0] =	sbarrier.arrive $0xFFFF  }
0x1c: {  	[tilespmem:s4], [sflag:$0x3] =	stream.linear.gather [hbm4b:s22+s4], $0x280, $0x38;
	[tilespmem:$0x1E500] =	vst v63  }
0x1d: {  	_ =	swait.ge [sflag:s17], $0x280  }
0x1e: {  	[sflag:s17] =	ssyncset.done $0x0  }
0x1f: {  	s31 =	sadd.s32 $0x0, s10;
	[sflag:s17] =	ssyncadd.s32 $0xFFFFFD80  }
0x20: {  	[tilespmem:s18], [sflag:$0x3] =	stream.linear.gather [hbm4b:s31+s4], $0x280, $0x38;
	[tilespmem:$0x1E500] =	vst v63  }
0x21: {  	_ =	swait.ge [sflag:s17], $0x280  }
0x22: {  	[sflag:s17] =	ssyncset.done $0x0  }
0x23: {  	[sflag:s17] =	ssyncadd.s32 $0xFFFFFD80  }
0x24: {  	[tilespmem:s19], [sflag:$0x1] =	stream.indirect.gather [spmem:s2], $0x40, s4, s18, $0xb8;
	[tilespmem:$0x1E500] =	vst v63  }
0x25: {  	_ =	swait.ge [sflag:s15], $0xA000  }
0x26: {  	[sflag:s15] =	ssyncset.done $0x0  }
0x27: {  	[sflag:s15] =	ssyncadd.s32 $0xFFFF6000  }
0x28: {  	[spmem:s3] =	stream.indirect.scatter.add.f32 [tilespmem:s19], [sflag:$0x3], $0x40, s18, s18, $0xb8;
	[tilespmem:$0x1E500] =	vst v63  }
0x29: {  	_ =	swait.ge [sflag:s17], $0xA000  }
0x2a: {  	s23 =	simm.s32 $0xA0;
	s22 =	simm.s32 $0x50;
	[sflag:s17] =	ssyncset.done $0x0  }
.LBB2_2:
0x2b: {  	s24 =	sadd.s32 s22, s11  }
0x2c: {  	[sflag:s17] =	ssyncadd.s32 $0xFFFF6000;
	s25 =	smov.u32 s23;
	s26 =	sadd.s32 $0x50, s23  }
0x2d: {  	[tilespmem:s4], [sflag:$0x3] =	stream.linear.gather [hbm4b:s24+s4], $0x280, $0x38;
	[tilespmem:$0x1E500] =	vst v63  }
0x2e: {  	p0 =	sne.s32 s23, $0x4B0;
	_ =	swait.ge [sflag:s17], $0x280  }
0x2f: {  	[sflag:s17] =	ssyncset.done $0x0  }
0x30: {  	s23 =	sadd.s32 s22, s10;
	s22 =	smov.u32 s25;
	[sflag:s17] =	ssyncadd.s32 $0xFFFFFD80  }
0x31: {  	[tilespmem:s18], [sflag:$0x3] =	stream.linear.gather [hbm4b:s23+s4], $0x280, $0x38;
	[tilespmem:$0x1E500] =	vst v63  }
0x32: {  	_ =	swait.ge [sflag:s17], $0x280  }
0x33: {  	[sflag:s17] =	ssyncset.done $0x0  }
0x34: {  	[sflag:s17] =	ssyncadd.s32 $0xFFFFFD80  }
0x35: {  	[tilespmem:s19], [sflag:$0x1] =	stream.indirect.gather [spmem:s2], $0x40, s4, s18, $0xb8;
	[tilespmem:$0x1E500] =	vst v63  }
0x36: {  	_ =	swait.ge [sflag:s15], $0xA000  }
.Ltmp0:
0x37: {  	[sflag:s15] =	ssyncset.done $0x0;
	(pc) =	sbr.rel @p0 .LBB2_2-.Ltmp0, $4  }
0x38: {  	[sflag:s15] =	ssyncadd.s32 $0xFFFF6000  }
0x39: {  	[spmem:s3] =	stream.indirect.scatter.add.f32 [tilespmem:s19], [sflag:$0x3], $0x40, s18, s18, $0xb8;
	[tilespmem:$0x1E500] =	vst v63  }
0x3a: {  	_ =	swait.ge [sflag:s17], $0xA000  }
0x3b: {  	s23 =	smov.u32 s26;
	[sflag:s17] =	ssyncset.done $0x0  }
0x3c: {  	s23 =	sadd.s32 s22, s11;
	[sflag:s17] =	ssyncadd.s32 $0xFFFF6000  }
0x3d: {  	[tilespmem:s4], [sflag:$0x3] =	stream.linear.gather [hbm4b:s23+s4], $0x280, $0x38;
	[tilespmem:$0x1E500] =	vst v63  }
0x3e: {  	_ =	swait.ge [sflag:s17], $0x280  }
0x3f: {  	[sflag:s17] =	ssyncset.done $0x0  }
0x40: {  	s31 =	sadd.s32 s22, s10;
	[sflag:s17] =	ssyncadd.s32 $0xFFFFFD80  }
0x41: {  	[tilespmem:s18], [sflag:$0x3] =	stream.linear.gather [hbm4b:s31+s4], $0x280, $0x38;
	[tilespmem:$0x1E500] =	vst v63  }
0x42: {  	_ =	swait.ge [sflag:s17], $0x280  }
0x43: {  	[sflag:s17] =	ssyncset.done $0x0  }
0x44: {  	[sflag:s17] =	ssyncadd.s32 $0xFFFFFD80  }
0x45: {  	[tilespmem:s19], [sflag:$0x1] =	stream.indirect.gather [spmem:s2], $0x40, s4, s18, $0xb8;
	[tilespmem:$0x1E500] =	vst v63  }
0x46: {  	_ =	swait.ge [sflag:s15], $0xA000  }
0x47: {  	[sflag:s15] =	ssyncset.done $0x0  }
0x48: {  	[sflag:s15] =	ssyncadd.s32 $0xFFFF6000  }
0x49: {  	[spmem:s3] =	stream.indirect.scatter.add.f32 [tilespmem:s19], [sflag:$0x3], $0x40, s18, s18, $0xb8;
	[tilespmem:$0x1E500] =	vst v63  }
0x4a: {  	_ =	swait.ge [sflag:s17], $0xA000  }
0x4b: {  	s21 =	sadd.s32 $0x1, s21;
	[sflag:s17] =	ssyncset.done $0x0  }
0x4c: {  	p0 =	sne.s32 s21, s9;
	[sflag:s17] =	ssyncadd.s32 $0xFFFF6000  }
.Ltmp1:
0x4d: {  	[bflag:$0x0] =	sbarrier.arrive $0xFFFF;
	(pc) =	sbr.rel @p0 .LBB2_1-.Ltmp1, $4  }
0x4e: {  	[hbm:s8], [sflag:s20] =	dma.local [spmem:s14], $0x1400  }
0x4f: {  	_ =	swait.ge [sflag:s17], $0x1400  }
0x50: {  	[sflag:s17] =	ssyncset.done $0x0  }
0x51: {  	[sflag:s17] =	ssyncadd.s32 $0xFFFFEC00  }
0x52: {  	_ =	sfence.sel $0x180000  }
0x53: {  	[bflag:$0x0] =	sbarrier.arrive $0xFFFF  }
0x54: {  	p0 =	sne.s32 s0, $0x0;
	_ =	strace $0x9000005C  }
0x55: {  	s0 =	sadd.s32 @!p0 $0x100000, s1;
	[bflag:$0x2] =	sbarrier.arrive $0xFFFF  }
0x56: {  	[sflag:s0] =	ssyncadd.tile.s32 @!p0 $0x1;
	_ =	shalt  }
.Lfunc_end2:
_tile_overlayer_lowered:
.L_overlay_start_2:
0x57: {  	(tag) =	ssettag $0x2  }
0x58: {  	s0 =	rddreg [dreg:$0x0];
	s2 =	stileid.u32  }
0x59: {  	s1 =	rddreg [dreg:$0x1];
	p0 =	sne.s32 s2, $0x0  }
0x5a: {  	s3 =	rddreg [dreg:$0x2];
	[bflag:$0x3] =	sbarrier.arrive $0xFFFF;
	s2 =	simm.s32 @!p0 $0x1C03  }
0x5b: {  	[timem:s3], [sflag:s2] =	dma.local @!p0 [hbm:s0], s1  }
0x5c: {  	s0 =	simm.s32 @!p0 $0x3  }
0x5d: {  	_ =	swait.ge @!p0 [sflag:s0], s1  }
0x5e: {  	s1 =	ssub.s32 @!p0 $0x0, s1;
	[sflag:s0] =	ssyncset.done @!p0 $0x0  }
0x5f: {  	[sflag:s0] =	ssyncadd.s32 @!p0 s1  }
0x60: {  	[bflag:$0x3] =	sbarrier.arrive $0xFFFF  }
0x61: {  	_ =	shalt  }

// kernel: kernel.45.cloned.1.call-start
scs
__scs_entry_jumppad:
0x0: {  	(pc) =	sbr.rel $0x88, $3  }
0x1: {  	(tag) =	ssettag $0x0;
	lr =	simm.s32 $0x1  }
0x2: {  	[smem:$0x3F9A] =	sst lr;
	_ =	strace $0xD0000000  }
0x3: {  	_ = 	snop  }
0x4: {  	_ = 	snop  }
0x5: {  	_ = 	snop  }
0x6: {  	_ = 	snop  }
0x7: {  	_ = 	snop  }
__scs_overlays_trampoline_lowered:
0x8: {  	[smem:$0x3FA9] =	sst s0  }
0x9: {  	[smem:$0x3FAA] =	sst s1  }
0xa: {  	[smem:$0x3FAB] =	sst s2  }
0xb: {  	[smem:$0x3FAC] =	sst s3  }
0xc: {  	[smem:$0x3FAD] =	sst s4  }
0xd: {  	[smem:$0x3FAE] =	sst s5  }
0xe: {  	[smem:$0x3FAF] =	sst s6  }
0xf: {  	[smem:$0x3FB0] =	sst s7  }
0x10: {  	[smem:$0x3FB1] =	sst s8  }
0x11: {  	[smem:$0x3FB2] =	sst s9;
	s0 =	simm.s32 @!p0 $0x0  }
0x12: {  	s1 =	sld [smem:$0x3F98];
	s0 =	simm.s32 @p0 $0x1  }
0x13: {  	[smem:$0x3FB3] =	sst s0;
	s0 =	simm.s32 @!p1 $0x0  }
0x14: {  	s2 =	sld [smem:$0x3F97];
	s0 =	simm.s32 @p1 $0x1  }
0x15: {  	[smem:$0x3FB4] =	sst s0;
	s0 =	simm.s32 @!p2 $0x0  }
0x16: {  	s3 =	sld [smem:$0x3FDB];
	s0 =	simm.s32 @p2 $0x1  }
0x17: {  	s4 =	simm.s32 $0x1BF5;
	[smem:$0x3FB6] =	sst s0  }
0x18: {  	s0 =	sld [smem:$0x3F99];
	_ =	swait.ge [sflag:s4], $0x0  }
0x19: {  	s7 =	sld [smem:$0x3F9A]  }
0x1a: {  	s8 =	sadd.s32 $0xFFFFE003, lr  }
0x1b: {  	s9 =	sadd.s32 $0xFFFFFEF7, lr;
	s5 =	simm.s32 $0xFFFFFFFF;
	p2 =	slt.u32 s8, $0xFFFFF086  }
0x1c: {  	p1 =	slt.u32 s9, $0xF7A;
	s5 =	simm.s32 @!p2 $0x0  }
0x1d: {  	s5 =	simm.s32 @p1 $0x1;
	p0 =	seq.s32 s7, s2  }
0x1e: {  	s7 =	smul.u32 @!p0 $0xF7A, s2;
	p2 =	seq.s32 @!p0 s5, $0x0  }
0x1f: {  	s9 =	smul.u32 $0xF7A, s1;
	s8 =	simm.s32 @!p0 $0x1BF5;
	p2 =	por !p2, p0  }
0x20: {  	[sflag:s8] =	ssyncset.s32 @!p0 $0xFFFFF086;
	s6 =	sadd.s32 @!p0 s3, s7;
	s7 =	simm.s32 @!p0 $0x108  }
0x21: {  	s3 =	sadd.s32 s3, s9;
	s6 =	sadd.s32 @!p0 $0x88, s6;
	s7 =	simm.s32 @p2 $0x1082  }
0x22: {  	[simem:s7], [sflag:s8] =	dma.local @!p0 [hbm:s6], $0xF7A  }
0x23: {  	s9 =	sor.u32 $0xD0000000, s2;
	s6 =	simm.s32 $0x108;
	_ =	swait.ge @!p0 [sflag:s8], $0x0  }
0x24: {  	s3 =	sadd.s32 $0x88, s3;
	s6 =	simm.s32 @!p1 $0x1082;
	[sflag:s4] =	ssyncset.s32 $0xFFFFF086  }
0x25: {  	[simem:s6], [sflag:s4] =	dma.local [hbm:s3], $0xF7A  }
0x26: {  	[smem:$0x3F9A] =	sst s1;
	(tag) =	ssettag s2;
	_ =	strace s9  }
0x27: {  	s1 =	sld [smem:$0x3FAA]  }
0x28: {  	s2 =	sld [smem:$0x3FAB]  }
0x29: {  	s4 =	sld [smem:$0x3FAD]  }
0x2a: {  	p0 =	seq.s32 s5, $0x0;
	s5 =	sld [smem:$0x3FAE]  }
0x2b: {  	s6 =	sld [smem:$0x3FAF]  }
0x2c: {  	s7 =	sld [smem:$0x3FB0]  }
0x2d: {  	s3 =	simm.s32 $0x108;
	s8 =	sld [smem:$0x3FB1]  }
0x2e: {  	s3 =	simm.s32 @!p0 $0x1082;
	s9 =	sld [smem:$0x3FB2]  }
0x2f: {  	lr =	sadd.s32 s0, s3;
	s0 =	sld [smem:$0x3FA9]  }
0x30: {  	s3 =	sld [smem:$0x3FAC]  }
0x31: {  	[smem:$0x3FB5] =	sst s10  }
0x32: {  	s10 =	sld [smem:$0x3FB3];
	_ =	sdelay $0x3  }
0x33: {  	p0 =	seq.s32 s10, $0x1;
	s10 =	sld [smem:$0x3FB5];
	_ =	sdelay $0x3  }
0x34: {  	[smem:$0x3FB5] =	sst s10  }
0x35: {  	s10 =	sld [smem:$0x3FB4];
	_ =	sdelay $0x3  }
0x36: {  	p1 =	seq.s32 s10, $0x1;
	s10 =	sld [smem:$0x3FB5];
	_ =	sdelay $0x3  }
0x37: {  	[smem:$0x3FB5] =	sst s10  }
0x38: {  	s10 =	sld [smem:$0x3FB6]  }
0x39: {  	_ = 	snop;
	(pc) =	sbr.ind lr, $3  }
0x3a: {  	_ = 	snop  }
0x3b: {  	_ = 	snop  }
0x3c: {  	p2 =	seq.s32 s10, $0x1;
	s10 =	sld [smem:$0x3FB5]  }
0x3d: {  	_ =	shalt  }
0x3e: {  	_ =	shalt  }
0x3f: {  	_ =	shalt  }
0x40: {  	_ =	shalt  }
0x41: {  	_ =	shalt  }
0x42: {  	_ =	shalt  }
0x43: {  	_ =	shalt  }
0x44: {  	_ =	shalt  }
0x45: {  	_ =	shalt  }
0x46: {  	_ =	shalt  }
0x47: {  	_ =	shalt  }
0x48: {  	_ =	shalt  }
0x49: {  	_ =	shalt  }
0x4a: {  	_ =	shalt  }
0x4b: {  	_ =	shalt  }
0x4c: {  	_ =	shalt  }
0x4d: {  	_ =	shalt  }
0x4e: {  	_ =	shalt  }
0x4f: {  	_ =	shalt  }
0x50: {  	_ =	shalt  }
0x51: {  	_ =	shalt  }
0x52: {  	_ =	shalt  }
0x53: {  	_ =	shalt  }
0x54: {  	_ =	shalt  }
0x55: {  	_ =	shalt  }
0x56: {  	_ =	shalt  }
0x57: {  	_ =	shalt  }
0x58: {  	_ =	shalt  }
0x59: {  	_ =	shalt  }
0x5a: {  	_ =	shalt  }
0x5b: {  	_ =	shalt  }
0x5c: {  	_ =	shalt  }
0x5d: {  	_ =	shalt  }
0x5e: {  	_ =	shalt  }
0x5f: {  	_ =	shalt  }
0x60: {  	_ =	shalt  }
0x61: {  	_ =	shalt  }
0x62: {  	_ =	shalt  }
0x63: {  	_ =	shalt  }
0x64: {  	_ =	shalt  }
0x65: {  	_ =	shalt  }
0x66: {  	_ =	shalt  }
0x67: {  	_ =	shalt  }
0x68: {  	_ =	shalt  }
0x69: {  	_ =	shalt  }
0x6a: {  	_ =	shalt  }
0x6b: {  	_ =	shalt  }
0x6c: {  	_ =	shalt  }
0x6d: {  	_ =	shalt  }
0x6e: {  	_ =	shalt  }
0x6f: {  	_ =	shalt  }
0x70: {  	_ =	shalt  }
0x71: {  	_ =	shalt  }
0x72: {  	_ =	shalt  }
0x73: {  	_ =	shalt  }
0x74: {  	_ =	shalt  }
0x75: {  	_ =	shalt  }
0x76: {  	_ =	shalt  }
0x77: {  	_ =	shalt  }
0x78: {  	_ =	shalt  }
0x79: {  	_ =	shalt  }
0x7a: {  	_ =	shalt  }
0x7b: {  	_ =	shalt  }
0x7c: {  	_ =	shalt  }
0x7d: {  	_ =	shalt  }
0x7e: {  	_ =	shalt  }
0x7f: {  	_ =	shalt  }
0x80: {  	_ =	shalt  }
0x81: {  	_ =	shalt  }
0x82: {  	_ =	shalt  }
0x83: {  	_ =	shalt  }
0x84: {  	_ =	shalt  }
0x85: {  	_ =	shalt  }
0x86: {  	_ =	shalt  }
0x87: {  	_ =	shalt  }
.Lfunc_end0:
.L_simem_size_0:
called_computation.8_lowered:
.L_overlay_start_0:
0x88: {  	s2 =	sld [smem:$0x3FD9]  }
0x89: {  	s3 =	sld [smem:$0x3FFE];
	_ =	sdelay $0x1  }
0x8a: {  	s1 =	srdreg.scid  }
0x8b: {  	s0 =	sand.u32 $0x1, s1  }
0x8c: {  	s17 =	sshll.u32 s0, $0xA;
	s2 =	sadd.s32 s3, s2  }
0x8d: {  	s2 =	sadd.s32 s2, s17  }
0x8e: {  	[smem:$0x3FC1] =	sst s2  }
0x8f: {  	_ = 	snop  }
0x90: {  	s2 =	sld [smem:$0x3FD0];
	(tm) =	ssettm $0x1  }
0x91: {  	s18 =	sld [smem:$0x3FFB];
	_ =	sdelay $0x3  }
0x92: {  	_ =	strace s18  }
0x93: {  	s3 =	sld [smem:$0x3FFC];
	_ =	sdelay $0x3  }
0x94: {  	_ =	strace s3  }
0x95: {  	s3 =	sld [smem:$0x3FFD];
	_ =	sdelay $0x3  }
0x96: {  	_ =	strace s3  }
0x97: {  	_ =	strace $0x8FFFFFFF  }
0x98: {  	s19 =	sld [smem:$0x3FDB];
	_ =	sdelay $0x1  }
0x99: {  	s4 =	simm.s32 $_scs_section_size  }
0x9a: {  	s5 =	simm.s32 $_size__tile_overlayer_lowered;
	s6 =	simm.s32 $_tile_overlayer_lowered  }
0x9b: {  	s22 =	simm.s32 $0x1BFF;
	s21 =	sshll.u32 s6, $0x1;
	s3 =	sadd.s32 s4, s19  }
0x9c: {  	s7 =	simm.s32 $0x0;
	s20 =	sshll.u32 s5, $0x1;
	s5 =	sadd.s32 s21, s3  }
0x9d: {  	[timem:s7], [sflag:s22] =	dma.local [hbm:s5], s20  }
0x9e: {  	_ =	swait.ge [sflag:s22], s20  }
0x9f: {  	s4 =	ssub.s32 $0x0, s20;
	[sflag:s22] =	ssyncset.done $0x0  }
0xa0: {  	[sflag:s22] =	ssyncadd.s32 s4;
	_ =	sdelay $0x1  }
0xa1: {  	s23 =	simm.s32 $0x1B8B  }
0xa2: {  	_ =	swait.ge [sflag:s23], $0x1  }
0xa3: {  	[sflag:s23] =	ssyncset.done $0x0  }
0xa4: {  	s25 =	simm.s32 $0x1B8E;
	s24 =	sld [smem:$0x3FFE];
	[sflag:s23] =	ssyncadd.s32 $0xFFFFFFFF  }
0xa5: {  	s26 =	simm.s32 $execute0_lowered;
	[smem:$0x3FD2] =	sst s25  }
0xa6: {  	s5 =	sshll.u32 s26, $0x1;
	_ =	strace $0x8000005E;
	[dreg:$0x1] =	wrdreg $0xFFFFFFFF  }
0xa7: {  	s28 =	simm.s32 $_size_execute0_lowered;
	s3 =	sadd.s32 s3, s5;
	[dreg:$0x0] =	wrdreg $0x0  }
0xa8: {  	s5 =	sshll.u32 s28, $0x1;
	[dreg:$0x2] =	wrdreg s3  }
0xa9: {  	[dreg:$0x3] =	wrdreg s5  }
0xaa: {  	[dreg:$0x4] =	wrdreg $0xC0  }
0xab: {  	_ =	task [dreg:s7], $0x5FFFF  }
0xac: {  	[dreg:$0x1] =	wrdreg $0xFFFFFFFF  }
0xad: {  	[dreg:$0x0] =	wrdreg $0x60  }
0xae: {  	[dreg:$0x2] =	wrdreg s24  }
0xaf: {  	[dreg:$0x3] =	wrdreg s2  }
0xb0: {  	[dreg:$0x4] =	wrdreg $0xA5000  }
0xb1: {  	[dreg:$0x5] =	wrdreg $0x145000  }
0xb2: {  	[dreg:$0x6] =	wrdreg $0x9  }
0xb3: {  	_ =	task.clear_ibuf [dreg:s7], $0x7FFFF;
	_ =	strace $0x9000005E  }
0xb4: {  	s29 =	simm.s32 $0x9;
	_ =	strace $0x80000060  }
0xb5: {  	_ =	swait.ge [sflag:s29], $0x1  }
0xb6: {  	[sflag:s29] =	ssyncadd.s32 $0xFFFFFFFF  }
0xb7: {  	_ =	strace $0x90000060  }
0xb8: {  	_ =	sfence  }
0xb9: {  	s30 =	sld [smem:$0x0];
	_ =	sdelay $0x2  }
0xba: {  	s31 =	sshll.u32 s1, $0xD;
	s1 =	sshrl.u32 s1, $0x2  }
0xbb: {  	s3 =	sand.u32 $0x4000, s31;
	s1 =	sadd.s32 s1, s30  }
0xbc: {  	s0 =	sor.u32 s3, s0;
	s1 =	sshll.u32 s1, $0x11  }
0xbd: {  	s0 =	sor.u32 s1, s0  }
0xbe: {  	s0 =	sadd.s32 $0x8F2B, s0  }
0xbf: {  	[sflag:s0] =	ssyncadd.remote.s32 $0x1  }
0xc0: {  	_ =	sfence.sel $0xFFFF  }
0xc1: {  	[dreg:$0x0] =	wrdreg $0xFFFFFFFF;
	(pc) =	sbr.abs _section_cstart, $3  }
0xc2: {  	[dreg:$0x1] =	wrdreg $0xFFFFFFFF  }
0xc3: {  	_ =	task.clear_ibuf [dreg:s7], $0x2FFFF;
	_ =	strace $0x9FFFFFFF  }
0xc4: {  	(tm) =	ssettm $0x7FFFFFFF  }
0xc5: {  	_ =	shalt  }
tec
execute0_lowered:
.L_overlay_start_1:
0x0: {  	(tag) =	ssettag $0x1  }
0x1: {  	s5 =	rddreg [dreg:$0x0]  }
0x2: {  	s10 =	rddreg [dreg:$0x1]  }
0x3: {  	s2 =	rddreg [dreg:$0x2]  }
0x4: {  	s0 =	srdreg.scid;
	s3 =	rddreg [dreg:$0x3]  }
0x5: {  	s1 =	rddreg [dreg:$0x4];
	s6 =	sand.u32 $0x1, s0  }
0x6: {  	s4 =	simm.s32 $0x0;
	s0 =	stileid.u32;
	s7 =	smul.u32 $0x28000, s6  }
0x7: {  	s17 =	simm.s32 $0x3;
	s18 =	simm.s32 $0x280;
	s8 =	smul.u32 $0x2800, s0  }
0x8: {  	s19 =	simm.s32 $0x500;
	s21 =	simm.s32 $0x0;
	s9 =	smul.u32 $0xA000, s0  }
0x9: {  	[smem:$0x7FF] =	sst s4;
	s28 =	smul.u32 $0xA0000, s6;
	s6 =	ssub.s32 $0x2, s6  }
0xa: {  	_ =	strace $0x8000005F;
	s20 =	sshll.u32 s0, $0x6;
	s31 =	sshrl.u32 s6, $0x1  }
0xb: {  	s7 =	sadd.s32 s8, s7;
	s29 =	sadd.s32 s9, s28;
	s30 =	sshrl.u32 s9, $0x3  }
0xc: {  	s14 =	ssub.s32 s6, s31;
	s15 =	sadd.s32 s9, s2;
	s6 =	sor.u32 $0x1C01, s20  }
0xd: {  	s16 =	sadd.s32 s9, s3;
	s11 =	sshrl.u32 s7, $0x3;
	s7 =	sshrl.u32 s29, $0x3  }
0xe: {  	s8 =	sadd.s32 s30, s5;
	s9 =	smax.u32 s14, $0x1;
	s14 =	sshrl.u32 s16, $0x3  }
0xf: {  	s16 =	simm.s32 $0x2;
	s12 =	sadd.s32 s11, s5;
	s13 =	sadd.s32 s7, s5  }
0x10: {  	s5 =	sadd.s32 $0x15200, s8;
	s7 =	sadd.s32 $0x29200, s8;
	s10 =	sadd.s32 s11, s10  }
0x11: {  	s8 =	sadd.s32 $0x3D200, s13;
	s11 =	sadd.s32 $0xB200, s12;
	s12 =	sshrl.u32 s15, $0x3  }
0x12: {  	s13 =	sor.u32 $0x1C02, s20;
	s15 =	simm.s32 $0x1;
	s20 =	sor.u32 $0x1C03, s20  }
.LBB2_1:
0x13: {  	[spmem:s12], [sflag:s6] =	dma.local [hbm:s5], $0x1400  }
0x14: {  	[spmem:s14], [sflag:s13] =	dma.local [hbm:s7], $0x1400  }
0x15: {  	_ =	swait.ge [sflag:s15], $0x1400  }
0x16: {  	[sflag:s15] =	ssyncset.done $0x0  }
0x17: {  	[sflag:s15] =	ssyncadd.s32 $0xFFFFEC00  }
0x18: {  	_ =	swait.ge [sflag:s16], $0x1400  }
0x19: {  	[sflag:s16] =	ssyncset.done $0x0  }
0x1a: {  	[sflag:s16] =	ssyncadd.s32 $0xFFFFEC00  }
0x1b: {  	s22 =	sadd.s32 $0x0, s11;
	[bflag:$0x0] =	sbarrier.arrive $0xFFFF  }
0x1c: {  	[tilespmem:s4], [sflag:$0x3] =	stream.linear.gather [hbm4b:s22+s4], $0x280, $0x38;
	[tilespmem:$0x1E500] =	vst v63  }
0x1d: {  	_ =	swait.ge [sflag:s17], $0x280  }
0x1e: {  	[sflag:s17] =	ssyncset.done $0x0  }
0x1f: {  	s31 =	sadd.s32 $0x0, s10;
	[sflag:s17] =	ssyncadd.s32 $0xFFFFFD80  }
0x20: {  	[tilespmem:s18], [sflag:$0x3] =	stream.linear.gather [hbm4b:s31+s4], $0x280, $0x38;
	[tilespmem:$0x1E500] =	vst v63  }
0x21: {  	_ =	swait.ge [sflag:s17], $0x280  }
0x22: {  	[sflag:s17] =	ssyncset.done $0x0  }
0x23: {  	[sflag:s17] =	ssyncadd.s32 $0xFFFFFD80  }
0x24: {  	[tilespmem:s19], [sflag:$0x1] =	stream.indirect.gather [spmem:s2], $0x40, s4, s18, $0xb8;
	[tilespmem:$0x1E500] =	vst v63  }
0x25: {  	_ =	swait.ge [sflag:s15], $0xA000  }
0x26: {  	[sflag:s15] =	ssyncset.done $0x0  }
0x27: {  	[sflag:s15] =	ssyncadd.s32 $0xFFFF6000  }
0x28: {  	[spmem:s3] =	stream.indirect.scatter.add.f32 [tilespmem:s19], [sflag:$0x3], $0x40, s18, s18, $0xb8;
	[tilespmem:$0x1E500] =	vst v63  }
0x29: {  	_ =	swait.ge [sflag:s17], $0xA000  }
0x2a: {  	s23 =	simm.s32 $0xA0;
	s22 =	simm.s32 $0x50;
	[sflag:s17] =	ssyncset.done $0x0  }
.LBB2_2:
0x2b: {  	s24 =	sadd.s32 s22, s11  }
0x2c: {  	[sflag:s17] =	ssyncadd.s32 $0xFFFF6000;
	s25 =	smov.u32 s23;
	s26 =	sadd.s32 $0x50, s23  }
0x2d: {  	[tilespmem:s4], [sflag:$0x3] =	stream.linear.gather [hbm4b:s24+s4], $0x280, $0x38;
	[tilespmem:$0x1E500] =	vst v63  }
0x2e: {  	p0 =	sne.s32 s23, $0x4B0;
	_ =	swait.ge [sflag:s17], $0x280  }
0x2f: {  	[sflag:s17] =	ssyncset.done $0x0  }
0x30: {  	s23 =	sadd.s32 s22, s10;
	s22 =	smov.u32 s25;
	[sflag:s17] =	ssyncadd.s32 $0xFFFFFD80  }
0x31: {  	[tilespmem:s18], [sflag:$0x3] =	stream.linear.gather [hbm4b:s23+s4], $0x280, $0x38;
	[tilespmem:$0x1E500] =	vst v63  }
0x32: {  	_ =	swait.ge [sflag:s17], $0x280  }
0x33: {  	[sflag:s17] =	ssyncset.done $0x0  }
0x34: {  	[sflag:s17] =	ssyncadd.s32 $0xFFFFFD80  }
0x35: {  	[tilespmem:s19], [sflag:$0x1] =	stream.indirect.gather [spmem:s2], $0x40, s4, s18, $0xb8;
	[tilespmem:$0x1E500] =	vst v63  }
0x36: {  	_ =	swait.ge [sflag:s15], $0xA000  }
.Ltmp0:
0x37: {  	[sflag:s15] =	ssyncset.done $0x0;
	(pc) =	sbr.rel @p0 .LBB2_2-.Ltmp0, $4  }
0x38: {  	[sflag:s15] =	ssyncadd.s32 $0xFFFF6000  }
0x39: {  	[spmem:s3] =	stream.indirect.scatter.add.f32 [tilespmem:s19], [sflag:$0x3], $0x40, s18, s18, $0xb8;
	[tilespmem:$0x1E500] =	vst v63  }
0x3a: {  	_ =	swait.ge [sflag:s17], $0xA000  }
0x3b: {  	s23 =	smov.u32 s26;
	[sflag:s17] =	ssyncset.done $0x0  }
0x3c: {  	s23 =	sadd.s32 s22, s11;
	[sflag:s17] =	ssyncadd.s32 $0xFFFF6000  }
0x3d: {  	[tilespmem:s4], [sflag:$0x3] =	stream.linear.gather [hbm4b:s23+s4], $0x280, $0x38;
	[tilespmem:$0x1E500] =	vst v63  }
0x3e: {  	_ =	swait.ge [sflag:s17], $0x280  }
0x3f: {  	[sflag:s17] =	ssyncset.done $0x0  }
0x40: {  	s31 =	sadd.s32 s22, s10;
	[sflag:s17] =	ssyncadd.s32 $0xFFFFFD80  }
0x41: {  	[tilespmem:s18], [sflag:$0x3] =	stream.linear.gather [hbm4b:s31+s4], $0x280, $0x38;
	[tilespmem:$0x1E500] =	vst v63  }
0x42: {  	_ =	swait.ge [sflag:s17], $0x280  }
0x43: {  	[sflag:s17] =	ssyncset.done $0x0  }
0x44: {  	[sflag:s17] =	ssyncadd.s32 $0xFFFFFD80  }
0x45: {  	[tilespmem:s19], [sflag:$0x1] =	stream.indirect.gather [spmem:s2], $0x40, s4, s18, $0xb8;
	[tilespmem:$0x1E500] =	vst v63  }
0x46: {  	_ =	swait.ge [sflag:s15], $0xA000  }
0x47: {  	[sflag:s15] =	ssyncset.done $0x0  }
0x48: {  	[sflag:s15] =	ssyncadd.s32 $0xFFFF6000  }
0x49: {  	[spmem:s3] =	stream.indirect.scatter.add.f32 [tilespmem:s19], [sflag:$0x3], $0x40, s18, s18, $0xb8;
	[tilespmem:$0x1E500] =	vst v63  }
0x4a: {  	_ =	swait.ge [sflag:s17], $0xA000  }
0x4b: {  	s21 =	sadd.s32 $0x1, s21;
	[sflag:s17] =	ssyncset.done $0x0  }
0x4c: {  	p0 =	sne.s32 s21, s9;
	[sflag:s17] =	ssyncadd.s32 $0xFFFF6000  }
.Ltmp1:
0x4d: {  	[bflag:$0x0] =	sbarrier.arrive $0xFFFF;
	(pc) =	sbr.rel @p0 .LBB2_1-.Ltmp1, $4  }
0x4e: {  	[hbm:s8], [sflag:s20] =	dma.local [spmem:s14], $0x1400  }
0x4f: {  	_ =	swait.ge [sflag:s17], $0x1400  }
0x50: {  	[sflag:s17] =	ssyncset.done $0x0  }
0x51: {  	[sflag:s17] =	ssyncadd.s32 $0xFFFFEC00  }
0x52: {  	_ =	sfence.sel $0x180000  }
0x53: {  	[bflag:$0x0] =	sbarrier.arrive $0xFFFF  }
0x54: {  	p0 =	sne.s32 s0, $0x0;
	_ =	strace $0x9000005F  }
0x55: {  	s0 =	sadd.s32 @!p0 $0x100000, s1;
	[bflag:$0x2] =	sbarrier.arrive $0xFFFF  }
0x56: {  	[sflag:s0] =	ssyncadd.tile.s32 @!p0 $0x1;
	_ =	shalt  }
.Lfunc_end2:
_tile_overlayer_lowered:
.L_overlay_start_2:
0x57: {  	(tag) =	ssettag $0x2  }
0x58: {  	s0 =	rddreg [dreg:$0x0];
	s2 =	stileid.u32  }
0x59: {  	s1 =	rddreg [dreg:$0x1];
	p0 =	sne.s32 s2, $0x0  }
0x5a: {  	s3 =	rddreg [dreg:$0x2];
	[bflag:$0x3] =	sbarrier.arrive $0xFFFF;
	s2 =	simm.s32 @!p0 $0x1C03  }
0x5b: {  	[timem:s3], [sflag:s2] =	dma.local @!p0 [hbm:s0], s1  }
0x5c: {  	s0 =	simm.s32 @!p0 $0x3  }
0x5d: {  	_ =	swait.ge @!p0 [sflag:s0], s1  }
0x5e: {  	s1 =	ssub.s32 @!p0 $0x0, s1;
	[sflag:s0] =	ssyncset.done @!p0 $0x0  }
0x5f: {  	[sflag:s0] =	ssyncadd.s32 @!p0 s1  }
0x60: {  	[bflag:$0x3] =	sbarrier.arrive $0xFFFF  }
0x61: {  	_ =	shalt  }

</sc_bundles>
